<compile_context>
chip_gen: v7x
topology: tpu7x:2x2x1
jax: 0.10.2.dev20260603
libtpu: 0.0.44.dev20260713+nightly
codegen_flags: <defaults>
</compile_context>

<pallas_src>
import functools

import jax
import jax.numpy as jnp
from jax import lax
from jax.experimental import pallas as pl
from jax.experimental.pallas import tpu as pltpu
from jax.experimental.pallas import tpu_sc as plsc

N = 10000
NPAD = 10240
E = 320000
ECH = 128
NCH = E // ECH
HN = 256
CW = 1.0

_NW = 32
_ROWS_PER_TILE = NPAD // 16


def _gather_body(row_hbm, col_hbm, ha_hbm, hb_hbm, cps_hbm,
                 har_o, hbc_o, diff_o,
                 idxr, idxc, bufa, bufb, bufd, px, py, pz,
                 sema, semb):
    c = lax.axis_index("c")
    s = lax.axis_index("s")
    wid = s * 2 + c

    pltpu.sync_copy(cps_hbm.at[0], px)
    pltpu.sync_copy(cps_hbm.at[1], py)
    pltpu.sync_copy(cps_hbm.at[2], pz)
    zv = jnp.zeros((16,), jnp.float32)

    def zr(i, carry):
        bufd[i, :] = zv
        return carry

    lax.fori_loop(0, ECH, zr, 0)

    def body(k, carry):
        j = wid + k * _NW

        @pl.when(j < NCH)
        def _():
            base = j * ECH
            pltpu.sync_copy(row_hbm.at[pl.ds(base, ECH)], idxr)
            pltpu.sync_copy(col_hbm.at[pl.ds(base, ECH)], idxc)
            cpa = pltpu.async_copy(ha_hbm.at[idxr], bufa, sema)
            cpb = pltpu.async_copy(hb_hbm.at[idxc], bufb, semb)

            def grp(g, carry2):
                r16 = idxr[pl.ds(g * 16, 16)]
                c16 = idxc[pl.ds(g * 16, 16)]
                l16 = lax.iota(jnp.int32, 16) + g * 16
                for d, plane in enumerate((px, py, pz)):
                    cd = jnp.full((16,), d, jnp.int32)
                    dv = (plsc.load_gather(plane, [r16])
                          - plsc.load_gather(plane, [c16]))
                    plsc.store_scatter(bufd, [l16, cd], dv)
                return carry2

            lax.fori_loop(0, ECH // 16, grp, 0)
            cpa.wait()
            cpb.wait()
            pltpu.sync_copy(bufa, har_o.at[pl.ds(base, ECH)])
            pltpu.sync_copy(bufb, hbc_o.at[pl.ds(base, ECH)])
            pltpu.sync_copy(bufd, diff_o.at[pl.ds(base, ECH)])

        return carry

    lax.fori_loop(0, (NCH + _NW - 1) // _NW, body, 0)


@functools.cache
def _get_gather_call():
  return functools.partial(
    pl.kernel,
    out_type=[
        jax.ShapeDtypeStruct((E, HN), jnp.float32),
        jax.ShapeDtypeStruct((E, HN), jnp.float32),
        jax.ShapeDtypeStruct((E, 16), jnp.float32),
    ],
    mesh=plsc.VectorSubcoreMesh(core_axis_name="c", subcore_axis_name="s"),
    compiler_params=pltpu.CompilerParams(needs_layout_passes=False),
    scratch_types=[
        pltpu.VMEM((ECH,), jnp.int32),
        pltpu.VMEM((ECH,), jnp.int32),
        pltpu.VMEM((ECH, HN), jnp.float32),
        pltpu.VMEM((ECH, HN), jnp.float32),
        pltpu.VMEM((ECH, 16), jnp.float32),
        pltpu.VMEM((NPAD,), jnp.float32),
        pltpu.VMEM((NPAD,), jnp.float32),
        pltpu.VMEM((NPAD,), jnp.float32),
        pltpu.SemaphoreType.DMA,
        pltpu.SemaphoreType.DMA,
    ],
  )(_gather_body)


def _scatter_body(row_hbm, m_hbm, tr_hbm, zm_hbm,
                  outm, outt,
                  idxv, bufm, acc_m):
    c = lax.axis_index("c")
    s = lax.axis_index("s")
    lo = c * 128
    rs = s * _ROWS_PER_TILE
    pltpu.sync_copy(zm_hbm, bufm)

    def zcp(t, carry):
        pltpu.sync_copy(bufm, acc_m.at[pl.ds(rs + t * ECH, ECH)])
        return carry

    lax.fori_loop(0, _ROWS_PER_TILE // ECH, zcp, 0)
    plsc.subcore_barrier()

    def body(k, carry):
        j = s + k * 16

        @pl.when(j < NCH)
        def _():
            base = j * ECH
            pltpu.sync_copy(row_hbm.at[pl.ds(base, ECH)], idxv)
            pltpu.sync_copy(m_hbm.at[pl.ds(base, ECH), pl.ds(lo, 128)], bufm)
            pltpu.sync_copy(bufm, acc_m.at[idxv], add=True)

        return carry

    lax.fori_loop(0, (NCH + 15) // 16, body, 0)
    plsc.subcore_barrier()

    def drain(t, carry):
        ro = rs + t * ECH
        pltpu.sync_copy(acc_m.at[pl.ds(ro, ECH)], bufm)
        pltpu.sync_copy(bufm, outm.at[pl.ds(ro, ECH), pl.ds(lo, 128)])
        return carry

    lax.fori_loop(0, _ROWS_PER_TILE // ECH, drain, 0)
    plsc.subcore_barrier()

    pltpu.sync_copy(zm_hbm, bufm)

    def zcp2(t, carry):
        pltpu.sync_copy(bufm, acc_m.at[pl.ds(rs + t * ECH, ECH)])
        return carry

    lax.fori_loop(0, _ROWS_PER_TILE // ECH, zcp2, 0)
    plsc.subcore_barrier()

    def body2(k, carry):
        j = (s * 2 + c) + k * _NW

        @pl.when(j < NCH)
        def _():
            base = j * ECH
            pltpu.sync_copy(row_hbm.at[pl.ds(base, ECH)], idxv)
            pltpu.sync_copy(tr_hbm.at[pl.ds(base, ECH)], bufm)
            pltpu.sync_copy(bufm, acc_m.at[idxv], add=True)

        return carry

    lax.fori_loop(0, (NCH + _NW - 1) // _NW, body2, 0)
    plsc.subcore_barrier()

    def drain2(t, carry):
        ro = rs + t * ECH
        pltpu.sync_copy(acc_m.at[pl.ds(ro, ECH)], bufm)
        pltpu.sync_copy(bufm, outt.at[c, pl.ds(ro, ECH)])
        return carry

    lax.fori_loop(0, _ROWS_PER_TILE // ECH, drain2, 0)


@functools.cache
def _get_scatter_call():
  return functools.partial(
    pl.kernel,
    out_type=[
        jax.ShapeDtypeStruct((NPAD, HN), jnp.float32),
        jax.ShapeDtypeStruct((2, NPAD, 128), jnp.float32),
    ],
    mesh=plsc.VectorSubcoreMesh(core_axis_name="c", subcore_axis_name="s"),
    compiler_params=pltpu.CompilerParams(needs_layout_passes=False),
    scratch_types=[
        pltpu.VMEM((ECH,), jnp.int32),
        pltpu.VMEM((ECH, 128), jnp.float32),
        pltpu.VMEM_SHARED((NPAD, 128), jnp.float32),
    ],
  )(_scatter_body)


_BN = 1024
_BE = 512


def _b16(v):
    return v.astype(jnp.bfloat16).astype(jnp.float32)


def _emb_body(h, w, b, o):
    o[...] = h[...] @ w[...] + b[...]


def _ab_body(hh, wa, wb, oa, ob):
    v = hh[...]
    oa[...] = v @ wa[...]
    ob[...] = v @ wb[...]


def _edge_body(har, hbc, dif, ea, w1e, b1, wr, w2, b2, cw1, cb1, cw2,
               mo, tro):
    d = dif[...]
    radial = jnp.sum(d * d, axis=1, keepdims=True)
    pre = (har[...] + hbc[...] + _b16(radial) * _b16(wr[...])
           + ea[...] @ w1e[...] + b1[...])
    m1 = pre * jax.nn.sigmoid(pre)
    m2 = m1 @ w2[...] + b2[...]
    m = m2 * jax.nn.sigmoid(m2)
    u = m @ cw1[...] + cb1[...]
    u = u * jax.nn.sigmoid(u)
    phi = jnp.sum(_b16(u) * _b16(cw2[...]), axis=1, keepdims=True)
    lane = lax.broadcasted_iota(jnp.int32, d.shape, 1)
    t16 = d * phi + jnp.where(lane == 3, 1.0, 0.0)
    tro[...] = lax.pad(t16, jnp.float32(0.0), ((0, 0, 0), (0, 112, 0)))
    mo[...] = m


def _node_body2(hh, mg, ts, cp, vp,
                vw1, vb1, vw2, vb2, n1a, n1b, nb1, nw2, nb2,
                ho, co):
    hv = hh[...]
    p1 = hv @ vw1[...] + vb1[...]
    p1 = p1 * jax.nn.sigmoid(p1)
    pv = jnp.sum(_b16(p1) * _b16(vw2[...]), axis=1, keepdims=True) + vb2[...]
    t = ts[0] + ts[1]
    lane = lax.broadcasted_iota(jnp.int32, t.shape, 1)
    cnt = jnp.sum(jnp.where(lane == 3, t, 0.0), axis=1, keepdims=True)
    agg = jnp.where(lane < 3, t, 0.0) / jnp.maximum(cnt, 1.0)
    co[...] = cp[...] + agg * CW + pv * vp[...]
    o = hv @ n1a[...] + mg[...] @ n1b[...] + nb1[...]
    o = o * jax.nn.sigmoid(o)
    ho[...] = o @ nw2[...] + nb2[...]


def _full(shape):
    return pl.BlockSpec(shape, lambda i: (0,) * len(shape))


def _rows(shape):
    return pl.BlockSpec(shape, lambda i: (i,) + (0,) * (len(shape) - 1))


def _rows3(shape):
    return pl.BlockSpec(shape, lambda i: (0, i, 0))


def _emb_call(h, w, b):
    return pl.pallas_call(
        _emb_body,
        grid=(NPAD // _BN,),
        in_specs=[_rows((_BN, 128)), _full((128, HN)), _full((1, HN))],
        out_specs=_rows((_BN, HN)),
        out_shape=jax.ShapeDtypeStruct((NPAD, HN), jnp.float32),
    )(h, w, b)


def _ab_call(hh, wa, wb):
    return pl.pallas_call(
        _ab_body,
        grid=(NPAD // _BN,),
        in_specs=[_rows((_BN, HN)), _full((HN, HN)), _full((HN, HN))],
        out_specs=[_rows((_BN, HN)), _rows((_BN, HN))],
        out_shape=[jax.ShapeDtypeStruct((NPAD, HN), jnp.float32),
                   jax.ShapeDtypeStruct((NPAD, HN), jnp.float32)],
    )(hh, wa, wb)


def _edge_call(har, hbc, dif, ea, w1e, b1, wr, w2, b2, cw1, cb1, cw2):
    return pl.pallas_call(
        _edge_body,
        grid=(E // _BE,),
        in_specs=[
            _rows((_BE, HN)), _rows((_BE, HN)), _rows((_BE, 16)),
            _rows((_BE, 16)),
            _full((16, HN)), _full((1, HN)), _full((1, HN)),
            _full((HN, HN)), _full((1, HN)),
            _full((HN, HN)), _full((1, HN)), _full((1, HN)),
        ],
        out_specs=[_rows((_BE, HN)), _rows((_BE, 128))],
        out_shape=[jax.ShapeDtypeStruct((E, HN), jnp.float32),
                   jax.ShapeDtypeStruct((E, 128), jnp.float32)],
    )(har, hbc, dif, ea, w1e, b1, wr, w2, b2, cw1, cb1, cw2)


def _node_call(hh, mg, ts, cp, vp, lw):
    return pl.pallas_call(
        _node_body2,
        grid=(NPAD // _BN,),
        in_specs=[
            _rows((_BN, HN)), _rows((_BN, HN)), _rows3((2, _BN, 128)),
            _rows((_BN, 128)), _rows((_BN, 128)),
            _full((HN, HN)), _full((1, HN)), _full((1, HN)), _full((1, 1)),
            _full((HN, HN)), _full((HN, HN)),
            _full((1, HN)), _full((HN, HN)), _full((1, HN)),
        ],
        out_specs=[_rows((_BN, HN)), _rows((_BN, 128))],
        out_shape=[jax.ShapeDtypeStruct((NPAD, HN), jnp.float32),
                   jax.ShapeDtypeStruct((NPAD, 128), jnp.float32)],
    )(hh, mg, ts, cp, vp, *lw)


def kernel(h, x, edges, vel, edge_attr, params):
    row = edges[0]
    col = edges[1]

    hp = jnp.zeros((NPAD, 128), jnp.float32).at[:N].set(h)
    cp = jnp.zeros((NPAD, 128), jnp.float32).at[:N, :3].set(x[:, :, 0])
    vp = jnp.zeros((NPAD, 128), jnp.float32).at[:N, :3].set(vel)

    hh = _emb_call(hp, params['emb_W'], params['emb_b'][None, :])
    zm = jnp.zeros((ECH, 128), jnp.float32)

    for lp in params['layers']:
        w1 = lp['edge_W1']
        wa, wb = w1[:HN], w1[HN:2 * HN]
        wr = w1[2 * HN:2 * HN + 1]
        w1e = w1[2 * HN + 1:]
        ha, hb = _ab_call(hh, wa, wb)
        har, hbc, dif = _get_gather_call()(row, col, ha, hb, cp.T)
        m, tro = _edge_call(
            har, hbc, dif, edge_attr,
            w1e, lp['edge_b1'][None, :], wr,
            lp['edge_W2'], lp['edge_b2'][None, :],
            lp['coord_W1'], lp['coord_b1'][None, :], lp['coord_W2'].T)
        mg, ts = _get_scatter_call()(row, m, tro, zm)
        lw = (lp['vel_W1'], lp['vel_b1'][None, :], lp['vel_W2'].T,
              lp['vel_b2'][None, :],
              lp['node_W1'][:HN], lp['node_W1'][HN:],
              lp['node_b1'][None, :],
              lp['node_W2'], lp['node_b2'][None, :])
        hh, cp = _node_call(hh, mg, ts, cp, vp, lw)

    return cp[:N, :3]

# --- scband reference (transcript-rebuilt; emitter-appended) ---
"""Pipeline reference for scband-egnn-vel-wl-73624329388523 (READ-ONLY COPY).

The authoritative reference and input builder live on the scoring server;
editing this copy changes nothing except your own understanding.
"""

import jax, jax.numpy as jnp
import numpy as np

N_NODES = 10000
N_EDGES = 320000
N_LAYERS = 4
IN_NODE = 128
IN_EDGE = 16
HN = 256
HE = 256
HC = 256
CW = 1.0


def _lin(key, fi, fo, bias=True):
    k1, k2 = jax.random.split(key)
    W = (jax.random.normal(k1, (fi, fo), dtype=jnp.float32) / np.sqrt(fi)).astype(jnp.float32)
    b = jnp.zeros((fo,), dtype=jnp.float32) if bias else None
    return W, b


def _make_params(key):
    pk = jax.random.split(key, N_LAYERS * 8 + 1)
    params = {}
    params['emb_W'], params['emb_b'] = _lin(pk[0], IN_NODE, HN)
    layers = []
    ki = 1
    for i in range(N_LAYERS):
        lp = {}
        lp['edge_W1'], lp['edge_b1'] = _lin(pk[ki], 2 * HN + 1 + IN_EDGE, HE); ki += 1
        lp['edge_W2'], lp['edge_b2'] = _lin(pk[ki], HE, HE); ki += 1
        lp['node_W1'], lp['node_b1'] = _lin(pk[ki], HN + HE, HN); ki += 1
        lp['node_W2'], lp['node_b2'] = _lin(pk[ki], HN, HN); ki += 1
        lp['coord_W1'], lp['coord_b1'] = _lin(pk[ki], HE, HC); ki += 1
        cw2, _ = _lin(pk[ki], HC, 1, bias=False); lp['coord_W2'] = cw2 * 0.1; ki += 1
        lp['vel_W1'], lp['vel_b1'] = _lin(pk[ki], HN, HC); ki += 1
        lp['vel_W2'], lp['vel_b2'] = _lin(pk[ki], HC, 1); ki += 1
        layers.append(lp)
    params['layers'] = layers
    return params


def setup_inputs(seed: int = 0):
    key = jax.random.key(seed)
    ks = jax.random.split(key, 6)
    h = jax.random.normal(ks[0], (N_NODES, IN_NODE), dtype=jnp.float32)
    x = jax.random.normal(ks[1], (N_NODES, 3, 1), dtype=jnp.float32)
    vel = jax.random.normal(ks[2], (N_NODES, 3), dtype=jnp.float32)
    edge_attr = jax.random.normal(ks[3], (N_EDGES, IN_EDGE), dtype=jnp.float32)
    edges = jax.random.randint(ks[4], (2, N_EDGES), 0, N_NODES, dtype=jnp.int32)
    params = _make_params(ks[5])
    return {'h': h, 'x': x, 'edges': edges, 'vel': vel, 'edge_attr': edge_attr, 'params': params}


def _egcl_vel(lp, h, row, col, coord, vel, edge_attr):
    # coord: [N, 3, num_vectors=1]
    coord_diff = coord[row] - coord[col]                      # [E, 3, 1]
    radial = jnp.sum(coord_diff ** 2, axis=1)                 # [E, 1]
    # edge model
    e_in = jnp.concatenate([h[row], h[col], radial, edge_attr], axis=1)
    m = jax.nn.silu(e_in @ lp['edge_W1'] + lp['edge_b1'])
    m = jax.nn.silu(m @ lp['edge_W2'] + lp['edge_b2'])        # [E, HE]
    # coord model
    phi = jax.nn.silu(m @ lp['coord_W1'] + lp['coord_b1']) @ lp['coord_W2']  # [E, 1]
    trans = coord_diff * phi[:, None, :]                      # [E, 3, 1]
    num = jax.ops.segment_sum(trans, row, num_segments=N_NODES)
    cnt = jax.ops.segment_sum(jnp.ones((trans.shape[0], 1, 1), trans.dtype), row, num_segments=N_NODES)
    coord = coord + (num / jnp.clip(cnt, 1.0)) * CW
    # velocity term: coord += coord_mlp_vel(h) * vel
    pv = jax.nn.silu(h @ lp['vel_W1'] + lp['vel_b1']) @ lp['vel_W2'] + lp['vel_b2']  # [N, 1]
    coord = coord + pv[:, None, :] * vel[:, :, None]
    # node model (recurrent=False)
    magg = jax.ops.segment_sum(m, row, num_segments=N_NODES)
    o = jax.nn.silu(jnp.concatenate([h, magg], axis=1) @ lp['node_W1'] + lp['node_b1'])
    h_new = o @ lp['node_W2'] + lp['node_b2']
    return h_new, coord, vel


def reference(h, x, edges, vel, edge_attr, params):
    row, col = edges[0], edges[1]
    hh = h @ params['emb_W'] + params['emb_b']
    coord = x
    vv = vel
    for i in range(N_LAYERS):
        hh, coord, vv = _egcl_vel(params['layers'][i], hh, row, col, coord, vv, edge_attr)
    return jnp.squeeze(coord, axis=2)

if __name__ == "__main__":
    import jax
    _d = setup_inputs()
    print(jax.jit(kernel)(*tuple(_d.values())))

</pallas_src>

<mosaic_0001>
#map = affine_map<(d0, d1) -> (0)>
#map1 = affine_map<(d0, d1) -> (0, 0)>
#map2 = affine_map<(d0, d1) -> (0, 0, 0)>
module attributes {stable_mosaic.version = 14 : i64} {
  func.func @_scatter_body(%arg0: i32, %arg1: i32, %arg2: memref<320000xi32, #tpu.memory_space<hbm>>, %arg3: memref<320000x256xf32, #tpu.memory_space<hbm>>, %arg4: memref<320000x128xf32, #tpu.memory_space<hbm>>, %arg5: memref<128x128xf32, #tpu.memory_space<hbm>>, %arg6: memref<10240x256xf32, #tpu.memory_space<hbm>>, %arg7: memref<2x10240x128xf32, #tpu.memory_space<hbm>>, %arg8: memref<128xi32, #tpu.memory_space<vmem>>, %arg9: memref<128x128xf32, #tpu.memory_space<vmem>>, %arg10: memref<10240x128xf32, #tpu.memory_space<vmem_shared>>) attributes {dimension_semantics = [#tpu.dimension_semantics<core_parallel>, #tpu.dimension_semantics<subcore_parallel>], iteration_bounds = array<i64: 2, 16>, scalar_prefetch = 0 : i64, scratch_operands = 3 : i64, tpu.core_type = #tpu.core_type<sc_vector_subcore>, window_params = [{transform_indices = #map}, {transform_indices = #map1}, {transform_indices = #map1}, {transform_indices = #map1}, {transform_indices = #map1}, {transform_indices = #map2}]} {
    %mul3A = arith.constant 128 : i32
    %mul3A_0 = arith.muli %arg0, %mul3A : i32
    %mul3A_1 = arith.constant 640 : i32
    %mul3A_2 = arith.muli %arg1, %mul3A_1 : i32
    "tpu.region"() ({
      %run_scoped3A = tpu.sem_alloc : memref<!tpu.dma_semaphore, #tpu.memory_space<semaphore_mem>>
      tpu.enqueue_dma source(%arg5 : memref<128x128xf32, #tpu.memory_space<hbm>>) target(%arg9 : memref<128x128xf32, #tpu.memory_space<vmem>>) target_semaphore(%run_scoped3A : memref<!tpu.dma_semaphore, #tpu.memory_space<semaphore_mem>>)
      tpu.wait_dma2 semaphore(%run_scoped3A : memref<!tpu.dma_semaphore, #tpu.memory_space<semaphore_mem>>) src(%arg5 : memref<128x128xf32, #tpu.memory_space<hbm>>) dst(%arg9 : memref<128x128xf32, #tpu.memory_space<vmem>>)
      tpu.yield
    }) : () -> ()
    %scan3A = arith.constant 0 : i32
    %scan3A_3 = arith.constant 0 : i32
    %scan3A_4 = arith.constant 5 : i32
    %scan3A_5 = arith.addi %scan3A_3, %scan3A_4 : i32
    %scan3A_6 = arith.constant 1 : i32
    scf.for %scan3A_42 = %scan3A_3 to %scan3A_5 step %scan3A_6  : i32 {
      %mul3A_43 = arith.constant 128 : i32
      %mul3A_44 = arith.muli %scan3A_42, %mul3A_43 : i32
      %add3A = arith.addi %mul3A_2, %mul3A_44 : i32
      "tpu.region"() ({
        %run_scoped3A = tpu.sem_alloc : memref<!tpu.dma_semaphore, #tpu.memory_space<semaphore_mem>>
        %dma_start3A = arith.constant 0 : i32
        %dma_start3A_45 = tpu.memref_slice %arg10[%add3A, %dma_start3A] : memref<10240x128xf32, #tpu.memory_space<vmem_shared>> -> memref<128x128xf32, #tpu.memory_space<vmem_shared>>
        %dma_start3A_46 = arith.constant 0 : i32
        %dma_start3A_47 = tpu.memref_slice %arg10[%add3A, %dma_start3A_46] : memref<10240x128xf32, #tpu.memory_space<vmem_shared>> -> memref<128x128xf32, #tpu.memory_space<vmem_shared>>
        tpu.enqueue_dma source(%arg9 : memref<128x128xf32, #tpu.memory_space<vmem>>) target(%dma_start3A_47 : memref<128x128xf32, #tpu.memory_space<vmem_shared>>) target_semaphore(%run_scoped3A : memref<!tpu.dma_semaphore, #tpu.memory_space<semaphore_mem>>)
        %dma_wait3A = arith.constant 0 : i32
        %dma_wait3A_48 = tpu.memref_slice %arg10[%add3A, %dma_wait3A] : memref<10240x128xf32, #tpu.memory_space<vmem_shared>> -> memref<128x128xf32, #tpu.memory_space<vmem_shared>>
        %dma_wait3A_49 = arith.constant 0 : i32
        %dma_wait3A_50 = tpu.memref_slice %arg10[%add3A, %dma_wait3A_49] : memref<10240x128xf32, #tpu.memory_space<vmem_shared>> -> memref<128x128xf32, #tpu.memory_space<vmem_shared>>
        tpu.wait_dma2 semaphore(%run_scoped3A : memref<!tpu.dma_semaphore, #tpu.memory_space<semaphore_mem>>) src(%arg9 : memref<128x128xf32, #tpu.memory_space<vmem>>) dst(%dma_wait3A_50 : memref<128x128xf32, #tpu.memory_space<vmem_shared>>)
        tpu.yield
      }) : () -> ()
    }
    %scan3A_7 = arith.constant 5 : i32
    %barrier3A = arith.constant 0 : index
    tpu.barrier barrier_id(%barrier3A)
    %scan3A_8 = arith.constant 0 : i32
    %scan3A_9 = arith.constant 0 : i32
    %scan3A_10 = arith.constant 157 : i32
    %scan3A_11 = arith.addi %scan3A_9, %scan3A_10 : i32
    %scan3A_12 = arith.constant 1 : i32
    scf.for %scan3A_42 = %scan3A_9 to %scan3A_11 step %scan3A_12  : i32 {
      %mul3A_43 = arith.constant 16 : i32
      %mul3A_44 = arith.muli %scan3A_42, %mul3A_43 : i32
      %add3A = arith.addi %arg1, %mul3A_44 : i32
      %lt3A = arith.constant 2500 : i32
      %lt3A_45 = arith.cmpi slt, %add3A, %lt3A : i32
      %convert_element_type3A = arith.extui %lt3A_45 : i1 to i32
      %cond3A = arith.constant 0 : i32
      %cond3A_46 = arith.cmpi ne, %convert_element_type3A, %cond3A : i32
      scf.if %cond3A_46 {
        %mul3A_47 = arith.constant 128 : i32
        %mul3A_48 = arith.muli %add3A, %mul3A_47 : i32
        "tpu.region"() ({
          %run_scoped3A = tpu.sem_alloc : memref<!tpu.dma_semaphore, #tpu.memory_space<semaphore_mem>>
          %dma_start3A = tpu.memref_slice %arg2[%mul3A_48] : memref<320000xi32, #tpu.memory_space<hbm>> -> memref<128xi32, #tpu.memory_space<hbm>>
          %dma_start3A_49 = tpu.memref_slice %arg2[%mul3A_48] : memref<320000xi32, #tpu.memory_space<hbm>> -> memref<128xi32, #tpu.memory_space<hbm>>
          tpu.enqueue_dma source(%dma_start3A_49 : memref<128xi32, #tpu.memory_space<hbm>>) target(%arg8 : memref<128xi32, #tpu.memory_space<vmem>>) target_semaphore(%run_scoped3A : memref<!tpu.dma_semaphore, #tpu.memory_space<semaphore_mem>>)
          %dma_wait3A = tpu.memref_slice %arg2[%mul3A_48] : memref<320000xi32, #tpu.memory_space<hbm>> -> memref<128xi32, #tpu.memory_space<hbm>>
          %dma_wait3A_50 = tpu.memref_slice %arg2[%mul3A_48] : memref<320000xi32, #tpu.memory_space<hbm>> -> memref<128xi32, #tpu.memory_space<hbm>>
          tpu.wait_dma2 semaphore(%run_scoped3A : memref<!tpu.dma_semaphore, #tpu.memory_space<semaphore_mem>>) src(%dma_wait3A_50 : memref<128xi32, #tpu.memory_space<hbm>>) dst(%arg8 : memref<128xi32, #tpu.memory_space<vmem>>)
          tpu.yield
        }) : () -> ()
        "tpu.region"() ({
          %run_scoped3A = tpu.sem_alloc : memref<!tpu.dma_semaphore, #tpu.memory_space<semaphore_mem>>
          %dma_start3A = tpu.memref_slice %arg3[%mul3A_48, %mul3A_0] : memref<320000x256xf32, #tpu.memory_space<hbm>> -> memref<128x128xf32, #tpu.memory_space<hbm>>
          %dma_start3A_49 = tpu.memref_slice %arg3[%mul3A_48, %mul3A_0] : memref<320000x256xf32, #tpu.memory_space<hbm>> -> memref<128x128xf32, #tpu.memory_space<hbm>>
          tpu.enqueue_dma source(%dma_start3A_49 : memref<128x128xf32, #tpu.memory_space<hbm>>) target(%arg9 : memref<128x128xf32, #tpu.memory_space<vmem>>) target_semaphore(%run_scoped3A : memref<!tpu.dma_semaphore, #tpu.memory_space<semaphore_mem>>)
          %dma_wait3A = tpu.memref_slice %arg3[%mul3A_48, %mul3A_0] : memref<320000x256xf32, #tpu.memory_space<hbm>> -> memref<128x128xf32, #tpu.memory_space<hbm>>
          %dma_wait3A_50 = tpu.memref_slice %arg3[%mul3A_48, %mul3A_0] : memref<320000x256xf32, #tpu.memory_space<hbm>> -> memref<128x128xf32, #tpu.memory_space<hbm>>
          tpu.wait_dma2 semaphore(%run_scoped3A : memref<!tpu.dma_semaphore, #tpu.memory_space<semaphore_mem>>) src(%dma_wait3A_50 : memref<128x128xf32, #tpu.memory_space<hbm>>) dst(%arg9 : memref<128x128xf32, #tpu.memory_space<vmem>>)
          tpu.yield
        }) : () -> ()
        "tpu.region"() ({
          %run_scoped3A = tpu.sem_alloc : memref<!tpu.dma_semaphore, #tpu.memory_space<semaphore_mem>>
          %dma_start3A = arith.constant 0 : i32
          %dma_start3A_49 = arith.constant 0 : i32
          %dma_start3A_50 = tpu.memref_slice %arg10[%dma_start3A, %dma_start3A_49] : memref<10240x128xf32, #tpu.memory_space<vmem_shared>> -> memref<10240x128xf32, #tpu.memory_space<vmem_shared>>
          tpu.enqueue_indirect_dma source(%arg9 : memref<128x128xf32, #tpu.memory_space<vmem>>) target(%dma_start3A_50 : memref<10240x128xf32, #tpu.memory_space<vmem_shared>>) offsets(%arg8 : memref<128xi32, #tpu.memory_space<vmem>>) semaphore(%run_scoped3A : memref<!tpu.dma_semaphore, #tpu.memory_space<semaphore_mem>>) {add = true}
          %dma_wait3A = arith.constant 0 : i32
          %dma_wait3A_51 = arith.constant 0 : i32
          %dma_wait3A_52 = tpu.memref_slice %arg10[%dma_wait3A, %dma_wait3A_51] : memref<10240x128xf32, #tpu.memory_space<vmem_shared>> -> memref<10240x128xf32, #tpu.memory_space<vmem_shared>>
          tpu.wait_indirect_dma semaphore(%run_scoped3A : memref<!tpu.dma_semaphore, #tpu.memory_space<semaphore_mem>>) src(%arg9 : memref<128x128xf32, #tpu.memory_space<vmem>>) dst(%dma_wait3A_52 : memref<10240x128xf32, #tpu.memory_space<vmem_shared>>)
          tpu.yield
        }) : () -> ()
      } else {
      }
    }
    %scan3A_13 = arith.constant 157 : i32
    %barrier3A_14 = arith.constant 0 : index
    tpu.barrier barrier_id(%barrier3A_14)
    %scan3A_15 = arith.constant 0 : i32
    %scan3A_16 = arith.constant 0 : i32
    %scan3A_17 = arith.constant 5 : i32
    %scan3A_18 = arith.addi %scan3A_16, %scan3A_17 : i32
    %scan3A_19 = arith.constant 1 : i32
    scf.for %scan3A_42 = %scan3A_16 to %scan3A_18 step %scan3A_19  : i32 {
      %mul3A_43 = arith.constant 128 : i32
      %mul3A_44 = arith.muli %scan3A_42, %mul3A_43 : i32
      %add3A = arith.addi %mul3A_2, %mul3A_44 : i32
      "tpu.region"() ({
        %run_scoped3A = tpu.sem_alloc : memref<!tpu.dma_semaphore, #tpu.memory_space<semaphore_mem>>
        %dma_start3A = arith.constant 0 : i32
        %dma_start3A_45 = tpu.memref_slice %arg10[%add3A, %dma_start3A] : memref<10240x128xf32, #tpu.memory_space<vmem_shared>> -> memref<128x128xf32, #tpu.memory_space<vmem_shared>>
        %dma_start3A_46 = arith.constant 0 : i32
        %dma_start3A_47 = tpu.memref_slice %arg10[%add3A, %dma_start3A_46] : memref<10240x128xf32, #tpu.memory_space<vmem_shared>> -> memref<128x128xf32, #tpu.memory_space<vmem_shared>>
        tpu.enqueue_dma source(%dma_start3A_47 : memref<128x128xf32, #tpu.memory_space<vmem_shared>>) target(%arg9 : memref<128x128xf32, #tpu.memory_space<vmem>>) target_semaphore(%run_scoped3A : memref<!tpu.dma_semaphore, #tpu.memory_space<semaphore_mem>>)
        %dma_wait3A = arith.constant 0 : i32
        %dma_wait3A_48 = tpu.memref_slice %arg10[%add3A, %dma_wait3A] : memref<10240x128xf32, #tpu.memory_space<vmem_shared>> -> memref<128x128xf32, #tpu.memory_space<vmem_shared>>
        %dma_wait3A_49 = arith.constant 0 : i32
        %dma_wait3A_50 = tpu.memref_slice %arg10[%add3A, %dma_wait3A_49] : memref<10240x128xf32, #tpu.memory_space<vmem_shared>> -> memref<128x128xf32, #tpu.memory_space<vmem_shared>>
        tpu.wait_dma2 semaphore(%run_scoped3A : memref<!tpu.dma_semaphore, #tpu.memory_space<semaphore_mem>>) src(%dma_wait3A_50 : memref<128x128xf32, #tpu.memory_space<vmem_shared>>) dst(%arg9 : memref<128x128xf32, #tpu.memory_space<vmem>>)
        tpu.yield
      }) : () -> ()
      "tpu.region"() ({
        %run_scoped3A = tpu.sem_alloc : memref<!tpu.dma_semaphore, #tpu.memory_space<semaphore_mem>>
        %dma_start3A = tpu.memref_slice %arg6[%add3A, %mul3A_0] : memref<10240x256xf32, #tpu.memory_space<hbm>> -> memref<128x128xf32, #tpu.memory_space<hbm>>
        %dma_start3A_45 = tpu.memref_slice %arg6[%add3A, %mul3A_0] : memref<10240x256xf32, #tpu.memory_space<hbm>> -> memref<128x128xf32, #tpu.memory_space<hbm>>
        tpu.enqueue_dma source(%arg9 : memref<128x128xf32, #tpu.memory_space<vmem>>) target(%dma_start3A_45 : memref<128x128xf32, #tpu.memory_space<hbm>>) target_semaphore(%run_scoped3A : memref<!tpu.dma_semaphore, #tpu.memory_space<semaphore_mem>>)
        %dma_wait3A = tpu.memref_slice %arg6[%add3A, %mul3A_0] : memref<10240x256xf32, #tpu.memory_space<hbm>> -> memref<128x128xf32, #tpu.memory_space<hbm>>
        %dma_wait3A_46 = tpu.memref_slice %arg6[%add3A, %mul3A_0] : memref<10240x256xf32, #tpu.memory_space<hbm>> -> memref<128x128xf32, #tpu.memory_space<hbm>>
        tpu.wait_dma2 semaphore(%run_scoped3A : memref<!tpu.dma_semaphore, #tpu.memory_space<semaphore_mem>>) src(%arg9 : memref<128x128xf32, #tpu.memory_space<vmem>>) dst(%dma_wait3A_46 : memref<128x128xf32, #tpu.memory_space<hbm>>)
        tpu.yield
      }) : () -> ()
    }
    %scan3A_20 = arith.constant 5 : i32
    %barrier3A_21 = arith.constant 0 : index
    tpu.barrier barrier_id(%barrier3A_21)
    "tpu.region"() ({
      %run_scoped3A = tpu.sem_alloc : memref<!tpu.dma_semaphore, #tpu.memory_space<semaphore_mem>>
      tpu.enqueue_dma source(%arg5 : memref<128x128xf32, #tpu.memory_space<hbm>>) target(%arg9 : memref<128x128xf32, #tpu.memory_space<vmem>>) target_semaphore(%run_scoped3A : memref<!tpu.dma_semaphore, #tpu.memory_space<semaphore_mem>>)
      tpu.wait_dma2 semaphore(%run_scoped3A : memref<!tpu.dma_semaphore, #tpu.memory_space<semaphore_mem>>) src(%arg5 : memref<128x128xf32, #tpu.memory_space<hbm>>) dst(%arg9 : memref<128x128xf32, #tpu.memory_space<vmem>>)
      tpu.yield
    }) : () -> ()
    %scan3A_22 = arith.constant 0 : i32
    %scan3A_23 = arith.constant 0 : i32
    %scan3A_24 = arith.constant 5 : i32
    %scan3A_25 = arith.addi %scan3A_23, %scan3A_24 : i32
    %scan3A_26 = arith.constant 1 : i32
    scf.for %scan3A_42 = %scan3A_23 to %scan3A_25 step %scan3A_26  : i32 {
      %mul3A_43 = arith.constant 128 : i32
      %mul3A_44 = arith.muli %scan3A_42, %mul3A_43 : i32
      %add3A = arith.addi %mul3A_2, %mul3A_44 : i32
      "tpu.region"() ({
        %run_scoped3A = tpu.sem_alloc : memref<!tpu.dma_semaphore, #tpu.memory_space<semaphore_mem>>
        %dma_start3A = arith.constant 0 : i32
        %dma_start3A_45 = tpu.memref_slice %arg10[%add3A, %dma_start3A] : memref<10240x128xf32, #tpu.memory_space<vmem_shared>> -> memref<128x128xf32, #tpu.memory_space<vmem_shared>>
        %dma_start3A_46 = arith.constant 0 : i32
        %dma_start3A_47 = tpu.memref_slice %arg10[%add3A, %dma_start3A_46] : memref<10240x128xf32, #tpu.memory_space<vmem_shared>> -> memref<128x128xf32, #tpu.memory_space<vmem_shared>>
        tpu.enqueue_dma source(%arg9 : memref<128x128xf32, #tpu.memory_space<vmem>>) target(%dma_start3A_47 : memref<128x128xf32, #tpu.memory_space<vmem_shared>>) target_semaphore(%run_scoped3A : memref<!tpu.dma_semaphore, #tpu.memory_space<semaphore_mem>>)
        %dma_wait3A = arith.constant 0 : i32
        %dma_wait3A_48 = tpu.memref_slice %arg10[%add3A, %dma_wait3A] : memref<10240x128xf32, #tpu.memory_space<vmem_shared>> -> memref<128x128xf32, #tpu.memory_space<vmem_shared>>
        %dma_wait3A_49 = arith.constant 0 : i32
        %dma_wait3A_50 = tpu.memref_slice %arg10[%add3A, %dma_wait3A_49] : memref<10240x128xf32, #tpu.memory_space<vmem_shared>> -> memref<128x128xf32, #tpu.memory_space<vmem_shared>>
        tpu.wait_dma2 semaphore(%run_scoped3A : memref<!tpu.dma_semaphore, #tpu.memory_space<semaphore_mem>>) src(%arg9 : memref<128x128xf32, #tpu.memory_space<vmem>>) dst(%dma_wait3A_50 : memref<128x128xf32, #tpu.memory_space<vmem_shared>>)
        tpu.yield
      }) : () -> ()
    }
    %scan3A_27 = arith.constant 5 : i32
    %barrier3A_28 = arith.constant 0 : index
    tpu.barrier barrier_id(%barrier3A_28)
    %scan3A_29 = arith.constant 0 : i32
    %scan3A_30 = arith.constant 0 : i32
    %scan3A_31 = arith.constant 79 : i32
    %scan3A_32 = arith.addi %scan3A_30, %scan3A_31 : i32
    %scan3A_33 = arith.constant 1 : i32
    scf.for %scan3A_42 = %scan3A_30 to %scan3A_32 step %scan3A_33  : i32 {
      %mul3A_43 = arith.constant 2 : i32
      %mul3A_44 = arith.muli %arg1, %mul3A_43 : i32
      %add3A = arith.addi %mul3A_44, %arg0 : i32
      %mul3A_45 = arith.constant 32 : i32
      %mul3A_46 = arith.muli %scan3A_42, %mul3A_45 : i32
      %add3A_47 = arith.addi %add3A, %mul3A_46 : i32
      %lt3A = arith.constant 2500 : i32
      %lt3A_48 = arith.cmpi slt, %add3A_47, %lt3A : i32
      %convert_element_type3A = arith.extui %lt3A_48 : i1 to i32
      %cond3A = arith.constant 0 : i32
      %cond3A_49 = arith.cmpi ne, %convert_element_type3A, %cond3A : i32
      scf.if %cond3A_49 {
        %mul3A_50 = arith.constant 128 : i32
        %mul3A_51 = arith.muli %add3A_47, %mul3A_50 : i32
        "tpu.region"() ({
          %run_scoped3A = tpu.sem_alloc : memref<!tpu.dma_semaphore, #tpu.memory_space<semaphore_mem>>
          %dma_start3A = tpu.memref_slice %arg2[%mul3A_51] : memref<320000xi32, #tpu.memory_space<hbm>> -> memref<128xi32, #tpu.memory_space<hbm>>
          %dma_start3A_52 = tpu.memref_slice %arg2[%mul3A_51] : memref<320000xi32, #tpu.memory_space<hbm>> -> memref<128xi32, #tpu.memory_space<hbm>>
          tpu.enqueue_dma source(%dma_start3A_52 : memref<128xi32, #tpu.memory_space<hbm>>) target(%arg8 : memref<128xi32, #tpu.memory_space<vmem>>) target_semaphore(%run_scoped3A : memref<!tpu.dma_semaphore, #tpu.memory_space<semaphore_mem>>)
          %dma_wait3A = tpu.memref_slice %arg2[%mul3A_51] : memref<320000xi32, #tpu.memory_space<hbm>> -> memref<128xi32, #tpu.memory_space<hbm>>
          %dma_wait3A_53 = tpu.memref_slice %arg2[%mul3A_51] : memref<320000xi32, #tpu.memory_space<hbm>> -> memref<128xi32, #tpu.memory_space<hbm>>
          tpu.wait_dma2 semaphore(%run_scoped3A : memref<!tpu.dma_semaphore, #tpu.memory_space<semaphore_mem>>) src(%dma_wait3A_53 : memref<128xi32, #tpu.memory_space<hbm>>) dst(%arg8 : memref<128xi32, #tpu.memory_space<vmem>>)
          tpu.yield
        }) : () -> ()
        "tpu.region"() ({
          %run_scoped3A = tpu.sem_alloc : memref<!tpu.dma_semaphore, #tpu.memory_space<semaphore_mem>>
          %dma_start3A = arith.constant 0 : i32
          %dma_start3A_52 = tpu.memref_slice %arg4[%mul3A_51, %dma_start3A] : memref<320000x128xf32, #tpu.memory_space<hbm>> -> memref<128x128xf32, #tpu.memory_space<hbm>>
          %dma_start3A_53 = arith.constant 0 : i32
          %dma_start3A_54 = tpu.memref_slice %arg4[%mul3A_51, %dma_start3A_53] : memref<320000x128xf32, #tpu.memory_space<hbm>> -> memref<128x128xf32, #tpu.memory_space<hbm>>
          tpu.enqueue_dma source(%dma_start3A_54 : memref<128x128xf32, #tpu.memory_space<hbm>>) target(%arg9 : memref<128x128xf32, #tpu.memory_space<vmem>>) target_semaphore(%run_scoped3A : memref<!tpu.dma_semaphore, #tpu.memory_space<semaphore_mem>>)
          %dma_wait3A = arith.constant 0 : i32
          %dma_wait3A_55 = tpu.memref_slice %arg4[%mul3A_51, %dma_wait3A] : memref<320000x128xf32, #tpu.memory_space<hbm>> -> memref<128x128xf32, #tpu.memory_space<hbm>>
          %dma_wait3A_56 = arith.constant 0 : i32
          %dma_wait3A_57 = tpu.memref_slice %arg4[%mul3A_51, %dma_wait3A_56] : memref<320000x128xf32, #tpu.memory_space<hbm>> -> memref<128x128xf32, #tpu.memory_space<hbm>>
          tpu.wait_dma2 semaphore(%run_scoped3A : memref<!tpu.dma_semaphore, #tpu.memory_space<semaphore_mem>>) src(%dma_wait3A_57 : memref<128x128xf32, #tpu.memory_space<hbm>>) dst(%arg9 : memref<128x128xf32, #tpu.memory_space<vmem>>)
          tpu.yield
        }) : () -> ()
        "tpu.region"() ({
          %run_scoped3A = tpu.sem_alloc : memref<!tpu.dma_semaphore, #tpu.memory_space<semaphore_mem>>
          %dma_start3A = arith.constant 0 : i32
          %dma_start3A_52 = arith.constant 0 : i32
          %dma_start3A_53 = tpu.memref_slice %arg10[%dma_start3A, %dma_start3A_52] : memref<10240x128xf32, #tpu.memory_space<vmem_shared>> -> memref<10240x128xf32, #tpu.memory_space<vmem_shared>>
          tpu.enqueue_indirect_dma source(%arg9 : memref<128x128xf32, #tpu.memory_space<vmem>>) target(%dma_start3A_53 : memref<10240x128xf32, #tpu.memory_space<vmem_shared>>) offsets(%arg8 : memref<128xi32, #tpu.memory_space<vmem>>) semaphore(%run_scoped3A : memref<!tpu.dma_semaphore, #tpu.memory_space<semaphore_mem>>) {add = true}
          %dma_wait3A = arith.constant 0 : i32
          %dma_wait3A_54 = arith.constant 0 : i32
          %dma_wait3A_55 = tpu.memref_slice %arg10[%dma_wait3A, %dma_wait3A_54] : memref<10240x128xf32, #tpu.memory_space<vmem_shared>> -> memref<10240x128xf32, #tpu.memory_space<vmem_shared>>
          tpu.wait_indirect_dma semaphore(%run_scoped3A : memref<!tpu.dma_semaphore, #tpu.memory_space<semaphore_mem>>) src(%arg9 : memref<128x128xf32, #tpu.memory_space<vmem>>) dst(%dma_wait3A_55 : memref<10240x128xf32, #tpu.memory_space<vmem_shared>>)
          tpu.yield
        }) : () -> ()
      } else {
      }
    }
    %scan3A_34 = arith.constant 79 : i32
    %barrier3A_35 = arith.constant 0 : index
    tpu.barrier barrier_id(%barrier3A_35)
    %scan3A_36 = arith.constant 0 : i32
    %scan3A_37 = arith.constant 0 : i32
    %scan3A_38 = arith.constant 5 : i32
    %scan3A_39 = arith.addi %scan3A_37, %scan3A_38 : i32
    %scan3A_40 = arith.constant 1 : i32
    scf.for %scan3A_42 = %scan3A_37 to %scan3A_39 step %scan3A_40  : i32 {
      %mul3A_43 = arith.constant 128 : i32
      %mul3A_44 = arith.muli %scan3A_42, %mul3A_43 : i32
      %add3A = arith.addi %mul3A_2, %mul3A_44 : i32
      "tpu.region"() ({
        %run_scoped3A = tpu.sem_alloc : memref<!tpu.dma_semaphore, #tpu.memory_space<semaphore_mem>>
        %dma_start3A = arith.constant 0 : i32
        %dma_start3A_45 = tpu.memref_slice %arg10[%add3A, %dma_start3A] : memref<10240x128xf32, #tpu.memory_space<vmem_shared>> -> memref<128x128xf32, #tpu.memory_space<vmem_shared>>
        %dma_start3A_46 = arith.constant 0 : i32
        %dma_start3A_47 = tpu.memref_slice %arg10[%add3A, %dma_start3A_46] : memref<10240x128xf32, #tpu.memory_space<vmem_shared>> -> memref<128x128xf32, #tpu.memory_space<vmem_shared>>
        tpu.enqueue_dma source(%dma_start3A_47 : memref<128x128xf32, #tpu.memory_space<vmem_shared>>) target(%arg9 : memref<128x128xf32, #tpu.memory_space<vmem>>) target_semaphore(%run_scoped3A : memref<!tpu.dma_semaphore, #tpu.memory_space<semaphore_mem>>)
        %dma_wait3A = arith.constant 0 : i32
        %dma_wait3A_48 = tpu.memref_slice %arg10[%add3A, %dma_wait3A] : memref<10240x128xf32, #tpu.memory_space<vmem_shared>> -> memref<128x128xf32, #tpu.memory_space<vmem_shared>>
        %dma_wait3A_49 = arith.constant 0 : i32
        %dma_wait3A_50 = tpu.memref_slice %arg10[%add3A, %dma_wait3A_49] : memref<10240x128xf32, #tpu.memory_space<vmem_shared>> -> memref<128x128xf32, #tpu.memory_space<vmem_shared>>
        tpu.wait_dma2 semaphore(%run_scoped3A : memref<!tpu.dma_semaphore, #tpu.memory_space<semaphore_mem>>) src(%dma_wait3A_50 : memref<128x128xf32, #tpu.memory_space<vmem_shared>>) dst(%arg9 : memref<128x128xf32, #tpu.memory_space<vmem>>)
        tpu.yield
      }) : () -> ()
      "tpu.region"() ({
        %run_scoped3A = tpu.sem_alloc : memref<!tpu.dma_semaphore, #tpu.memory_space<semaphore_mem>>
        %dma_start3A = arith.constant 0 : i32
        %dma_start3A_45 = tpu.memref_slice %arg7[%arg0, %add3A, %dma_start3A] : memref<2x10240x128xf32, #tpu.memory_space<hbm>> -> memref<1x128x128xf32, #tpu.memory_space<hbm>>
        %dma_start3A_46 = tpu.memref_squeeze %dma_start3A_45 : memref<1x128x128xf32, #tpu.memory_space<hbm>> -> memref<128x128xf32, #tpu.memory_space<hbm>>
        %dma_start3A_47 = arith.constant 0 : i32
        %dma_start3A_48 = tpu.memref_slice %arg7[%arg0, %add3A, %dma_start3A_47] : memref<2x10240x128xf32, #tpu.memory_space<hbm>> -> memref<1x128x128xf32, #tpu.memory_space<hbm>>
        %dma_start3A_49 = tpu.memref_squeeze %dma_start3A_48 : memref<1x128x128xf32, #tpu.memory_space<hbm>> -> memref<128x128xf32, #tpu.memory_space<hbm>>
        tpu.enqueue_dma source(%arg9 : memref<128x128xf32, #tpu.memory_space<vmem>>) target(%dma_start3A_49 : memref<128x128xf32, #tpu.memory_space<hbm>>) target_semaphore(%run_scoped3A : memref<!tpu.dma_semaphore, #tpu.memory_space<semaphore_mem>>)
        %dma_wait3A = arith.constant 0 : i32
        %dma_wait3A_50 = tpu.memref_slice %arg7[%arg0, %add3A, %dma_wait3A] : memref<2x10240x128xf32, #tpu.memory_space<hbm>> -> memref<1x128x128xf32, #tpu.memory_space<hbm>>
        %dma_wait3A_51 = tpu.memref_squeeze %dma_wait3A_50 : memref<1x128x128xf32, #tpu.memory_space<hbm>> -> memref<128x128xf32, #tpu.memory_space<hbm>>
        %dma_wait3A_52 = arith.constant 0 : i32
        %dma_wait3A_53 = tpu.memref_slice %arg7[%arg0, %add3A, %dma_wait3A_52] : memref<2x10240x128xf32, #tpu.memory_space<hbm>> -> memref<1x128x128xf32, #tpu.memory_space<hbm>>
        %dma_wait3A_54 = tpu.memref_squeeze %dma_wait3A_53 : memref<1x128x128xf32, #tpu.memory_space<hbm>> -> memref<128x128xf32, #tpu.memory_space<hbm>>
        tpu.wait_dma2 semaphore(%run_scoped3A : memref<!tpu.dma_semaphore, #tpu.memory_space<semaphore_mem>>) src(%arg9 : memref<128x128xf32, #tpu.memory_space<vmem>>) dst(%dma_wait3A_54 : memref<128x128xf32, #tpu.memory_space<hbm>>)
        tpu.yield
      }) : () -> ()
    }
    %scan3A_41 = arith.constant 5 : i32
    return
  }
}

#map = affine_map<(d0, d1) -> (0)>
#map1 = affine_map<(d0, d1) -> (0, 0)>
module attributes {stable_mosaic.version = 14 : i64} {
  func.func @_gather_body(%arg0: i32, %arg1: i32, %arg2: memref<320000xi32, #tpu.memory_space<hbm>>, %arg3: memref<320000xi32, #tpu.memory_space<hbm>>, %arg4: memref<10240x256xf32, #tpu.memory_space<hbm>>, %arg5: memref<10240x256xf32, #tpu.memory_space<hbm>>, %arg6: memref<128x10240xf32, #tpu.memory_space<hbm>>, %arg7: memref<320000x256xf32, #tpu.memory_space<hbm>>, %arg8: memref<320000x256xf32, #tpu.memory_space<hbm>>, %arg9: memref<320000x16xf32, #tpu.memory_space<hbm>>, %arg10: memref<128xi32, #tpu.memory_space<vmem>>, %arg11: memref<128xi32, #tpu.memory_space<vmem>>, %arg12: memref<128x256xf32, #tpu.memory_space<vmem>>, %arg13: memref<128x256xf32, #tpu.memory_space<vmem>>, %arg14: memref<128x16xf32, #tpu.memory_space<vmem>>, %arg15: memref<10240xf32, #tpu.memory_space<vmem>>, %arg16: memref<10240xf32, #tpu.memory_space<vmem>>, %arg17: memref<10240xf32, #tpu.memory_space<vmem>>, %arg18: memref<!tpu.dma_semaphore, #tpu.memory_space<semaphore_mem>>, %arg19: memref<!tpu.dma_semaphore, #tpu.memory_space<semaphore_mem>>) attributes {dimension_semantics = [#tpu.dimension_semantics<core_parallel>, #tpu.dimension_semantics<subcore_parallel>], iteration_bounds = array<i64: 2, 16>, scalar_prefetch = 0 : i64, scratch_operands = 10 : i64, tpu.core_type = #tpu.core_type<sc_vector_subcore>, window_params = [{transform_indices = #map}, {transform_indices = #map}, {transform_indices = #map1}, {transform_indices = #map1}, {transform_indices = #map1}, {transform_indices = #map1}, {transform_indices = #map1}, {transform_indices = #map1}]} {
    %mul3A = arith.constant 2 : i32
    %mul3A_0 = arith.muli %arg1, %mul3A : i32
    %add3A = arith.addi %mul3A_0, %arg0 : i32
    %run_scoped3A = arith.constant 0 : i32
    "tpu.region"() ({
      %run_scoped3A_15 = tpu.sem_alloc : memref<!tpu.dma_semaphore, #tpu.memory_space<semaphore_mem>>
      %dma_start3A = arith.constant 0 : i32
      %dma_start3A_16 = tpu.memref_slice %arg6[%run_scoped3A, %dma_start3A] : memref<128x10240xf32, #tpu.memory_space<hbm>> -> memref<1x10240xf32, #tpu.memory_space<hbm>>
      %dma_start3A_17 = tpu.memref_squeeze %dma_start3A_16 : memref<1x10240xf32, #tpu.memory_space<hbm>> -> memref<10240xf32, #tpu.memory_space<hbm>>
      %dma_start3A_18 = arith.constant 0 : i32
      %dma_start3A_19 = tpu.memref_slice %arg6[%run_scoped3A, %dma_start3A_18] : memref<128x10240xf32, #tpu.memory_space<hbm>> -> memref<1x10240xf32, #tpu.memory_space<hbm>>
      %dma_start3A_20 = tpu.memref_squeeze %dma_start3A_19 : memref<1x10240xf32, #tpu.memory_space<hbm>> -> memref<10240xf32, #tpu.memory_space<hbm>>
      tpu.enqueue_dma source(%dma_start3A_20 : memref<10240xf32, #tpu.memory_space<hbm>>) target(%arg15 : memref<10240xf32, #tpu.memory_space<vmem>>) target_semaphore(%run_scoped3A_15 : memref<!tpu.dma_semaphore, #tpu.memory_space<semaphore_mem>>)
      %dma_wait3A = arith.constant 0 : i32
      %dma_wait3A_21 = tpu.memref_slice %arg6[%run_scoped3A, %dma_wait3A] : memref<128x10240xf32, #tpu.memory_space<hbm>> -> memref<1x10240xf32, #tpu.memory_space<hbm>>
      %dma_wait3A_22 = tpu.memref_squeeze %dma_wait3A_21 : memref<1x10240xf32, #tpu.memory_space<hbm>> -> memref<10240xf32, #tpu.memory_space<hbm>>
      %dma_wait3A_23 = arith.constant 0 : i32
      %dma_wait3A_24 = tpu.memref_slice %arg6[%run_scoped3A, %dma_wait3A_23] : memref<128x10240xf32, #tpu.memory_space<hbm>> -> memref<1x10240xf32, #tpu.memory_space<hbm>>
      %dma_wait3A_25 = tpu.memref_squeeze %dma_wait3A_24 : memref<1x10240xf32, #tpu.memory_space<hbm>> -> memref<10240xf32, #tpu.memory_space<hbm>>
      tpu.wait_dma2 semaphore(%run_scoped3A_15 : memref<!tpu.dma_semaphore, #tpu.memory_space<semaphore_mem>>) src(%dma_wait3A_25 : memref<10240xf32, #tpu.memory_space<hbm>>) dst(%arg15 : memref<10240xf32, #tpu.memory_space<vmem>>)
      tpu.yield
    }) : () -> ()
    %run_scoped3A_1 = arith.constant 1 : i32
    "tpu.region"() ({
      %run_scoped3A_15 = tpu.sem_alloc : memref<!tpu.dma_semaphore, #tpu.memory_space<semaphore_mem>>
      %dma_start3A = arith.constant 0 : i32
      %dma_start3A_16 = tpu.memref_slice %arg6[%run_scoped3A_1, %dma_start3A] : memref<128x10240xf32, #tpu.memory_space<hbm>> -> memref<1x10240xf32, #tpu.memory_space<hbm>>
      %dma_start3A_17 = tpu.memref_squeeze %dma_start3A_16 : memref<1x10240xf32, #tpu.memory_space<hbm>> -> memref<10240xf32, #tpu.memory_space<hbm>>
      %dma_start3A_18 = arith.constant 0 : i32
      %dma_start3A_19 = tpu.memref_slice %arg6[%run_scoped3A_1, %dma_start3A_18] : memref<128x10240xf32, #tpu.memory_space<hbm>> -> memref<1x10240xf32, #tpu.memory_space<hbm>>
      %dma_start3A_20 = tpu.memref_squeeze %dma_start3A_19 : memref<1x10240xf32, #tpu.memory_space<hbm>> -> memref<10240xf32, #tpu.memory_space<hbm>>
      tpu.enqueue_dma source(%dma_start3A_20 : memref<10240xf32, #tpu.memory_space<hbm>>) target(%arg16 : memref<10240xf32, #tpu.memory_space<vmem>>) target_semaphore(%run_scoped3A_15 : memref<!tpu.dma_semaphore, #tpu.memory_space<semaphore_mem>>)
      %dma_wait3A = arith.constant 0 : i32
      %dma_wait3A_21 = tpu.memref_slice %arg6[%run_scoped3A_1, %dma_wait3A] : memref<128x10240xf32, #tpu.memory_space<hbm>> -> memref<1x10240xf32, #tpu.memory_space<hbm>>
      %dma_wait3A_22 = tpu.memref_squeeze %dma_wait3A_21 : memref<1x10240xf32, #tpu.memory_space<hbm>> -> memref<10240xf32, #tpu.memory_space<hbm>>
      %dma_wait3A_23 = arith.constant 0 : i32
      %dma_wait3A_24 = tpu.memref_slice %arg6[%run_scoped3A_1, %dma_wait3A_23] : memref<128x10240xf32, #tpu.memory_space<hbm>> -> memref<1x10240xf32, #tpu.memory_space<hbm>>
      %dma_wait3A_25 = tpu.memref_squeeze %dma_wait3A_24 : memref<1x10240xf32, #tpu.memory_space<hbm>> -> memref<10240xf32, #tpu.memory_space<hbm>>
      tpu.wait_dma2 semaphore(%run_scoped3A_15 : memref<!tpu.dma_semaphore, #tpu.memory_space<semaphore_mem>>) src(%dma_wait3A_25 : memref<10240xf32, #tpu.memory_space<hbm>>) dst(%arg16 : memref<10240xf32, #tpu.memory_space<vmem>>)
      tpu.yield
    }) : () -> ()
    %run_scoped3A_2 = arith.constant 2 : i32
    "tpu.region"() ({
      %run_scoped3A_15 = tpu.sem_alloc : memref<!tpu.dma_semaphore, #tpu.memory_space<semaphore_mem>>
      %dma_start3A = arith.constant 0 : i32
      %dma_start3A_16 = tpu.memref_slice %arg6[%run_scoped3A_2, %dma_start3A] : memref<128x10240xf32, #tpu.memory_space<hbm>> -> memref<1x10240xf32, #tpu.memory_space<hbm>>
      %dma_start3A_17 = tpu.memref_squeeze %dma_start3A_16 : memref<1x10240xf32, #tpu.memory_space<hbm>> -> memref<10240xf32, #tpu.memory_space<hbm>>
      %dma_start3A_18 = arith.constant 0 : i32
      %dma_start3A_19 = tpu.memref_slice %arg6[%run_scoped3A_2, %dma_start3A_18] : memref<128x10240xf32, #tpu.memory_space<hbm>> -> memref<1x10240xf32, #tpu.memory_space<hbm>>
      %dma_start3A_20 = tpu.memref_squeeze %dma_start3A_19 : memref<1x10240xf32, #tpu.memory_space<hbm>> -> memref<10240xf32, #tpu.memory_space<hbm>>
      tpu.enqueue_dma source(%dma_start3A_20 : memref<10240xf32, #tpu.memory_space<hbm>>) target(%arg17 : memref<10240xf32, #tpu.memory_space<vmem>>) target_semaphore(%run_scoped3A_15 : memref<!tpu.dma_semaphore, #tpu.memory_space<semaphore_mem>>)
      %dma_wait3A = arith.constant 0 : i32
      %dma_wait3A_21 = tpu.memref_slice %arg6[%run_scoped3A_2, %dma_wait3A] : memref<128x10240xf32, #tpu.memory_space<hbm>> -> memref<1x10240xf32, #tpu.memory_space<hbm>>
      %dma_wait3A_22 = tpu.memref_squeeze %dma_wait3A_21 : memref<1x10240xf32, #tpu.memory_space<hbm>> -> memref<10240xf32, #tpu.memory_space<hbm>>
      %dma_wait3A_23 = arith.constant 0 : i32
      %dma_wait3A_24 = tpu.memref_slice %arg6[%run_scoped3A_2, %dma_wait3A_23] : memref<128x10240xf32, #tpu.memory_space<hbm>> -> memref<1x10240xf32, #tpu.memory_space<hbm>>
      %dma_wait3A_25 = tpu.memref_squeeze %dma_wait3A_24 : memref<1x10240xf32, #tpu.memory_space<hbm>> -> memref<10240xf32, #tpu.memory_space<hbm>>
      tpu.wait_dma2 semaphore(%run_scoped3A_15 : memref<!tpu.dma_semaphore, #tpu.memory_space<semaphore_mem>>) src(%dma_wait3A_25 : memref<10240xf32, #tpu.memory_space<hbm>>) dst(%arg17 : memref<10240xf32, #tpu.memory_space<vmem>>)
      tpu.yield
    }) : () -> ()
    %broadcast_in_dim3A = arith.constant 0.000000e+00 : f32
    %broadcast_in_dim3A_3 = vector.broadcast %broadcast_in_dim3A : f32 to vector<16xf32>
    %scan3A = arith.constant 0 : i32
    %scan3A_4 = arith.constant 0 : i32
    %scan3A_5 = arith.constant 128 : i32
    %scan3A_6 = arith.addi %scan3A_4, %scan3A_5 : i32
    %scan3A_7 = arith.constant 1 : i32
    scf.for %scan3A_15 = %scan3A_4 to %scan3A_6 step %scan3A_7  : i32 {
      %swap3A = arith.index_cast %scan3A_15 : i32 to index
      %swap3A_16 = arith.constant 0 : index
      %swap3A_17 = tpu.vector_load %arg14[%swap3A, %swap3A_16] {strides = array<i32>} : memref<128x16xf32, #tpu.memory_space<vmem>>, vector<16xf32>,
      tpu.vector_store %arg14[%swap3A, %swap3A_16], %broadcast_in_dim3A_3 {strides = array<i32>} : memref<128x16xf32, #tpu.memory_space<vmem>>, vector<16xf32>,
    }
    %scan3A_8 = arith.constant 128 : i32
    %scan3A_9 = arith.constant 0 : i32
    %scan3A_10 = arith.constant 0 : i32
    %scan3A_11 = arith.constant 79 : i32
    %scan3A_12 = arith.addi %scan3A_10, %scan3A_11 : i32
    %scan3A_13 = arith.constant 1 : i32
    scf.for %scan3A_15 = %scan3A_10 to %scan3A_12 step %scan3A_13  : i32 {
      %mul3A_16 = arith.constant 32 : i32
      %mul3A_17 = arith.muli %scan3A_15, %mul3A_16 : i32
      %add3A_18 = arith.addi %add3A, %mul3A_17 : i32
      %lt3A = arith.constant 2500 : i32
      %lt3A_19 = arith.cmpi slt, %add3A_18, %lt3A : i32
      %convert_element_type3A = arith.extui %lt3A_19 : i1 to i32
      %cond3A = arith.constant 0 : i32
      %cond3A_20 = arith.cmpi ne, %convert_element_type3A, %cond3A : i32
      scf.if %cond3A_20 {
        %mul3A_21 = arith.constant 128 : i32
        %mul3A_22 = arith.muli %add3A_18, %mul3A_21 : i32
        "tpu.region"() ({
          %run_scoped3A_39 = tpu.sem_alloc : memref<!tpu.dma_semaphore, #tpu.memory_space<semaphore_mem>>
          %dma_start3A_40 = tpu.memref_slice %arg2[%mul3A_22] : memref<320000xi32, #tpu.memory_space<hbm>> -> memref<128xi32, #tpu.memory_space<hbm>>
          %dma_start3A_41 = tpu.memref_slice %arg2[%mul3A_22] : memref<320000xi32, #tpu.memory_space<hbm>> -> memref<128xi32, #tpu.memory_space<hbm>>
          tpu.enqueue_dma source(%dma_start3A_41 : memref<128xi32, #tpu.memory_space<hbm>>) target(%arg10 : memref<128xi32, #tpu.memory_space<vmem>>) target_semaphore(%run_scoped3A_39 : memref<!tpu.dma_semaphore, #tpu.memory_space<semaphore_mem>>)
          %dma_wait3A_42 = tpu.memref_slice %arg2[%mul3A_22] : memref<320000xi32, #tpu.memory_space<hbm>> -> memref<128xi32, #tpu.memory_space<hbm>>
          %dma_wait3A_43 = tpu.memref_slice %arg2[%mul3A_22] : memref<320000xi32, #tpu.memory_space<hbm>> -> memref<128xi32, #tpu.memory_space<hbm>>
          tpu.wait_dma2 semaphore(%run_scoped3A_39 : memref<!tpu.dma_semaphore, #tpu.memory_space<semaphore_mem>>) src(%dma_wait3A_43 : memref<128xi32, #tpu.memory_space<hbm>>) dst(%arg10 : memref<128xi32, #tpu.memory_space<vmem>>)
          tpu.yield
        }) : () -> ()
        "tpu.region"() ({
          %run_scoped3A_39 = tpu.sem_alloc : memref<!tpu.dma_semaphore, #tpu.memory_space<semaphore_mem>>
          %dma_start3A_40 = tpu.memref_slice %arg3[%mul3A_22] : memref<320000xi32, #tpu.memory_space<hbm>> -> memref<128xi32, #tpu.memory_space<hbm>>
          %dma_start3A_41 = tpu.memref_slice %arg3[%mul3A_22] : memref<320000xi32, #tpu.memory_space<hbm>> -> memref<128xi32, #tpu.memory_space<hbm>>
          tpu.enqueue_dma source(%dma_start3A_41 : memref<128xi32, #tpu.memory_space<hbm>>) target(%arg11 : memref<128xi32, #tpu.memory_space<vmem>>) target_semaphore(%run_scoped3A_39 : memref<!tpu.dma_semaphore, #tpu.memory_space<semaphore_mem>>)
          %dma_wait3A_42 = tpu.memref_slice %arg3[%mul3A_22] : memref<320000xi32, #tpu.memory_space<hbm>> -> memref<128xi32, #tpu.memory_space<hbm>>
          %dma_wait3A_43 = tpu.memref_slice %arg3[%mul3A_22] : memref<320000xi32, #tpu.memory_space<hbm>> -> memref<128xi32, #tpu.memory_space<hbm>>
          tpu.wait_dma2 semaphore(%run_scoped3A_39 : memref<!tpu.dma_semaphore, #tpu.memory_space<semaphore_mem>>) src(%dma_wait3A_43 : memref<128xi32, #tpu.memory_space<hbm>>) dst(%arg11 : memref<128xi32, #tpu.memory_space<vmem>>)
          tpu.yield
        }) : () -> ()
        %dma_start3A = arith.constant 0 : i32
        %dma_start3A_23 = arith.constant 0 : i32
        %dma_start3A_24 = tpu.memref_slice %arg4[%dma_start3A, %dma_start3A_23] : memref<10240x256xf32, #tpu.memory_space<hbm>> -> memref<10240x256xf32, #tpu.memory_space<hbm>>
        tpu.enqueue_indirect_dma source(%dma_start3A_24 : memref<10240x256xf32, #tpu.memory_space<hbm>>) target(%arg12 : memref<128x256xf32, #tpu.memory_space<vmem>>) offsets(%arg10 : memref<128xi32, #tpu.memory_space<vmem>>) semaphore(%arg18 : memref<!tpu.dma_semaphore, #tpu.memory_space<semaphore_mem>>)
        %dma_start3A_25 = arith.constant 0 : i32
        %dma_start3A_26 = arith.constant 0 : i32
        %dma_start3A_27 = tpu.memref_slice %arg5[%dma_start3A_25, %dma_start3A_26] : memref<10240x256xf32, #tpu.memory_space<hbm>> -> memref<10240x256xf32, #tpu.memory_space<hbm>>
        tpu.enqueue_indirect_dma source(%dma_start3A_27 : memref<10240x256xf32, #tpu.memory_space<hbm>>) target(%arg13 : memref<128x256xf32, #tpu.memory_space<vmem>>) offsets(%arg11 : memref<128xi32, #tpu.memory_space<vmem>>) semaphore(%arg19 : memref<!tpu.dma_semaphore, #tpu.memory_space<semaphore_mem>>)
        %scan3A_28 = arith.constant 0 : i32
        %scan3A_29 = arith.constant 0 : i32
        %scan3A_30 = arith.constant 8 : i32
        %scan3A_31 = arith.addi %scan3A_29, %scan3A_30 : i32
        %scan3A_32 = arith.constant 1 : i32
        scf.for %scan3A_39 = %scan3A_29 to %scan3A_31 step %scan3A_32  : i32 {
          %mul3A_40 = arith.constant 16 : i32
          %mul3A_41 = arith.muli %scan3A_39, %mul3A_40 : i32
          %get3A = arith.index_cast %mul3A_41 : i32 to index
          %get3A_42 = tpu.vector_load %arg10[%get3A] {strides = array<i32>} : memref<128xi32, #tpu.memory_space<vmem>>, vector<16xi32>,
          %mul3A_43 = arith.constant 16 : i32
          %mul3A_44 = arith.muli %scan3A_39, %mul3A_43 : i32
          %get3A_45 = arith.index_cast %mul3A_44 : i32 to index
          %get3A_46 = tpu.vector_load %arg11[%get3A_45] {strides = array<i32>} : memref<128xi32, #tpu.memory_space<vmem>>, vector<16xi32>,
          %iota3A = tpu.iota {dimensions = array<i32: 0>} : vector<16xi32>
          %mul3A_47 = arith.constant 16 : i32
          %mul3A_48 = arith.muli %scan3A_39, %mul3A_47 : i32
          %add3A_49 = vector.broadcast %mul3A_48 : i32 to vector<16xi32>
          %add3A_50 = arith.addi %iota3A, %add3A_49 : vector<16xi32>
          %broadcast_in_dim3A_51 = arith.constant 0 : i32
          %broadcast_in_dim3A_52 = vector.broadcast %broadcast_in_dim3A_51 : i32 to vector<16xi32>
          %gather3A = tpu.vector_load_idx %arg15[%get3A_42] : memref<10240xf32, #tpu.memory_space<vmem>>[vector<16xi32>], vector<16xf32>,
          %gather3A_53 = tpu.vector_load_idx %arg15[%get3A_46] : memref<10240xf32, #tpu.memory_space<vmem>>[vector<16xi32>], vector<16xf32>,
          %sub3A = arith.subf %gather3A, %gather3A_53 : vector<16xf32>
          tpu.vector_store_idx %arg14[%add3A_50, %broadcast_in_dim3A_52], %sub3A : memref<128x16xf32, #tpu.memory_space<vmem>>[vector<16xi32>, vector<16xi32>], vector<16xf32>,
          %broadcast_in_dim3A_54 = arith.constant 1 : i32
          %broadcast_in_dim3A_55 = vector.broadcast %broadcast_in_dim3A_54 : i32 to vector<16xi32>
          %gather3A_56 = tpu.vector_load_idx %arg16[%get3A_42] : memref<10240xf32, #tpu.memory_space<vmem>>[vector<16xi32>], vector<16xf32>,
          %gather3A_57 = tpu.vector_load_idx %arg16[%get3A_46] : memref<10240xf32, #tpu.memory_space<vmem>>[vector<16xi32>], vector<16xf32>,
          %sub3A_58 = arith.subf %gather3A_56, %gather3A_57 : vector<16xf32>
          tpu.vector_store_idx %arg14[%add3A_50, %broadcast_in_dim3A_55], %sub3A_58 : memref<128x16xf32, #tpu.memory_space<vmem>>[vector<16xi32>, vector<16xi32>], vector<16xf32>,
          %broadcast_in_dim3A_59 = arith.constant 2 : i32
          %broadcast_in_dim3A_60 = vector.broadcast %broadcast_in_dim3A_59 : i32 to vector<16xi32>
          %gather3A_61 = tpu.vector_load_idx %arg17[%get3A_42] : memref<10240xf32, #tpu.memory_space<vmem>>[vector<16xi32>], vector<16xf32>,
          %gather3A_62 = tpu.vector_load_idx %arg17[%get3A_46] : memref<10240xf32, #tpu.memory_space<vmem>>[vector<16xi32>], vector<16xf32>,
          %sub3A_63 = arith.subf %gather3A_61, %gather3A_62 : vector<16xf32>
          tpu.vector_store_idx %arg14[%add3A_50, %broadcast_in_dim3A_60], %sub3A_63 : memref<128x16xf32, #tpu.memory_space<vmem>>[vector<16xi32>, vector<16xi32>], vector<16xf32>,
        }
        %scan3A_33 = arith.constant 8 : i32
        %dma_wait3A = arith.constant 0 : i32
        %dma_wait3A_34 = arith.constant 0 : i32
        %dma_wait3A_35 = tpu.memref_slice %arg4[%dma_wait3A, %dma_wait3A_34] : memref<10240x256xf32, #tpu.memory_space<hbm>> -> memref<10240x256xf32, #tpu.memory_space<hbm>>
        tpu.wait_indirect_dma semaphore(%arg18 : memref<!tpu.dma_semaphore, #tpu.memory_space<semaphore_mem>>) src(%dma_wait3A_35 : memref<10240x256xf32, #tpu.memory_space<hbm>>) dst(%arg12 : memref<128x256xf32, #tpu.memory_space<vmem>>)
        %dma_wait3A_36 = arith.constant 0 : i32
        %dma_wait3A_37 = arith.constant 0 : i32
        %dma_wait3A_38 = tpu.memref_slice %arg5[%dma_wait3A_36, %dma_wait3A_37] : memref<10240x256xf32, #tpu.memory_space<hbm>> -> memref<10240x256xf32, #tpu.memory_space<hbm>>
        tpu.wait_indirect_dma semaphore(%arg19 : memref<!tpu.dma_semaphore, #tpu.memory_space<semaphore_mem>>) src(%dma_wait3A_38 : memref<10240x256xf32, #tpu.memory_space<hbm>>) dst(%arg13 : memref<128x256xf32, #tpu.memory_space<vmem>>)
        "tpu.region"() ({
          %run_scoped3A_39 = tpu.sem_alloc : memref<!tpu.dma_semaphore, #tpu.memory_space<semaphore_mem>>
          %dma_start3A_40 = arith.constant 0 : i32
          %dma_start3A_41 = tpu.memref_slice %arg7[%mul3A_22, %dma_start3A_40] : memref<320000x256xf32, #tpu.memory_space<hbm>> -> memref<128x256xf32, #tpu.memory_space<hbm>>
          %dma_start3A_42 = arith.constant 0 : i32
          %dma_start3A_43 = tpu.memref_slice %arg7[%mul3A_22, %dma_start3A_42] : memref<320000x256xf32, #tpu.memory_space<hbm>> -> memref<128x256xf32, #tpu.memory_space<hbm>>
          tpu.enqueue_dma source(%arg12 : memref<128x256xf32, #tpu.memory_space<vmem>>) target(%dma_start3A_43 : memref<128x256xf32, #tpu.memory_space<hbm>>) target_semaphore(%run_scoped3A_39 : memref<!tpu.dma_semaphore, #tpu.memory_space<semaphore_mem>>)
          %dma_wait3A_44 = arith.constant 0 : i32
          %dma_wait3A_45 = tpu.memref_slice %arg7[%mul3A_22, %dma_wait3A_44] : memref<320000x256xf32, #tpu.memory_space<hbm>> -> memref<128x256xf32, #tpu.memory_space<hbm>>
          %dma_wait3A_46 = arith.constant 0 : i32
          %dma_wait3A_47 = tpu.memref_slice %arg7[%mul3A_22, %dma_wait3A_46] : memref<320000x256xf32, #tpu.memory_space<hbm>> -> memref<128x256xf32, #tpu.memory_space<hbm>>
          tpu.wait_dma2 semaphore(%run_scoped3A_39 : memref<!tpu.dma_semaphore, #tpu.memory_space<semaphore_mem>>) src(%arg12 : memref<128x256xf32, #tpu.memory_space<vmem>>) dst(%dma_wait3A_47 : memref<128x256xf32, #tpu.memory_space<hbm>>)
          tpu.yield
        }) : () -> ()
        "tpu.region"() ({
          %run_scoped3A_39 = tpu.sem_alloc : memref<!tpu.dma_semaphore, #tpu.memory_space<semaphore_mem>>
          %dma_start3A_40 = arith.constant 0 : i32
          %dma_start3A_41 = tpu.memref_slice %arg8[%mul3A_22, %dma_start3A_40] : memref<320000x256xf32, #tpu.memory_space<hbm>> -> memref<128x256xf32, #tpu.memory_space<hbm>>
          %dma_start3A_42 = arith.constant 0 : i32
          %dma_start3A_43 = tpu.memref_slice %arg8[%mul3A_22, %dma_start3A_42] : memref<320000x256xf32, #tpu.memory_space<hbm>> -> memref<128x256xf32, #tpu.memory_space<hbm>>
          tpu.enqueue_dma source(%arg13 : memref<128x256xf32, #tpu.memory_space<vmem>>) target(%dma_start3A_43 : memref<128x256xf32, #tpu.memory_space<hbm>>) target_semaphore(%run_scoped3A_39 : memref<!tpu.dma_semaphore, #tpu.memory_space<semaphore_mem>>)
          %dma_wait3A_44 = arith.constant 0 : i32
          %dma_wait3A_45 = tpu.memref_slice %arg8[%mul3A_22, %dma_wait3A_44] : memref<320000x256xf32, #tpu.memory_space<hbm>> -> memref<128x256xf32, #tpu.memory_space<hbm>>
          %dma_wait3A_46 = arith.constant 0 : i32
          %dma_wait3A_47 = tpu.memref_slice %arg8[%mul3A_22, %dma_wait3A_46] : memref<320000x256xf32, #tpu.memory_space<hbm>> -> memref<128x256xf32, #tpu.memory_space<hbm>>
          tpu.wait_dma2 semaphore(%run_scoped3A_39 : memref<!tpu.dma_semaphore, #tpu.memory_space<semaphore_mem>>) src(%arg13 : memref<128x256xf32, #tpu.memory_space<vmem>>) dst(%dma_wait3A_47 : memref<128x256xf32, #tpu.memory_space<hbm>>)
          tpu.yield
        }) : () -> ()
        "tpu.region"() ({
          %run_scoped3A_39 = tpu.sem_alloc : memref<!tpu.dma_semaphore, #tpu.memory_space<semaphore_mem>>
          %dma_start3A_40 = arith.constant 0 : i32
          %dma_start3A_41 = tpu.memref_slice %arg9[%mul3A_22, %dma_start3A_40] : memref<320000x16xf32, #tpu.memory_space<hbm>> -> memref<128x16xf32, #tpu.memory_space<hbm>>
          %dma_start3A_42 = arith.constant 0 : i32
          %dma_start3A_43 = tpu.memref_slice %arg9[%mul3A_22, %dma_start3A_42] : memref<320000x16xf32, #tpu.memory_space<hbm>> -> memref<128x16xf32, #tpu.memory_space<hbm>>
          tpu.enqueue_dma source(%arg14 : memref<128x16xf32, #tpu.memory_space<vmem>>) target(%dma_start3A_43 : memref<128x16xf32, #tpu.memory_space<hbm>>) target_semaphore(%run_scoped3A_39 : memref<!tpu.dma_semaphore, #tpu.memory_space<semaphore_mem>>)
          %dma_wait3A_44 = arith.constant 0 : i32
          %dma_wait3A_45 = tpu.memref_slice %arg9[%mul3A_22, %dma_wait3A_44] : memref<320000x16xf32, #tpu.memory_space<hbm>> -> memref<128x16xf32, #tpu.memory_space<hbm>>
          %dma_wait3A_46 = arith.constant 0 : i32
          %dma_wait3A_47 = tpu.memref_slice %arg9[%mul3A_22, %dma_wait3A_46] : memref<320000x16xf32, #tpu.memory_space<hbm>> -> memref<128x16xf32, #tpu.memory_space<hbm>>
          tpu.wait_dma2 semaphore(%run_scoped3A_39 : memref<!tpu.dma_semaphore, #tpu.memory_space<semaphore_mem>>) src(%arg14 : memref<128x16xf32, #tpu.memory_space<vmem>>) dst(%dma_wait3A_47 : memref<128x16xf32, #tpu.memory_space<hbm>>)
          tpu.yield
        }) : () -> ()
      } else {
      }
    }
    %scan3A_14 = arith.constant 79 : i32
    return
  }
}

#map = affine_map<(d0, d1) -> (0)>
#map1 = affine_map<(d0, d1) -> (0, 0)>
#map2 = affine_map<(d0, d1) -> (0, 0, 0)>
module attributes {stable_mosaic.version = 14 : i64} {
  func.func @_scatter_body(%arg0: i32, %arg1: i32, %arg2: memref<320000xi32, #tpu.memory_space<hbm>>, %arg3: memref<320000x256xf32, #tpu.memory_space<hbm>>, %arg4: memref<320000x128xf32, #tpu.memory_space<hbm>>, %arg5: memref<128x128xf32, #tpu.memory_space<hbm>>, %arg6: memref<10240x256xf32, #tpu.memory_space<hbm>>, %arg7: memref<2x10240x128xf32, #tpu.memory_space<hbm>>, %arg8: memref<128xi32, #tpu.memory_space<vmem>>, %arg9: memref<128x128xf32, #tpu.memory_space<vmem>>, %arg10: memref<10240x128xf32, #tpu.memory_space<vmem_shared>>) attributes {dimension_semantics = [#tpu.dimension_semantics<core_parallel>, #tpu.dimension_semantics<subcore_parallel>], iteration_bounds = array<i64: 2, 16>, scalar_prefetch = 0 : i64, scratch_operands = 3 : i64, tpu.core_type = #tpu.core_type<sc_vector_subcore>, window_params = [{transform_indices = #map}, {transform_indices = #map1}, {transform_indices = #map1}, {transform_indices = #map1}, {transform_indices = #map1}, {transform_indices = #map2}]} {
    %mul3A = arith.constant 128 : i32
    %mul3A_0 = arith.muli %arg0, %mul3A : i32
    %mul3A_1 = arith.constant 640 : i32
    %mul3A_2 = arith.muli %arg1, %mul3A_1 : i32
    "tpu.region"() ({
      %run_scoped3A = tpu.sem_alloc : memref<!tpu.dma_semaphore, #tpu.memory_space<semaphore_mem>>
      tpu.enqueue_dma source(%arg5 : memref<128x128xf32, #tpu.memory_space<hbm>>) target(%arg9 : memref<128x128xf32, #tpu.memory_space<vmem>>) target_semaphore(%run_scoped3A : memref<!tpu.dma_semaphore, #tpu.memory_space<semaphore_mem>>)
      tpu.wait_dma2 semaphore(%run_scoped3A : memref<!tpu.dma_semaphore, #tpu.memory_space<semaphore_mem>>) src(%arg5 : memref<128x128xf32, #tpu.memory_space<hbm>>) dst(%arg9 : memref<128x128xf32, #tpu.memory_space<vmem>>)
      tpu.yield
    }) : () -> ()
    %scan3A = arith.constant 0 : i32
    %scan3A_3 = arith.constant 0 : i32
    %scan3A_4 = arith.constant 5 : i32
    %scan3A_5 = arith.addi %scan3A_3, %scan3A_4 : i32
    %scan3A_6 = arith.constant 1 : i32
    scf.for %scan3A_42 = %scan3A_3 to %scan3A_5 step %scan3A_6  : i32 {
      %mul3A_43 = arith.constant 128 : i32
      %mul3A_44 = arith.muli %scan3A_42, %mul3A_43 : i32
      %add3A = arith.addi %mul3A_2, %mul3A_44 : i32
      "tpu.region"() ({
        %run_scoped3A = tpu.sem_alloc : memref<!tpu.dma_semaphore, #tpu.memory_space<semaphore_mem>>
        %dma_start3A = arith.constant 0 : i32
        %dma_start3A_45 = tpu.memref_slice %arg10[%add3A, %dma_start3A] : memref<10240x128xf32, #tpu.memory_space<vmem_shared>> -> memref<128x128xf32, #tpu.memory_space<vmem_shared>>
        %dma_start3A_46 = arith.constant 0 : i32
        %dma_start3A_47 = tpu.memref_slice %arg10[%add3A, %dma_start3A_46] : memref<10240x128xf32, #tpu.memory_space<vmem_shared>> -> memref<128x128xf32, #tpu.memory_space<vmem_shared>>
        tpu.enqueue_dma source(%arg9 : memref<128x128xf32, #tpu.memory_space<vmem>>) target(%dma_start3A_47 : memref<128x128xf32, #tpu.memory_space<vmem_shared>>) target_semaphore(%run_scoped3A : memref<!tpu.dma_semaphore, #tpu.memory_space<semaphore_mem>>)
        %dma_wait3A = arith.constant 0 : i32
        %dma_wait3A_48 = tpu.memref_slice %arg10[%add3A, %dma_wait3A] : memref<10240x128xf32, #tpu.memory_space<vmem_shared>> -> memref<128x128xf32, #tpu.memory_space<vmem_shared>>
        %dma_wait3A_49 = arith.constant 0 : i32
        %dma_wait3A_50 = tpu.memref_slice %arg10[%add3A, %dma_wait3A_49] : memref<10240x128xf32, #tpu.memory_space<vmem_shared>> -> memref<128x128xf32, #tpu.memory_space<vmem_shared>>
        tpu.wait_dma2 semaphore(%run_scoped3A : memref<!tpu.dma_semaphore, #tpu.memory_space<semaphore_mem>>) src(%arg9 : memref<128x128xf32, #tpu.memory_space<vmem>>) dst(%dma_wait3A_50 : memref<128x128xf32, #tpu.memory_space<vmem_shared>>)
        tpu.yield
      }) : () -> ()
    }
    %scan3A_7 = arith.constant 5 : i32
    %barrier3A = arith.constant 0 : index
    tpu.barrier barrier_id(%barrier3A)
    %scan3A_8 = arith.constant 0 : i32
    %scan3A_9 = arith.constant 0 : i32
    %scan3A_10 = arith.constant 157 : i32
    %scan3A_11 = arith.addi %scan3A_9, %scan3A_10 : i32
    %scan3A_12 = arith.constant 1 : i32
    scf.for %scan3A_42 = %scan3A_9 to %scan3A_11 step %scan3A_12  : i32 {
      %mul3A_43 = arith.constant 16 : i32
      %mul3A_44 = arith.muli %scan3A_42, %mul3A_43 : i32
      %add3A = arith.addi %arg1, %mul3A_44 : i32
      %lt3A = arith.constant 2500 : i32
      %lt3A_45 = arith.cmpi slt, %add3A, %lt3A : i32
      %convert_element_type3A = arith.extui %lt3A_45 : i1 to i32
      %cond3A = arith.constant 0 : i32
      %cond3A_46 = arith.cmpi ne, %convert_element_type3A, %cond3A : i32
      scf.if %cond3A_46 {
        %mul3A_47 = arith.constant 128 : i32
        %mul3A_48 = arith.muli %add3A, %mul3A_47 : i32
        "tpu.region"() ({
          %run_scoped3A = tpu.sem_alloc : memref<!tpu.dma_semaphore, #tpu.memory_space<semaphore_mem>>
          %dma_start3A = tpu.memref_slice %arg2[%mul3A_48] : memref<320000xi32, #tpu.memory_space<hbm>> -> memref<128xi32, #tpu.memory_space<hbm>>
          %dma_start3A_49 = tpu.memref_slice %arg2[%mul3A_48] : memref<320000xi32, #tpu.memory_space<hbm>> -> memref<128xi32, #tpu.memory_space<hbm>>
          tpu.enqueue_dma source(%dma_start3A_49 : memref<128xi32, #tpu.memory_space<hbm>>) target(%arg8 : memref<128xi32, #tpu.memory_space<vmem>>) target_semaphore(%run_scoped3A : memref<!tpu.dma_semaphore, #tpu.memory_space<semaphore_mem>>)
          %dma_wait3A = tpu.memref_slice %arg2[%mul3A_48] : memref<320000xi32, #tpu.memory_space<hbm>> -> memref<128xi32, #tpu.memory_space<hbm>>
          %dma_wait3A_50 = tpu.memref_slice %arg2[%mul3A_48] : memref<320000xi32, #tpu.memory_space<hbm>> -> memref<128xi32, #tpu.memory_space<hbm>>
          tpu.wait_dma2 semaphore(%run_scoped3A : memref<!tpu.dma_semaphore, #tpu.memory_space<semaphore_mem>>) src(%dma_wait3A_50 : memref<128xi32, #tpu.memory_space<hbm>>) dst(%arg8 : memref<128xi32, #tpu.memory_space<vmem>>)
          tpu.yield
        }) : () -> ()
        "tpu.region"() ({
          %run_scoped3A = tpu.sem_alloc : memref<!tpu.dma_semaphore, #tpu.memory_space<semaphore_mem>>
          %dma_start3A = tpu.memref_slice %arg3[%mul3A_48, %mul3A_0] : memref<320000x256xf32, #tpu.memory_space<hbm>> -> memref<128x128xf32, #tpu.memory_space<hbm>>
          %dma_start3A_49 = tpu.memref_slice %arg3[%mul3A_48, %mul3A_0] : memref<320000x256xf32, #tpu.memory_space<hbm>> -> memref<128x128xf32, #tpu.memory_space<hbm>>
          tpu.enqueue_dma source(%dma_start3A_49 : memref<128x128xf32, #tpu.memory_space<hbm>>) target(%arg9 : memref<128x128xf32, #tpu.memory_space<vmem>>) target_semaphore(%run_scoped3A : memref<!tpu.dma_semaphore, #tpu.memory_space<semaphore_mem>>)
          %dma_wait3A = tpu.memref_slice %arg3[%mul3A_48, %mul3A_0] : memref<320000x256xf32, #tpu.memory_space<hbm>> -> memref<128x128xf32, #tpu.memory_space<hbm>>
          %dma_wait3A_50 = tpu.memref_slice %arg3[%mul3A_48, %mul3A_0] : memref<320000x256xf32, #tpu.memory_space<hbm>> -> memref<128x128xf32, #tpu.memory_space<hbm>>
          tpu.wait_dma2 semaphore(%run_scoped3A : memref<!tpu.dma_semaphore, #tpu.memory_space<semaphore_mem>>) src(%dma_wait3A_50 : memref<128x128xf32, #tpu.memory_space<hbm>>) dst(%arg9 : memref<128x128xf32, #tpu.memory_space<vmem>>)
          tpu.yield
        }) : () -> ()
        "tpu.region"() ({
          %run_scoped3A = tpu.sem_alloc : memref<!tpu.dma_semaphore, #tpu.memory_space<semaphore_mem>>
          %dma_start3A = arith.constant 0 : i32
          %dma_start3A_49 = arith.constant 0 : i32
          %dma_start3A_50 = tpu.memref_slice %arg10[%dma_start3A, %dma_start3A_49] : memref<10240x128xf32, #tpu.memory_space<vmem_shared>> -> memref<10240x128xf32, #tpu.memory_space<vmem_shared>>
          tpu.enqueue_indirect_dma source(%arg9 : memref<128x128xf32, #tpu.memory_space<vmem>>) target(%dma_start3A_50 : memref<10240x128xf32, #tpu.memory_space<vmem_shared>>) offsets(%arg8 : memref<128xi32, #tpu.memory_space<vmem>>) semaphore(%run_scoped3A : memref<!tpu.dma_semaphore, #tpu.memory_space<semaphore_mem>>) {add = true}
          %dma_wait3A = arith.constant 0 : i32
          %dma_wait3A_51 = arith.constant 0 : i32
          %dma_wait3A_52 = tpu.memref_slice %arg10[%dma_wait3A, %dma_wait3A_51] : memref<10240x128xf32, #tpu.memory_space<vmem_shared>> -> memref<10240x128xf32, #tpu.memory_space<vmem_shared>>
          tpu.wait_indirect_dma semaphore(%run_scoped3A : memref<!tpu.dma_semaphore, #tpu.memory_space<semaphore_mem>>) src(%arg9 : memref<128x128xf32, #tpu.memory_space<vmem>>) dst(%dma_wait3A_52 : memref<10240x128xf32, #tpu.memory_space<vmem_shared>>)
          tpu.yield
        }) : () -> ()
      } else {
      }
    }
    %scan3A_13 = arith.constant 157 : i32
    %barrier3A_14 = arith.constant 0 : index
    tpu.barrier barrier_id(%barrier3A_14)
    %scan3A_15 = arith.constant 0 : i32
    %scan3A_16 = arith.constant 0 : i32
    %scan3A_17 = arith.constant 5 : i32
    %scan3A_18 = arith.addi %scan3A_16, %scan3A_17 : i32
    %scan3A_19 = arith.constant 1 : i32
    scf.for %scan3A_42 = %scan3A_16 to %scan3A_18 step %scan3A_19  : i32 {
      %mul3A_43 = arith.constant 128 : i32
      %mul3A_44 = arith.muli %scan3A_42, %mul3A_43 : i32
      %add3A = arith.addi %mul3A_2, %mul3A_44 : i32
      "tpu.region"() ({
        %run_scoped3A = tpu.sem_alloc : memref<!tpu.dma_semaphore, #tpu.memory_space<semaphore_mem>>
        %dma_start3A = arith.constant 0 : i32
        %dma_start3A_45 = tpu.memref_slice %arg10[%add3A, %dma_start3A] : memref<10240x128xf32, #tpu.memory_space<vmem_shared>> -> memref<128x128xf32, #tpu.memory_space<vmem_shared>>
        %dma_start3A_46 = arith.constant 0 : i32
        %dma_start3A_47 = tpu.memref_slice %arg10[%add3A, %dma_start3A_46] : memref<10240x128xf32, #tpu.memory_space<vmem_shared>> -> memref<128x128xf32, #tpu.memory_space<vmem_shared>>
        tpu.enqueue_dma source(%dma_start3A_47 : memref<128x128xf32, #tpu.memory_space<vmem_shared>>) target(%arg9 : memref<128x128xf32, #tpu.memory_space<vmem>>) target_semaphore(%run_scoped3A : memref<!tpu.dma_semaphore, #tpu.memory_space<semaphore_mem>>)
        %dma_wait3A = arith.constant 0 : i32
        %dma_wait3A_48 = tpu.memref_slice %arg10[%add3A, %dma_wait3A] : memref<10240x128xf32, #tpu.memory_space<vmem_shared>> -> memref<128x128xf32, #tpu.memory_space<vmem_shared>>
        %dma_wait3A_49 = arith.constant 0 : i32
        %dma_wait3A_50 = tpu.memref_slice %arg10[%add3A, %dma_wait3A_49] : memref<10240x128xf32, #tpu.memory_space<vmem_shared>> -> memref<128x128xf32, #tpu.memory_space<vmem_shared>>
        tpu.wait_dma2 semaphore(%run_scoped3A : memref<!tpu.dma_semaphore, #tpu.memory_space<semaphore_mem>>) src(%dma_wait3A_50 : memref<128x128xf32, #tpu.memory_space<vmem_shared>>) dst(%arg9 : memref<128x128xf32, #tpu.memory_space<vmem>>)
        tpu.yield
      }) : () -> ()
      "tpu.region"() ({
        %run_scoped3A = tpu.sem_alloc : memref<!tpu.dma_semaphore, #tpu.memory_space<semaphore_mem>>
        %dma_start3A = tpu.memref_slice %arg6[%add3A, %mul3A_0] : memref<10240x256xf32, #tpu.memory_space<hbm>> -> memref<128x128xf32, #tpu.memory_space<hbm>>
        %dma_start3A_45 = tpu.memref_slice %arg6[%add3A, %mul3A_0] : memref<10240x256xf32, #tpu.memory_space<hbm>> -> memref<128x128xf32, #tpu.memory_space<hbm>>
        tpu.enqueue_dma source(%arg9 : memref<128x128xf32, #tpu.memory_space<vmem>>) target(%dma_start3A_45 : memref<128x128xf32, #tpu.memory_space<hbm>>) target_semaphore(%run_scoped3A : memref<!tpu.dma_semaphore, #tpu.memory_space<semaphore_mem>>)
        %dma_wait3A = tpu.memref_slice %arg6[%add3A, %mul3A_0] : memref<10240x256xf32, #tpu.memory_space<hbm>> -> memref<128x128xf32, #tpu.memory_space<hbm>>
        %dma_wait3A_46 = tpu.memref_slice %arg6[%add3A, %mul3A_0] : memref<10240x256xf32, #tpu.memory_space<hbm>> -> memref<128x128xf32, #tpu.memory_space<hbm>>
        tpu.wait_dma2 semaphore(%run_scoped3A : memref<!tpu.dma_semaphore, #tpu.memory_space<semaphore_mem>>) src(%arg9 : memref<128x128xf32, #tpu.memory_space<vmem>>) dst(%dma_wait3A_46 : memref<128x128xf32, #tpu.memory_space<hbm>>)
        tpu.yield
      }) : () -> ()
    }
    %scan3A_20 = arith.constant 5 : i32
    %barrier3A_21 = arith.constant 0 : index
    tpu.barrier barrier_id(%barrier3A_21)
    "tpu.region"() ({
      %run_scoped3A = tpu.sem_alloc : memref<!tpu.dma_semaphore, #tpu.memory_space<semaphore_mem>>
      tpu.enqueue_dma source(%arg5 : memref<128x128xf32, #tpu.memory_space<hbm>>) target(%arg9 : memref<128x128xf32, #tpu.memory_space<vmem>>) target_semaphore(%run_scoped3A : memref<!tpu.dma_semaphore, #tpu.memory_space<semaphore_mem>>)
      tpu.wait_dma2 semaphore(%run_scoped3A : memref<!tpu.dma_semaphore, #tpu.memory_space<semaphore_mem>>) src(%arg5 : memref<128x128xf32, #tpu.memory_space<hbm>>) dst(%arg9 : memref<128x128xf32, #tpu.memory_space<vmem>>)
      tpu.yield
    }) : () -> ()
    %scan3A_22 = arith.constant 0 : i32
    %scan3A_23 = arith.constant 0 : i32
    %scan3A_24 = arith.constant 5 : i32
    %scan3A_25 = arith.addi %scan3A_23, %scan3A_24 : i32
    %scan3A_26 = arith.constant 1 : i32
    scf.for %scan3A_42 = %scan3A_23 to %scan3A_25 step %scan3A_26  : i32 {
      %mul3A_43 = arith.constant 128 : i32
      %mul3A_44 = arith.muli %scan3A_42, %mul3A_43 : i32
      %add3A = arith.addi %mul3A_2, %mul3A_44 : i32
      "tpu.region"() ({
        %run_scoped3A = tpu.sem_alloc : memref<!tpu.dma_semaphore, #tpu.memory_space<semaphore_mem>>
        %dma_start3A = arith.constant 0 : i32
        %dma_start3A_45 = tpu.memref_slice %arg10[%add3A, %dma_start3A] : memref<10240x128xf32, #tpu.memory_space<vmem_shared>> -> memref<128x128xf32, #tpu.memory_space<vmem_shared>>
        %dma_start3A_46 = arith.constant 0 : i32
        %dma_start3A_47 = tpu.memref_slice %arg10[%add3A, %dma_start3A_46] : memref<10240x128xf32, #tpu.memory_space<vmem_shared>> -> memref<128x128xf32, #tpu.memory_space<vmem_shared>>
        tpu.enqueue_dma source(%arg9 : memref<128x128xf32, #tpu.memory_space<vmem>>) target(%dma_start3A_47 : memref<128x128xf32, #tpu.memory_space<vmem_shared>>) target_semaphore(%run_scoped3A : memref<!tpu.dma_semaphore, #tpu.memory_space<semaphore_mem>>)
        %dma_wait3A = arith.constant 0 : i32
        %dma_wait3A_48 = tpu.memref_slice %arg10[%add3A, %dma_wait3A] : memref<10240x128xf32, #tpu.memory_space<vmem_shared>> -> memref<128x128xf32, #tpu.memory_space<vmem_shared>>
        %dma_wait3A_49 = arith.constant 0 : i32
        %dma_wait3A_50 = tpu.memref_slice %arg10[%add3A, %dma_wait3A_49] : memref<10240x128xf32, #tpu.memory_space<vmem_shared>> -> memref<128x128xf32, #tpu.memory_space<vmem_shared>>
        tpu.wait_dma2 semaphore(%run_scoped3A : memref<!tpu.dma_semaphore, #tpu.memory_space<semaphore_mem>>) src(%arg9 : memref<128x128xf32, #tpu.memory_space<vmem>>) dst(%dma_wait3A_50 : memref<128x128xf32, #tpu.memory_space<vmem_shared>>)
        tpu.yield
      }) : () -> ()
    }
    %scan3A_27 = arith.constant 5 : i32
    %barrier3A_28 = arith.constant 0 : index
    tpu.barrier barrier_id(%barrier3A_28)
    %scan3A_29 = arith.constant 0 : i32
    %scan3A_30 = arith.constant 0 : i32
    %scan3A_31 = arith.constant 79 : i32
    %scan3A_32 = arith.addi %scan3A_30, %scan3A_31 : i32
    %scan3A_33 = arith.constant 1 : i32
    scf.for %scan3A_42 = %scan3A_30 to %scan3A_32 step %scan3A_33  : i32 {
      %mul3A_43 = arith.constant 2 : i32
      %mul3A_44 = arith.muli %arg1, %mul3A_43 : i32
      %add3A = arith.addi %mul3A_44, %arg0 : i32
      %mul3A_45 = arith.constant 32 : i32
      %mul3A_46 = arith.muli %scan3A_42, %mul3A_45 : i32
      %add3A_47 = arith.addi %add3A, %mul3A_46 : i32
      %lt3A = arith.constant 2500 : i32
      %lt3A_48 = arith.cmpi slt, %add3A_47, %lt3A : i32
      %convert_element_type3A = arith.extui %lt3A_48 : i1 to i32
      %cond3A = arith.constant 0 : i32
      %cond3A_49 = arith.cmpi ne, %convert_element_type3A, %cond3A : i32
      scf.if %cond3A_49 {
        %mul3A_50 = arith.constant 128 : i32
        %mul3A_51 = arith.muli %add3A_47, %mul3A_50 : i32
        "tpu.region"() ({
          %run_scoped3A = tpu.sem_alloc : memref<!tpu.dma_semaphore, #tpu.memory_space<semaphore_mem>>
          %dma_start3A = tpu.memref_slice %arg2[%mul3A_51] : memref<320000xi32, #tpu.memory_space<hbm>> -> memref<128xi32, #tpu.memory_space<hbm>>
          %dma_start3A_52 = tpu.memref_slice %arg2[%mul3A_51] : memref<320000xi32, #tpu.memory_space<hbm>> -> memref<128xi32, #tpu.memory_space<hbm>>
          tpu.enqueue_dma source(%dma_start3A_52 : memref<128xi32, #tpu.memory_space<hbm>>) target(%arg8 : memref<128xi32, #tpu.memory_space<vmem>>) target_semaphore(%run_scoped3A : memref<!tpu.dma_semaphore, #tpu.memory_space<semaphore_mem>>)
          %dma_wait3A = tpu.memref_slice %arg2[%mul3A_51] : memref<320000xi32, #tpu.memory_space<hbm>> -> memref<128xi32, #tpu.memory_space<hbm>>
          %dma_wait3A_53 = tpu.memref_slice %arg2[%mul3A_51] : memref<320000xi32, #tpu.memory_space<hbm>> -> memref<128xi32, #tpu.memory_space<hbm>>
          tpu.wait_dma2 semaphore(%run_scoped3A : memref<!tpu.dma_semaphore, #tpu.memory_space<semaphore_mem>>) src(%dma_wait3A_53 : memref<128xi32, #tpu.memory_space<hbm>>) dst(%arg8 : memref<128xi32, #tpu.memory_space<vmem>>)
          tpu.yield
        }) : () -> ()
        "tpu.region"() ({
          %run_scoped3A = tpu.sem_alloc : memref<!tpu.dma_semaphore, #tpu.memory_space<semaphore_mem>>
          %dma_start3A = arith.constant 0 : i32
          %dma_start3A_52 = tpu.memref_slice %arg4[%mul3A_51, %dma_start3A] : memref<320000x128xf32, #tpu.memory_space<hbm>> -> memref<128x128xf32, #tpu.memory_space<hbm>>
          %dma_start3A_53 = arith.constant 0 : i32
          %dma_start3A_54 = tpu.memref_slice %arg4[%mul3A_51, %dma_start3A_53] : memref<320000x128xf32, #tpu.memory_space<hbm>> -> memref<128x128xf32, #tpu.memory_space<hbm>>
          tpu.enqueue_dma source(%dma_start3A_54 : memref<128x128xf32, #tpu.memory_space<hbm>>) target(%arg9 : memref<128x128xf32, #tpu.memory_space<vmem>>) target_semaphore(%run_scoped3A : memref<!tpu.dma_semaphore, #tpu.memory_space<semaphore_mem>>)
          %dma_wait3A = arith.constant 0 : i32
          %dma_wait3A_55 = tpu.memref_slice %arg4[%mul3A_51, %dma_wait3A] : memref<320000x128xf32, #tpu.memory_space<hbm>> -> memref<128x128xf32, #tpu.memory_space<hbm>>
          %dma_wait3A_56 = arith.constant 0 : i32
          %dma_wait3A_57 = tpu.memref_slice %arg4[%mul3A_51, %dma_wait3A_56] : memref<320000x128xf32, #tpu.memory_space<hbm>> -> memref<128x128xf32, #tpu.memory_space<hbm>>
          tpu.wait_dma2 semaphore(%run_scoped3A : memref<!tpu.dma_semaphore, #tpu.memory_space<semaphore_mem>>) src(%dma_wait3A_57 : memref<128x128xf32, #tpu.memory_space<hbm>>) dst(%arg9 : memref<128x128xf32, #tpu.memory_space<vmem>>)
          tpu.yield
        }) : () -> ()
        "tpu.region"() ({
          %run_scoped3A = tpu.sem_alloc : memref<!tpu.dma_semaphore, #tpu.memory_space<semaphore_mem>>
          %dma_start3A = arith.constant 0 : i32
          %dma_start3A_52 = arith.constant 0 : i32
          %dma_start3A_53 = tpu.memref_slice %arg10[%dma_start3A, %dma_start3A_52] : memref<10240x128xf32, #tpu.memory_space<vmem_shared>> -> memref<10240x128xf32, #tpu.memory_space<vmem_shared>>
          tpu.enqueue_indirect_dma source(%arg9 : memref<128x128xf32, #tpu.memory_space<vmem>>) target(%dma_start3A_53 : memref<10240x128xf32, #tpu.memory_space<vmem_shared>>) offsets(%arg8 : memref<128xi32, #tpu.memory_space<vmem>>) semaphore(%run_scoped3A : memref<!tpu.dma_semaphore, #tpu.memory_space<semaphore_mem>>) {add = true}
          %dma_wait3A = arith.constant 0 : i32
          %dma_wait3A_54 = arith.constant 0 : i32
          %dma_wait3A_55 = tpu.memref_slice %arg10[%dma_wait3A, %dma_wait3A_54] : memref<10240x128xf32, #tpu.memory_space<vmem_shared>> -> memref<10240x128xf32, #tpu.memory_space<vmem_shared>>
          tpu.wait_indirect_dma semaphore(%run_scoped3A : memref<!tpu.dma_semaphore, #tpu.memory_space<semaphore_mem>>) src(%arg9 : memref<128x128xf32, #tpu.memory_space<vmem>>) dst(%dma_wait3A_55 : memref<10240x128xf32, #tpu.memory_space<vmem_shared>>)
          tpu.yield
        }) : () -> ()
      } else {
      }
    }
    %scan3A_34 = arith.constant 79 : i32
    %barrier3A_35 = arith.constant 0 : index
    tpu.barrier barrier_id(%barrier3A_35)
    %scan3A_36 = arith.constant 0 : i32
    %scan3A_37 = arith.constant 0 : i32
    %scan3A_38 = arith.constant 5 : i32
    %scan3A_39 = arith.addi %scan3A_37, %scan3A_38 : i32
    %scan3A_40 = arith.constant 1 : i32
    scf.for %scan3A_42 = %scan3A_37 to %scan3A_39 step %scan3A_40  : i32 {
      %mul3A_43 = arith.constant 128 : i32
      %mul3A_44 = arith.muli %scan3A_42, %mul3A_43 : i32
      %add3A = arith.addi %mul3A_2, %mul3A_44 : i32
      "tpu.region"() ({
        %run_scoped3A = tpu.sem_alloc : memref<!tpu.dma_semaphore, #tpu.memory_space<semaphore_mem>>
        %dma_start3A = arith.constant 0 : i32
        %dma_start3A_45 = tpu.memref_slice %arg10[%add3A, %dma_start3A] : memref<10240x128xf32, #tpu.memory_space<vmem_shared>> -> memref<128x128xf32, #tpu.memory_space<vmem_shared>>
        %dma_start3A_46 = arith.constant 0 : i32
        %dma_start3A_47 = tpu.memref_slice %arg10[%add3A, %dma_start3A_46] : memref<10240x128xf32, #tpu.memory_space<vmem_shared>> -> memref<128x128xf32, #tpu.memory_space<vmem_shared>>
        tpu.enqueue_dma source(%dma_start3A_47 : memref<128x128xf32, #tpu.memory_space<vmem_shared>>) target(%arg9 : memref<128x128xf32, #tpu.memory_space<vmem>>) target_semaphore(%run_scoped3A : memref<!tpu.dma_semaphore, #tpu.memory_space<semaphore_mem>>)
        %dma_wait3A = arith.constant 0 : i32
        %dma_wait3A_48 = tpu.memref_slice %arg10[%add3A, %dma_wait3A] : memref<10240x128xf32, #tpu.memory_space<vmem_shared>> -> memref<128x128xf32, #tpu.memory_space<vmem_shared>>
        %dma_wait3A_49 = arith.constant 0 : i32
        %dma_wait3A_50 = tpu.memref_slice %arg10[%add3A, %dma_wait3A_49] : memref<10240x128xf32, #tpu.memory_space<vmem_shared>> -> memref<128x128xf32, #tpu.memory_space<vmem_shared>>
        tpu.wait_dma2 semaphore(%run_scoped3A : memref<!tpu.dma_semaphore, #tpu.memory_space<semaphore_mem>>) src(%dma_wait3A_50 : memref<128x128xf32, #tpu.memory_space<vmem_shared>>) dst(%arg9 : memref<128x128xf32, #tpu.memory_space<vmem>>)
        tpu.yield
      }) : () -> ()
      "tpu.region"() ({
        %run_scoped3A = tpu.sem_alloc : memref<!tpu.dma_semaphore, #tpu.memory_space<semaphore_mem>>
        %dma_start3A = arith.constant 0 : i32
        %dma_start3A_45 = tpu.memref_slice %arg7[%arg0, %add3A, %dma_start3A] : memref<2x10240x128xf32, #tpu.memory_space<hbm>> -> memref<1x128x128xf32, #tpu.memory_space<hbm>>
        %dma_start3A_46 = tpu.memref_squeeze %dma_start3A_45 : memref<1x128x128xf32, #tpu.memory_space<hbm>> -> memref<128x128xf32, #tpu.memory_space<hbm>>
        %dma_start3A_47 = arith.constant 0 : i32
        %dma_start3A_48 = tpu.memref_slice %arg7[%arg0, %add3A, %dma_start3A_47] : memref<2x10240x128xf32, #tpu.memory_space<hbm>> -> memref<1x128x128xf32, #tpu.memory_space<hbm>>
        %dma_start3A_49 = tpu.memref_squeeze %dma_start3A_48 : memref<1x128x128xf32, #tpu.memory_space<hbm>> -> memref<128x128xf32, #tpu.memory_space<hbm>>
        tpu.enqueue_dma source(%arg9 : memref<128x128xf32, #tpu.memory_space<vmem>>) target(%dma_start3A_49 : memref<128x128xf32, #tpu.memory_space<hbm>>) target_semaphore(%run_scoped3A : memref<!tpu.dma_semaphore, #tpu.memory_space<semaphore_mem>>)
        %dma_wait3A = arith.constant 0 : i32
        %dma_wait3A_50 = tpu.memref_slice %arg7[%arg0, %add3A, %dma_wait3A] : memref<2x10240x128xf32, #tpu.memory_space<hbm>> -> memref<1x128x128xf32, #tpu.memory_space<hbm>>
        %dma_wait3A_51 = tpu.memref_squeeze %dma_wait3A_50 : memref<1x128x128xf32, #tpu.memory_space<hbm>> -> memref<128x128xf32, #tpu.memory_space<hbm>>
        %dma_wait3A_52 = arith.constant 0 : i32
        %dma_wait3A_53 = tpu.memref_slice %arg7[%arg0, %add3A, %dma_wait3A_52] : memref<2x10240x128xf32, #tpu.memory_space<hbm>> -> memref<1x128x128xf32, #tpu.memory_space<hbm>>
        %dma_wait3A_54 = tpu.memref_squeeze %dma_wait3A_53 : memref<1x128x128xf32, #tpu.memory_space<hbm>> -> memref<128x128xf32, #tpu.memory_space<hbm>>
        tpu.wait_dma2 semaphore(%run_scoped3A : memref<!tpu.dma_semaphore, #tpu.memory_space<semaphore_mem>>) src(%arg9 : memref<128x128xf32, #tpu.memory_space<vmem>>) dst(%dma_wait3A_54 : memref<128x128xf32, #tpu.memory_space<hbm>>)
        tpu.yield
      }) : () -> ()
    }
    %scan3A_41 = arith.constant 5 : i32
    return
  }
}

#map = affine_map<(d0, d1) -> (0)>
#map1 = affine_map<(d0, d1) -> (0, 0)>
module attributes {stable_mosaic.version = 14 : i64} {
  func.func @_gather_body(%arg0: i32, %arg1: i32, %arg2: memref<320000xi32, #tpu.memory_space<hbm>>, %arg3: memref<320000xi32, #tpu.memory_space<hbm>>, %arg4: memref<10240x256xf32, #tpu.memory_space<hbm>>, %arg5: memref<10240x256xf32, #tpu.memory_space<hbm>>, %arg6: memref<128x10240xf32, #tpu.memory_space<hbm>>, %arg7: memref<320000x256xf32, #tpu.memory_space<hbm>>, %arg8: memref<320000x256xf32, #tpu.memory_space<hbm>>, %arg9: memref<320000x16xf32, #tpu.memory_space<hbm>>, %arg10: memref<128xi32, #tpu.memory_space<vmem>>, %arg11: memref<128xi32, #tpu.memory_space<vmem>>, %arg12: memref<128x256xf32, #tpu.memory_space<vmem>>, %arg13: memref<128x256xf32, #tpu.memory_space<vmem>>, %arg14: memref<128x16xf32, #tpu.memory_space<vmem>>, %arg15: memref<10240xf32, #tpu.memory_space<vmem>>, %arg16: memref<10240xf32, #tpu.memory_space<vmem>>, %arg17: memref<10240xf32, #tpu.memory_space<vmem>>, %arg18: memref<!tpu.dma_semaphore, #tpu.memory_space<semaphore_mem>>, %arg19: memref<!tpu.dma_semaphore, #tpu.memory_space<semaphore_mem>>) attributes {dimension_semantics = [#tpu.dimension_semantics<core_parallel>, #tpu.dimension_semantics<subcore_parallel>], iteration_bounds = array<i64: 2, 16>, scalar_prefetch = 0 : i64, scratch_operands = 10 : i64, tpu.core_type = #tpu.core_type<sc_vector_subcore>, window_params = [{transform_indices = #map}, {transform_indices = #map}, {transform_indices = #map1}, {transform_indices = #map1}, {transform_indices = #map1}, {transform_indices = #map1}, {transform_indices = #map1}, {transform_indices = #map1}]} {
    %mul3A = arith.constant 2 : i32
    %mul3A_0 = arith.muli %arg1, %mul3A : i32
    %add3A = arith.addi %mul3A_0, %arg0 : i32
    %run_scoped3A = arith.constant 0 : i32
    "tpu.region"() ({
      %run_scoped3A_15 = tpu.sem_alloc : memref<!tpu.dma_semaphore, #tpu.memory_space<semaphore_mem>>
      %dma_start3A = arith.constant 0 : i32
      %dma_start3A_16 = tpu.memref_slice %arg6[%run_scoped3A, %dma_start3A] : memref<128x10240xf32, #tpu.memory_space<hbm>> -> memref<1x10240xf32, #tpu.memory_space<hbm>>
      %dma_start3A_17 = tpu.memref_squeeze %dma_start3A_16 : memref<1x10240xf32, #tpu.memory_space<hbm>> -> memref<10240xf32, #tpu.memory_space<hbm>>
      %dma_start3A_18 = arith.constant 0 : i32
      %dma_start3A_19 = tpu.memref_slice %arg6[%run_scoped3A, %dma_start3A_18] : memref<128x10240xf32, #tpu.memory_space<hbm>> -> memref<1x10240xf32, #tpu.memory_space<hbm>>
      %dma_start3A_20 = tpu.memref_squeeze %dma_start3A_19 : memref<1x10240xf32, #tpu.memory_space<hbm>> -> memref<10240xf32, #tpu.memory_space<hbm>>
      tpu.enqueue_dma source(%dma_start3A_20 : memref<10240xf32, #tpu.memory_space<hbm>>) target(%arg15 : memref<10240xf32, #tpu.memory_space<vmem>>) target_semaphore(%run_scoped3A_15 : memref<!tpu.dma_semaphore, #tpu.memory_space<semaphore_mem>>)
      %dma_wait3A = arith.constant 0 : i32
      %dma_wait3A_21 = tpu.memref_slice %arg6[%run_scoped3A, %dma_wait3A] : memref<128x10240xf32, #tpu.memory_space<hbm>> -> memref<1x10240xf32, #tpu.memory_space<hbm>>
      %dma_wait3A_22 = tpu.memref_squeeze %dma_wait3A_21 : memref<1x10240xf32, #tpu.memory_space<hbm>> -> memref<10240xf32, #tpu.memory_space<hbm>>
      %dma_wait3A_23 = arith.constant 0 : i32
      %dma_wait3A_24 = tpu.memref_slice %arg6[%run_scoped3A, %dma_wait3A_23] : memref<128x10240xf32, #tpu.memory_space<hbm>> -> memref<1x10240xf32, #tpu.memory_space<hbm>>
      %dma_wait3A_25 = tpu.memref_squeeze %dma_wait3A_24 : memref<1x10240xf32, #tpu.memory_space<hbm>> -> memref<10240xf32, #tpu.memory_space<hbm>>
      tpu.wait_dma2 semaphore(%run_scoped3A_15 : memref<!tpu.dma_semaphore, #tpu.memory_space<semaphore_mem>>) src(%dma_wait3A_25 : memref<10240xf32, #tpu.memory_space<hbm>>) dst(%arg15 : memref<10240xf32, #tpu.memory_space<vmem>>)
      tpu.yield
    }) : () -> ()
    %run_scoped3A_1 = arith.constant 1 : i32
    "tpu.region"() ({
      %run_scoped3A_15 = tpu.sem_alloc : memref<!tpu.dma_semaphore, #tpu.memory_space<semaphore_mem>>
      %dma_start3A = arith.constant 0 : i32
      %dma_start3A_16 = tpu.memref_slice %arg6[%run_scoped3A_1, %dma_start3A] : memref<128x10240xf32, #tpu.memory_space<hbm>> -> memref<1x10240xf32, #tpu.memory_space<hbm>>
      %dma_start3A_17 = tpu.memref_squeeze %dma_start3A_16 : memref<1x10240xf32, #tpu.memory_space<hbm>> -> memref<10240xf32, #tpu.memory_space<hbm>>
      %dma_start3A_18 = arith.constant 0 : i32
      %dma_start3A_19 = tpu.memref_slice %arg6[%run_scoped3A_1, %dma_start3A_18] : memref<128x10240xf32, #tpu.memory_space<hbm>> -> memref<1x10240xf32, #tpu.memory_space<hbm>>
      %dma_start3A_20 = tpu.memref_squeeze %dma_start3A_19 : memref<1x10240xf32, #tpu.memory_space<hbm>> -> memref<10240xf32, #tpu.memory_space<hbm>>
      tpu.enqueue_dma source(%dma_start3A_20 : memref<10240xf32, #tpu.memory_space<hbm>>) target(%arg16 : memref<10240xf32, #tpu.memory_space<vmem>>) target_semaphore(%run_scoped3A_15 : memref<!tpu.dma_semaphore, #tpu.memory_space<semaphore_mem>>)
      %dma_wait3A = arith.constant 0 : i32
      %dma_wait3A_21 = tpu.memref_slice %arg6[%run_scoped3A_1, %dma_wait3A] : memref<128x10240xf32, #tpu.memory_space<hbm>> -> memref<1x10240xf32, #tpu.memory_space<hbm>>
      %dma_wait3A_22 = tpu.memref_squeeze %dma_wait3A_21 : memref<1x10240xf32, #tpu.memory_space<hbm>> -> memref<10240xf32, #tpu.memory_space<hbm>>
      %dma_wait3A_23 = arith.constant 0 : i32
      %dma_wait3A_24 = tpu.memref_slice %arg6[%run_scoped3A_1, %dma_wait3A_23] : memref<128x10240xf32, #tpu.memory_space<hbm>> -> memref<1x10240xf32, #tpu.memory_space<hbm>>
      %dma_wait3A_25 = tpu.memref_squeeze %dma_wait3A_24 : memref<1x10240xf32, #tpu.memory_space<hbm>> -> memref<10240xf32, #tpu.memory_space<hbm>>
      tpu.wait_dma2 semaphore(%run_scoped3A_15 : memref<!tpu.dma_semaphore, #tpu.memory_space<semaphore_mem>>) src(%dma_wait3A_25 : memref<10240xf32, #tpu.memory_space<hbm>>) dst(%arg16 : memref<10240xf32, #tpu.memory_space<vmem>>)
      tpu.yield
    }) : () -> ()
    %run_scoped3A_2 = arith.constant 2 : i32
    "tpu.region"() ({
      %run_scoped3A_15 = tpu.sem_alloc : memref<!tpu.dma_semaphore, #tpu.memory_space<semaphore_mem>>
      %dma_start3A = arith.constant 0 : i32
      %dma_start3A_16 = tpu.memref_slice %arg6[%run_scoped3A_2, %dma_start3A] : memref<128x10240xf32, #tpu.memory_space<hbm>> -> memref<1x10240xf32, #tpu.memory_space<hbm>>
      %dma_start3A_17 = tpu.memref_squeeze %dma_start3A_16 : memref<1x10240xf32, #tpu.memory_space<hbm>> -> memref<10240xf32, #tpu.memory_space<hbm>>
      %dma_start3A_18 = arith.constant 0 : i32
      %dma_start3A_19 = tpu.memref_slice %arg6[%run_scoped3A_2, %dma_start3A_18] : memref<128x10240xf32, #tpu.memory_space<hbm>> -> memref<1x10240xf32, #tpu.memory_space<hbm>>
      %dma_start3A_20 = tpu.memref_squeeze %dma_start3A_19 : memref<1x10240xf32, #tpu.memory_space<hbm>> -> memref<10240xf32, #tpu.memory_space<hbm>>
      tpu.enqueue_dma source(%dma_start3A_20 : memref<10240xf32, #tpu.memory_space<hbm>>) target(%arg17 : memref<10240xf32, #tpu.memory_space<vmem>>) target_semaphore(%run_scoped3A_15 : memref<!tpu.dma_semaphore, #tpu.memory_space<semaphore_mem>>)
      %dma_wait3A = arith.constant 0 : i32
      %dma_wait3A_21 = tpu.memref_slice %arg6[%run_scoped3A_2, %dma_wait3A] : memref<128x10240xf32, #tpu.memory_space<hbm>> -> memref<1x10240xf32, #tpu.memory_space<hbm>>
      %dma_wait3A_22 = tpu.memref_squeeze %dma_wait3A_21 : memref<1x10240xf32, #tpu.memory_space<hbm>> -> memref<10240xf32, #tpu.memory_space<hbm>>
      %dma_wait3A_23 = arith.constant 0 : i32
      %dma_wait3A_24 = tpu.memref_slice %arg6[%run_scoped3A_2, %dma_wait3A_23] : memref<128x10240xf32, #tpu.memory_space<hbm>> -> memref<1x10240xf32, #tpu.memory_space<hbm>>
      %dma_wait3A_25 = tpu.memref_squeeze %dma_wait3A_24 : memref<1x10240xf32, #tpu.memory_space<hbm>> -> memref<10240xf32, #tpu.memory_space<hbm>>
      tpu.wait_dma2 semaphore(%run_scoped3A_15 : memref<!tpu.dma_semaphore, #tpu.memory_space<semaphore_mem>>) src(%dma_wait3A_25 : memref<10240xf32, #tpu.memory_space<hbm>>) dst(%arg17 : memref<10240xf32, #tpu.memory_space<vmem>>)
      tpu.yield
    }) : () -> ()
    %broadcast_in_dim3A = arith.constant 0.000000e+00 : f32
    %broadcast_in_dim3A_3 = vector.broadcast %broadcast_in_dim3A : f32 to vector<16xf32>
    %scan3A = arith.constant 0 : i32
    %scan3A_4 = arith.constant 0 : i32
    %scan3A_5 = arith.constant 128 : i32
    %scan3A_6 = arith.addi %scan3A_4, %scan3A_5 : i32
    %scan3A_7 = arith.constant 1 : i32
    scf.for %scan3A_15 = %scan3A_4 to %scan3A_6 step %scan3A_7  : i32 {
      %swap3A = arith.index_cast %scan3A_15 : i32 to index
      %swap3A_16 = arith.constant 0 : index
      %swap3A_17 = tpu.vector_load %arg14[%swap3A, %swap3A_16] {strides = array<i32>} : memref<128x16xf32, #tpu.memory_space<vmem>>, vector<16xf32>,
      tpu.vector_store %arg14[%swap3A, %swap3A_16], %broadcast_in_dim3A_3 {strides = array<i32>} : memref<128x16xf32, #tpu.memory_space<vmem>>, vector<16xf32>,
    }
    %scan3A_8 = arith.constant 128 : i32
    %scan3A_9 = arith.constant 0 : i32
    %scan3A_10 = arith.constant 0 : i32
    %scan3A_11 = arith.constant 79 : i32
    %scan3A_12 = arith.addi %scan3A_10, %scan3A_11 : i32
    %scan3A_13 = arith.constant 1 : i32
    scf.for %scan3A_15 = %scan3A_10 to %scan3A_12 step %scan3A_13  : i32 {
      %mul3A_16 = arith.constant 32 : i32
      %mul3A_17 = arith.muli %scan3A_15, %mul3A_16 : i32
      %add3A_18 = arith.addi %add3A, %mul3A_17 : i32
      %lt3A = arith.constant 2500 : i32
      %lt3A_19 = arith.cmpi slt, %add3A_18, %lt3A : i32
      %convert_element_type3A = arith.extui %lt3A_19 : i1 to i32
      %cond3A = arith.constant 0 : i32
      %cond3A_20 = arith.cmpi ne, %convert_element_type3A, %cond3A : i32
      scf.if %cond3A_20 {
        %mul3A_21 = arith.constant 128 : i32
        %mul3A_22 = arith.muli %add3A_18, %mul3A_21 : i32
        "tpu.region"() ({
          %run_scoped3A_39 = tpu.sem_alloc : memref<!tpu.dma_semaphore, #tpu.memory_space<semaphore_mem>>
          %dma_start3A_40 = tpu.memref_slice %arg2[%mul3A_22] : memref<320000xi32, #tpu.memory_space<hbm>> -> memref<128xi32, #tpu.memory_space<hbm>>
          %dma_start3A_41 = tpu.memref_slice %arg2[%mul3A_22] : memref<320000xi32, #tpu.memory_space<hbm>> -> memref<128xi32, #tpu.memory_space<hbm>>
          tpu.enqueue_dma source(%dma_start3A_41 : memref<128xi32, #tpu.memory_space<hbm>>) target(%arg10 : memref<128xi32, #tpu.memory_space<vmem>>) target_semaphore(%run_scoped3A_39 : memref<!tpu.dma_semaphore, #tpu.memory_space<semaphore_mem>>)
          %dma_wait3A_42 = tpu.memref_slice %arg2[%mul3A_22] : memref<320000xi32, #tpu.memory_space<hbm>> -> memref<128xi32, #tpu.memory_space<hbm>>
          %dma_wait3A_43 = tpu.memref_slice %arg2[%mul3A_22] : memref<320000xi32, #tpu.memory_space<hbm>> -> memref<128xi32, #tpu.memory_space<hbm>>
          tpu.wait_dma2 semaphore(%run_scoped3A_39 : memref<!tpu.dma_semaphore, #tpu.memory_space<semaphore_mem>>) src(%dma_wait3A_43 : memref<128xi32, #tpu.memory_space<hbm>>) dst(%arg10 : memref<128xi32, #tpu.memory_space<vmem>>)
          tpu.yield
        }) : () -> ()
        "tpu.region"() ({
          %run_scoped3A_39 = tpu.sem_alloc : memref<!tpu.dma_semaphore, #tpu.memory_space<semaphore_mem>>
          %dma_start3A_40 = tpu.memref_slice %arg3[%mul3A_22] : memref<320000xi32, #tpu.memory_space<hbm>> -> memref<128xi32, #tpu.memory_space<hbm>>
          %dma_start3A_41 = tpu.memref_slice %arg3[%mul3A_22] : memref<320000xi32, #tpu.memory_space<hbm>> -> memref<128xi32, #tpu.memory_space<hbm>>
          tpu.enqueue_dma source(%dma_start3A_41 : memref<128xi32, #tpu.memory_space<hbm>>) target(%arg11 : memref<128xi32, #tpu.memory_space<vmem>>) target_semaphore(%run_scoped3A_39 : memref<!tpu.dma_semaphore, #tpu.memory_space<semaphore_mem>>)
          %dma_wait3A_42 = tpu.memref_slice %arg3[%mul3A_22] : memref<320000xi32, #tpu.memory_space<hbm>> -> memref<128xi32, #tpu.memory_space<hbm>>
          %dma_wait3A_43 = tpu.memref_slice %arg3[%mul3A_22] : memref<320000xi32, #tpu.memory_space<hbm>> -> memref<128xi32, #tpu.memory_space<hbm>>
          tpu.wait_dma2 semaphore(%run_scoped3A_39 : memref<!tpu.dma_semaphore, #tpu.memory_space<semaphore_mem>>) src(%dma_wait3A_43 : memref<128xi32, #tpu.memory_space<hbm>>) dst(%arg11 : memref<128xi32, #tpu.memory_space<vmem>>)
          tpu.yield
        }) : () -> ()
        %dma_start3A = arith.constant 0 : i32
        %dma_start3A_23 = arith.constant 0 : i32
        %dma_start3A_24 = tpu.memref_slice %arg4[%dma_start3A, %dma_start3A_23] : memref<10240x256xf32, #tpu.memory_space<hbm>> -> memref<10240x256xf32, #tpu.memory_space<hbm>>
        tpu.enqueue_indirect_dma source(%dma_start3A_24 : memref<10240x256xf32, #tpu.memory_space<hbm>>) target(%arg12 : memref<128x256xf32, #tpu.memory_space<vmem>>) offsets(%arg10 : memref<128xi32, #tpu.memory_space<vmem>>) semaphore(%arg18 : memref<!tpu.dma_semaphore, #tpu.memory_space<semaphore_mem>>)
        %dma_start3A_25 = arith.constant 0 : i32
        %dma_start3A_26 = arith.constant 0 : i32
        %dma_start3A_27 = tpu.memref_slice %arg5[%dma_start3A_25, %dma_start3A_26] : memref<10240x256xf32, #tpu.memory_space<hbm>> -> memref<10240x256xf32, #tpu.memory_space<hbm>>
        tpu.enqueue_indirect_dma source(%dma_start3A_27 : memref<10240x256xf32, #tpu.memory_space<hbm>>) target(%arg13 : memref<128x256xf32, #tpu.memory_space<vmem>>) offsets(%arg11 : memref<128xi32, #tpu.memory_space<vmem>>) semaphore(%arg19 : memref<!tpu.dma_semaphore, #tpu.memory_space<semaphore_mem>>)
        %scan3A_28 = arith.constant 0 : i32
        %scan3A_29 = arith.constant 0 : i32
        %scan3A_30 = arith.constant 8 : i32
        %scan3A_31 = arith.addi %scan3A_29, %scan3A_30 : i32
        %scan3A_32 = arith.constant 1 : i32
        scf.for %scan3A_39 = %scan3A_29 to %scan3A_31 step %scan3A_32  : i32 {
          %mul3A_40 = arith.constant 16 : i32
          %mul3A_41 = arith.muli %scan3A_39, %mul3A_40 : i32
          %get3A = arith.index_cast %mul3A_41 : i32 to index
          %get3A_42 = tpu.vector_load %arg10[%get3A] {strides = array<i32>} : memref<128xi32, #tpu.memory_space<vmem>>, vector<16xi32>,
          %mul3A_43 = arith.constant 16 : i32
          %mul3A_44 = arith.muli %scan3A_39, %mul3A_43 : i32
          %get3A_45 = arith.index_cast %mul3A_44 : i32 to index
          %get3A_46 = tpu.vector_load %arg11[%get3A_45] {strides = array<i32>} : memref<128xi32, #tpu.memory_space<vmem>>, vector<16xi32>,
          %iota3A = tpu.iota {dimensions = array<i32: 0>} : vector<16xi32>
          %mul3A_47 = arith.constant 16 : i32
          %mul3A_48 = arith.muli %scan3A_39, %mul3A_47 : i32
          %add3A_49 = vector.broadcast %mul3A_48 : i32 to vector<16xi32>
          %add3A_50 = arith.addi %iota3A, %add3A_49 : vector<16xi32>
          %broadcast_in_dim3A_51 = arith.constant 0 : i32
          %broadcast_in_dim3A_52 = vector.broadcast %broadcast_in_dim3A_51 : i32 to vector<16xi32>
          %gather3A = tpu.vector_load_idx %arg15[%get3A_42] : memref<10240xf32, #tpu.memory_space<vmem>>[vector<16xi32>], vector<16xf32>,
          %gather3A_53 = tpu.vector_load_idx %arg15[%get3A_46] : memref<10240xf32, #tpu.memory_space<vmem>>[vector<16xi32>], vector<16xf32>,
          %sub3A = arith.subf %gather3A, %gather3A_53 : vector<16xf32>
          tpu.vector_store_idx %arg14[%add3A_50, %broadcast_in_dim3A_52], %sub3A : memref<128x16xf32, #tpu.memory_space<vmem>>[vector<16xi32>, vector<16xi32>], vector<16xf32>,
          %broadcast_in_dim3A_54 = arith.constant 1 : i32
          %broadcast_in_dim3A_55 = vector.broadcast %broadcast_in_dim3A_54 : i32 to vector<16xi32>
          %gather3A_56 = tpu.vector_load_idx %arg16[%get3A_42] : memref<10240xf32, #tpu.memory_space<vmem>>[vector<16xi32>], vector<16xf32>,
          %gather3A_57 = tpu.vector_load_idx %arg16[%get3A_46] : memref<10240xf32, #tpu.memory_space<vmem>>[vector<16xi32>], vector<16xf32>,
          %sub3A_58 = arith.subf %gather3A_56, %gather3A_57 : vector<16xf32>
          tpu.vector_store_idx %arg14[%add3A_50, %broadcast_in_dim3A_55], %sub3A_58 : memref<128x16xf32, #tpu.memory_space<vmem>>[vector<16xi32>, vector<16xi32>], vector<16xf32>,
          %broadcast_in_dim3A_59 = arith.constant 2 : i32
          %broadcast_in_dim3A_60 = vector.broadcast %broadcast_in_dim3A_59 : i32 to vector<16xi32>
          %gather3A_61 = tpu.vector_load_idx %arg17[%get3A_42] : memref<10240xf32, #tpu.memory_space<vmem>>[vector<16xi32>], vector<16xf32>,
          %gather3A_62 = tpu.vector_load_idx %arg17[%get3A_46] : memref<10240xf32, #tpu.memory_space<vmem>>[vector<16xi32>], vector<16xf32>,
          %sub3A_63 = arith.subf %gather3A_61, %gather3A_62 : vector<16xf32>
          tpu.vector_store_idx %arg14[%add3A_50, %broadcast_in_dim3A_60], %sub3A_63 : memref<128x16xf32, #tpu.memory_space<vmem>>[vector<16xi32>, vector<16xi32>], vector<16xf32>,
        }
        %scan3A_33 = arith.constant 8 : i32
        %dma_wait3A = arith.constant 0 : i32
        %dma_wait3A_34 = arith.constant 0 : i32
        %dma_wait3A_35 = tpu.memref_slice %arg4[%dma_wait3A, %dma_wait3A_34] : memref<10240x256xf32, #tpu.memory_space<hbm>> -> memref<10240x256xf32, #tpu.memory_space<hbm>>
        tpu.wait_indirect_dma semaphore(%arg18 : memref<!tpu.dma_semaphore, #tpu.memory_space<semaphore_mem>>) src(%dma_wait3A_35 : memref<10240x256xf32, #tpu.memory_space<hbm>>) dst(%arg12 : memref<128x256xf32, #tpu.memory_space<vmem>>)
        %dma_wait3A_36 = arith.constant 0 : i32
        %dma_wait3A_37 = arith.constant 0 : i32
        %dma_wait3A_38 = tpu.memref_slice %arg5[%dma_wait3A_36, %dma_wait3A_37] : memref<10240x256xf32, #tpu.memory_space<hbm>> -> memref<10240x256xf32, #tpu.memory_space<hbm>>
        tpu.wait_indirect_dma semaphore(%arg19 : memref<!tpu.dma_semaphore, #tpu.memory_space<semaphore_mem>>) src(%dma_wait3A_38 : memref<10240x256xf32, #tpu.memory_space<hbm>>) dst(%arg13 : memref<128x256xf32, #tpu.memory_space<vmem>>)
        "tpu.region"() ({
          %run_scoped3A_39 = tpu.sem_alloc : memref<!tpu.dma_semaphore, #tpu.memory_space<semaphore_mem>>
          %dma_start3A_40 = arith.constant 0 : i32
          %dma_start3A_41 = tpu.memref_slice %arg7[%mul3A_22, %dma_start3A_40] : memref<320000x256xf32, #tpu.memory_space<hbm>> -> memref<128x256xf32, #tpu.memory_space<hbm>>
          %dma_start3A_42 = arith.constant 0 : i32
          %dma_start3A_43 = tpu.memref_slice %arg7[%mul3A_22, %dma_start3A_42] : memref<320000x256xf32, #tpu.memory_space<hbm>> -> memref<128x256xf32, #tpu.memory_space<hbm>>
          tpu.enqueue_dma source(%arg12 : memref<128x256xf32, #tpu.memory_space<vmem>>) target(%dma_start3A_43 : memref<128x256xf32, #tpu.memory_space<hbm>>) target_semaphore(%run_scoped3A_39 : memref<!tpu.dma_semaphore, #tpu.memory_space<semaphore_mem>>)
          %dma_wait3A_44 = arith.constant 0 : i32
          %dma_wait3A_45 = tpu.memref_slice %arg7[%mul3A_22, %dma_wait3A_44] : memref<320000x256xf32, #tpu.memory_space<hbm>> -> memref<128x256xf32, #tpu.memory_space<hbm>>
          %dma_wait3A_46 = arith.constant 0 : i32
          %dma_wait3A_47 = tpu.memref_slice %arg7[%mul3A_22, %dma_wait3A_46] : memref<320000x256xf32, #tpu.memory_space<hbm>> -> memref<128x256xf32, #tpu.memory_space<hbm>>
          tpu.wait_dma2 semaphore(%run_scoped3A_39 : memref<!tpu.dma_semaphore, #tpu.memory_space<semaphore_mem>>) src(%arg12 : memref<128x256xf32, #tpu.memory_space<vmem>>) dst(%dma_wait3A_47 : memref<128x256xf32, #tpu.memory_space<hbm>>)
          tpu.yield
        }) : () -> ()
        "tpu.region"() ({
          %run_scoped3A_39 = tpu.sem_alloc : memref<!tpu.dma_semaphore, #tpu.memory_space<semaphore_mem>>
          %dma_start3A_40 = arith.constant 0 : i32
          %dma_start3A_41 = tpu.memref_slice %arg8[%mul3A_22, %dma_start3A_40] : memref<320000x256xf32, #tpu.memory_space<hbm>> -> memref<128x256xf32, #tpu.memory_space<hbm>>
          %dma_start3A_42 = arith.constant 0 : i32
          %dma_start3A_43 = tpu.memref_slice %arg8[%mul3A_22, %dma_start3A_42] : memref<320000x256xf32, #tpu.memory_space<hbm>> -> memref<128x256xf32, #tpu.memory_space<hbm>>
          tpu.enqueue_dma source(%arg13 : memref<128x256xf32, #tpu.memory_space<vmem>>) target(%dma_start3A_43 : memref<128x256xf32, #tpu.memory_space<hbm>>) target_semaphore(%run_scoped3A_39 : memref<!tpu.dma_semaphore, #tpu.memory_space<semaphore_mem>>)
          %dma_wait3A_44 = arith.constant 0 : i32
          %dma_wait3A_45 = tpu.memref_slice %arg8[%mul3A_22, %dma_wait3A_44] : memref<320000x256xf32, #tpu.memory_space<hbm>> -> memref<128x256xf32, #tpu.memory_space<hbm>>
          %dma_wait3A_46 = arith.constant 0 : i32
          %dma_wait3A_47 = tpu.memref_slice %arg8[%mul3A_22, %dma_wait3A_46] : memref<320000x256xf32, #tpu.memory_space<hbm>> -> memref<128x256xf32, #tpu.memory_space<hbm>>
          tpu.wait_dma2 semaphore(%run_scoped3A_39 : memref<!tpu.dma_semaphore, #tpu.memory_space<semaphore_mem>>) src(%arg13 : memref<128x256xf32, #tpu.memory_space<vmem>>) dst(%dma_wait3A_47 : memref<128x256xf32, #tpu.memory_space<hbm>>)
          tpu.yield
        }) : () -> ()
        "tpu.region"() ({
          %run_scoped3A_39 = tpu.sem_alloc : memref<!tpu.dma_semaphore, #tpu.memory_space<semaphore_mem>>
          %dma_start3A_40 = arith.constant 0 : i32
          %dma_start3A_41 = tpu.memref_slice %arg9[%mul3A_22, %dma_start3A_40] : memref<320000x16xf32, #tpu.memory_space<hbm>> -> memref<128x16xf32, #tpu.memory_space<hbm>>
          %dma_start3A_42 = arith.constant 0 : i32
          %dma_start3A_43 = tpu.memref_slice %arg9[%mul3A_22, %dma_start3A_42] : memref<320000x16xf32, #tpu.memory_space<hbm>> -> memref<128x16xf32, #tpu.memory_space<hbm>>
          tpu.enqueue_dma source(%arg14 : memref<128x16xf32, #tpu.memory_space<vmem>>) target(%dma_start3A_43 : memref<128x16xf32, #tpu.memory_space<hbm>>) target_semaphore(%run_scoped3A_39 : memref<!tpu.dma_semaphore, #tpu.memory_space<semaphore_mem>>)
          %dma_wait3A_44 = arith.constant 0 : i32
          %dma_wait3A_45 = tpu.memref_slice %arg9[%mul3A_22, %dma_wait3A_44] : memref<320000x16xf32, #tpu.memory_space<hbm>> -> memref<128x16xf32, #tpu.memory_space<hbm>>
          %dma_wait3A_46 = arith.constant 0 : i32
          %dma_wait3A_47 = tpu.memref_slice %arg9[%mul3A_22, %dma_wait3A_46] : memref<320000x16xf32, #tpu.memory_space<hbm>> -> memref<128x16xf32, #tpu.memory_space<hbm>>
          tpu.wait_dma2 semaphore(%run_scoped3A_39 : memref<!tpu.dma_semaphore, #tpu.memory_space<semaphore_mem>>) src(%arg14 : memref<128x16xf32, #tpu.memory_space<vmem>>) dst(%dma_wait3A_47 : memref<128x16xf32, #tpu.memory_space<hbm>>)
          tpu.yield
        }) : () -> ()
      } else {
      }
    }
    %scan3A_14 = arith.constant 79 : i32
    return
  }
}

#map = affine_map<(d0, d1) -> (0)>
#map1 = affine_map<(d0, d1) -> (0, 0)>
module attributes {stable_mosaic.version = 14 : i64} {
  func.func @_gather_body(%arg0: i32, %arg1: i32, %arg2: memref<320000xi32, #tpu.memory_space<hbm>>, %arg3: memref<320000xi32, #tpu.memory_space<hbm>>, %arg4: memref<10240x256xf32, #tpu.memory_space<hbm>>, %arg5: memref<10240x256xf32, #tpu.memory_space<hbm>>, %arg6: memref<128x10240xf32, #tpu.memory_space<hbm>>, %arg7: memref<320000x256xf32, #tpu.memory_space<hbm>>, %arg8: memref<320000x256xf32, #tpu.memory_space<hbm>>, %arg9: memref<320000x16xf32, #tpu.memory_space<hbm>>, %arg10: memref<128xi32, #tpu.memory_space<vmem>>, %arg11: memref<128xi32, #tpu.memory_space<vmem>>, %arg12: memref<128x256xf32, #tpu.memory_space<vmem>>, %arg13: memref<128x256xf32, #tpu.memory_space<vmem>>, %arg14: memref<128x16xf32, #tpu.memory_space<vmem>>, %arg15: memref<10240xf32, #tpu.memory_space<vmem>>, %arg16: memref<10240xf32, #tpu.memory_space<vmem>>, %arg17: memref<10240xf32, #tpu.memory_space<vmem>>, %arg18: memref<!tpu.dma_semaphore, #tpu.memory_space<semaphore_mem>>, %arg19: memref<!tpu.dma_semaphore, #tpu.memory_space<semaphore_mem>>) attributes {dimension_semantics = [#tpu.dimension_semantics<core_parallel>, #tpu.dimension_semantics<subcore_parallel>], iteration_bounds = array<i64: 2, 16>, scalar_prefetch = 0 : i64, scratch_operands = 10 : i64, tpu.core_type = #tpu.core_type<sc_vector_subcore>, window_params = [{transform_indices = #map}, {transform_indices = #map}, {transform_indices = #map1}, {transform_indices = #map1}, {transform_indices = #map1}, {transform_indices = #map1}, {transform_indices = #map1}, {transform_indices = #map1}]} {
    %mul3A = arith.constant 2 : i32
    %mul3A_0 = arith.muli %arg1, %mul3A : i32
    %add3A = arith.addi %mul3A_0, %arg0 : i32
    %run_scoped3A = arith.constant 0 : i32
    "tpu.region"() ({
      %run_scoped3A_15 = tpu.sem_alloc : memref<!tpu.dma_semaphore, #tpu.memory_space<semaphore_mem>>
      %dma_start3A = arith.constant 0 : i32
      %dma_start3A_16 = tpu.memref_slice %arg6[%run_scoped3A, %dma_start3A] : memref<128x10240xf32, #tpu.memory_space<hbm>> -> memref<1x10240xf32, #tpu.memory_space<hbm>>
      %dma_start3A_17 = tpu.memref_squeeze %dma_start3A_16 : memref<1x10240xf32, #tpu.memory_space<hbm>> -> memref<10240xf32, #tpu.memory_space<hbm>>
      %dma_start3A_18 = arith.constant 0 : i32
      %dma_start3A_19 = tpu.memref_slice %arg6[%run_scoped3A, %dma_start3A_18] : memref<128x10240xf32, #tpu.memory_space<hbm>> -> memref<1x10240xf32, #tpu.memory_space<hbm>>
      %dma_start3A_20 = tpu.memref_squeeze %dma_start3A_19 : memref<1x10240xf32, #tpu.memory_space<hbm>> -> memref<10240xf32, #tpu.memory_space<hbm>>
      tpu.enqueue_dma source(%dma_start3A_20 : memref<10240xf32, #tpu.memory_space<hbm>>) target(%arg15 : memref<10240xf32, #tpu.memory_space<vmem>>) target_semaphore(%run_scoped3A_15 : memref<!tpu.dma_semaphore, #tpu.memory_space<semaphore_mem>>)
      %dma_wait3A = arith.constant 0 : i32
      %dma_wait3A_21 = tpu.memref_slice %arg6[%run_scoped3A, %dma_wait3A] : memref<128x10240xf32, #tpu.memory_space<hbm>> -> memref<1x10240xf32, #tpu.memory_space<hbm>>
      %dma_wait3A_22 = tpu.memref_squeeze %dma_wait3A_21 : memref<1x10240xf32, #tpu.memory_space<hbm>> -> memref<10240xf32, #tpu.memory_space<hbm>>
      %dma_wait3A_23 = arith.constant 0 : i32
      %dma_wait3A_24 = tpu.memref_slice %arg6[%run_scoped3A, %dma_wait3A_23] : memref<128x10240xf32, #tpu.memory_space<hbm>> -> memref<1x10240xf32, #tpu.memory_space<hbm>>
      %dma_wait3A_25 = tpu.memref_squeeze %dma_wait3A_24 : memref<1x10240xf32, #tpu.memory_space<hbm>> -> memref<10240xf32, #tpu.memory_space<hbm>>
      tpu.wait_dma2 semaphore(%run_scoped3A_15 : memref<!tpu.dma_semaphore, #tpu.memory_space<semaphore_mem>>) src(%dma_wait3A_25 : memref<10240xf32, #tpu.memory_space<hbm>>) dst(%arg15 : memref<10240xf32, #tpu.memory_space<vmem>>)
      tpu.yield
    }) : () -> ()
    %run_scoped3A_1 = arith.constant 1 : i32
    "tpu.region"() ({
      %run_scoped3A_15 = tpu.sem_alloc : memref<!tpu.dma_semaphore, #tpu.memory_space<semaphore_mem>>
      %dma_start3A = arith.constant 0 : i32
      %dma_start3A_16 = tpu.memref_slice %arg6[%run_scoped3A_1, %dma_start3A] : memref<128x10240xf32, #tpu.memory_space<hbm>> -> memref<1x10240xf32, #tpu.memory_space<hbm>>
      %dma_start3A_17 = tpu.memref_squeeze %dma_start3A_16 : memref<1x10240xf32, #tpu.memory_space<hbm>> -> memref<10240xf32, #tpu.memory_space<hbm>>
      %dma_start3A_18 = arith.constant 0 : i32
      %dma_start3A_19 = tpu.memref_slice %arg6[%run_scoped3A_1, %dma_start3A_18] : memref<128x10240xf32, #tpu.memory_space<hbm>> -> memref<1x10240xf32, #tpu.memory_space<hbm>>
      %dma_start3A_20 = tpu.memref_squeeze %dma_start3A_19 : memref<1x10240xf32, #tpu.memory_space<hbm>> -> memref<10240xf32, #tpu.memory_space<hbm>>
      tpu.enqueue_dma source(%dma_start3A_20 : memref<10240xf32, #tpu.memory_space<hbm>>) target(%arg16 : memref<10240xf32, #tpu.memory_space<vmem>>) target_semaphore(%run_scoped3A_15 : memref<!tpu.dma_semaphore, #tpu.memory_space<semaphore_mem>>)
      %dma_wait3A = arith.constant 0 : i32
      %dma_wait3A_21 = tpu.memref_slice %arg6[%run_scoped3A_1, %dma_wait3A] : memref<128x10240xf32, #tpu.memory_space<hbm>> -> memref<1x10240xf32, #tpu.memory_space<hbm>>
      %dma_wait3A_22 = tpu.memref_squeeze %dma_wait3A_21 : memref<1x10240xf32, #tpu.memory_space<hbm>> -> memref<10240xf32, #tpu.memory_space<hbm>>
      %dma_wait3A_23 = arith.constant 0 : i32
      %dma_wait3A_24 = tpu.memref_slice %arg6[%run_scoped3A_1, %dma_wait3A_23] : memref<128x10240xf32, #tpu.memory_space<hbm>> -> memref<1x10240xf32, #tpu.memory_space<hbm>>
      %dma_wait3A_25 = tpu.memref_squeeze %dma_wait3A_24 : memref<1x10240xf32, #tpu.memory_space<hbm>> -> memref<10240xf32, #tpu.memory_space<hbm>>
      tpu.wait_dma2 semaphore(%run_scoped3A_15 : memref<!tpu.dma_semaphore, #tpu.memory_space<semaphore_mem>>) src(%dma_wait3A_25 : memref<10240xf32, #tpu.memory_space<hbm>>) dst(%arg16 : memref<10240xf32, #tpu.memory_space<vmem>>)
      tpu.yield
    }) : () -> ()
    %run_scoped3A_2 = arith.constant 2 : i32
    "tpu.region"() ({
      %run_scoped3A_15 = tpu.sem_alloc : memref<!tpu.dma_semaphore, #tpu.memory_space<semaphore_mem>>
      %dma_start3A = arith.constant 0 : i32
      %dma_start3A_16 = tpu.memref_slice %arg6[%run_scoped3A_2, %dma_start3A] : memref<128x10240xf32, #tpu.memory_space<hbm>> -> memref<1x10240xf32, #tpu.memory_space<hbm>>
      %dma_start3A_17 = tpu.memref_squeeze %dma_start3A_16 : memref<1x10240xf32, #tpu.memory_space<hbm>> -> memref<10240xf32, #tpu.memory_space<hbm>>
      %dma_start3A_18 = arith.constant 0 : i32
      %dma_start3A_19 = tpu.memref_slice %arg6[%run_scoped3A_2, %dma_start3A_18] : memref<128x10240xf32, #tpu.memory_space<hbm>> -> memref<1x10240xf32, #tpu.memory_space<hbm>>
      %dma_start3A_20 = tpu.memref_squeeze %dma_start3A_19 : memref<1x10240xf32, #tpu.memory_space<hbm>> -> memref<10240xf32, #tpu.memory_space<hbm>>
      tpu.enqueue_dma source(%dma_start3A_20 : memref<10240xf32, #tpu.memory_space<hbm>>) target(%arg17 : memref<10240xf32, #tpu.memory_space<vmem>>) target_semaphore(%run_scoped3A_15 : memref<!tpu.dma_semaphore, #tpu.memory_space<semaphore_mem>>)
      %dma_wait3A = arith.constant 0 : i32
      %dma_wait3A_21 = tpu.memref_slice %arg6[%run_scoped3A_2, %dma_wait3A] : memref<128x10240xf32, #tpu.memory_space<hbm>> -> memref<1x10240xf32, #tpu.memory_space<hbm>>
      %dma_wait3A_22 = tpu.memref_squeeze %dma_wait3A_21 : memref<1x10240xf32, #tpu.memory_space<hbm>> -> memref<10240xf32, #tpu.memory_space<hbm>>
      %dma_wait3A_23 = arith.constant 0 : i32
      %dma_wait3A_24 = tpu.memref_slice %arg6[%run_scoped3A_2, %dma_wait3A_23] : memref<128x10240xf32, #tpu.memory_space<hbm>> -> memref<1x10240xf32, #tpu.memory_space<hbm>>
      %dma_wait3A_25 = tpu.memref_squeeze %dma_wait3A_24 : memref<1x10240xf32, #tpu.memory_space<hbm>> -> memref<10240xf32, #tpu.memory_space<hbm>>
      tpu.wait_dma2 semaphore(%run_scoped3A_15 : memref<!tpu.dma_semaphore, #tpu.memory_space<semaphore_mem>>) src(%dma_wait3A_25 : memref<10240xf32, #tpu.memory_space<hbm>>) dst(%arg17 : memref<10240xf32, #tpu.memory_space<vmem>>)
      tpu.yield
    }) : () -> ()
    %broadcast_in_dim3A = arith.constant 0.000000e+00 : f32
    %broadcast_in_dim3A_3 = vector.broadcast %broadcast_in_dim3A : f32 to vector<16xf32>
    %scan3A = arith.constant 0 : i32
    %scan3A_4 = arith.constant 0 : i32
    %scan3A_5 = arith.constant 128 : i32
    %scan3A_6 = arith.addi %scan3A_4, %scan3A_5 : i32
    %scan3A_7 = arith.constant 1 : i32
    scf.for %scan3A_15 = %scan3A_4 to %scan3A_6 step %scan3A_7  : i32 {
      %swap3A = arith.index_cast %scan3A_15 : i32 to index
      %swap3A_16 = arith.constant 0 : index
      %swap3A_17 = tpu.vector_load %arg14[%swap3A, %swap3A_16] {strides = array<i32>} : memref<128x16xf32, #tpu.memory_space<vmem>>, vector<16xf32>,
      tpu.vector_store %arg14[%swap3A, %swap3A_16], %broadcast_in_dim3A_3 {strides = array<i32>} : memref<128x16xf32, #tpu.memory_space<vmem>>, vector<16xf32>,
    }
    %scan3A_8 = arith.constant 128 : i32
    %scan3A_9 = arith.constant 0 : i32
    %scan3A_10 = arith.constant 0 : i32
    %scan3A_11 = arith.constant 79 : i32
    %scan3A_12 = arith.addi %scan3A_10, %scan3A_11 : i32
    %scan3A_13 = arith.constant 1 : i32
    scf.for %scan3A_15 = %scan3A_10 to %scan3A_12 step %scan3A_13  : i32 {
      %mul3A_16 = arith.constant 32 : i32
      %mul3A_17 = arith.muli %scan3A_15, %mul3A_16 : i32
      %add3A_18 = arith.addi %add3A, %mul3A_17 : i32
      %lt3A = arith.constant 2500 : i32
      %lt3A_19 = arith.cmpi slt, %add3A_18, %lt3A : i32
      %convert_element_type3A = arith.extui %lt3A_19 : i1 to i32
      %cond3A = arith.constant 0 : i32
      %cond3A_20 = arith.cmpi ne, %convert_element_type3A, %cond3A : i32
      scf.if %cond3A_20 {
        %mul3A_21 = arith.constant 128 : i32
        %mul3A_22 = arith.muli %add3A_18, %mul3A_21 : i32
        "tpu.region"() ({
          %run_scoped3A_39 = tpu.sem_alloc : memref<!tpu.dma_semaphore, #tpu.memory_space<semaphore_mem>>
          %dma_start3A_40 = tpu.memref_slice %arg2[%mul3A_22] : memref<320000xi32, #tpu.memory_space<hbm>> -> memref<128xi32, #tpu.memory_space<hbm>>
          %dma_start3A_41 = tpu.memref_slice %arg2[%mul3A_22] : memref<320000xi32, #tpu.memory_space<hbm>> -> memref<128xi32, #tpu.memory_space<hbm>>
          tpu.enqueue_dma source(%dma_start3A_41 : memref<128xi32, #tpu.memory_space<hbm>>) target(%arg10 : memref<128xi32, #tpu.memory_space<vmem>>) target_semaphore(%run_scoped3A_39 : memref<!tpu.dma_semaphore, #tpu.memory_space<semaphore_mem>>)
          %dma_wait3A_42 = tpu.memref_slice %arg2[%mul3A_22] : memref<320000xi32, #tpu.memory_space<hbm>> -> memref<128xi32, #tpu.memory_space<hbm>>
          %dma_wait3A_43 = tpu.memref_slice %arg2[%mul3A_22] : memref<320000xi32, #tpu.memory_space<hbm>> -> memref<128xi32, #tpu.memory_space<hbm>>
          tpu.wait_dma2 semaphore(%run_scoped3A_39 : memref<!tpu.dma_semaphore, #tpu.memory_space<semaphore_mem>>) src(%dma_wait3A_43 : memref<128xi32, #tpu.memory_space<hbm>>) dst(%arg10 : memref<128xi32, #tpu.memory_space<vmem>>)
          tpu.yield
        }) : () -> ()
        "tpu.region"() ({
          %run_scoped3A_39 = tpu.sem_alloc : memref<!tpu.dma_semaphore, #tpu.memory_space<semaphore_mem>>
          %dma_start3A_40 = tpu.memref_slice %arg3[%mul3A_22] : memref<320000xi32, #tpu.memory_space<hbm>> -> memref<128xi32, #tpu.memory_space<hbm>>
          %dma_start3A_41 = tpu.memref_slice %arg3[%mul3A_22] : memref<320000xi32, #tpu.memory_space<hbm>> -> memref<128xi32, #tpu.memory_space<hbm>>
          tpu.enqueue_dma source(%dma_start3A_41 : memref<128xi32, #tpu.memory_space<hbm>>) target(%arg11 : memref<128xi32, #tpu.memory_space<vmem>>) target_semaphore(%run_scoped3A_39 : memref<!tpu.dma_semaphore, #tpu.memory_space<semaphore_mem>>)
          %dma_wait3A_42 = tpu.memref_slice %arg3[%mul3A_22] : memref<320000xi32, #tpu.memory_space<hbm>> -> memref<128xi32, #tpu.memory_space<hbm>>
          %dma_wait3A_43 = tpu.memref_slice %arg3[%mul3A_22] : memref<320000xi32, #tpu.memory_space<hbm>> -> memref<128xi32, #tpu.memory_space<hbm>>
          tpu.wait_dma2 semaphore(%run_scoped3A_39 : memref<!tpu.dma_semaphore, #tpu.memory_space<semaphore_mem>>) src(%dma_wait3A_43 : memref<128xi32, #tpu.memory_space<hbm>>) dst(%arg11 : memref<128xi32, #tpu.memory_space<vmem>>)
          tpu.yield
        }) : () -> ()
        %dma_start3A = arith.constant 0 : i32
        %dma_start3A_23 = arith.constant 0 : i32
        %dma_start3A_24 = tpu.memref_slice %arg4[%dma_start3A, %dma_start3A_23] : memref<10240x256xf32, #tpu.memory_space<hbm>> -> memref<10240x256xf32, #tpu.memory_space<hbm>>
        tpu.enqueue_indirect_dma source(%dma_start3A_24 : memref<10240x256xf32, #tpu.memory_space<hbm>>) target(%arg12 : memref<128x256xf32, #tpu.memory_space<vmem>>) offsets(%arg10 : memref<128xi32, #tpu.memory_space<vmem>>) semaphore(%arg18 : memref<!tpu.dma_semaphore, #tpu.memory_space<semaphore_mem>>)
        %dma_start3A_25 = arith.constant 0 : i32
        %dma_start3A_26 = arith.constant 0 : i32
        %dma_start3A_27 = tpu.memref_slice %arg5[%dma_start3A_25, %dma_start3A_26] : memref<10240x256xf32, #tpu.memory_space<hbm>> -> memref<10240x256xf32, #tpu.memory_space<hbm>>
        tpu.enqueue_indirect_dma source(%dma_start3A_27 : memref<10240x256xf32, #tpu.memory_space<hbm>>) target(%arg13 : memref<128x256xf32, #tpu.memory_space<vmem>>) offsets(%arg11 : memref<128xi32, #tpu.memory_space<vmem>>) semaphore(%arg19 : memref<!tpu.dma_semaphore, #tpu.memory_space<semaphore_mem>>)
        %scan3A_28 = arith.constant 0 : i32
        %scan3A_29 = arith.constant 0 : i32
        %scan3A_30 = arith.constant 8 : i32
        %scan3A_31 = arith.addi %scan3A_29, %scan3A_30 : i32
        %scan3A_32 = arith.constant 1 : i32
        scf.for %scan3A_39 = %scan3A_29 to %scan3A_31 step %scan3A_32  : i32 {
          %mul3A_40 = arith.constant 16 : i32
          %mul3A_41 = arith.muli %scan3A_39, %mul3A_40 : i32
          %get3A = arith.index_cast %mul3A_41 : i32 to index
          %get3A_42 = tpu.vector_load %arg10[%get3A] {strides = array<i32>} : memref<128xi32, #tpu.memory_space<vmem>>, vector<16xi32>,
          %mul3A_43 = arith.constant 16 : i32
          %mul3A_44 = arith.muli %scan3A_39, %mul3A_43 : i32
          %get3A_45 = arith.index_cast %mul3A_44 : i32 to index
          %get3A_46 = tpu.vector_load %arg11[%get3A_45] {strides = array<i32>} : memref<128xi32, #tpu.memory_space<vmem>>, vector<16xi32>,
          %iota3A = tpu.iota {dimensions = array<i32: 0>} : vector<16xi32>
          %mul3A_47 = arith.constant 16 : i32
          %mul3A_48 = arith.muli %scan3A_39, %mul3A_47 : i32
          %add3A_49 = vector.broadcast %mul3A_48 : i32 to vector<16xi32>
          %add3A_50 = arith.addi %iota3A, %add3A_49 : vector<16xi32>
          %broadcast_in_dim3A_51 = arith.constant 0 : i32
          %broadcast_in_dim3A_52 = vector.broadcast %broadcast_in_dim3A_51 : i32 to vector<16xi32>
          %gather3A = tpu.vector_load_idx %arg15[%get3A_42] : memref<10240xf32, #tpu.memory_space<vmem>>[vector<16xi32>], vector<16xf32>,
          %gather3A_53 = tpu.vector_load_idx %arg15[%get3A_46] : memref<10240xf32, #tpu.memory_space<vmem>>[vector<16xi32>], vector<16xf32>,
          %sub3A = arith.subf %gather3A, %gather3A_53 : vector<16xf32>
          tpu.vector_store_idx %arg14[%add3A_50, %broadcast_in_dim3A_52], %sub3A : memref<128x16xf32, #tpu.memory_space<vmem>>[vector<16xi32>, vector<16xi32>], vector<16xf32>,
          %broadcast_in_dim3A_54 = arith.constant 1 : i32
          %broadcast_in_dim3A_55 = vector.broadcast %broadcast_in_dim3A_54 : i32 to vector<16xi32>
          %gather3A_56 = tpu.vector_load_idx %arg16[%get3A_42] : memref<10240xf32, #tpu.memory_space<vmem>>[vector<16xi32>], vector<16xf32>,
          %gather3A_57 = tpu.vector_load_idx %arg16[%get3A_46] : memref<10240xf32, #tpu.memory_space<vmem>>[vector<16xi32>], vector<16xf32>,
          %sub3A_58 = arith.subf %gather3A_56, %gather3A_57 : vector<16xf32>
          tpu.vector_store_idx %arg14[%add3A_50, %broadcast_in_dim3A_55], %sub3A_58 : memref<128x16xf32, #tpu.memory_space<vmem>>[vector<16xi32>, vector<16xi32>], vector<16xf32>,
          %broadcast_in_dim3A_59 = arith.constant 2 : i32
          %broadcast_in_dim3A_60 = vector.broadcast %broadcast_in_dim3A_59 : i32 to vector<16xi32>
          %gather3A_61 = tpu.vector_load_idx %arg17[%get3A_42] : memref<10240xf32, #tpu.memory_space<vmem>>[vector<16xi32>], vector<16xf32>,
          %gather3A_62 = tpu.vector_load_idx %arg17[%get3A_46] : memref<10240xf32, #tpu.memory_space<vmem>>[vector<16xi32>], vector<16xf32>,
          %sub3A_63 = arith.subf %gather3A_61, %gather3A_62 : vector<16xf32>
          tpu.vector_store_idx %arg14[%add3A_50, %broadcast_in_dim3A_60], %sub3A_63 : memref<128x16xf32, #tpu.memory_space<vmem>>[vector<16xi32>, vector<16xi32>], vector<16xf32>,
        }
        %scan3A_33 = arith.constant 8 : i32
        %dma_wait3A = arith.constant 0 : i32
        %dma_wait3A_34 = arith.constant 0 : i32
        %dma_wait3A_35 = tpu.memref_slice %arg4[%dma_wait3A, %dma_wait3A_34] : memref<10240x256xf32, #tpu.memory_space<hbm>> -> memref<10240x256xf32, #tpu.memory_space<hbm>>
        tpu.wait_indirect_dma semaphore(%arg18 : memref<!tpu.dma_semaphore, #tpu.memory_space<semaphore_mem>>) src(%dma_wait3A_35 : memref<10240x256xf32, #tpu.memory_space<hbm>>) dst(%arg12 : memref<128x256xf32, #tpu.memory_space<vmem>>)
        %dma_wait3A_36 = arith.constant 0 : i32
        %dma_wait3A_37 = arith.constant 0 : i32
        %dma_wait3A_38 = tpu.memref_slice %arg5[%dma_wait3A_36, %dma_wait3A_37] : memref<10240x256xf32, #tpu.memory_space<hbm>> -> memref<10240x256xf32, #tpu.memory_space<hbm>>
        tpu.wait_indirect_dma semaphore(%arg19 : memref<!tpu.dma_semaphore, #tpu.memory_space<semaphore_mem>>) src(%dma_wait3A_38 : memref<10240x256xf32, #tpu.memory_space<hbm>>) dst(%arg13 : memref<128x256xf32, #tpu.memory_space<vmem>>)
        "tpu.region"() ({
          %run_scoped3A_39 = tpu.sem_alloc : memref<!tpu.dma_semaphore, #tpu.memory_space<semaphore_mem>>
          %dma_start3A_40 = arith.constant 0 : i32
          %dma_start3A_41 = tpu.memref_slice %arg7[%mul3A_22, %dma_start3A_40] : memref<320000x256xf32, #tpu.memory_space<hbm>> -> memref<128x256xf32, #tpu.memory_space<hbm>>
          %dma_start3A_42 = arith.constant 0 : i32
          %dma_start3A_43 = tpu.memref_slice %arg7[%mul3A_22, %dma_start3A_42] : memref<320000x256xf32, #tpu.memory_space<hbm>> -> memref<128x256xf32, #tpu.memory_space<hbm>>
          tpu.enqueue_dma source(%arg12 : memref<128x256xf32, #tpu.memory_space<vmem>>) target(%dma_start3A_43 : memref<128x256xf32, #tpu.memory_space<hbm>>) target_semaphore(%run_scoped3A_39 : memref<!tpu.dma_semaphore, #tpu.memory_space<semaphore_mem>>)
          %dma_wait3A_44 = arith.constant 0 : i32
          %dma_wait3A_45 = tpu.memref_slice %arg7[%mul3A_22, %dma_wait3A_44] : memref<320000x256xf32, #tpu.memory_space<hbm>> -> memref<128x256xf32, #tpu.memory_space<hbm>>
          %dma_wait3A_46 = arith.constant 0 : i32
          %dma_wait3A_47 = tpu.memref_slice %arg7[%mul3A_22, %dma_wait3A_46] : memref<320000x256xf32, #tpu.memory_space<hbm>> -> memref<128x256xf32, #tpu.memory_space<hbm>>
          tpu.wait_dma2 semaphore(%run_scoped3A_39 : memref<!tpu.dma_semaphore, #tpu.memory_space<semaphore_mem>>) src(%arg12 : memref<128x256xf32, #tpu.memory_space<vmem>>) dst(%dma_wait3A_47 : memref<128x256xf32, #tpu.memory_space<hbm>>)
          tpu.yield
        }) : () -> ()
        "tpu.region"() ({
          %run_scoped3A_39 = tpu.sem_alloc : memref<!tpu.dma_semaphore, #tpu.memory_space<semaphore_mem>>
          %dma_start3A_40 = arith.constant 0 : i32
          %dma_start3A_41 = tpu.memref_slice %arg8[%mul3A_22, %dma_start3A_40] : memref<320000x256xf32, #tpu.memory_space<hbm>> -> memref<128x256xf32, #tpu.memory_space<hbm>>
          %dma_start3A_42 = arith.constant 0 : i32
          %dma_start3A_43 = tpu.memref_slice %arg8[%mul3A_22, %dma_start3A_42] : memref<320000x256xf32, #tpu.memory_space<hbm>> -> memref<128x256xf32, #tpu.memory_space<hbm>>
          tpu.enqueue_dma source(%arg13 : memref<128x256xf32, #tpu.memory_space<vmem>>) target(%dma_start3A_43 : memref<128x256xf32, #tpu.memory_space<hbm>>) target_semaphore(%run_scoped3A_39 : memref<!tpu.dma_semaphore, #tpu.memory_space<semaphore_mem>>)
          %dma_wait3A_44 = arith.constant 0 : i32
          %dma_wait3A_45 = tpu.memref_slice %arg8[%mul3A_22, %dma_wait3A_44] : memref<320000x256xf32, #tpu.memory_space<hbm>> -> memref<128x256xf32, #tpu.memory_space<hbm>>
          %dma_wait3A_46 = arith.constant 0 : i32
          %dma_wait3A_47 = tpu.memref_slice %arg8[%mul3A_22, %dma_wait3A_46] : memref<320000x256xf32, #tpu.memory_space<hbm>> -> memref<128x256xf32, #tpu.memory_space<hbm>>
          tpu.wait_dma2 semaphore(%run_scoped3A_39 : memref<!tpu.dma_semaphore, #tpu.memory_space<semaphore_mem>>) src(%arg13 : memref<128x256xf32, #tpu.memory_space<vmem>>) dst(%dma_wait3A_47 : memref<128x256xf32, #tpu.memory_space<hbm>>)
          tpu.yield
        }) : () -> ()
        "tpu.region"() ({
          %run_scoped3A_39 = tpu.sem_alloc : memref<!tpu.dma_semaphore, #tpu.memory_space<semaphore_mem>>
          %dma_start3A_40 = arith.constant 0 : i32
          %dma_start3A_41 = tpu.memref_slice %arg9[%mul3A_22, %dma_start3A_40] : memref<320000x16xf32, #tpu.memory_space<hbm>> -> memref<128x16xf32, #tpu.memory_space<hbm>>
          %dma_start3A_42 = arith.constant 0 : i32
          %dma_start3A_43 = tpu.memref_slice %arg9[%mul3A_22, %dma_start3A_42] : memref<320000x16xf32, #tpu.memory_space<hbm>> -> memref<128x16xf32, #tpu.memory_space<hbm>>
          tpu.enqueue_dma source(%arg14 : memref<128x16xf32, #tpu.memory_space<vmem>>) target(%dma_start3A_43 : memref<128x16xf32, #tpu.memory_space<hbm>>) target_semaphore(%run_scoped3A_39 : memref<!tpu.dma_semaphore, #tpu.memory_space<semaphore_mem>>)
          %dma_wait3A_44 = arith.constant 0 : i32
          %dma_wait3A_45 = tpu.memref_slice %arg9[%mul3A_22, %dma_wait3A_44] : memref<320000x16xf32, #tpu.memory_space<hbm>> -> memref<128x16xf32, #tpu.memory_space<hbm>>
          %dma_wait3A_46 = arith.constant 0 : i32
          %dma_wait3A_47 = tpu.memref_slice %arg9[%mul3A_22, %dma_wait3A_46] : memref<320000x16xf32, #tpu.memory_space<hbm>> -> memref<128x16xf32, #tpu.memory_space<hbm>>
          tpu.wait_dma2 semaphore(%run_scoped3A_39 : memref<!tpu.dma_semaphore, #tpu.memory_space<semaphore_mem>>) src(%arg14 : memref<128x16xf32, #tpu.memory_space<vmem>>) dst(%dma_wait3A_47 : memref<128x16xf32, #tpu.memory_space<hbm>>)
          tpu.yield
        }) : () -> ()
      } else {
      }
    }
    %scan3A_14 = arith.constant 79 : i32
    return
  }
}

#map = affine_map<(d0, d1) -> (0)>
#map1 = affine_map<(d0, d1) -> (0, 0)>
#map2 = affine_map<(d0, d1) -> (0, 0, 0)>
module attributes {stable_mosaic.version = 14 : i64} {
  func.func @_scatter_body(%arg0: i32, %arg1: i32, %arg2: memref<320000xi32, #tpu.memory_space<hbm>>, %arg3: memref<320000x256xf32, #tpu.memory_space<hbm>>, %arg4: memref<320000x128xf32, #tpu.memory_space<hbm>>, %arg5: memref<128x128xf32, #tpu.memory_space<hbm>>, %arg6: memref<10240x256xf32, #tpu.memory_space<hbm>>, %arg7: memref<2x10240x128xf32, #tpu.memory_space<hbm>>, %arg8: memref<128xi32, #tpu.memory_space<vmem>>, %arg9: memref<128x128xf32, #tpu.memory_space<vmem>>, %arg10: memref<10240x128xf32, #tpu.memory_space<vmem_shared>>) attributes {dimension_semantics = [#tpu.dimension_semantics<core_parallel>, #tpu.dimension_semantics<subcore_parallel>], iteration_bounds = array<i64: 2, 16>, scalar_prefetch = 0 : i64, scratch_operands = 3 : i64, tpu.core_type = #tpu.core_type<sc_vector_subcore>, window_params = [{transform_indices = #map}, {transform_indices = #map1}, {transform_indices = #map1}, {transform_indices = #map1}, {transform_indices = #map1}, {transform_indices = #map2}]} {
    %mul3A = arith.constant 128 : i32
    %mul3A_0 = arith.muli %arg0, %mul3A : i32
    %mul3A_1 = arith.constant 640 : i32
    %mul3A_2 = arith.muli %arg1, %mul3A_1 : i32
    "tpu.region"() ({
      %run_scoped3A = tpu.sem_alloc : memref<!tpu.dma_semaphore, #tpu.memory_space<semaphore_mem>>
      tpu.enqueue_dma source(%arg5 : memref<128x128xf32, #tpu.memory_space<hbm>>) target(%arg9 : memref<128x128xf32, #tpu.memory_space<vmem>>) target_semaphore(%run_scoped3A : memref<!tpu.dma_semaphore, #tpu.memory_space<semaphore_mem>>)
      tpu.wait_dma2 semaphore(%run_scoped3A : memref<!tpu.dma_semaphore, #tpu.memory_space<semaphore_mem>>) src(%arg5 : memref<128x128xf32, #tpu.memory_space<hbm>>) dst(%arg9 : memref<128x128xf32, #tpu.memory_space<vmem>>)
      tpu.yield
    }) : () -> ()
    %scan3A = arith.constant 0 : i32
    %scan3A_3 = arith.constant 0 : i32
    %scan3A_4 = arith.constant 5 : i32
    %scan3A_5 = arith.addi %scan3A_3, %scan3A_4 : i32
    %scan3A_6 = arith.constant 1 : i32
    scf.for %scan3A_42 = %scan3A_3 to %scan3A_5 step %scan3A_6  : i32 {
      %mul3A_43 = arith.constant 128 : i32
      %mul3A_44 = arith.muli %scan3A_42, %mul3A_43 : i32
      %add3A = arith.addi %mul3A_2, %mul3A_44 : i32
      "tpu.region"() ({
        %run_scoped3A = tpu.sem_alloc : memref<!tpu.dma_semaphore, #tpu.memory_space<semaphore_mem>>
        %dma_start3A = arith.constant 0 : i32
        %dma_start3A_45 = tpu.memref_slice %arg10[%add3A, %dma_start3A] : memref<10240x128xf32, #tpu.memory_space<vmem_shared>> -> memref<128x128xf32, #tpu.memory_space<vmem_shared>>
        %dma_start3A_46 = arith.constant 0 : i32
        %dma_start3A_47 = tpu.memref_slice %arg10[%add3A, %dma_start3A_46] : memref<10240x128xf32, #tpu.memory_space<vmem_shared>> -> memref<128x128xf32, #tpu.memory_space<vmem_shared>>
        tpu.enqueue_dma source(%arg9 : memref<128x128xf32, #tpu.memory_space<vmem>>) target(%dma_start3A_47 : memref<128x128xf32, #tpu.memory_space<vmem_shared>>) target_semaphore(%run_scoped3A : memref<!tpu.dma_semaphore, #tpu.memory_space<semaphore_mem>>)
        %dma_wait3A = arith.constant 0 : i32
        %dma_wait3A_48 = tpu.memref_slice %arg10[%add3A, %dma_wait3A] : memref<10240x128xf32, #tpu.memory_space<vmem_shared>> -> memref<128x128xf32, #tpu.memory_space<vmem_shared>>
        %dma_wait3A_49 = arith.constant 0 : i32
        %dma_wait3A_50 = tpu.memref_slice %arg10[%add3A, %dma_wait3A_49] : memref<10240x128xf32, #tpu.memory_space<vmem_shared>> -> memref<128x128xf32, #tpu.memory_space<vmem_shared>>
        tpu.wait_dma2 semaphore(%run_scoped3A : memref<!tpu.dma_semaphore, #tpu.memory_space<semaphore_mem>>) src(%arg9 : memref<128x128xf32, #tpu.memory_space<vmem>>) dst(%dma_wait3A_50 : memref<128x128xf32, #tpu.memory_space<vmem_shared>>)
        tpu.yield
      }) : () -> ()
    }
    %scan3A_7 = arith.constant 5 : i32
    %barrier3A = arith.constant 0 : index
    tpu.barrier barrier_id(%barrier3A)
    %scan3A_8 = arith.constant 0 : i32
    %scan3A_9 = arith.constant 0 : i32
    %scan3A_10 = arith.constant 157 : i32
    %scan3A_11 = arith.addi %scan3A_9, %scan3A_10 : i32
    %scan3A_12 = arith.constant 1 : i32
    scf.for %scan3A_42 = %scan3A_9 to %scan3A_11 step %scan3A_12  : i32 {
      %mul3A_43 = arith.constant 16 : i32
      %mul3A_44 = arith.muli %scan3A_42, %mul3A_43 : i32
      %add3A = arith.addi %arg1, %mul3A_44 : i32
      %lt3A = arith.constant 2500 : i32
      %lt3A_45 = arith.cmpi slt, %add3A, %lt3A : i32
      %convert_element_type3A = arith.extui %lt3A_45 : i1 to i32
      %cond3A = arith.constant 0 : i32
      %cond3A_46 = arith.cmpi ne, %convert_element_type3A, %cond3A : i32
      scf.if %cond3A_46 {
        %mul3A_47 = arith.constant 128 : i32
        %mul3A_48 = arith.muli %add3A, %mul3A_47 : i32
        "tpu.region"() ({
          %run_scoped3A = tpu.sem_alloc : memref<!tpu.dma_semaphore, #tpu.memory_space<semaphore_mem>>
          %dma_start3A = tpu.memref_slice %arg2[%mul3A_48] : memref<320000xi32, #tpu.memory_space<hbm>> -> memref<128xi32, #tpu.memory_space<hbm>>
          %dma_start3A_49 = tpu.memref_slice %arg2[%mul3A_48] : memref<320000xi32, #tpu.memory_space<hbm>> -> memref<128xi32, #tpu.memory_space<hbm>>
          tpu.enqueue_dma source(%dma_start3A_49 : memref<128xi32, #tpu.memory_space<hbm>>) target(%arg8 : memref<128xi32, #tpu.memory_space<vmem>>) target_semaphore(%run_scoped3A : memref<!tpu.dma_semaphore, #tpu.memory_space<semaphore_mem>>)
          %dma_wait3A = tpu.memref_slice %arg2[%mul3A_48] : memref<320000xi32, #tpu.memory_space<hbm>> -> memref<128xi32, #tpu.memory_space<hbm>>
          %dma_wait3A_50 = tpu.memref_slice %arg2[%mul3A_48] : memref<320000xi32, #tpu.memory_space<hbm>> -> memref<128xi32, #tpu.memory_space<hbm>>
          tpu.wait_dma2 semaphore(%run_scoped3A : memref<!tpu.dma_semaphore, #tpu.memory_space<semaphore_mem>>) src(%dma_wait3A_50 : memref<128xi32, #tpu.memory_space<hbm>>) dst(%arg8 : memref<128xi32, #tpu.memory_space<vmem>>)
          tpu.yield
        }) : () -> ()
        "tpu.region"() ({
          %run_scoped3A = tpu.sem_alloc : memref<!tpu.dma_semaphore, #tpu.memory_space<semaphore_mem>>
          %dma_start3A = tpu.memref_slice %arg3[%mul3A_48, %mul3A_0] : memref<320000x256xf32, #tpu.memory_space<hbm>> -> memref<128x128xf32, #tpu.memory_space<hbm>>
          %dma_start3A_49 = tpu.memref_slice %arg3[%mul3A_48, %mul3A_0] : memref<320000x256xf32, #tpu.memory_space<hbm>> -> memref<128x128xf32, #tpu.memory_space<hbm>>
          tpu.enqueue_dma source(%dma_start3A_49 : memref<128x128xf32, #tpu.memory_space<hbm>>) target(%arg9 : memref<128x128xf32, #tpu.memory_space<vmem>>) target_semaphore(%run_scoped3A : memref<!tpu.dma_semaphore, #tpu.memory_space<semaphore_mem>>)
          %dma_wait3A = tpu.memref_slice %arg3[%mul3A_48, %mul3A_0] : memref<320000x256xf32, #tpu.memory_space<hbm>> -> memref<128x128xf32, #tpu.memory_space<hbm>>
          %dma_wait3A_50 = tpu.memref_slice %arg3[%mul3A_48, %mul3A_0] : memref<320000x256xf32, #tpu.memory_space<hbm>> -> memref<128x128xf32, #tpu.memory_space<hbm>>
          tpu.wait_dma2 semaphore(%run_scoped3A : memref<!tpu.dma_semaphore, #tpu.memory_space<semaphore_mem>>) src(%dma_wait3A_50 : memref<128x128xf32, #tpu.memory_space<hbm>>) dst(%arg9 : memref<128x128xf32, #tpu.memory_space<vmem>>)
          tpu.yield
        }) : () -> ()
        "tpu.region"() ({
          %run_scoped3A = tpu.sem_alloc : memref<!tpu.dma_semaphore, #tpu.memory_space<semaphore_mem>>
          %dma_start3A = arith.constant 0 : i32
          %dma_start3A_49 = arith.constant 0 : i32
          %dma_start3A_50 = tpu.memref_slice %arg10[%dma_start3A, %dma_start3A_49] : memref<10240x128xf32, #tpu.memory_space<vmem_shared>> -> memref<10240x128xf32, #tpu.memory_space<vmem_shared>>
          tpu.enqueue_indirect_dma source(%arg9 : memref<128x128xf32, #tpu.memory_space<vmem>>) target(%dma_start3A_50 : memref<10240x128xf32, #tpu.memory_space<vmem_shared>>) offsets(%arg8 : memref<128xi32, #tpu.memory_space<vmem>>) semaphore(%run_scoped3A : memref<!tpu.dma_semaphore, #tpu.memory_space<semaphore_mem>>) {add = true}
          %dma_wait3A = arith.constant 0 : i32
          %dma_wait3A_51 = arith.constant 0 : i32
          %dma_wait3A_52 = tpu.memref_slice %arg10[%dma_wait3A, %dma_wait3A_51] : memref<10240x128xf32, #tpu.memory_space<vmem_shared>> -> memref<10240x128xf32, #tpu.memory_space<vmem_shared>>
          tpu.wait_indirect_dma semaphore(%run_scoped3A : memref<!tpu.dma_semaphore, #tpu.memory_space<semaphore_mem>>) src(%arg9 : memref<128x128xf32, #tpu.memory_space<vmem>>) dst(%dma_wait3A_52 : memref<10240x128xf32, #tpu.memory_space<vmem_shared>>)
          tpu.yield
        }) : () -> ()
      } else {
      }
    }
    %scan3A_13 = arith.constant 157 : i32
    %barrier3A_14 = arith.constant 0 : index
    tpu.barrier barrier_id(%barrier3A_14)
    %scan3A_15 = arith.constant 0 : i32
    %scan3A_16 = arith.constant 0 : i32
    %scan3A_17 = arith.constant 5 : i32
    %scan3A_18 = arith.addi %scan3A_16, %scan3A_17 : i32
    %scan3A_19 = arith.constant 1 : i32
    scf.for %scan3A_42 = %scan3A_16 to %scan3A_18 step %scan3A_19  : i32 {
      %mul3A_43 = arith.constant 128 : i32
      %mul3A_44 = arith.muli %scan3A_42, %mul3A_43 : i32
      %add3A = arith.addi %mul3A_2, %mul3A_44 : i32
      "tpu.region"() ({
        %run_scoped3A = tpu.sem_alloc : memref<!tpu.dma_semaphore, #tpu.memory_space<semaphore_mem>>
        %dma_start3A = arith.constant 0 : i32
        %dma_start3A_45 = tpu.memref_slice %arg10[%add3A, %dma_start3A] : memref<10240x128xf32, #tpu.memory_space<vmem_shared>> -> memref<128x128xf32, #tpu.memory_space<vmem_shared>>
        %dma_start3A_46 = arith.constant 0 : i32
        %dma_start3A_47 = tpu.memref_slice %arg10[%add3A, %dma_start3A_46] : memref<10240x128xf32, #tpu.memory_space<vmem_shared>> -> memref<128x128xf32, #tpu.memory_space<vmem_shared>>
        tpu.enqueue_dma source(%dma_start3A_47 : memref<128x128xf32, #tpu.memory_space<vmem_shared>>) target(%arg9 : memref<128x128xf32, #tpu.memory_space<vmem>>) target_semaphore(%run_scoped3A : memref<!tpu.dma_semaphore, #tpu.memory_space<semaphore_mem>>)
        %dma_wait3A = arith.constant 0 : i32
        %dma_wait3A_48 = tpu.memref_slice %arg10[%add3A, %dma_wait3A] : memref<10240x128xf32, #tpu.memory_space<vmem_shared>> -> memref<128x128xf32, #tpu.memory_space<vmem_shared>>
        %dma_wait3A_49 = arith.constant 0 : i32
        %dma_wait3A_50 = tpu.memref_slice %arg10[%add3A, %dma_wait3A_49] : memref<10240x128xf32, #tpu.memory_space<vmem_shared>> -> memref<128x128xf32, #tpu.memory_space<vmem_shared>>
        tpu.wait_dma2 semaphore(%run_scoped3A : memref<!tpu.dma_semaphore, #tpu.memory_space<semaphore_mem>>) src(%dma_wait3A_50 : memref<128x128xf32, #tpu.memory_space<vmem_shared>>) dst(%arg9 : memref<128x128xf32, #tpu.memory_space<vmem>>)
        tpu.yield
      }) : () -> ()
      "tpu.region"() ({
        %run_scoped3A = tpu.sem_alloc : memref<!tpu.dma_semaphore, #tpu.memory_space<semaphore_mem>>
        %dma_start3A = tpu.memref_slice %arg6[%add3A, %mul3A_0] : memref<10240x256xf32, #tpu.memory_space<hbm>> -> memref<128x128xf32, #tpu.memory_space<hbm>>
        %dma_start3A_45 = tpu.memref_slice %arg6[%add3A, %mul3A_0] : memref<10240x256xf32, #tpu.memory_space<hbm>> -> memref<128x128xf32, #tpu.memory_space<hbm>>
        tpu.enqueue_dma source(%arg9 : memref<128x128xf32, #tpu.memory_space<vmem>>) target(%dma_start3A_45 : memref<128x128xf32, #tpu.memory_space<hbm>>) target_semaphore(%run_scoped3A : memref<!tpu.dma_semaphore, #tpu.memory_space<semaphore_mem>>)
        %dma_wait3A = tpu.memref_slice %arg6[%add3A, %mul3A_0] : memref<10240x256xf32, #tpu.memory_space<hbm>> -> memref<128x128xf32, #tpu.memory_space<hbm>>
        %dma_wait3A_46 = tpu.memref_slice %arg6[%add3A, %mul3A_0] : memref<10240x256xf32, #tpu.memory_space<hbm>> -> memref<128x128xf32, #tpu.memory_space<hbm>>
        tpu.wait_dma2 semaphore(%run_scoped3A : memref<!tpu.dma_semaphore, #tpu.memory_space<semaphore_mem>>) src(%arg9 : memref<128x128xf32, #tpu.memory_space<vmem>>) dst(%dma_wait3A_46 : memref<128x128xf32, #tpu.memory_space<hbm>>)
        tpu.yield
      }) : () -> ()
    }
    %scan3A_20 = arith.constant 5 : i32
    %barrier3A_21 = arith.constant 0 : index
    tpu.barrier barrier_id(%barrier3A_21)
    "tpu.region"() ({
      %run_scoped3A = tpu.sem_alloc : memref<!tpu.dma_semaphore, #tpu.memory_space<semaphore_mem>>
      tpu.enqueue_dma source(%arg5 : memref<128x128xf32, #tpu.memory_space<hbm>>) target(%arg9 : memref<128x128xf32, #tpu.memory_space<vmem>>) target_semaphore(%run_scoped3A : memref<!tpu.dma_semaphore, #tpu.memory_space<semaphore_mem>>)
      tpu.wait_dma2 semaphore(%run_scoped3A : memref<!tpu.dma_semaphore, #tpu.memory_space<semaphore_mem>>) src(%arg5 : memref<128x128xf32, #tpu.memory_space<hbm>>) dst(%arg9 : memref<128x128xf32, #tpu.memory_space<vmem>>)
      tpu.yield
    }) : () -> ()
    %scan3A_22 = arith.constant 0 : i32
    %scan3A_23 = arith.constant 0 : i32
    %scan3A_24 = arith.constant 5 : i32
    %scan3A_25 = arith.addi %scan3A_23, %scan3A_24 : i32
    %scan3A_26 = arith.constant 1 : i32
    scf.for %scan3A_42 = %scan3A_23 to %scan3A_25 step %scan3A_26  : i32 {
      %mul3A_43 = arith.constant 128 : i32
      %mul3A_44 = arith.muli %scan3A_42, %mul3A_43 : i32
      %add3A = arith.addi %mul3A_2, %mul3A_44 : i32
      "tpu.region"() ({
        %run_scoped3A = tpu.sem_alloc : memref<!tpu.dma_semaphore, #tpu.memory_space<semaphore_mem>>
        %dma_start3A = arith.constant 0 : i32
        %dma_start3A_45 = tpu.memref_slice %arg10[%add3A, %dma_start3A] : memref<10240x128xf32, #tpu.memory_space<vmem_shared>> -> memref<128x128xf32, #tpu.memory_space<vmem_shared>>
        %dma_start3A_46 = arith.constant 0 : i32
        %dma_start3A_47 = tpu.memref_slice %arg10[%add3A, %dma_start3A_46] : memref<10240x128xf32, #tpu.memory_space<vmem_shared>> -> memref<128x128xf32, #tpu.memory_space<vmem_shared>>
        tpu.enqueue_dma source(%arg9 : memref<128x128xf32, #tpu.memory_space<vmem>>) target(%dma_start3A_47 : memref<128x128xf32, #tpu.memory_space<vmem_shared>>) target_semaphore(%run_scoped3A : memref<!tpu.dma_semaphore, #tpu.memory_space<semaphore_mem>>)
        %dma_wait3A = arith.constant 0 : i32
        %dma_wait3A_48 = tpu.memref_slice %arg10[%add3A, %dma_wait3A] : memref<10240x128xf32, #tpu.memory_space<vmem_shared>> -> memref<128x128xf32, #tpu.memory_space<vmem_shared>>
        %dma_wait3A_49 = arith.constant 0 : i32
        %dma_wait3A_50 = tpu.memref_slice %arg10[%add3A, %dma_wait3A_49] : memref<10240x128xf32, #tpu.memory_space<vmem_shared>> -> memref<128x128xf32, #tpu.memory_space<vmem_shared>>
        tpu.wait_dma2 semaphore(%run_scoped3A : memref<!tpu.dma_semaphore, #tpu.memory_space<semaphore_mem>>) src(%arg9 : memref<128x128xf32, #tpu.memory_space<vmem>>) dst(%dma_wait3A_50 : memref<128x128xf32, #tpu.memory_space<vmem_shared>>)
        tpu.yield
      }) : () -> ()
    }
    %scan3A_27 = arith.constant 5 : i32
    %barrier3A_28 = arith.constant 0 : index
    tpu.barrier barrier_id(%barrier3A_28)
    %scan3A_29 = arith.constant 0 : i32
    %scan3A_30 = arith.constant 0 : i32
    %scan3A_31 = arith.constant 79 : i32
    %scan3A_32 = arith.addi %scan3A_30, %scan3A_31 : i32
    %scan3A_33 = arith.constant 1 : i32
    scf.for %scan3A_42 = %scan3A_30 to %scan3A_32 step %scan3A_33  : i32 {
      %mul3A_43 = arith.constant 2 : i32
      %mul3A_44 = arith.muli %arg1, %mul3A_43 : i32
      %add3A = arith.addi %mul3A_44, %arg0 : i32
      %mul3A_45 = arith.constant 32 : i32
      %mul3A_46 = arith.muli %scan3A_42, %mul3A_45 : i32
      %add3A_47 = arith.addi %add3A, %mul3A_46 : i32
      %lt3A = arith.constant 2500 : i32
      %lt3A_48 = arith.cmpi slt, %add3A_47, %lt3A : i32
      %convert_element_type3A = arith.extui %lt3A_48 : i1 to i32
      %cond3A = arith.constant 0 : i32
      %cond3A_49 = arith.cmpi ne, %convert_element_type3A, %cond3A : i32
      scf.if %cond3A_49 {
        %mul3A_50 = arith.constant 128 : i32
        %mul3A_51 = arith.muli %add3A_47, %mul3A_50 : i32
        "tpu.region"() ({
          %run_scoped3A = tpu.sem_alloc : memref<!tpu.dma_semaphore, #tpu.memory_space<semaphore_mem>>
          %dma_start3A = tpu.memref_slice %arg2[%mul3A_51] : memref<320000xi32, #tpu.memory_space<hbm>> -> memref<128xi32, #tpu.memory_space<hbm>>
          %dma_start3A_52 = tpu.memref_slice %arg2[%mul3A_51] : memref<320000xi32, #tpu.memory_space<hbm>> -> memref<128xi32, #tpu.memory_space<hbm>>
          tpu.enqueue_dma source(%dma_start3A_52 : memref<128xi32, #tpu.memory_space<hbm>>) target(%arg8 : memref<128xi32, #tpu.memory_space<vmem>>) target_semaphore(%run_scoped3A : memref<!tpu.dma_semaphore, #tpu.memory_space<semaphore_mem>>)
          %dma_wait3A = tpu.memref_slice %arg2[%mul3A_51] : memref<320000xi32, #tpu.memory_space<hbm>> -> memref<128xi32, #tpu.memory_space<hbm>>
          %dma_wait3A_53 = tpu.memref_slice %arg2[%mul3A_51] : memref<320000xi32, #tpu.memory_space<hbm>> -> memref<128xi32, #tpu.memory_space<hbm>>
          tpu.wait_dma2 semaphore(%run_scoped3A : memref<!tpu.dma_semaphore, #tpu.memory_space<semaphore_mem>>) src(%dma_wait3A_53 : memref<128xi32, #tpu.memory_space<hbm>>) dst(%arg8 : memref<128xi32, #tpu.memory_space<vmem>>)
          tpu.yield
        }) : () -> ()
        "tpu.region"() ({
          %run_scoped3A = tpu.sem_alloc : memref<!tpu.dma_semaphore, #tpu.memory_space<semaphore_mem>>
          %dma_start3A = arith.constant 0 : i32
          %dma_start3A_52 = tpu.memref_slice %arg4[%mul3A_51, %dma_start3A] : memref<320000x128xf32, #tpu.memory_space<hbm>> -> memref<128x128xf32, #tpu.memory_space<hbm>>
          %dma_start3A_53 = arith.constant 0 : i32
          %dma_start3A_54 = tpu.memref_slice %arg4[%mul3A_51, %dma_start3A_53] : memref<320000x128xf32, #tpu.memory_space<hbm>> -> memref<128x128xf32, #tpu.memory_space<hbm>>
          tpu.enqueue_dma source(%dma_start3A_54 : memref<128x128xf32, #tpu.memory_space<hbm>>) target(%arg9 : memref<128x128xf32, #tpu.memory_space<vmem>>) target_semaphore(%run_scoped3A : memref<!tpu.dma_semaphore, #tpu.memory_space<semaphore_mem>>)
          %dma_wait3A = arith.constant 0 : i32
          %dma_wait3A_55 = tpu.memref_slice %arg4[%mul3A_51, %dma_wait3A] : memref<320000x128xf32, #tpu.memory_space<hbm>> -> memref<128x128xf32, #tpu.memory_space<hbm>>
          %dma_wait3A_56 = arith.constant 0 : i32
          %dma_wait3A_57 = tpu.memref_slice %arg4[%mul3A_51, %dma_wait3A_56] : memref<320000x128xf32, #tpu.memory_space<hbm>> -> memref<128x128xf32, #tpu.memory_space<hbm>>
          tpu.wait_dma2 semaphore(%run_scoped3A : memref<!tpu.dma_semaphore, #tpu.memory_space<semaphore_mem>>) src(%dma_wait3A_57 : memref<128x128xf32, #tpu.memory_space<hbm>>) dst(%arg9 : memref<128x128xf32, #tpu.memory_space<vmem>>)
          tpu.yield
        }) : () -> ()
        "tpu.region"() ({
          %run_scoped3A = tpu.sem_alloc : memref<!tpu.dma_semaphore, #tpu.memory_space<semaphore_mem>>
          %dma_start3A = arith.constant 0 : i32
          %dma_start3A_52 = arith.constant 0 : i32
          %dma_start3A_53 = tpu.memref_slice %arg10[%dma_start3A, %dma_start3A_52] : memref<10240x128xf32, #tpu.memory_space<vmem_shared>> -> memref<10240x128xf32, #tpu.memory_space<vmem_shared>>
          tpu.enqueue_indirect_dma source(%arg9 : memref<128x128xf32, #tpu.memory_space<vmem>>) target(%dma_start3A_53 : memref<10240x128xf32, #tpu.memory_space<vmem_shared>>) offsets(%arg8 : memref<128xi32, #tpu.memory_space<vmem>>) semaphore(%run_scoped3A : memref<!tpu.dma_semaphore, #tpu.memory_space<semaphore_mem>>) {add = true}
          %dma_wait3A = arith.constant 0 : i32
          %dma_wait3A_54 = arith.constant 0 : i32
          %dma_wait3A_55 = tpu.memref_slice %arg10[%dma_wait3A, %dma_wait3A_54] : memref<10240x128xf32, #tpu.memory_space<vmem_shared>> -> memref<10240x128xf32, #tpu.memory_space<vmem_shared>>
          tpu.wait_indirect_dma semaphore(%run_scoped3A : memref<!tpu.dma_semaphore, #tpu.memory_space<semaphore_mem>>) src(%arg9 : memref<128x128xf32, #tpu.memory_space<vmem>>) dst(%dma_wait3A_55 : memref<10240x128xf32, #tpu.memory_space<vmem_shared>>)
          tpu.yield
        }) : () -> ()
      } else {
      }
    }
    %scan3A_34 = arith.constant 79 : i32
    %barrier3A_35 = arith.constant 0 : index
    tpu.barrier barrier_id(%barrier3A_35)
    %scan3A_36 = arith.constant 0 : i32
    %scan3A_37 = arith.constant 0 : i32
    %scan3A_38 = arith.constant 5 : i32
    %scan3A_39 = arith.addi %scan3A_37, %scan3A_38 : i32
    %scan3A_40 = arith.constant 1 : i32
    scf.for %scan3A_42 = %scan3A_37 to %scan3A_39 step %scan3A_40  : i32 {
      %mul3A_43 = arith.constant 128 : i32
      %mul3A_44 = arith.muli %scan3A_42, %mul3A_43 : i32
      %add3A = arith.addi %mul3A_2, %mul3A_44 : i32
      "tpu.region"() ({
        %run_scoped3A = tpu.sem_alloc : memref<!tpu.dma_semaphore, #tpu.memory_space<semaphore_mem>>
        %dma_start3A = arith.constant 0 : i32
        %dma_start3A_45 = tpu.memref_slice %arg10[%add3A, %dma_start3A] : memref<10240x128xf32, #tpu.memory_space<vmem_shared>> -> memref<128x128xf32, #tpu.memory_space<vmem_shared>>
        %dma_start3A_46 = arith.constant 0 : i32
        %dma_start3A_47 = tpu.memref_slice %arg10[%add3A, %dma_start3A_46] : memref<10240x128xf32, #tpu.memory_space<vmem_shared>> -> memref<128x128xf32, #tpu.memory_space<vmem_shared>>
        tpu.enqueue_dma source(%dma_start3A_47 : memref<128x128xf32, #tpu.memory_space<vmem_shared>>) target(%arg9 : memref<128x128xf32, #tpu.memory_space<vmem>>) target_semaphore(%run_scoped3A : memref<!tpu.dma_semaphore, #tpu.memory_space<semaphore_mem>>)
        %dma_wait3A = arith.constant 0 : i32
        %dma_wait3A_48 = tpu.memref_slice %arg10[%add3A, %dma_wait3A] : memref<10240x128xf32, #tpu.memory_space<vmem_shared>> -> memref<128x128xf32, #tpu.memory_space<vmem_shared>>
        %dma_wait3A_49 = arith.constant 0 : i32
        %dma_wait3A_50 = tpu.memref_slice %arg10[%add3A, %dma_wait3A_49] : memref<10240x128xf32, #tpu.memory_space<vmem_shared>> -> memref<128x128xf32, #tpu.memory_space<vmem_shared>>
        tpu.wait_dma2 semaphore(%run_scoped3A : memref<!tpu.dma_semaphore, #tpu.memory_space<semaphore_mem>>) src(%dma_wait3A_50 : memref<128x128xf32, #tpu.memory_space<vmem_shared>>) dst(%arg9 : memref<128x128xf32, #tpu.memory_space<vmem>>)
        tpu.yield
      }) : () -> ()
      "tpu.region"() ({
        %run_scoped3A = tpu.sem_alloc : memref<!tpu.dma_semaphore, #tpu.memory_space<semaphore_mem>>
        %dma_start3A = arith.constant 0 : i32
        %dma_start3A_45 = tpu.memref_slice %arg7[%arg0, %add3A, %dma_start3A] : memref<2x10240x128xf32, #tpu.memory_space<hbm>> -> memref<1x128x128xf32, #tpu.memory_space<hbm>>
        %dma_start3A_46 = tpu.memref_squeeze %dma_start3A_45 : memref<1x128x128xf32, #tpu.memory_space<hbm>> -> memref<128x128xf32, #tpu.memory_space<hbm>>
        %dma_start3A_47 = arith.constant 0 : i32
        %dma_start3A_48 = tpu.memref_slice %arg7[%arg0, %add3A, %dma_start3A_47] : memref<2x10240x128xf32, #tpu.memory_space<hbm>> -> memref<1x128x128xf32, #tpu.memory_space<hbm>>
        %dma_start3A_49 = tpu.memref_squeeze %dma_start3A_48 : memref<1x128x128xf32, #tpu.memory_space<hbm>> -> memref<128x128xf32, #tpu.memory_space<hbm>>
        tpu.enqueue_dma source(%arg9 : memref<128x128xf32, #tpu.memory_space<vmem>>) target(%dma_start3A_49 : memref<128x128xf32, #tpu.memory_space<hbm>>) target_semaphore(%run_scoped3A : memref<!tpu.dma_semaphore, #tpu.memory_space<semaphore_mem>>)
        %dma_wait3A = arith.constant 0 : i32
        %dma_wait3A_50 = tpu.memref_slice %arg7[%arg0, %add3A, %dma_wait3A] : memref<2x10240x128xf32, #tpu.memory_space<hbm>> -> memref<1x128x128xf32, #tpu.memory_space<hbm>>
        %dma_wait3A_51 = tpu.memref_squeeze %dma_wait3A_50 : memref<1x128x128xf32, #tpu.memory_space<hbm>> -> memref<128x128xf32, #tpu.memory_space<hbm>>
        %dma_wait3A_52 = arith.constant 0 : i32
        %dma_wait3A_53 = tpu.memref_slice %arg7[%arg0, %add3A, %dma_wait3A_52] : memref<2x10240x128xf32, #tpu.memory_space<hbm>> -> memref<1x128x128xf32, #tpu.memory_space<hbm>>
        %dma_wait3A_54 = tpu.memref_squeeze %dma_wait3A_53 : memref<1x128x128xf32, #tpu.memory_space<hbm>> -> memref<128x128xf32, #tpu.memory_space<hbm>>
        tpu.wait_dma2 semaphore(%run_scoped3A : memref<!tpu.dma_semaphore, #tpu.memory_space<semaphore_mem>>) src(%arg9 : memref<128x128xf32, #tpu.memory_space<vmem>>) dst(%dma_wait3A_54 : memref<128x128xf32, #tpu.memory_space<hbm>>)
        tpu.yield
      }) : () -> ()
    }
    %scan3A_41 = arith.constant 5 : i32
    return
  }
}

#map = affine_map<(d0, d1) -> (0)>
#map1 = affine_map<(d0, d1) -> (0, 0)>
#map2 = affine_map<(d0, d1) -> (0, 0, 0)>
module attributes {stable_mosaic.version = 14 : i64} {
  func.func @_scatter_body(%arg0: i32, %arg1: i32, %arg2: memref<320000xi32, #tpu.memory_space<hbm>>, %arg3: memref<320000x256xf32, #tpu.memory_space<hbm>>, %arg4: memref<320000x128xf32, #tpu.memory_space<hbm>>, %arg5: memref<128x128xf32, #tpu.memory_space<hbm>>, %arg6: memref<10240x256xf32, #tpu.memory_space<hbm>>, %arg7: memref<2x10240x128xf32, #tpu.memory_space<hbm>>, %arg8: memref<128xi32, #tpu.memory_space<vmem>>, %arg9: memref<128x128xf32, #tpu.memory_space<vmem>>, %arg10: memref<10240x128xf32, #tpu.memory_space<vmem_shared>>) attributes {dimension_semantics = [#tpu.dimension_semantics<core_parallel>, #tpu.dimension_semantics<subcore_parallel>], iteration_bounds = array<i64: 2, 16>, scalar_prefetch = 0 : i64, scratch_operands = 3 : i64, tpu.core_type = #tpu.core_type<sc_vector_subcore>, window_params = [{transform_indices = #map}, {transform_indices = #map1}, {transform_indices = #map1}, {transform_indices = #map1}, {transform_indices = #map1}, {transform_indices = #map2}]} {
    %mul3A = arith.constant 128 : i32
    %mul3A_0 = arith.muli %arg0, %mul3A : i32
    %mul3A_1 = arith.constant 640 : i32
    %mul3A_2 = arith.muli %arg1, %mul3A_1 : i32
    "tpu.region"() ({
      %run_scoped3A = tpu.sem_alloc : memref<!tpu.dma_semaphore, #tpu.memory_space<semaphore_mem>>
      tpu.enqueue_dma source(%arg5 : memref<128x128xf32, #tpu.memory_space<hbm>>) target(%arg9 : memref<128x128xf32, #tpu.memory_space<vmem>>) target_semaphore(%run_scoped3A : memref<!tpu.dma_semaphore, #tpu.memory_space<semaphore_mem>>)
      tpu.wait_dma2 semaphore(%run_scoped3A : memref<!tpu.dma_semaphore, #tpu.memory_space<semaphore_mem>>) src(%arg5 : memref<128x128xf32, #tpu.memory_space<hbm>>) dst(%arg9 : memref<128x128xf32, #tpu.memory_space<vmem>>)
      tpu.yield
    }) : () -> ()
    %scan3A = arith.constant 0 : i32
    %scan3A_3 = arith.constant 0 : i32
    %scan3A_4 = arith.constant 5 : i32
    %scan3A_5 = arith.addi %scan3A_3, %scan3A_4 : i32
    %scan3A_6 = arith.constant 1 : i32
    scf.for %scan3A_42 = %scan3A_3 to %scan3A_5 step %scan3A_6  : i32 {
      %mul3A_43 = arith.constant 128 : i32
      %mul3A_44 = arith.muli %scan3A_42, %mul3A_43 : i32
      %add3A = arith.addi %mul3A_2, %mul3A_44 : i32
      "tpu.region"() ({
        %run_scoped3A = tpu.sem_alloc : memref<!tpu.dma_semaphore, #tpu.memory_space<semaphore_mem>>
        %dma_start3A = arith.constant 0 : i32
        %dma_start3A_45 = tpu.memref_slice %arg10[%add3A, %dma_start3A] : memref<10240x128xf32, #tpu.memory_space<vmem_shared>> -> memref<128x128xf32, #tpu.memory_space<vmem_shared>>
        %dma_start3A_46 = arith.constant 0 : i32
        %dma_start3A_47 = tpu.memref_slice %arg10[%add3A, %dma_start3A_46] : memref<10240x128xf32, #tpu.memory_space<vmem_shared>> -> memref<128x128xf32, #tpu.memory_space<vmem_shared>>
        tpu.enqueue_dma source(%arg9 : memref<128x128xf32, #tpu.memory_space<vmem>>) target(%dma_start3A_47 : memref<128x128xf32, #tpu.memory_space<vmem_shared>>) target_semaphore(%run_scoped3A : memref<!tpu.dma_semaphore, #tpu.memory_space<semaphore_mem>>)
        %dma_wait3A = arith.constant 0 : i32
        %dma_wait3A_48 = tpu.memref_slice %arg10[%add3A, %dma_wait3A] : memref<10240x128xf32, #tpu.memory_space<vmem_shared>> -> memref<128x128xf32, #tpu.memory_space<vmem_shared>>
        %dma_wait3A_49 = arith.constant 0 : i32
        %dma_wait3A_50 = tpu.memref_slice %arg10[%add3A, %dma_wait3A_49] : memref<10240x128xf32, #tpu.memory_space<vmem_shared>> -> memref<128x128xf32, #tpu.memory_space<vmem_shared>>
        tpu.wait_dma2 semaphore(%run_scoped3A : memref<!tpu.dma_semaphore, #tpu.memory_space<semaphore_mem>>) src(%arg9 : memref<128x128xf32, #tpu.memory_space<vmem>>) dst(%dma_wait3A_50 : memref<128x128xf32, #tpu.memory_space<vmem_shared>>)
        tpu.yield
      }) : () -> ()
    }
    %scan3A_7 = arith.constant 5 : i32
    %barrier3A = arith.constant 0 : index
    tpu.barrier barrier_id(%barrier3A)
    %scan3A_8 = arith.constant 0 : i32
    %scan3A_9 = arith.constant 0 : i32
    %scan3A_10 = arith.constant 157 : i32
    %scan3A_11 = arith.addi %scan3A_9, %scan3A_10 : i32
    %scan3A_12 = arith.constant 1 : i32
    scf.for %scan3A_42 = %scan3A_9 to %scan3A_11 step %scan3A_12  : i32 {
      %mul3A_43 = arith.constant 16 : i32
      %mul3A_44 = arith.muli %scan3A_42, %mul3A_43 : i32
      %add3A = arith.addi %arg1, %mul3A_44 : i32
      %lt3A = arith.constant 2500 : i32
      %lt3A_45 = arith.cmpi slt, %add3A, %lt3A : i32
      %convert_element_type3A = arith.extui %lt3A_45 : i1 to i32
      %cond3A = arith.constant 0 : i32
      %cond3A_46 = arith.cmpi ne, %convert_element_type3A, %cond3A : i32
      scf.if %cond3A_46 {
        %mul3A_47 = arith.constant 128 : i32
        %mul3A_48 = arith.muli %add3A, %mul3A_47 : i32
        "tpu.region"() ({
          %run_scoped3A = tpu.sem_alloc : memref<!tpu.dma_semaphore, #tpu.memory_space<semaphore_mem>>
          %dma_start3A = tpu.memref_slice %arg2[%mul3A_48] : memref<320000xi32, #tpu.memory_space<hbm>> -> memref<128xi32, #tpu.memory_space<hbm>>
          %dma_start3A_49 = tpu.memref_slice %arg2[%mul3A_48] : memref<320000xi32, #tpu.memory_space<hbm>> -> memref<128xi32, #tpu.memory_space<hbm>>
          tpu.enqueue_dma source(%dma_start3A_49 : memref<128xi32, #tpu.memory_space<hbm>>) target(%arg8 : memref<128xi32, #tpu.memory_space<vmem>>) target_semaphore(%run_scoped3A : memref<!tpu.dma_semaphore, #tpu.memory_space<semaphore_mem>>)
          %dma_wait3A = tpu.memref_slice %arg2[%mul3A_48] : memref<320000xi32, #tpu.memory_space<hbm>> -> memref<128xi32, #tpu.memory_space<hbm>>
          %dma_wait3A_50 = tpu.memref_slice %arg2[%mul3A_48] : memref<320000xi32, #tpu.memory_space<hbm>> -> memref<128xi32, #tpu.memory_space<hbm>>
          tpu.wait_dma2 semaphore(%run_scoped3A : memref<!tpu.dma_semaphore, #tpu.memory_space<semaphore_mem>>) src(%dma_wait3A_50 : memref<128xi32, #tpu.memory_space<hbm>>) dst(%arg8 : memref<128xi32, #tpu.memory_space<vmem>>)
          tpu.yield
        }) : () -> ()
        "tpu.region"() ({
          %run_scoped3A = tpu.sem_alloc : memref<!tpu.dma_semaphore, #tpu.memory_space<semaphore_mem>>
          %dma_start3A = tpu.memref_slice %arg3[%mul3A_48, %mul3A_0] : memref<320000x256xf32, #tpu.memory_space<hbm>> -> memref<128x128xf32, #tpu.memory_space<hbm>>
          %dma_start3A_49 = tpu.memref_slice %arg3[%mul3A_48, %mul3A_0] : memref<320000x256xf32, #tpu.memory_space<hbm>> -> memref<128x128xf32, #tpu.memory_space<hbm>>
          tpu.enqueue_dma source(%dma_start3A_49 : memref<128x128xf32, #tpu.memory_space<hbm>>) target(%arg9 : memref<128x128xf32, #tpu.memory_space<vmem>>) target_semaphore(%run_scoped3A : memref<!tpu.dma_semaphore, #tpu.memory_space<semaphore_mem>>)
          %dma_wait3A = tpu.memref_slice %arg3[%mul3A_48, %mul3A_0] : memref<320000x256xf32, #tpu.memory_space<hbm>> -> memref<128x128xf32, #tpu.memory_space<hbm>>
          %dma_wait3A_50 = tpu.memref_slice %arg3[%mul3A_48, %mul3A_0] : memref<320000x256xf32, #tpu.memory_space<hbm>> -> memref<128x128xf32, #tpu.memory_space<hbm>>
          tpu.wait_dma2 semaphore(%run_scoped3A : memref<!tpu.dma_semaphore, #tpu.memory_space<semaphore_mem>>) src(%dma_wait3A_50 : memref<128x128xf32, #tpu.memory_space<hbm>>) dst(%arg9 : memref<128x128xf32, #tpu.memory_space<vmem>>)
          tpu.yield
        }) : () -> ()
        "tpu.region"() ({
          %run_scoped3A = tpu.sem_alloc : memref<!tpu.dma_semaphore, #tpu.memory_space<semaphore_mem>>
          %dma_start3A = arith.constant 0 : i32
          %dma_start3A_49 = arith.constant 0 : i32
          %dma_start3A_50 = tpu.memref_slice %arg10[%dma_start3A, %dma_start3A_49] : memref<10240x128xf32, #tpu.memory_space<vmem_shared>> -> memref<10240x128xf32, #tpu.memory_space<vmem_shared>>
          tpu.enqueue_indirect_dma source(%arg9 : memref<128x128xf32, #tpu.memory_space<vmem>>) target(%dma_start3A_50 : memref<10240x128xf32, #tpu.memory_space<vmem_shared>>) offsets(%arg8 : memref<128xi32, #tpu.memory_space<vmem>>) semaphore(%run_scoped3A : memref<!tpu.dma_semaphore, #tpu.memory_space<semaphore_mem>>) {add = true}
          %dma_wait3A = arith.constant 0 : i32
          %dma_wait3A_51 = arith.constant 0 : i32
          %dma_wait3A_52 = tpu.memref_slice %arg10[%dma_wait3A, %dma_wait3A_51] : memref<10240x128xf32, #tpu.memory_space<vmem_shared>> -> memref<10240x128xf32, #tpu.memory_space<vmem_shared>>
          tpu.wait_indirect_dma semaphore(%run_scoped3A : memref<!tpu.dma_semaphore, #tpu.memory_space<semaphore_mem>>) src(%arg9 : memref<128x128xf32, #tpu.memory_space<vmem>>) dst(%dma_wait3A_52 : memref<10240x128xf32, #tpu.memory_space<vmem_shared>>)
          tpu.yield
        }) : () -> ()
      } else {
      }
    }
    %scan3A_13 = arith.constant 157 : i32
    %barrier3A_14 = arith.constant 0 : index
    tpu.barrier barrier_id(%barrier3A_14)
    %scan3A_15 = arith.constant 0 : i32
    %scan3A_16 = arith.constant 0 : i32
    %scan3A_17 = arith.constant 5 : i32
    %scan3A_18 = arith.addi %scan3A_16, %scan3A_17 : i32
    %scan3A_19 = arith.constant 1 : i32
    scf.for %scan3A_42 = %scan3A_16 to %scan3A_18 step %scan3A_19  : i32 {
      %mul3A_43 = arith.constant 128 : i32
      %mul3A_44 = arith.muli %scan3A_42, %mul3A_43 : i32
      %add3A = arith.addi %mul3A_2, %mul3A_44 : i32
      "tpu.region"() ({
        %run_scoped3A = tpu.sem_alloc : memref<!tpu.dma_semaphore, #tpu.memory_space<semaphore_mem>>
        %dma_start3A = arith.constant 0 : i32
        %dma_start3A_45 = tpu.memref_slice %arg10[%add3A, %dma_start3A] : memref<10240x128xf32, #tpu.memory_space<vmem_shared>> -> memref<128x128xf32, #tpu.memory_space<vmem_shared>>
        %dma_start3A_46 = arith.constant 0 : i32
        %dma_start3A_47 = tpu.memref_slice %arg10[%add3A, %dma_start3A_46] : memref<10240x128xf32, #tpu.memory_space<vmem_shared>> -> memref<128x128xf32, #tpu.memory_space<vmem_shared>>
        tpu.enqueue_dma source(%dma_start3A_47 : memref<128x128xf32, #tpu.memory_space<vmem_shared>>) target(%arg9 : memref<128x128xf32, #tpu.memory_space<vmem>>) target_semaphore(%run_scoped3A : memref<!tpu.dma_semaphore, #tpu.memory_space<semaphore_mem>>)
        %dma_wait3A = arith.constant 0 : i32
        %dma_wait3A_48 = tpu.memref_slice %arg10[%add3A, %dma_wait3A] : memref<10240x128xf32, #tpu.memory_space<vmem_shared>> -> memref<128x128xf32, #tpu.memory_space<vmem_shared>>
        %dma_wait3A_49 = arith.constant 0 : i32
        %dma_wait3A_50 = tpu.memref_slice %arg10[%add3A, %dma_wait3A_49] : memref<10240x128xf32, #tpu.memory_space<vmem_shared>> -> memref<128x128xf32, #tpu.memory_space<vmem_shared>>
        tpu.wait_dma2 semaphore(%run_scoped3A : memref<!tpu.dma_semaphore, #tpu.memory_space<semaphore_mem>>) src(%dma_wait3A_50 : memref<128x128xf32, #tpu.memory_space<vmem_shared>>) dst(%arg9 : memref<128x128xf32, #tpu.memory_space<vmem>>)
        tpu.yield
      }) : () -> ()
      "tpu.region"() ({
        %run_scoped3A = tpu.sem_alloc : memref<!tpu.dma_semaphore, #tpu.memory_space<semaphore_mem>>
        %dma_start3A = tpu.memref_slice %arg6[%add3A, %mul3A_0] : memref<10240x256xf32, #tpu.memory_space<hbm>> -> memref<128x128xf32, #tpu.memory_space<hbm>>
        %dma_start3A_45 = tpu.memref_slice %arg6[%add3A, %mul3A_0] : memref<10240x256xf32, #tpu.memory_space<hbm>> -> memref<128x128xf32, #tpu.memory_space<hbm>>
        tpu.enqueue_dma source(%arg9 : memref<128x128xf32, #tpu.memory_space<vmem>>) target(%dma_start3A_45 : memref<128x128xf32, #tpu.memory_space<hbm>>) target_semaphore(%run_scoped3A : memref<!tpu.dma_semaphore, #tpu.memory_space<semaphore_mem>>)
        %dma_wait3A = tpu.memref_slice %arg6[%add3A, %mul3A_0] : memref<10240x256xf32, #tpu.memory_space<hbm>> -> memref<128x128xf32, #tpu.memory_space<hbm>>
        %dma_wait3A_46 = tpu.memref_slice %arg6[%add3A, %mul3A_0] : memref<10240x256xf32, #tpu.memory_space<hbm>> -> memref<128x128xf32, #tpu.memory_space<hbm>>
        tpu.wait_dma2 semaphore(%run_scoped3A : memref<!tpu.dma_semaphore, #tpu.memory_space<semaphore_mem>>) src(%arg9 : memref<128x128xf32, #tpu.memory_space<vmem>>) dst(%dma_wait3A_46 : memref<128x128xf32, #tpu.memory_space<hbm>>)
        tpu.yield
      }) : () -> ()
    }
    %scan3A_20 = arith.constant 5 : i32
    %barrier3A_21 = arith.constant 0 : index
    tpu.barrier barrier_id(%barrier3A_21)
    "tpu.region"() ({
      %run_scoped3A = tpu.sem_alloc : memref<!tpu.dma_semaphore, #tpu.memory_space<semaphore_mem>>
      tpu.enqueue_dma source(%arg5 : memref<128x128xf32, #tpu.memory_space<hbm>>) target(%arg9 : memref<128x128xf32, #tpu.memory_space<vmem>>) target_semaphore(%run_scoped3A : memref<!tpu.dma_semaphore, #tpu.memory_space<semaphore_mem>>)
      tpu.wait_dma2 semaphore(%run_scoped3A : memref<!tpu.dma_semaphore, #tpu.memory_space<semaphore_mem>>) src(%arg5 : memref<128x128xf32, #tpu.memory_space<hbm>>) dst(%arg9 : memref<128x128xf32, #tpu.memory_space<vmem>>)
      tpu.yield
    }) : () -> ()
    %scan3A_22 = arith.constant 0 : i32
    %scan3A_23 = arith.constant 0 : i32
    %scan3A_24 = arith.constant 5 : i32
    %scan3A_25 = arith.addi %scan3A_23, %scan3A_24 : i32
    %scan3A_26 = arith.constant 1 : i32
    scf.for %scan3A_42 = %scan3A_23 to %scan3A_25 step %scan3A_26  : i32 {
      %mul3A_43 = arith.constant 128 : i32
      %mul3A_44 = arith.muli %scan3A_42, %mul3A_43 : i32
      %add3A = arith.addi %mul3A_2, %mul3A_44 : i32
      "tpu.region"() ({
        %run_scoped3A = tpu.sem_alloc : memref<!tpu.dma_semaphore, #tpu.memory_space<semaphore_mem>>
        %dma_start3A = arith.constant 0 : i32
        %dma_start3A_45 = tpu.memref_slice %arg10[%add3A, %dma_start3A] : memref<10240x128xf32, #tpu.memory_space<vmem_shared>> -> memref<128x128xf32, #tpu.memory_space<vmem_shared>>
        %dma_start3A_46 = arith.constant 0 : i32
        %dma_start3A_47 = tpu.memref_slice %arg10[%add3A, %dma_start3A_46] : memref<10240x128xf32, #tpu.memory_space<vmem_shared>> -> memref<128x128xf32, #tpu.memory_space<vmem_shared>>
        tpu.enqueue_dma source(%arg9 : memref<128x128xf32, #tpu.memory_space<vmem>>) target(%dma_start3A_47 : memref<128x128xf32, #tpu.memory_space<vmem_shared>>) target_semaphore(%run_scoped3A : memref<!tpu.dma_semaphore, #tpu.memory_space<semaphore_mem>>)
        %dma_wait3A = arith.constant 0 : i32
        %dma_wait3A_48 = tpu.memref_slice %arg10[%add3A, %dma_wait3A] : memref<10240x128xf32, #tpu.memory_space<vmem_shared>> -> memref<128x128xf32, #tpu.memory_space<vmem_shared>>
        %dma_wait3A_49 = arith.constant 0 : i32
        %dma_wait3A_50 = tpu.memref_slice %arg10[%add3A, %dma_wait3A_49] : memref<10240x128xf32, #tpu.memory_space<vmem_shared>> -> memref<128x128xf32, #tpu.memory_space<vmem_shared>>
        tpu.wait_dma2 semaphore(%run_scoped3A : memref<!tpu.dma_semaphore, #tpu.memory_space<semaphore_mem>>) src(%arg9 : memref<128x128xf32, #tpu.memory_space<vmem>>) dst(%dma_wait3A_50 : memref<128x128xf32, #tpu.memory_space<vmem_shared>>)
        tpu.yield
      }) : () -> ()
    }
    %scan3A_27 = arith.constant 5 : i32
    %barrier3A_28 = arith.constant 0 : index
    tpu.barrier barrier_id(%barrier3A_28)
    %scan3A_29 = arith.constant 0 : i32
    %scan3A_30 = arith.constant 0 : i32
    %scan3A_31 = arith.constant 79 : i32
    %scan3A_32 = arith.addi %scan3A_30, %scan3A_31 : i32
    %scan3A_33 = arith.constant 1 : i32
    scf.for %scan3A_42 = %scan3A_30 to %scan3A_32 step %scan3A_33  : i32 {
      %mul3A_43 = arith.constant 2 : i32
      %mul3A_44 = arith.muli %arg1, %mul3A_43 : i32
      %add3A = arith.addi %mul3A_44, %arg0 : i32
      %mul3A_45 = arith.constant 32 : i32
      %mul3A_46 = arith.muli %scan3A_42, %mul3A_45 : i32
      %add3A_47 = arith.addi %add3A, %mul3A_46 : i32
      %lt3A = arith.constant 2500 : i32
      %lt3A_48 = arith.cmpi slt, %add3A_47, %lt3A : i32
      %convert_element_type3A = arith.extui %lt3A_48 : i1 to i32
      %cond3A = arith.constant 0 : i32
      %cond3A_49 = arith.cmpi ne, %convert_element_type3A, %cond3A : i32
      scf.if %cond3A_49 {
        %mul3A_50 = arith.constant 128 : i32
        %mul3A_51 = arith.muli %add3A_47, %mul3A_50 : i32
        "tpu.region"() ({
          %run_scoped3A = tpu.sem_alloc : memref<!tpu.dma_semaphore, #tpu.memory_space<semaphore_mem>>
          %dma_start3A = tpu.memref_slice %arg2[%mul3A_51] : memref<320000xi32, #tpu.memory_space<hbm>> -> memref<128xi32, #tpu.memory_space<hbm>>
          %dma_start3A_52 = tpu.memref_slice %arg2[%mul3A_51] : memref<320000xi32, #tpu.memory_space<hbm>> -> memref<128xi32, #tpu.memory_space<hbm>>
          tpu.enqueue_dma source(%dma_start3A_52 : memref<128xi32, #tpu.memory_space<hbm>>) target(%arg8 : memref<128xi32, #tpu.memory_space<vmem>>) target_semaphore(%run_scoped3A : memref<!tpu.dma_semaphore, #tpu.memory_space<semaphore_mem>>)
          %dma_wait3A = tpu.memref_slice %arg2[%mul3A_51] : memref<320000xi32, #tpu.memory_space<hbm>> -> memref<128xi32, #tpu.memory_space<hbm>>
          %dma_wait3A_53 = tpu.memref_slice %arg2[%mul3A_51] : memref<320000xi32, #tpu.memory_space<hbm>> -> memref<128xi32, #tpu.memory_space<hbm>>
          tpu.wait_dma2 semaphore(%run_scoped3A : memref<!tpu.dma_semaphore, #tpu.memory_space<semaphore_mem>>) src(%dma_wait3A_53 : memref<128xi32, #tpu.memory_space<hbm>>) dst(%arg8 : memref<128xi32, #tpu.memory_space<vmem>>)
          tpu.yield
        }) : () -> ()
        "tpu.region"() ({
          %run_scoped3A = tpu.sem_alloc : memref<!tpu.dma_semaphore, #tpu.memory_space<semaphore_mem>>
          %dma_start3A = arith.constant 0 : i32
          %dma_start3A_52 = tpu.memref_slice %arg4[%mul3A_51, %dma_start3A] : memref<320000x128xf32, #tpu.memory_space<hbm>> -> memref<128x128xf32, #tpu.memory_space<hbm>>
          %dma_start3A_53 = arith.constant 0 : i32
          %dma_start3A_54 = tpu.memref_slice %arg4[%mul3A_51, %dma_start3A_53] : memref<320000x128xf32, #tpu.memory_space<hbm>> -> memref<128x128xf32, #tpu.memory_space<hbm>>
          tpu.enqueue_dma source(%dma_start3A_54 : memref<128x128xf32, #tpu.memory_space<hbm>>) target(%arg9 : memref<128x128xf32, #tpu.memory_space<vmem>>) target_semaphore(%run_scoped3A : memref<!tpu.dma_semaphore, #tpu.memory_space<semaphore_mem>>)
          %dma_wait3A = arith.constant 0 : i32
          %dma_wait3A_55 = tpu.memref_slice %arg4[%mul3A_51, %dma_wait3A] : memref<320000x128xf32, #tpu.memory_space<hbm>> -> memref<128x128xf32, #tpu.memory_space<hbm>>
          %dma_wait3A_56 = arith.constant 0 : i32
          %dma_wait3A_57 = tpu.memref_slice %arg4[%mul3A_51, %dma_wait3A_56] : memref<320000x128xf32, #tpu.memory_space<hbm>> -> memref<128x128xf32, #tpu.memory_space<hbm>>
          tpu.wait_dma2 semaphore(%run_scoped3A : memref<!tpu.dma_semaphore, #tpu.memory_space<semaphore_mem>>) src(%dma_wait3A_57 : memref<128x128xf32, #tpu.memory_space<hbm>>) dst(%arg9 : memref<128x128xf32, #tpu.memory_space<vmem>>)
          tpu.yield
        }) : () -> ()
        "tpu.region"() ({
          %run_scoped3A = tpu.sem_alloc : memref<!tpu.dma_semaphore, #tpu.memory_space<semaphore_mem>>
          %dma_start3A = arith.constant 0 : i32
          %dma_start3A_52 = arith.constant 0 : i32
          %dma_start3A_53 = tpu.memref_slice %arg10[%dma_start3A, %dma_start3A_52] : memref<10240x128xf32, #tpu.memory_space<vmem_shared>> -> memref<10240x128xf32, #tpu.memory_space<vmem_shared>>
          tpu.enqueue_indirect_dma source(%arg9 : memref<128x128xf32, #tpu.memory_space<vmem>>) target(%dma_start3A_53 : memref<10240x128xf32, #tpu.memory_space<vmem_shared>>) offsets(%arg8 : memref<128xi32, #tpu.memory_space<vmem>>) semaphore(%run_scoped3A : memref<!tpu.dma_semaphore, #tpu.memory_space<semaphore_mem>>) {add = true}
          %dma_wait3A = arith.constant 0 : i32
          %dma_wait3A_54 = arith.constant 0 : i32
          %dma_wait3A_55 = tpu.memref_slice %arg10[%dma_wait3A, %dma_wait3A_54] : memref<10240x128xf32, #tpu.memory_space<vmem_shared>> -> memref<10240x128xf32, #tpu.memory_space<vmem_shared>>
          tpu.wait_indirect_dma semaphore(%run_scoped3A : memref<!tpu.dma_semaphore, #tpu.memory_space<semaphore_mem>>) src(%arg9 : memref<128x128xf32, #tpu.memory_space<vmem>>) dst(%dma_wait3A_55 : memref<10240x128xf32, #tpu.memory_space<vmem_shared>>)
          tpu.yield
        }) : () -> ()
      } else {
      }
    }
    %scan3A_34 = arith.constant 79 : i32
    %barrier3A_35 = arith.constant 0 : index
    tpu.barrier barrier_id(%barrier3A_35)
    %scan3A_36 = arith.constant 0 : i32
    %scan3A_37 = arith.constant 0 : i32
    %scan3A_38 = arith.constant 5 : i32
    %scan3A_39 = arith.addi %scan3A_37, %scan3A_38 : i32
    %scan3A_40 = arith.constant 1 : i32
    scf.for %scan3A_42 = %scan3A_37 to %scan3A_39 step %scan3A_40  : i32 {
      %mul3A_43 = arith.constant 128 : i32
      %mul3A_44 = arith.muli %scan3A_42, %mul3A_43 : i32
      %add3A = arith.addi %mul3A_2, %mul3A_44 : i32
      "tpu.region"() ({
        %run_scoped3A = tpu.sem_alloc : memref<!tpu.dma_semaphore, #tpu.memory_space<semaphore_mem>>
        %dma_start3A = arith.constant 0 : i32
        %dma_start3A_45 = tpu.memref_slice %arg10[%add3A, %dma_start3A] : memref<10240x128xf32, #tpu.memory_space<vmem_shared>> -> memref<128x128xf32, #tpu.memory_space<vmem_shared>>
        %dma_start3A_46 = arith.constant 0 : i32
        %dma_start3A_47 = tpu.memref_slice %arg10[%add3A, %dma_start3A_46] : memref<10240x128xf32, #tpu.memory_space<vmem_shared>> -> memref<128x128xf32, #tpu.memory_space<vmem_shared>>
        tpu.enqueue_dma source(%dma_start3A_47 : memref<128x128xf32, #tpu.memory_space<vmem_shared>>) target(%arg9 : memref<128x128xf32, #tpu.memory_space<vmem>>) target_semaphore(%run_scoped3A : memref<!tpu.dma_semaphore, #tpu.memory_space<semaphore_mem>>)
        %dma_wait3A = arith.constant 0 : i32
        %dma_wait3A_48 = tpu.memref_slice %arg10[%add3A, %dma_wait3A] : memref<10240x128xf32, #tpu.memory_space<vmem_shared>> -> memref<128x128xf32, #tpu.memory_space<vmem_shared>>
        %dma_wait3A_49 = arith.constant 0 : i32
        %dma_wait3A_50 = tpu.memref_slice %arg10[%add3A, %dma_wait3A_49] : memref<10240x128xf32, #tpu.memory_space<vmem_shared>> -> memref<128x128xf32, #tpu.memory_space<vmem_shared>>
        tpu.wait_dma2 semaphore(%run_scoped3A : memref<!tpu.dma_semaphore, #tpu.memory_space<semaphore_mem>>) src(%dma_wait3A_50 : memref<128x128xf32, #tpu.memory_space<vmem_shared>>) dst(%arg9 : memref<128x128xf32, #tpu.memory_space<vmem>>)
        tpu.yield
      }) : () -> ()
      "tpu.region"() ({
        %run_scoped3A = tpu.sem_alloc : memref<!tpu.dma_semaphore, #tpu.memory_space<semaphore_mem>>
        %dma_start3A = arith.constant 0 : i32
        %dma_start3A_45 = tpu.memref_slice %arg7[%arg0, %add3A, %dma_start3A] : memref<2x10240x128xf32, #tpu.memory_space<hbm>> -> memref<1x128x128xf32, #tpu.memory_space<hbm>>
        %dma_start3A_46 = tpu.memref_squeeze %dma_start3A_45 : memref<1x128x128xf32, #tpu.memory_space<hbm>> -> memref<128x128xf32, #tpu.memory_space<hbm>>
        %dma_start3A_47 = arith.constant 0 : i32
        %dma_start3A_48 = tpu.memref_slice %arg7[%arg0, %add3A, %dma_start3A_47] : memref<2x10240x128xf32, #tpu.memory_space<hbm>> -> memref<1x128x128xf32, #tpu.memory_space<hbm>>
        %dma_start3A_49 = tpu.memref_squeeze %dma_start3A_48 : memref<1x128x128xf32, #tpu.memory_space<hbm>> -> memref<128x128xf32, #tpu.memory_space<hbm>>
        tpu.enqueue_dma source(%arg9 : memref<128x128xf32, #tpu.memory_space<vmem>>) target(%dma_start3A_49 : memref<128x128xf32, #tpu.memory_space<hbm>>) target_semaphore(%run_scoped3A : memref<!tpu.dma_semaphore, #tpu.memory_space<semaphore_mem>>)
        %dma_wait3A = arith.constant 0 : i32
        %dma_wait3A_50 = tpu.memref_slice %arg7[%arg0, %add3A, %dma_wait3A] : memref<2x10240x128xf32, #tpu.memory_space<hbm>> -> memref<1x128x128xf32, #tpu.memory_space<hbm>>
        %dma_wait3A_51 = tpu.memref_squeeze %dma_wait3A_50 : memref<1x128x128xf32, #tpu.memory_space<hbm>> -> memref<128x128xf32, #tpu.memory_space<hbm>>
        %dma_wait3A_52 = arith.constant 0 : i32
        %dma_wait3A_53 = tpu.memref_slice %arg7[%arg0, %add3A, %dma_wait3A_52] : memref<2x10240x128xf32, #tpu.memory_space<hbm>> -> memref<1x128x128xf32, #tpu.memory_space<hbm>>
        %dma_wait3A_54 = tpu.memref_squeeze %dma_wait3A_53 : memref<1x128x128xf32, #tpu.memory_space<hbm>> -> memref<128x128xf32, #tpu.memory_space<hbm>>
        tpu.wait_dma2 semaphore(%run_scoped3A : memref<!tpu.dma_semaphore, #tpu.memory_space<semaphore_mem>>) src(%arg9 : memref<128x128xf32, #tpu.memory_space<vmem>>) dst(%dma_wait3A_54 : memref<128x128xf32, #tpu.memory_space<hbm>>)
        tpu.yield
      }) : () -> ()
    }
    %scan3A_41 = arith.constant 5 : i32
    return
  }
}

#map = affine_map<(d0, d1) -> (0)>
#map1 = affine_map<(d0, d1) -> (0, 0)>
module attributes {stable_mosaic.version = 14 : i64} {
  func.func @_gather_body(%arg0: i32, %arg1: i32, %arg2: memref<320000xi32, #tpu.memory_space<hbm>>, %arg3: memref<320000xi32, #tpu.memory_space<hbm>>, %arg4: memref<10240x256xf32, #tpu.memory_space<hbm>>, %arg5: memref<10240x256xf32, #tpu.memory_space<hbm>>, %arg6: memref<128x10240xf32, #tpu.memory_space<hbm>>, %arg7: memref<320000x256xf32, #tpu.memory_space<hbm>>, %arg8: memref<320000x256xf32, #tpu.memory_space<hbm>>, %arg9: memref<320000x16xf32, #tpu.memory_space<hbm>>, %arg10: memref<128xi32, #tpu.memory_space<vmem>>, %arg11: memref<128xi32, #tpu.memory_space<vmem>>, %arg12: memref<128x256xf32, #tpu.memory_space<vmem>>, %arg13: memref<128x256xf32, #tpu.memory_space<vmem>>, %arg14: memref<128x16xf32, #tpu.memory_space<vmem>>, %arg15: memref<10240xf32, #tpu.memory_space<vmem>>, %arg16: memref<10240xf32, #tpu.memory_space<vmem>>, %arg17: memref<10240xf32, #tpu.memory_space<vmem>>, %arg18: memref<!tpu.dma_semaphore, #tpu.memory_space<semaphore_mem>>, %arg19: memref<!tpu.dma_semaphore, #tpu.memory_space<semaphore_mem>>) attributes {dimension_semantics = [#tpu.dimension_semantics<core_parallel>, #tpu.dimension_semantics<subcore_parallel>], iteration_bounds = array<i64: 2, 16>, scalar_prefetch = 0 : i64, scratch_operands = 10 : i64, tpu.core_type = #tpu.core_type<sc_vector_subcore>, window_params = [{transform_indices = #map}, {transform_indices = #map}, {transform_indices = #map1}, {transform_indices = #map1}, {transform_indices = #map1}, {transform_indices = #map1}, {transform_indices = #map1}, {transform_indices = #map1}]} {
    %mul3A = arith.constant 2 : i32
    %mul3A_0 = arith.muli %arg1, %mul3A : i32
    %add3A = arith.addi %mul3A_0, %arg0 : i32
    %run_scoped3A = arith.constant 0 : i32
    "tpu.region"() ({
      %run_scoped3A_15 = tpu.sem_alloc : memref<!tpu.dma_semaphore, #tpu.memory_space<semaphore_mem>>
      %dma_start3A = arith.constant 0 : i32
      %dma_start3A_16 = tpu.memref_slice %arg6[%run_scoped3A, %dma_start3A] : memref<128x10240xf32, #tpu.memory_space<hbm>> -> memref<1x10240xf32, #tpu.memory_space<hbm>>
      %dma_start3A_17 = tpu.memref_squeeze %dma_start3A_16 : memref<1x10240xf32, #tpu.memory_space<hbm>> -> memref<10240xf32, #tpu.memory_space<hbm>>
      %dma_start3A_18 = arith.constant 0 : i32
      %dma_start3A_19 = tpu.memref_slice %arg6[%run_scoped3A, %dma_start3A_18] : memref<128x10240xf32, #tpu.memory_space<hbm>> -> memref<1x10240xf32, #tpu.memory_space<hbm>>
      %dma_start3A_20 = tpu.memref_squeeze %dma_start3A_19 : memref<1x10240xf32, #tpu.memory_space<hbm>> -> memref<10240xf32, #tpu.memory_space<hbm>>
      tpu.enqueue_dma source(%dma_start3A_20 : memref<10240xf32, #tpu.memory_space<hbm>>) target(%arg15 : memref<10240xf32, #tpu.memory_space<vmem>>) target_semaphore(%run_scoped3A_15 : memref<!tpu.dma_semaphore, #tpu.memory_space<semaphore_mem>>)
      %dma_wait3A = arith.constant 0 : i32
      %dma_wait3A_21 = tpu.memref_slice %arg6[%run_scoped3A, %dma_wait3A] : memref<128x10240xf32, #tpu.memory_space<hbm>> -> memref<1x10240xf32, #tpu.memory_space<hbm>>
      %dma_wait3A_22 = tpu.memref_squeeze %dma_wait3A_21 : memref<1x10240xf32, #tpu.memory_space<hbm>> -> memref<10240xf32, #tpu.memory_space<hbm>>
      %dma_wait3A_23 = arith.constant 0 : i32
      %dma_wait3A_24 = tpu.memref_slice %arg6[%run_scoped3A, %dma_wait3A_23] : memref<128x10240xf32, #tpu.memory_space<hbm>> -> memref<1x10240xf32, #tpu.memory_space<hbm>>
      %dma_wait3A_25 = tpu.memref_squeeze %dma_wait3A_24 : memref<1x10240xf32, #tpu.memory_space<hbm>> -> memref<10240xf32, #tpu.memory_space<hbm>>
      tpu.wait_dma2 semaphore(%run_scoped3A_15 : memref<!tpu.dma_semaphore, #tpu.memory_space<semaphore_mem>>) src(%dma_wait3A_25 : memref<10240xf32, #tpu.memory_space<hbm>>) dst(%arg15 : memref<10240xf32, #tpu.memory_space<vmem>>)
      tpu.yield
    }) : () -> ()
    %run_scoped3A_1 = arith.constant 1 : i32
    "tpu.region"() ({
      %run_scoped3A_15 = tpu.sem_alloc : memref<!tpu.dma_semaphore, #tpu.memory_space<semaphore_mem>>
      %dma_start3A = arith.constant 0 : i32
      %dma_start3A_16 = tpu.memref_slice %arg6[%run_scoped3A_1, %dma_start3A] : memref<128x10240xf32, #tpu.memory_space<hbm>> -> memref<1x10240xf32, #tpu.memory_space<hbm>>
      %dma_start3A_17 = tpu.memref_squeeze %dma_start3A_16 : memref<1x10240xf32, #tpu.memory_space<hbm>> -> memref<10240xf32, #tpu.memory_space<hbm>>
      %dma_start3A_18 = arith.constant 0 : i32
      %dma_start3A_19 = tpu.memref_slice %arg6[%run_scoped3A_1, %dma_start3A_18] : memref<128x10240xf32, #tpu.memory_space<hbm>> -> memref<1x10240xf32, #tpu.memory_space<hbm>>
      %dma_start3A_20 = tpu.memref_squeeze %dma_start3A_19 : memref<1x10240xf32, #tpu.memory_space<hbm>> -> memref<10240xf32, #tpu.memory_space<hbm>>
      tpu.enqueue_dma source(%dma_start3A_20 : memref<10240xf32, #tpu.memory_space<hbm>>) target(%arg16 : memref<10240xf32, #tpu.memory_space<vmem>>) target_semaphore(%run_scoped3A_15 : memref<!tpu.dma_semaphore, #tpu.memory_space<semaphore_mem>>)
      %dma_wait3A = arith.constant 0 : i32
      %dma_wait3A_21 = tpu.memref_slice %arg6[%run_scoped3A_1, %dma_wait3A] : memref<128x10240xf32, #tpu.memory_space<hbm>> -> memref<1x10240xf32, #tpu.memory_space<hbm>>
      %dma_wait3A_22 = tpu.memref_squeeze %dma_wait3A_21 : memref<1x10240xf32, #tpu.memory_space<hbm>> -> memref<10240xf32, #tpu.memory_space<hbm>>
      %dma_wait3A_23 = arith.constant 0 : i32
      %dma_wait3A_24 = tpu.memref_slice %arg6[%run_scoped3A_1, %dma_wait3A_23] : memref<128x10240xf32, #tpu.memory_space<hbm>> -> memref<1x10240xf32, #tpu.memory_space<hbm>>
      %dma_wait3A_25 = tpu.memref_squeeze %dma_wait3A_24 : memref<1x10240xf32, #tpu.memory_space<hbm>> -> memref<10240xf32, #tpu.memory_space<hbm>>
      tpu.wait_dma2 semaphore(%run_scoped3A_15 : memref<!tpu.dma_semaphore, #tpu.memory_space<semaphore_mem>>) src(%dma_wait3A_25 : memref<10240xf32, #tpu.memory_space<hbm>>) dst(%arg16 : memref<10240xf32, #tpu.memory_space<vmem>>)
      tpu.yield
    }) : () -> ()
    %run_scoped3A_2 = arith.constant 2 : i32
    "tpu.region"() ({
      %run_scoped3A_15 = tpu.sem_alloc : memref<!tpu.dma_semaphore, #tpu.memory_space<semaphore_mem>>
      %dma_start3A = arith.constant 0 : i32
      %dma_start3A_16 = tpu.memref_slice %arg6[%run_scoped3A_2, %dma_start3A] : memref<128x10240xf32, #tpu.memory_space<hbm>> -> memref<1x10240xf32, #tpu.memory_space<hbm>>
      %dma_start3A_17 = tpu.memref_squeeze %dma_start3A_16 : memref<1x10240xf32, #tpu.memory_space<hbm>> -> memref<10240xf32, #tpu.memory_space<hbm>>
      %dma_start3A_18 = arith.constant 0 : i32
      %dma_start3A_19 = tpu.memref_slice %arg6[%run_scoped3A_2, %dma_start3A_18] : memref<128x10240xf32, #tpu.memory_space<hbm>> -> memref<1x10240xf32, #tpu.memory_space<hbm>>
      %dma_start3A_20 = tpu.memref_squeeze %dma_start3A_19 : memref<1x10240xf32, #tpu.memory_space<hbm>> -> memref<10240xf32, #tpu.memory_space<hbm>>
      tpu.enqueue_dma source(%dma_start3A_20 : memref<10240xf32, #tpu.memory_space<hbm>>) target(%arg17 : memref<10240xf32, #tpu.memory_space<vmem>>) target_semaphore(%run_scoped3A_15 : memref<!tpu.dma_semaphore, #tpu.memory_space<semaphore_mem>>)
      %dma_wait3A = arith.constant 0 : i32
      %dma_wait3A_21 = tpu.memref_slice %arg6[%run_scoped3A_2, %dma_wait3A] : memref<128x10240xf32, #tpu.memory_space<hbm>> -> memref<1x10240xf32, #tpu.memory_space<hbm>>
      %dma_wait3A_22 = tpu.memref_squeeze %dma_wait3A_21 : memref<1x10240xf32, #tpu.memory_space<hbm>> -> memref<10240xf32, #tpu.memory_space<hbm>>
      %dma_wait3A_23 = arith.constant 0 : i32
      %dma_wait3A_24 = tpu.memref_slice %arg6[%run_scoped3A_2, %dma_wait3A_23] : memref<128x10240xf32, #tpu.memory_space<hbm>> -> memref<1x10240xf32, #tpu.memory_space<hbm>>
      %dma_wait3A_25 = tpu.memref_squeeze %dma_wait3A_24 : memref<1x10240xf32, #tpu.memory_space<hbm>> -> memref<10240xf32, #tpu.memory_space<hbm>>
      tpu.wait_dma2 semaphore(%run_scoped3A_15 : memref<!tpu.dma_semaphore, #tpu.memory_space<semaphore_mem>>) src(%dma_wait3A_25 : memref<10240xf32, #tpu.memory_space<hbm>>) dst(%arg17 : memref<10240xf32, #tpu.memory_space<vmem>>)
      tpu.yield
    }) : () -> ()
    %broadcast_in_dim3A = arith.constant 0.000000e+00 : f32
    %broadcast_in_dim3A_3 = vector.broadcast %broadcast_in_dim3A : f32 to vector<16xf32>
    %scan3A = arith.constant 0 : i32
    %scan3A_4 = arith.constant 0 : i32
    %scan3A_5 = arith.constant 128 : i32
    %scan3A_6 = arith.addi %scan3A_4, %scan3A_5 : i32
    %scan3A_7 = arith.constant 1 : i32
    scf.for %scan3A_15 = %scan3A_4 to %scan3A_6 step %scan3A_7  : i32 {
      %swap3A = arith.index_cast %scan3A_15 : i32 to index
      %swap3A_16 = arith.constant 0 : index
      %swap3A_17 = tpu.vector_load %arg14[%swap3A, %swap3A_16] {strides = array<i32>} : memref<128x16xf32, #tpu.memory_space<vmem>>, vector<16xf32>,
      tpu.vector_store %arg14[%swap3A, %swap3A_16], %broadcast_in_dim3A_3 {strides = array<i32>} : memref<128x16xf32, #tpu.memory_space<vmem>>, vector<16xf32>,
    }
    %scan3A_8 = arith.constant 128 : i32
    %scan3A_9 = arith.constant 0 : i32
    %scan3A_10 = arith.constant 0 : i32
    %scan3A_11 = arith.constant 79 : i32
    %scan3A_12 = arith.addi %scan3A_10, %scan3A_11 : i32
    %scan3A_13 = arith.constant 1 : i32
    scf.for %scan3A_15 = %scan3A_10 to %scan3A_12 step %scan3A_13  : i32 {
      %mul3A_16 = arith.constant 32 : i32
      %mul3A_17 = arith.muli %scan3A_15, %mul3A_16 : i32
      %add3A_18 = arith.addi %add3A, %mul3A_17 : i32
      %lt3A = arith.constant 2500 : i32
      %lt3A_19 = arith.cmpi slt, %add3A_18, %lt3A : i32
      %convert_element_type3A = arith.extui %lt3A_19 : i1 to i32
      %cond3A = arith.constant 0 : i32
      %cond3A_20 = arith.cmpi ne, %convert_element_type3A, %cond3A : i32
      scf.if %cond3A_20 {
        %mul3A_21 = arith.constant 128 : i32
        %mul3A_22 = arith.muli %add3A_18, %mul3A_21 : i32
        "tpu.region"() ({
          %run_scoped3A_39 = tpu.sem_alloc : memref<!tpu.dma_semaphore, #tpu.memory_space<semaphore_mem>>
          %dma_start3A_40 = tpu.memref_slice %arg2[%mul3A_22] : memref<320000xi32, #tpu.memory_space<hbm>> -> memref<128xi32, #tpu.memory_space<hbm>>
          %dma_start3A_41 = tpu.memref_slice %arg2[%mul3A_22] : memref<320000xi32, #tpu.memory_space<hbm>> -> memref<128xi32, #tpu.memory_space<hbm>>
          tpu.enqueue_dma source(%dma_start3A_41 : memref<128xi32, #tpu.memory_space<hbm>>) target(%arg10 : memref<128xi32, #tpu.memory_space<vmem>>) target_semaphore(%run_scoped3A_39 : memref<!tpu.dma_semaphore, #tpu.memory_space<semaphore_mem>>)
          %dma_wait3A_42 = tpu.memref_slice %arg2[%mul3A_22] : memref<320000xi32, #tpu.memory_space<hbm>> -> memref<128xi32, #tpu.memory_space<hbm>>
          %dma_wait3A_43 = tpu.memref_slice %arg2[%mul3A_22] : memref<320000xi32, #tpu.memory_space<hbm>> -> memref<128xi32, #tpu.memory_space<hbm>>
          tpu.wait_dma2 semaphore(%run_scoped3A_39 : memref<!tpu.dma_semaphore, #tpu.memory_space<semaphore_mem>>) src(%dma_wait3A_43 : memref<128xi32, #tpu.memory_space<hbm>>) dst(%arg10 : memref<128xi32, #tpu.memory_space<vmem>>)
          tpu.yield
        }) : () -> ()
        "tpu.region"() ({
          %run_scoped3A_39 = tpu.sem_alloc : memref<!tpu.dma_semaphore, #tpu.memory_space<semaphore_mem>>
          %dma_start3A_40 = tpu.memref_slice %arg3[%mul3A_22] : memref<320000xi32, #tpu.memory_space<hbm>> -> memref<128xi32, #tpu.memory_space<hbm>>
          %dma_start3A_41 = tpu.memref_slice %arg3[%mul3A_22] : memref<320000xi32, #tpu.memory_space<hbm>> -> memref<128xi32, #tpu.memory_space<hbm>>
          tpu.enqueue_dma source(%dma_start3A_41 : memref<128xi32, #tpu.memory_space<hbm>>) target(%arg11 : memref<128xi32, #tpu.memory_space<vmem>>) target_semaphore(%run_scoped3A_39 : memref<!tpu.dma_semaphore, #tpu.memory_space<semaphore_mem>>)
          %dma_wait3A_42 = tpu.memref_slice %arg3[%mul3A_22] : memref<320000xi32, #tpu.memory_space<hbm>> -> memref<128xi32, #tpu.memory_space<hbm>>
          %dma_wait3A_43 = tpu.memref_slice %arg3[%mul3A_22] : memref<320000xi32, #tpu.memory_space<hbm>> -> memref<128xi32, #tpu.memory_space<hbm>>
          tpu.wait_dma2 semaphore(%run_scoped3A_39 : memref<!tpu.dma_semaphore, #tpu.memory_space<semaphore_mem>>) src(%dma_wait3A_43 : memref<128xi32, #tpu.memory_space<hbm>>) dst(%arg11 : memref<128xi32, #tpu.memory_space<vmem>>)
          tpu.yield
        }) : () -> ()
        %dma_start3A = arith.constant 0 : i32
        %dma_start3A_23 = arith.constant 0 : i32
        %dma_start3A_24 = tpu.memref_slice %arg4[%dma_start3A, %dma_start3A_23] : memref<10240x256xf32, #tpu.memory_space<hbm>> -> memref<10240x256xf32, #tpu.memory_space<hbm>>
        tpu.enqueue_indirect_dma source(%dma_start3A_24 : memref<10240x256xf32, #tpu.memory_space<hbm>>) target(%arg12 : memref<128x256xf32, #tpu.memory_space<vmem>>) offsets(%arg10 : memref<128xi32, #tpu.memory_space<vmem>>) semaphore(%arg18 : memref<!tpu.dma_semaphore, #tpu.memory_space<semaphore_mem>>)
        %dma_start3A_25 = arith.constant 0 : i32
        %dma_start3A_26 = arith.constant 0 : i32
        %dma_start3A_27 = tpu.memref_slice %arg5[%dma_start3A_25, %dma_start3A_26] : memref<10240x256xf32, #tpu.memory_space<hbm>> -> memref<10240x256xf32, #tpu.memory_space<hbm>>
        tpu.enqueue_indirect_dma source(%dma_start3A_27 : memref<10240x256xf32, #tpu.memory_space<hbm>>) target(%arg13 : memref<128x256xf32, #tpu.memory_space<vmem>>) offsets(%arg11 : memref<128xi32, #tpu.memory_space<vmem>>) semaphore(%arg19 : memref<!tpu.dma_semaphore, #tpu.memory_space<semaphore_mem>>)
        %scan3A_28 = arith.constant 0 : i32
        %scan3A_29 = arith.constant 0 : i32
        %scan3A_30 = arith.constant 8 : i32
        %scan3A_31 = arith.addi %scan3A_29, %scan3A_30 : i32
        %scan3A_32 = arith.constant 1 : i32
        scf.for %scan3A_39 = %scan3A_29 to %scan3A_31 step %scan3A_32  : i32 {
          %mul3A_40 = arith.constant 16 : i32
          %mul3A_41 = arith.muli %scan3A_39, %mul3A_40 : i32
          %get3A = arith.index_cast %mul3A_41 : i32 to index
          %get3A_42 = tpu.vector_load %arg10[%get3A] {strides = array<i32>} : memref<128xi32, #tpu.memory_space<vmem>>, vector<16xi32>,
          %mul3A_43 = arith.constant 16 : i32
          %mul3A_44 = arith.muli %scan3A_39, %mul3A_43 : i32
          %get3A_45 = arith.index_cast %mul3A_44 : i32 to index
          %get3A_46 = tpu.vector_load %arg11[%get3A_45] {strides = array<i32>} : memref<128xi32, #tpu.memory_space<vmem>>, vector<16xi32>,
          %iota3A = tpu.iota {dimensions = array<i32: 0>} : vector<16xi32>
          %mul3A_47 = arith.constant 16 : i32
          %mul3A_48 = arith.muli %scan3A_39, %mul3A_47 : i32
          %add3A_49 = vector.broadcast %mul3A_48 : i32 to vector<16xi32>
          %add3A_50 = arith.addi %iota3A, %add3A_49 : vector<16xi32>
          %broadcast_in_dim3A_51 = arith.constant 0 : i32
          %broadcast_in_dim3A_52 = vector.broadcast %broadcast_in_dim3A_51 : i32 to vector<16xi32>
          %gather3A = tpu.vector_load_idx %arg15[%get3A_42] : memref<10240xf32, #tpu.memory_space<vmem>>[vector<16xi32>], vector<16xf32>,
          %gather3A_53 = tpu.vector_load_idx %arg15[%get3A_46] : memref<10240xf32, #tpu.memory_space<vmem>>[vector<16xi32>], vector<16xf32>,
          %sub3A = arith.subf %gather3A, %gather3A_53 : vector<16xf32>
          tpu.vector_store_idx %arg14[%add3A_50, %broadcast_in_dim3A_52], %sub3A : memref<128x16xf32, #tpu.memory_space<vmem>>[vector<16xi32>, vector<16xi32>], vector<16xf32>,
          %broadcast_in_dim3A_54 = arith.constant 1 : i32
          %broadcast_in_dim3A_55 = vector.broadcast %broadcast_in_dim3A_54 : i32 to vector<16xi32>
          %gather3A_56 = tpu.vector_load_idx %arg16[%get3A_42] : memref<10240xf32, #tpu.memory_space<vmem>>[vector<16xi32>], vector<16xf32>,
          %gather3A_57 = tpu.vector_load_idx %arg16[%get3A_46] : memref<10240xf32, #tpu.memory_space<vmem>>[vector<16xi32>], vector<16xf32>,
          %sub3A_58 = arith.subf %gather3A_56, %gather3A_57 : vector<16xf32>
          tpu.vector_store_idx %arg14[%add3A_50, %broadcast_in_dim3A_55], %sub3A_58 : memref<128x16xf32, #tpu.memory_space<vmem>>[vector<16xi32>, vector<16xi32>], vector<16xf32>,
          %broadcast_in_dim3A_59 = arith.constant 2 : i32
          %broadcast_in_dim3A_60 = vector.broadcast %broadcast_in_dim3A_59 : i32 to vector<16xi32>
          %gather3A_61 = tpu.vector_load_idx %arg17[%get3A_42] : memref<10240xf32, #tpu.memory_space<vmem>>[vector<16xi32>], vector<16xf32>,
          %gather3A_62 = tpu.vector_load_idx %arg17[%get3A_46] : memref<10240xf32, #tpu.memory_space<vmem>>[vector<16xi32>], vector<16xf32>,
          %sub3A_63 = arith.subf %gather3A_61, %gather3A_62 : vector<16xf32>
          tpu.vector_store_idx %arg14[%add3A_50, %broadcast_in_dim3A_60], %sub3A_63 : memref<128x16xf32, #tpu.memory_space<vmem>>[vector<16xi32>, vector<16xi32>], vector<16xf32>,
        }
        %scan3A_33 = arith.constant 8 : i32
        %dma_wait3A = arith.constant 0 : i32
        %dma_wait3A_34 = arith.constant 0 : i32
        %dma_wait3A_35 = tpu.memref_slice %arg4[%dma_wait3A, %dma_wait3A_34] : memref<10240x256xf32, #tpu.memory_space<hbm>> -> memref<10240x256xf32, #tpu.memory_space<hbm>>
        tpu.wait_indirect_dma semaphore(%arg18 : memref<!tpu.dma_semaphore, #tpu.memory_space<semaphore_mem>>) src(%dma_wait3A_35 : memref<10240x256xf32, #tpu.memory_space<hbm>>) dst(%arg12 : memref<128x256xf32, #tpu.memory_space<vmem>>)
        %dma_wait3A_36 = arith.constant 0 : i32
        %dma_wait3A_37 = arith.constant 0 : i32
        %dma_wait3A_38 = tpu.memref_slice %arg5[%dma_wait3A_36, %dma_wait3A_37] : memref<10240x256xf32, #tpu.memory_space<hbm>> -> memref<10240x256xf32, #tpu.memory_space<hbm>>
        tpu.wait_indirect_dma semaphore(%arg19 : memref<!tpu.dma_semaphore, #tpu.memory_space<semaphore_mem>>) src(%dma_wait3A_38 : memref<10240x256xf32, #tpu.memory_space<hbm>>) dst(%arg13 : memref<128x256xf32, #tpu.memory_space<vmem>>)
        "tpu.region"() ({
          %run_scoped3A_39 = tpu.sem_alloc : memref<!tpu.dma_semaphore, #tpu.memory_space<semaphore_mem>>
          %dma_start3A_40 = arith.constant 0 : i32
          %dma_start3A_41 = tpu.memref_slice %arg7[%mul3A_22, %dma_start3A_40] : memref<320000x256xf32, #tpu.memory_space<hbm>> -> memref<128x256xf32, #tpu.memory_space<hbm>>
          %dma_start3A_42 = arith.constant 0 : i32
          %dma_start3A_43 = tpu.memref_slice %arg7[%mul3A_22, %dma_start3A_42] : memref<320000x256xf32, #tpu.memory_space<hbm>> -> memref<128x256xf32, #tpu.memory_space<hbm>>
          tpu.enqueue_dma source(%arg12 : memref<128x256xf32, #tpu.memory_space<vmem>>) target(%dma_start3A_43 : memref<128x256xf32, #tpu.memory_space<hbm>>) target_semaphore(%run_scoped3A_39 : memref<!tpu.dma_semaphore, #tpu.memory_space<semaphore_mem>>)
          %dma_wait3A_44 = arith.constant 0 : i32
          %dma_wait3A_45 = tpu.memref_slice %arg7[%mul3A_22, %dma_wait3A_44] : memref<320000x256xf32, #tpu.memory_space<hbm>> -> memref<128x256xf32, #tpu.memory_space<hbm>>
          %dma_wait3A_46 = arith.constant 0 : i32
          %dma_wait3A_47 = tpu.memref_slice %arg7[%mul3A_22, %dma_wait3A_46] : memref<320000x256xf32, #tpu.memory_space<hbm>> -> memref<128x256xf32, #tpu.memory_space<hbm>>
          tpu.wait_dma2 semaphore(%run_scoped3A_39 : memref<!tpu.dma_semaphore, #tpu.memory_space<semaphore_mem>>) src(%arg12 : memref<128x256xf32, #tpu.memory_space<vmem>>) dst(%dma_wait3A_47 : memref<128x256xf32, #tpu.memory_space<hbm>>)
          tpu.yield
        }) : () -> ()
        "tpu.region"() ({
          %run_scoped3A_39 = tpu.sem_alloc : memref<!tpu.dma_semaphore, #tpu.memory_space<semaphore_mem>>
          %dma_start3A_40 = arith.constant 0 : i32
          %dma_start3A_41 = tpu.memref_slice %arg8[%mul3A_22, %dma_start3A_40] : memref<320000x256xf32, #tpu.memory_space<hbm>> -> memref<128x256xf32, #tpu.memory_space<hbm>>
          %dma_start3A_42 = arith.constant 0 : i32
          %dma_start3A_43 = tpu.memref_slice %arg8[%mul3A_22, %dma_start3A_42] : memref<320000x256xf32, #tpu.memory_space<hbm>> -> memref<128x256xf32, #tpu.memory_space<hbm>>
          tpu.enqueue_dma source(%arg13 : memref<128x256xf32, #tpu.memory_space<vmem>>) target(%dma_start3A_43 : memref<128x256xf32, #tpu.memory_space<hbm>>) target_semaphore(%run_scoped3A_39 : memref<!tpu.dma_semaphore, #tpu.memory_space<semaphore_mem>>)
          %dma_wait3A_44 = arith.constant 0 : i32
          %dma_wait3A_45 = tpu.memref_slice %arg8[%mul3A_22, %dma_wait3A_44] : memref<320000x256xf32, #tpu.memory_space<hbm>> -> memref<128x256xf32, #tpu.memory_space<hbm>>
          %dma_wait3A_46 = arith.constant 0 : i32
          %dma_wait3A_47 = tpu.memref_slice %arg8[%mul3A_22, %dma_wait3A_46] : memref<320000x256xf32, #tpu.memory_space<hbm>> -> memref<128x256xf32, #tpu.memory_space<hbm>>
          tpu.wait_dma2 semaphore(%run_scoped3A_39 : memref<!tpu.dma_semaphore, #tpu.memory_space<semaphore_mem>>) src(%arg13 : memref<128x256xf32, #tpu.memory_space<vmem>>) dst(%dma_wait3A_47 : memref<128x256xf32, #tpu.memory_space<hbm>>)
          tpu.yield
        }) : () -> ()
        "tpu.region"() ({
          %run_scoped3A_39 = tpu.sem_alloc : memref<!tpu.dma_semaphore, #tpu.memory_space<semaphore_mem>>
          %dma_start3A_40 = arith.constant 0 : i32
          %dma_start3A_41 = tpu.memref_slice %arg9[%mul3A_22, %dma_start3A_40] : memref<320000x16xf32, #tpu.memory_space<hbm>> -> memref<128x16xf32, #tpu.memory_space<hbm>>
          %dma_start3A_42 = arith.constant 0 : i32
          %dma_start3A_43 = tpu.memref_slice %arg9[%mul3A_22, %dma_start3A_42] : memref<320000x16xf32, #tpu.memory_space<hbm>> -> memref<128x16xf32, #tpu.memory_space<hbm>>
          tpu.enqueue_dma source(%arg14 : memref<128x16xf32, #tpu.memory_space<vmem>>) target(%dma_start3A_43 : memref<128x16xf32, #tpu.memory_space<hbm>>) target_semaphore(%run_scoped3A_39 : memref<!tpu.dma_semaphore, #tpu.memory_space<semaphore_mem>>)
          %dma_wait3A_44 = arith.constant 0 : i32
          %dma_wait3A_45 = tpu.memref_slice %arg9[%mul3A_22, %dma_wait3A_44] : memref<320000x16xf32, #tpu.memory_space<hbm>> -> memref<128x16xf32, #tpu.memory_space<hbm>>
          %dma_wait3A_46 = arith.constant 0 : i32
          %dma_wait3A_47 = tpu.memref_slice %arg9[%mul3A_22, %dma_wait3A_46] : memref<320000x16xf32, #tpu.memory_space<hbm>> -> memref<128x16xf32, #tpu.memory_space<hbm>>
          tpu.wait_dma2 semaphore(%run_scoped3A_39 : memref<!tpu.dma_semaphore, #tpu.memory_space<semaphore_mem>>) src(%arg14 : memref<128x16xf32, #tpu.memory_space<vmem>>) dst(%dma_wait3A_47 : memref<128x16xf32, #tpu.memory_space<hbm>>)
          tpu.yield
        }) : () -> ()
      } else {
      }
    }
    %scan3A_14 = arith.constant 79 : i32
    return
  }
}

module attributes {stable_mosaic.version = 14 : i64} {
  func.func @_emb_body(%arg0: i32, %arg1: memref<1024x128xf32, #tpu.memory_space<vmem>>, %arg2: memref<128x256xf32, #tpu.memory_space<vmem>>, %arg3: memref<1x256xf32, #tpu.memory_space<vmem>>, %arg4: memref<1024x256xf32, #tpu.memory_space<vmem>>) attributes {dimension_semantics = [#tpu.dimension_semantics<arbitrary>], iteration_bounds = array<i64: 10>, scalar_prefetch = 0 : i64, scratch_operands = 0 : i64, tpu.core_type = #tpu.core_type<tc>, window_params = [{transform_indices = @transform_0, window_bounds = array<i64: 1024, 128>}, {pipeline_mode = #tpu.pipeline_mode<synchronous>, transform_indices = @transform_1, window_bounds = array<i64: 128, 256>}, {pipeline_mode = #tpu.pipeline_mode<synchronous>, transform_indices = @transform_2, window_bounds = array<i64: 1, 256>}, {transform_indices = @transform_3, window_bounds = array<i64: 1024, 256>}]} {
    %get3A = arith.constant 0 : index
    %get3A_0 = arith.constant 0 : index
    %get3A_1 = vector.load %arg1[%get3A, %get3A_0] : memref<1024x128xf32, #tpu.memory_space<vmem>>, vector<1024x128xf32>
    %get3A_2 = arith.constant 0 : index
    %get3A_3 = arith.constant 0 : index
    %get3A_4 = vector.load %arg2[%get3A_2, %get3A_3] : memref<128x256xf32, #tpu.memory_space<vmem>>, vector<128x256xf32>
    %dot_general3A = arith.constant dense<0.000000e+00> : vector<1024x256xf32>
    %dot_general3A_5 = tpu.matmul %get3A_1, %get3A_4, %dot_general3A {dimension_numbers = #tpu.dot_dimension_numbers<[1], [0], [0], [1], [0, 0, 1, 1], [], []>, transpose_lhs_hint = false} : vector<1024x128xf32>, vector<128x256xf32>, vector<1024x256xf32> -> vector<1024x256xf32>
    %get3A_6 = arith.constant 0 : index
    %get3A_7 = arith.constant 0 : index
    %get3A_8 = vector.load %arg3[%get3A_6, %get3A_7] : memref<1x256xf32, #tpu.memory_space<vmem>>, vector<1x256xf32>
    %add3A = vector.broadcast %get3A_8 : vector<1x256xf32> to vector<1024x256xf32>
    %add3A_9 = arith.addf %dot_general3A_5, %add3A : vector<1024x256xf32>
    %swap3A = arith.constant 0 : index
    %swap3A_10 = arith.constant 0 : index
    %swap3A_11 = vector.load %arg4[%swap3A, %swap3A_10] : memref<1024x256xf32, #tpu.memory_space<vmem>>, vector<1024x256xf32>
    tpu.vector_store %arg4[%swap3A, %swap3A_10], %add3A_9 {strides = array<i32>} : memref<1024x256xf32, #tpu.memory_space<vmem>>, vector<1024x256xf32>,
    return
  }
  func.func @transform_0(%arg0: i32) -> (i32, i32) {
    %c0_i32 = arith.constant 0 : i32
    %c0_i32_0 = arith.constant 0 : i32
    return %arg0, %c0_i32 : i32, i32
  }
  func.func @transform_1(%arg0: i32) -> (i32, i32) {
    %c0_i32 = arith.constant 0 : i32
    %c0_i32_0 = arith.constant 0 : i32
    %c0_i32_1 = arith.constant 0 : i32
    return %c0_i32, %c0_i32_0 : i32, i32
  }
  func.func @transform_2(%arg0: i32) -> (i32, i32) {
    %c0_i32 = arith.constant 0 : i32
    %c0_i32_0 = arith.constant 0 : i32
    %c0_i32_1 = arith.constant 0 : i32
    return %c0_i32, %c0_i32_0 : i32, i32
  }
  func.func @transform_3(%arg0: i32) -> (i32, i32) {
    %c0_i32 = arith.constant 0 : i32
    %c0_i32_0 = arith.constant 0 : i32
    return %arg0, %c0_i32 : i32, i32
  }
}

module attributes {stable_mosaic.version = 14 : i64} {
  func.func @_ab_body(%arg0: i32, %arg1: memref<1024x256xf32, #tpu.memory_space<vmem>>, %arg2: memref<256x256xf32, #tpu.memory_space<vmem>>, %arg3: memref<256x256xf32, #tpu.memory_space<vmem>>, %arg4: memref<1024x256xf32, #tpu.memory_space<vmem>>, %arg5: memref<1024x256xf32, #tpu.memory_space<vmem>>) attributes {dimension_semantics = [#tpu.dimension_semantics<arbitrary>], iteration_bounds = array<i64: 10>, scalar_prefetch = 0 : i64, scratch_operands = 0 : i64, tpu.core_type = #tpu.core_type<tc>, window_params = [{transform_indices = @transform_0, window_bounds = array<i64: 1024, 256>}, {pipeline_mode = #tpu.pipeline_mode<synchronous>, transform_indices = @transform_1, window_bounds = array<i64: 256, 256>}, {pipeline_mode = #tpu.pipeline_mode<synchronous>, transform_indices = @transform_2, window_bounds = array<i64: 256, 256>}, {transform_indices = @transform_3, window_bounds = array<i64: 1024, 256>}, {transform_indices = @transform_4, window_bounds = array<i64: 1024, 256>}]} {
    %get3A = arith.constant 0 : index
    %get3A_0 = arith.constant 0 : index
    %get3A_1 = vector.load %arg1[%get3A, %get3A_0] : memref<1024x256xf32, #tpu.memory_space<vmem>>, vector<1024x256xf32>
    %get3A_2 = arith.constant 0 : index
    %get3A_3 = arith.constant 0 : index
    %get3A_4 = vector.load %arg2[%get3A_2, %get3A_3] : memref<256x256xf32, #tpu.memory_space<vmem>>, vector<256x256xf32>
    %dot_general3A = arith.constant dense<0.000000e+00> : vector<1024x256xf32>
    %dot_general3A_5 = tpu.matmul %get3A_1, %get3A_4, %dot_general3A {dimension_numbers = #tpu.dot_dimension_numbers<[1], [0], [0], [1], [0, 0, 1, 1], [], []>, transpose_lhs_hint = false} : vector<1024x256xf32>, vector<256x256xf32>, vector<1024x256xf32> -> vector<1024x256xf32>
    %swap3A = arith.constant 0 : index
    %swap3A_6 = arith.constant 0 : index
    %swap3A_7 = vector.load %arg4[%swap3A, %swap3A_6] : memref<1024x256xf32, #tpu.memory_space<vmem>>, vector<1024x256xf32>
    tpu.vector_store %arg4[%swap3A, %swap3A_6], %dot_general3A_5 {strides = array<i32>} : memref<1024x256xf32, #tpu.memory_space<vmem>>, vector<1024x256xf32>,
    %get3A_8 = arith.constant 0 : index
    %get3A_9 = arith.constant 0 : index
    %get3A_10 = vector.load %arg3[%get3A_8, %get3A_9] : memref<256x256xf32, #tpu.memory_space<vmem>>, vector<256x256xf32>
    %dot_general3A_11 = arith.constant dense<0.000000e+00> : vector<1024x256xf32>
    %dot_general3A_12 = tpu.matmul %get3A_1, %get3A_10, %dot_general3A_11 {dimension_numbers = #tpu.dot_dimension_numbers<[1], [0], [0], [1], [0, 0, 1, 1], [], []>, transpose_lhs_hint = false} : vector<1024x256xf32>, vector<256x256xf32>, vector<1024x256xf32> -> vector<1024x256xf32>
    %swap3A_13 = arith.constant 0 : index
    %swap3A_14 = arith.constant 0 : index
    %swap3A_15 = vector.load %arg5[%swap3A_13, %swap3A_14] : memref<1024x256xf32, #tpu.memory_space<vmem>>, vector<1024x256xf32>
    tpu.vector_store %arg5[%swap3A_13, %swap3A_14], %dot_general3A_12 {strides = array<i32>} : memref<1024x256xf32, #tpu.memory_space<vmem>>, vector<1024x256xf32>,
    return
  }
  func.func @transform_0(%arg0: i32) -> (i32, i32) {
    %c0_i32 = arith.constant 0 : i32
    %c0_i32_0 = arith.constant 0 : i32
    return %arg0, %c0_i32 : i32, i32
  }
  func.func @transform_1(%arg0: i32) -> (i32, i32) {
    %c0_i32 = arith.constant 0 : i32
    %c0_i32_0 = arith.constant 0 : i32
    %c0_i32_1 = arith.constant 0 : i32
    return %c0_i32, %c0_i32_0 : i32, i32
  }
  func.func @transform_2(%arg0: i32) -> (i32, i32) {
    %c0_i32 = arith.constant 0 : i32
    %c0_i32_0 = arith.constant 0 : i32
    %c0_i32_1 = arith.constant 0 : i32
    return %c0_i32, %c0_i32_0 : i32, i32
  }
  func.func @transform_3(%arg0: i32) -> (i32, i32) {
    %c0_i32 = arith.constant 0 : i32
    %c0_i32_0 = arith.constant 0 : i32
    return %arg0, %c0_i32 : i32, i32
  }
  func.func @transform_4(%arg0: i32) -> (i32, i32) {
    %c0_i32 = arith.constant 0 : i32
    %c0_i32_0 = arith.constant 0 : i32
    return %arg0, %c0_i32 : i32, i32
  }
}

module attributes {stable_mosaic.version = 14 : i64} {
  func.func @_edge_body(%arg0: i32, %arg1: memref<512x256xf32, #tpu.memory_space<vmem>>, %arg2: memref<512x256xf32, #tpu.memory_space<vmem>>, %arg3: memref<512x16xf32, #tpu.memory_space<vmem>>, %arg4: memref<512x16xf32, #tpu.memory_space<vmem>>, %arg5: memref<16x256xf32, #tpu.memory_space<vmem>>, %arg6: memref<1x256xf32, #tpu.memory_space<vmem>>, %arg7: memref<1x256xf32, #tpu.memory_space<vmem>>, %arg8: memref<256x256xf32, #tpu.memory_space<vmem>>, %arg9: memref<1x256xf32, #tpu.memory_space<vmem>>, %arg10: memref<256x256xf32, #tpu.memory_space<vmem>>, %arg11: memref<1x256xf32, #tpu.memory_space<vmem>>, %arg12: memref<1x256xf32, #tpu.memory_space<vmem>>, %arg13: memref<512x256xf32, #tpu.memory_space<vmem>>, %arg14: memref<512x128xf32, #tpu.memory_space<vmem>>) attributes {dimension_semantics = [#tpu.dimension_semantics<arbitrary>], iteration_bounds = array<i64: 625>, scalar_prefetch = 0 : i64, scratch_operands = 0 : i64, tpu.core_type = #tpu.core_type<tc>, window_params = [{transform_indices = @transform_0, window_bounds = array<i64: 512, 256>}, {transform_indices = @transform_1, window_bounds = array<i64: 512, 256>}, {transform_indices = @transform_2, window_bounds = array<i64: 512, 16>}, {transform_indices = @transform_3, window_bounds = array<i64: 512, 16>}, {pipeline_mode = #tpu.pipeline_mode<synchronous>, transform_indices = @transform_4, window_bounds = array<i64: 16, 256>}, {pipeline_mode = #tpu.pipeline_mode<synchronous>, transform_indices = @transform_5, window_bounds = array<i64: 1, 256>}, {pipeline_mode = #tpu.pipeline_mode<synchronous>, transform_indices = @transform_6, window_bounds = array<i64: 1, 256>}, {pipeline_mode = #tpu.pipeline_mode<synchronous>, transform_indices = @transform_7, window_bounds = array<i64: 256, 256>}, {pipeline_mode = #tpu.pipeline_mode<synchronous>, transform_indices = @transform_8, window_bounds = array<i64: 1, 256>}, {pipeline_mode = #tpu.pipeline_mode<synchronous>, transform_indices = @transform_9, window_bounds = array<i64: 256, 256>}, {pipeline_mode = #tpu.pipeline_mode<synchronous>, transform_indices = @transform_10, window_bounds = array<i64: 1, 256>}, {pipeline_mode = #tpu.pipeline_mode<synchronous>, transform_indices = @transform_11, window_bounds = array<i64: 1, 256>}, {transform_indices = @transform_12, window_bounds = array<i64: 512, 256>}, {transform_indices = @transform_13, window_bounds = array<i64: 512, 128>}]} {
    %get3A = arith.constant 0 : index
    %get3A_0 = arith.constant 0 : index
    %get3A_1 = vector.load %arg3[%get3A, %get3A_0] : memref<512x16xf32, #tpu.memory_space<vmem>>, vector<512x16xf32>
    %mul3A = arith.mulf %get3A_1, %get3A_1 : vector<512x16xf32>
    %reduce_sum3A = arith.constant dense<0.000000e+00> : vector<512xf32>
    %reduce_sum3A_2 = vector.multi_reduction <add>, %mul3A, %reduce_sum3A [1] : vector<512x16xf32> to vector<512xf32>
    %broadcast_in_dim3A = vector.shape_cast %reduce_sum3A_2 : vector<512xf32> to vector<512x1xf32>
    %get3A_3 = arith.constant 0 : index
    %get3A_4 = arith.constant 0 : index
    %get3A_5 = vector.load %arg1[%get3A_3, %get3A_4] : memref<512x256xf32, #tpu.memory_space<vmem>>, vector<512x256xf32>
    %get3A_6 = arith.constant 0 : index
    %get3A_7 = arith.constant 0 : index
    %get3A_8 = vector.load %arg2[%get3A_6, %get3A_7] : memref<512x256xf32, #tpu.memory_space<vmem>>, vector<512x256xf32>
    %add3A = arith.addf %get3A_5, %get3A_8 : vector<512x256xf32>
    %convert_element_type3A = arith.truncf %broadcast_in_dim3A : vector<512x1xf32> to vector<512x1xbf16>
    %convert_element_type3A_9 = arith.extf %convert_element_type3A : vector<512x1xbf16> to vector<512x1xf32>
    %get3A_10 = arith.constant 0 : index
    %get3A_11 = arith.constant 0 : index
    %get3A_12 = vector.load %arg7[%get3A_10, %get3A_11] : memref<1x256xf32, #tpu.memory_space<vmem>>, vector<1x256xf32>
    %convert_element_type3A_13 = arith.truncf %get3A_12 : vector<1x256xf32> to vector<1x256xbf16>
    %convert_element_type3A_14 = arith.extf %convert_element_type3A_13 : vector<1x256xbf16> to vector<1x256xf32>
    %mul3A_15 = vector.broadcast %convert_element_type3A_9 : vector<512x1xf32> to vector<512x256xf32>
    %mul3A_16 = vector.broadcast %convert_element_type3A_14 : vector<1x256xf32> to vector<512x256xf32>
    %mul3A_17 = arith.mulf %mul3A_15, %mul3A_16 : vector<512x256xf32>
    %add3A_18 = arith.addf %add3A, %mul3A_17 : vector<512x256xf32>
    %get3A_19 = arith.constant 0 : index
    %get3A_20 = arith.constant 0 : index
    %get3A_21 = vector.load %arg4[%get3A_19, %get3A_20] : memref<512x16xf32, #tpu.memory_space<vmem>>, vector<512x16xf32>
    %get3A_22 = arith.constant 0 : index
    %get3A_23 = arith.constant 0 : index
    %get3A_24 = vector.load %arg5[%get3A_22, %get3A_23] : memref<16x256xf32, #tpu.memory_space<vmem>>, vector<16x256xf32>
    %dot_general3A = arith.constant dense<0.000000e+00> : vector<512x256xf32>
    %dot_general3A_25 = tpu.matmul %get3A_21, %get3A_24, %dot_general3A {dimension_numbers = #tpu.dot_dimension_numbers<[1], [0], [0], [1], [0, 0, 1, 1], [], []>, transpose_lhs_hint = false} : vector<512x16xf32>, vector<16x256xf32>, vector<512x256xf32> -> vector<512x256xf32>
    %add3A_26 = arith.addf %add3A_18, %dot_general3A_25 : vector<512x256xf32>
    %get3A_27 = arith.constant 0 : index
    %get3A_28 = arith.constant 0 : index
    %get3A_29 = vector.load %arg6[%get3A_27, %get3A_28] : memref<1x256xf32, #tpu.memory_space<vmem>>, vector<1x256xf32>
    %add3A_30 = vector.broadcast %get3A_29 : vector<1x256xf32> to vector<512x256xf32>
    %add3A_31 = arith.addf %add3A_26, %add3A_30 : vector<512x256xf32>
    %logistic3A = arith.negf %add3A_31 : vector<512x256xf32>
    %logistic3A_32 = math.exp %logistic3A : vector<512x256xf32>
    %logistic3A_33 = arith.constant 1.000000e+00 : f32
    %logistic3A_34 = vector.broadcast %logistic3A_33 : f32 to vector<512x256xf32>
    %logistic3A_35 = arith.addf %logistic3A_34, %logistic3A_32 : vector<512x256xf32>
    %logistic3A_36 = arith.divf %logistic3A_34, %logistic3A_35 : vector<512x256xf32>
    %mul3A_37 = arith.mulf %add3A_31, %logistic3A_36 : vector<512x256xf32>
    %get3A_38 = arith.constant 0 : index
    %get3A_39 = arith.constant 0 : index
    %get3A_40 = vector.load %arg8[%get3A_38, %get3A_39] : memref<256x256xf32, #tpu.memory_space<vmem>>, vector<256x256xf32>
    %dot_general3A_41 = arith.constant dense<0.000000e+00> : vector<512x256xf32>
    %dot_general3A_42 = tpu.matmul %mul3A_37, %get3A_40, %dot_general3A_41 {dimension_numbers = #tpu.dot_dimension_numbers<[1], [0], [0], [1], [0, 0, 1, 1], [], []>, transpose_lhs_hint = false} : vector<512x256xf32>, vector<256x256xf32>, vector<512x256xf32> -> vector<512x256xf32>
    %get3A_43 = arith.constant 0 : index
    %get3A_44 = arith.constant 0 : index
    %get3A_45 = vector.load %arg9[%get3A_43, %get3A_44] : memref<1x256xf32, #tpu.memory_space<vmem>>, vector<1x256xf32>
    %add3A_46 = vector.broadcast %get3A_45 : vector<1x256xf32> to vector<512x256xf32>
    %add3A_47 = arith.addf %dot_general3A_42, %add3A_46 : vector<512x256xf32>
    %logistic3A_48 = arith.negf %add3A_47 : vector<512x256xf32>
    %logistic3A_49 = math.exp %logistic3A_48 : vector<512x256xf32>
    %logistic3A_50 = arith.constant 1.000000e+00 : f32
    %logistic3A_51 = vector.broadcast %logistic3A_50 : f32 to vector<512x256xf32>
    %logistic3A_52 = arith.addf %logistic3A_51, %logistic3A_49 : vector<512x256xf32>
    %logistic3A_53 = arith.divf %logistic3A_51, %logistic3A_52 : vector<512x256xf32>
    %mul3A_54 = arith.mulf %add3A_47, %logistic3A_53 : vector<512x256xf32>
    %get3A_55 = arith.constant 0 : index
    %get3A_56 = arith.constant 0 : index
    %get3A_57 = vector.load %arg10[%get3A_55, %get3A_56] : memref<256x256xf32, #tpu.memory_space<vmem>>, vector<256x256xf32>
    %dot_general3A_58 = arith.constant dense<0.000000e+00> : vector<512x256xf32>
    %dot_general3A_59 = tpu.matmul %mul3A_54, %get3A_57, %dot_general3A_58 {dimension_numbers = #tpu.dot_dimension_numbers<[1], [0], [0], [1], [0, 0, 1, 1], [], []>, transpose_lhs_hint = false} : vector<512x256xf32>, vector<256x256xf32>, vector<512x256xf32> -> vector<512x256xf32>
    %get3A_60 = arith.constant 0 : index
    %get3A_61 = arith.constant 0 : index
    %get3A_62 = vector.load %arg11[%get3A_60, %get3A_61] : memref<1x256xf32, #tpu.memory_space<vmem>>, vector<1x256xf32>
    %add3A_63 = vector.broadcast %get3A_62 : vector<1x256xf32> to vector<512x256xf32>
    %add3A_64 = arith.addf %dot_general3A_59, %add3A_63 : vector<512x256xf32>
    %logistic3A_65 = arith.negf %add3A_64 : vector<512x256xf32>
    %logistic3A_66 = math.exp %logistic3A_65 : vector<512x256xf32>
    %logistic3A_67 = arith.constant 1.000000e+00 : f32
    %logistic3A_68 = vector.broadcast %logistic3A_67 : f32 to vector<512x256xf32>
    %logistic3A_69 = arith.addf %logistic3A_68, %logistic3A_66 : vector<512x256xf32>
    %logistic3A_70 = arith.divf %logistic3A_68, %logistic3A_69 : vector<512x256xf32>
    %mul3A_71 = arith.mulf %add3A_64, %logistic3A_70 : vector<512x256xf32>
    %convert_element_type3A_72 = arith.truncf %mul3A_71 : vector<512x256xf32> to vector<512x256xbf16>
    %convert_element_type3A_73 = arith.extf %convert_element_type3A_72 : vector<512x256xbf16> to vector<512x256xf32>
    %get3A_74 = arith.constant 0 : index
    %get3A_75 = arith.constant 0 : index
    %get3A_76 = vector.load %arg12[%get3A_74, %get3A_75] : memref<1x256xf32, #tpu.memory_space<vmem>>, vector<1x256xf32>
    %convert_element_type3A_77 = arith.truncf %get3A_76 : vector<1x256xf32> to vector<1x256xbf16>
    %convert_element_type3A_78 = arith.extf %convert_element_type3A_77 : vector<1x256xbf16> to vector<1x256xf32>
    %mul3A_79 = vector.broadcast %convert_element_type3A_78 : vector<1x256xf32> to vector<512x256xf32>
    %mul3A_80 = arith.mulf %convert_element_type3A_73, %mul3A_79 : vector<512x256xf32>
    %reduce_sum3A_81 = arith.constant dense<0.000000e+00> : vector<512xf32>
    %reduce_sum3A_82 = vector.multi_reduction <add>, %mul3A_80, %reduce_sum3A_81 [1] : vector<512x256xf32> to vector<512xf32>
    %broadcast_in_dim3A_83 = vector.shape_cast %reduce_sum3A_82 : vector<512xf32> to vector<512x1xf32>
    %iota3A = tpu.iota {dimensions = array<i32: 1>} : vector<512x16xi32>
    %mul3A_84 = vector.broadcast %broadcast_in_dim3A_83 : vector<512x1xf32> to vector<512x16xf32>
    %mul3A_85 = arith.mulf %get3A_1, %mul3A_84 : vector<512x16xf32>
    %eq3A = arith.constant 3 : i32
    %eq3A_86 = vector.broadcast %eq3A : i32 to vector<512x16xi32>
    %eq3A_87 = arith.cmpi eq, %iota3A, %eq3A_86 : vector<512x16xi32>
    %jit3A = arith.constant 1.000000e+00 : f32
    %jit3A_88 = arith.constant 0.000000e+00 : f32
    %broadcast_in_dim3A_89 = vector.broadcast %jit3A : f32 to vector<512x16xf32>
    %broadcast_in_dim3A_90 = vector.broadcast %jit3A_88 : f32 to vector<512x16xf32>
    %select_n3A = arith.select %eq3A_87, %broadcast_in_dim3A_89, %broadcast_in_dim3A_90 : vector<512x16xi1>, vector<512x16xf32>
    %add3A_91 = arith.addf %mul3A_85, %select_n3A : vector<512x16xf32>
    %pad3A = arith.constant 0.000000e+00 : f32
    %pad3A_92 = vector.broadcast %pad3A : f32 to vector<512x112xf32>
    %pad3A_93 = tpu.concatenate %add3A_91, %pad3A_92 in 1 : vector<512x16xf32>, vector<512x112xf32> -> vector<512x128xf32>
    %swap3A = arith.constant 0 : index
    %swap3A_94 = arith.constant 0 : index
    %swap3A_95 = vector.load %arg14[%swap3A, %swap3A_94] : memref<512x128xf32, #tpu.memory_space<vmem>>, vector<512x128xf32>
    tpu.vector_store %arg14[%swap3A, %swap3A_94], %pad3A_93 {strides = array<i32>} : memref<512x128xf32, #tpu.memory_space<vmem>>, vector<512x128xf32>,
    %swap3A_96 = arith.constant 0 : index
    %swap3A_97 = arith.constant 0 : index
    %swap3A_98 = vector.load %arg13[%swap3A_96, %swap3A_97] : memref<512x256xf32, #tpu.memory_space<vmem>>, vector<512x256xf32>
    tpu.vector_store %arg13[%swap3A_96, %swap3A_97], %mul3A_54 {strides = array<i32>} : memref<512x256xf32, #tpu.memory_space<vmem>>, vector<512x256xf32>,
    return
  }
  func.func @transform_0(%arg0: i32) -> (i32, i32) {
    %c0_i32 = arith.constant 0 : i32
    %c0_i32_0 = arith.constant 0 : i32
    return %arg0, %c0_i32 : i32, i32
  }
  func.func @transform_1(%arg0: i32) -> (i32, i32) {
    %c0_i32 = arith.constant 0 : i32
    %c0_i32_0 = arith.constant 0 : i32
    return %arg0, %c0_i32 : i32, i32
  }
  func.func @transform_2(%arg0: i32) -> (i32, i32) {
    %c0_i32 = arith.constant 0 : i32
    %c0_i32_0 = arith.constant 0 : i32
    return %arg0, %c0_i32 : i32, i32
  }
  func.func @transform_3(%arg0: i32) -> (i32, i32) {
    %c0_i32 = arith.constant 0 : i32
    %c0_i32_0 = arith.constant 0 : i32
    return %arg0, %c0_i32 : i32, i32
  }
  func.func @transform_4(%arg0: i32) -> (i32, i32) {
    %c0_i32 = arith.constant 0 : i32
    %c0_i32_0 = arith.constant 0 : i32
    %c0_i32_1 = arith.constant 0 : i32
    return %c0_i32, %c0_i32_0 : i32, i32
  }
  func.func @transform_5(%arg0: i32) -> (i32, i32) {
    %c0_i32 = arith.constant 0 : i32
    %c0_i32_0 = arith.constant 0 : i32
    %c0_i32_1 = arith.constant 0 : i32
    return %c0_i32, %c0_i32_0 : i32, i32
  }
  func.func @transform_6(%arg0: i32) -> (i32, i32) {
    %c0_i32 = arith.constant 0 : i32
    %c0_i32_0 = arith.constant 0 : i32
    %c0_i32_1 = arith.constant 0 : i32
    return %c0_i32, %c0_i32_0 : i32, i32
  }
  func.func @transform_7(%arg0: i32) -> (i32, i32) {
    %c0_i32 = arith.constant 0 : i32
    %c0_i32_0 = arith.constant 0 : i32
    %c0_i32_1 = arith.constant 0 : i32
    return %c0_i32, %c0_i32_0 : i32, i32
  }
  func.func @transform_8(%arg0: i32) -> (i32, i32) {
    %c0_i32 = arith.constant 0 : i32
    %c0_i32_0 = arith.constant 0 : i32
    %c0_i32_1 = arith.constant 0 : i32
    return %c0_i32, %c0_i32_0 : i32, i32
  }
  func.func @transform_9(%arg0: i32) -> (i32, i32) {
    %c0_i32 = arith.constant 0 : i32
    %c0_i32_0 = arith.constant 0 : i32
    %c0_i32_1 = arith.constant 0 : i32
    return %c0_i32, %c0_i32_0 : i32, i32
  }
  func.func @transform_10(%arg0: i32) -> (i32, i32) {
    %c0_i32 = arith.constant 0 : i32
    %c0_i32_0 = arith.constant 0 : i32
    %c0_i32_1 = arith.constant 0 : i32
    return %c0_i32, %c0_i32_0 : i32, i32
  }
  func.func @transform_11(%arg0: i32) -> (i32, i32) {
    %c0_i32 = arith.constant 0 : i32
    %c0_i32_0 = arith.constant 0 : i32
    %c0_i32_1 = arith.constant 0 : i32
    return %c0_i32, %c0_i32_0 : i32, i32
  }
  func.func @transform_12(%arg0: i32) -> (i32, i32) {
    %c0_i32 = arith.constant 0 : i32
    %c0_i32_0 = arith.constant 0 : i32
    return %arg0, %c0_i32 : i32, i32
  }
  func.func @transform_13(%arg0: i32) -> (i32, i32) {
    %c0_i32 = arith.constant 0 : i32
    %c0_i32_0 = arith.constant 0 : i32
    return %arg0, %c0_i32 : i32, i32
  }
}

module attributes {stable_mosaic.version = 14 : i64} {
  func.func @_node_body2(%arg0: i32, %arg1: memref<1024x256xf32, #tpu.memory_space<vmem>>, %arg2: memref<1024x256xf32, #tpu.memory_space<vmem>>, %arg3: memref<2x1024x128xf32, #tpu.memory_space<vmem>>, %arg4: memref<1024x128xf32, #tpu.memory_space<vmem>>, %arg5: memref<1024x128xf32, #tpu.memory_space<vmem>>, %arg6: memref<256x256xf32, #tpu.memory_space<vmem>>, %arg7: memref<1x256xf32, #tpu.memory_space<vmem>>, %arg8: memref<1x256xf32, #tpu.memory_space<vmem>>, %arg9: memref<1x1xf32, #tpu.memory_space<vmem>>, %arg10: memref<256x256xf32, #tpu.memory_space<vmem>>, %arg11: memref<256x256xf32, #tpu.memory_space<vmem>>, %arg12: memref<1x256xf32, #tpu.memory_space<vmem>>, %arg13: memref<256x256xf32, #tpu.memory_space<vmem>>, %arg14: memref<1x256xf32, #tpu.memory_space<vmem>>, %arg15: memref<1024x256xf32, #tpu.memory_space<vmem>>, %arg16: memref<1024x128xf32, #tpu.memory_space<vmem>>) attributes {dimension_semantics = [#tpu.dimension_semantics<arbitrary>], iteration_bounds = array<i64: 10>, scalar_prefetch = 0 : i64, scratch_operands = 0 : i64, tpu.core_type = #tpu.core_type<tc>, window_params = [{transform_indices = @transform_0, window_bounds = array<i64: 1024, 256>}, {transform_indices = @transform_1, window_bounds = array<i64: 1024, 256>}, {transform_indices = @transform_2, window_bounds = array<i64: 2, 1024, 128>}, {transform_indices = @transform_3, window_bounds = array<i64: 1024, 128>}, {transform_indices = @transform_4, window_bounds = array<i64: 1024, 128>}, {pipeline_mode = #tpu.pipeline_mode<synchronous>, transform_indices = @transform_5, window_bounds = array<i64: 256, 256>}, {pipeline_mode = #tpu.pipeline_mode<synchronous>, transform_indices = @transform_6, window_bounds = array<i64: 1, 256>}, {pipeline_mode = #tpu.pipeline_mode<synchronous>, transform_indices = @transform_7, window_bounds = array<i64: 1, 256>}, {pipeline_mode = #tpu.pipeline_mode<synchronous>, transform_indices = @transform_8, window_bounds = array<i64: 1, 1>}, {pipeline_mode = #tpu.pipeline_mode<synchronous>, transform_indices = @transform_9, window_bounds = array<i64: 256, 256>}, {pipeline_mode = #tpu.pipeline_mode<synchronous>, transform_indices = @transform_10, window_bounds = array<i64: 256, 256>}, {pipeline_mode = #tpu.pipeline_mode<synchronous>, transform_indices = @transform_11, window_bounds = array<i64: 1, 256>}, {pipeline_mode = #tpu.pipeline_mode<synchronous>, transform_indices = @transform_12, window_bounds = array<i64: 256, 256>}, {pipeline_mode = #tpu.pipeline_mode<synchronous>, transform_indices = @transform_13, window_bounds = array<i64: 1, 256>}, {transform_indices = @transform_14, window_bounds = array<i64: 1024, 256>}, {transform_indices = @transform_15, window_bounds = array<i64: 1024, 128>}]} {
    %get3A = arith.constant 0 : index
    %get3A_0 = arith.constant 0 : index
    %get3A_1 = vector.load %arg1[%get3A, %get3A_0] : memref<1024x256xf32, #tpu.memory_space<vmem>>, vector<1024x256xf32>
    %get3A_2 = arith.constant 0 : index
    %get3A_3 = arith.constant 0 : index
    %get3A_4 = vector.load %arg6[%get3A_2, %get3A_3] : memref<256x256xf32, #tpu.memory_space<vmem>>, vector<256x256xf32>
    %dot_general3A = arith.constant dense<0.000000e+00> : vector<1024x256xf32>
    %dot_general3A_5 = tpu.matmul %get3A_1, %get3A_4, %dot_general3A {dimension_numbers = #tpu.dot_dimension_numbers<[1], [0], [0], [1], [0, 0, 1, 1], [], []>, transpose_lhs_hint = false} : vector<1024x256xf32>, vector<256x256xf32>, vector<1024x256xf32> -> vector<1024x256xf32>
    %get3A_6 = arith.constant 0 : index
    %get3A_7 = arith.constant 0 : index
    %get3A_8 = vector.load %arg7[%get3A_6, %get3A_7] : memref<1x256xf32, #tpu.memory_space<vmem>>, vector<1x256xf32>
    %add3A = vector.broadcast %get3A_8 : vector<1x256xf32> to vector<1024x256xf32>
    %add3A_9 = arith.addf %dot_general3A_5, %add3A : vector<1024x256xf32>
    %logistic3A = arith.negf %add3A_9 : vector<1024x256xf32>
    %logistic3A_10 = math.exp %logistic3A : vector<1024x256xf32>
    %logistic3A_11 = arith.constant 1.000000e+00 : f32
    %logistic3A_12 = vector.broadcast %logistic3A_11 : f32 to vector<1024x256xf32>
    %logistic3A_13 = arith.addf %logistic3A_12, %logistic3A_10 : vector<1024x256xf32>
    %logistic3A_14 = arith.divf %logistic3A_12, %logistic3A_13 : vector<1024x256xf32>
    %mul3A = arith.mulf %add3A_9, %logistic3A_14 : vector<1024x256xf32>
    %convert_element_type3A = arith.truncf %mul3A : vector<1024x256xf32> to vector<1024x256xbf16>
    %convert_element_type3A_15 = arith.extf %convert_element_type3A : vector<1024x256xbf16> to vector<1024x256xf32>
    %get3A_16 = arith.constant 0 : index
    %get3A_17 = arith.constant 0 : index
    %get3A_18 = vector.load %arg8[%get3A_16, %get3A_17] : memref<1x256xf32, #tpu.memory_space<vmem>>, vector<1x256xf32>
    %convert_element_type3A_19 = arith.truncf %get3A_18 : vector<1x256xf32> to vector<1x256xbf16>
    %convert_element_type3A_20 = arith.extf %convert_element_type3A_19 : vector<1x256xbf16> to vector<1x256xf32>
    %mul3A_21 = vector.broadcast %convert_element_type3A_20 : vector<1x256xf32> to vector<1024x256xf32>
    %mul3A_22 = arith.mulf %convert_element_type3A_15, %mul3A_21 : vector<1024x256xf32>
    %reduce_sum3A = arith.constant dense<0.000000e+00> : vector<1024xf32>
    %reduce_sum3A_23 = vector.multi_reduction <add>, %mul3A_22, %reduce_sum3A [1] : vector<1024x256xf32> to vector<1024xf32>
    %broadcast_in_dim3A = vector.shape_cast %reduce_sum3A_23 : vector<1024xf32> to vector<1024x1xf32>
    %get3A_24 = arith.constant 0 : index
    %get3A_25 = arith.constant 0 : index
    %get3A_26 = vector.load %arg9[%get3A_24, %get3A_25] : memref<1x1xf32, #tpu.memory_space<vmem>>, vector<1x1xf32>
    %add3A_27 = vector.broadcast %get3A_26 : vector<1x1xf32> to vector<1024x1xf32>
    %add3A_28 = arith.addf %broadcast_in_dim3A, %add3A_27 : vector<1024x1xf32>
    %get3A_29 = arith.constant 0 : index
    %get3A_30 = arith.constant 0 : index
    %get3A_31 = arith.constant 0 : index
    %get3A_32 = vector.load %arg3[%get3A_29, %get3A_30, %get3A_31] : memref<2x1024x128xf32, #tpu.memory_space<vmem>>, vector<1x1024x128xf32>
    %get3A_33 = vector.shape_cast %get3A_32 : vector<1x1024x128xf32> to vector<1024x128xf32>
    %get3A_34 = arith.constant 1 : index
    %get3A_35 = arith.constant 0 : index
    %get3A_36 = arith.constant 0 : index
    %get3A_37 = vector.load %arg3[%get3A_34, %get3A_35, %get3A_36] : memref<2x1024x128xf32, #tpu.memory_space<vmem>>, vector<1x1024x128xf32>
    %get3A_38 = vector.shape_cast %get3A_37 : vector<1x1024x128xf32> to vector<1024x128xf32>
    %add3A_39 = arith.addf %get3A_33, %get3A_38 : vector<1024x128xf32>
    %iota3A = tpu.iota {dimensions = array<i32: 1>} : vector<1024x128xi32>
    %eq3A = arith.constant 3 : i32
    %eq3A_40 = vector.broadcast %eq3A : i32 to vector<1024x128xi32>
    %eq3A_41 = arith.cmpi eq, %iota3A, %eq3A_40 : vector<1024x128xi32>
    %jit3A = arith.constant 0.000000e+00 : f32
    %broadcast_in_dim3A_42 = vector.broadcast %jit3A : f32 to vector<1024x128xf32>
    %select_n3A = arith.select %eq3A_41, %add3A_39, %broadcast_in_dim3A_42 : vector<1024x128xi1>, vector<1024x128xf32>
    %reduce_sum3A_43 = arith.constant dense<0.000000e+00> : vector<1024xf32>
    %reduce_sum3A_44 = vector.multi_reduction <add>, %select_n3A, %reduce_sum3A_43 [1] : vector<1024x128xf32> to vector<1024xf32>
    %broadcast_in_dim3A_45 = vector.shape_cast %reduce_sum3A_44 : vector<1024xf32> to vector<1024x1xf32>
    %lt3A = arith.constant 3 : i32
    %lt3A_46 = vector.broadcast %lt3A : i32 to vector<1024x128xi32>
    %lt3A_47 = arith.cmpi slt, %iota3A, %lt3A_46 : vector<1024x128xi32>
    %jit3A_48 = arith.constant 0.000000e+00 : f32
    %broadcast_in_dim3A_49 = vector.broadcast %jit3A_48 : f32 to vector<1024x128xf32>
    %select_n3A_50 = arith.select %lt3A_47, %add3A_39, %broadcast_in_dim3A_49 : vector<1024x128xi1>, vector<1024x128xf32>
    %max3A = arith.constant 1.000000e+00 : f32
    %max3A_51 = vector.broadcast %max3A : f32 to vector<1024x1xf32>
    %max3A_52 = arith.maximumf %broadcast_in_dim3A_45, %max3A_51 : vector<1024x1xf32>
    %div3A = vector.broadcast %max3A_52 : vector<1024x1xf32> to vector<1024x128xf32>
    %div3A_53 = arith.divf %select_n3A_50, %div3A : vector<1024x128xf32>
    %get3A_54 = arith.constant 0 : index
    %get3A_55 = arith.constant 0 : index
    %get3A_56 = vector.load %arg4[%get3A_54, %get3A_55] : memref<1024x128xf32, #tpu.memory_space<vmem>>, vector<1024x128xf32>
    %mul3A_57 = arith.constant 1.000000e+00 : f32
    %mul3A_58 = vector.broadcast %mul3A_57 : f32 to vector<1024x128xf32>
    %mul3A_59 = arith.mulf %div3A_53, %mul3A_58 : vector<1024x128xf32>
    %add3A_60 = arith.addf %get3A_56, %mul3A_59 : vector<1024x128xf32>
    %get3A_61 = arith.constant 0 : index
    %get3A_62 = arith.constant 0 : index
    %get3A_63 = vector.load %arg5[%get3A_61, %get3A_62] : memref<1024x128xf32, #tpu.memory_space<vmem>>, vector<1024x128xf32>
    %mul3A_64 = vector.broadcast %add3A_28 : vector<1024x1xf32> to vector<1024x128xf32>
    %mul3A_65 = arith.mulf %mul3A_64, %get3A_63 : vector<1024x128xf32>
    %add3A_66 = arith.addf %add3A_60, %mul3A_65 : vector<1024x128xf32>
    %swap3A = arith.constant 0 : index
    %swap3A_67 = arith.constant 0 : index
    %swap3A_68 = vector.load %arg16[%swap3A, %swap3A_67] : memref<1024x128xf32, #tpu.memory_space<vmem>>, vector<1024x128xf32>
    tpu.vector_store %arg16[%swap3A, %swap3A_67], %add3A_66 {strides = array<i32>} : memref<1024x128xf32, #tpu.memory_space<vmem>>, vector<1024x128xf32>,
    %get3A_69 = arith.constant 0 : index
    %get3A_70 = arith.constant 0 : index
    %get3A_71 = vector.load %arg10[%get3A_69, %get3A_70] : memref<256x256xf32, #tpu.memory_space<vmem>>, vector<256x256xf32>
    %dot_general3A_72 = arith.constant dense<0.000000e+00> : vector<1024x256xf32>
    %dot_general3A_73 = tpu.matmul %get3A_1, %get3A_71, %dot_general3A_72 {dimension_numbers = #tpu.dot_dimension_numbers<[1], [0], [0], [1], [0, 0, 1, 1], [], []>, transpose_lhs_hint = false} : vector<1024x256xf32>, vector<256x256xf32>, vector<1024x256xf32> -> vector<1024x256xf32>
    %get3A_74 = arith.constant 0 : index
    %get3A_75 = arith.constant 0 : index
    %get3A_76 = vector.load %arg2[%get3A_74, %get3A_75] : memref<1024x256xf32, #tpu.memory_space<vmem>>, vector<1024x256xf32>
    %get3A_77 = arith.constant 0 : index
    %get3A_78 = arith.constant 0 : index
    %get3A_79 = vector.load %arg11[%get3A_77, %get3A_78] : memref<256x256xf32, #tpu.memory_space<vmem>>, vector<256x256xf32>
    %dot_general3A_80 = arith.constant dense<0.000000e+00> : vector<1024x256xf32>
    %dot_general3A_81 = tpu.matmul %get3A_76, %get3A_79, %dot_general3A_80 {dimension_numbers = #tpu.dot_dimension_numbers<[1], [0], [0], [1], [0, 0, 1, 1], [], []>, transpose_lhs_hint = false} : vector<1024x256xf32>, vector<256x256xf32>, vector<1024x256xf32> -> vector<1024x256xf32>
    %add3A_82 = arith.addf %dot_general3A_73, %dot_general3A_81 : vector<1024x256xf32>
    %get3A_83 = arith.constant 0 : index
    %get3A_84 = arith.constant 0 : index
    %get3A_85 = vector.load %arg12[%get3A_83, %get3A_84] : memref<1x256xf32, #tpu.memory_space<vmem>>, vector<1x256xf32>
    %add3A_86 = vector.broadcast %get3A_85 : vector<1x256xf32> to vector<1024x256xf32>
    %add3A_87 = arith.addf %add3A_82, %add3A_86 : vector<1024x256xf32>
    %logistic3A_88 = arith.negf %add3A_87 : vector<1024x256xf32>
    %logistic3A_89 = math.exp %logistic3A_88 : vector<1024x256xf32>
    %logistic3A_90 = arith.constant 1.000000e+00 : f32
    %logistic3A_91 = vector.broadcast %logistic3A_90 : f32 to vector<1024x256xf32>
    %logistic3A_92 = arith.addf %logistic3A_91, %logistic3A_89 : vector<1024x256xf32>
    %logistic3A_93 = arith.divf %logistic3A_91, %logistic3A_92 : vector<1024x256xf32>
    %mul3A_94 = arith.mulf %add3A_87, %logistic3A_93 : vector<1024x256xf32>
    %get3A_95 = arith.constant 0 : index
    %get3A_96 = arith.constant 0 : index
    %get3A_97 = vector.load %arg13[%get3A_95, %get3A_96] : memref<256x256xf32, #tpu.memory_space<vmem>>, vector<256x256xf32>
    %dot_general3A_98 = arith.constant dense<0.000000e+00> : vector<1024x256xf32>
    %dot_general3A_99 = tpu.matmul %mul3A_94, %get3A_97, %dot_general3A_98 {dimension_numbers = #tpu.dot_dimension_numbers<[1], [0], [0], [1], [0, 0, 1, 1], [], []>, transpose_lhs_hint = false} : vector<1024x256xf32>, vector<256x256xf32>, vector<1024x256xf32> -> vector<1024x256xf32>
    %get3A_100 = arith.constant 0 : index
    %get3A_101 = arith.constant 0 : index
    %get3A_102 = vector.load %arg14[%get3A_100, %get3A_101] : memref<1x256xf32, #tpu.memory_space<vmem>>, vector<1x256xf32>
    %add3A_103 = vector.broadcast %get3A_102 : vector<1x256xf32> to vector<1024x256xf32>
    %add3A_104 = arith.addf %dot_general3A_99, %add3A_103 : vector<1024x256xf32>
    %swap3A_105 = arith.constant 0 : index
    %swap3A_106 = arith.constant 0 : index
    %swap3A_107 = vector.load %arg15[%swap3A_105, %swap3A_106] : memref<1024x256xf32, #tpu.memory_space<vmem>>, vector<1024x256xf32>
    tpu.vector_store %arg15[%swap3A_105, %swap3A_106], %add3A_104 {strides = array<i32>} : memref<1024x256xf32, #tpu.memory_space<vmem>>, vector<1024x256xf32>,
    return
  }
  func.func @transform_0(%arg0: i32) -> (i32, i32) {
    %c0_i32 = arith.constant 0 : i32
    %c0_i32_0 = arith.constant 0 : i32
    return %arg0, %c0_i32 : i32, i32
  }
  func.func @transform_1(%arg0: i32) -> (i32, i32) {
    %c0_i32 = arith.constant 0 : i32
    %c0_i32_0 = arith.constant 0 : i32
    return %arg0, %c0_i32 : i32, i32
  }
  func.func @transform_2(%arg0: i32) -> (i32, i32, i32) {
    %c0_i32 = arith.constant 0 : i32
    %c0_i32_0 = arith.constant 0 : i32
    %c0_i32_1 = arith.constant 0 : i32
    return %c0_i32, %arg0, %c0_i32_0 : i32, i32, i32
  }
  func.func @transform_3(%arg0: i32) -> (i32, i32) {
    %c0_i32 = arith.constant 0 : i32
    %c0_i32_0 = arith.constant 0 : i32
    return %arg0, %c0_i32 : i32, i32
  }
  func.func @transform_4(%arg0: i32) -> (i32, i32) {
    %c0_i32 = arith.constant 0 : i32
    %c0_i32_0 = arith.constant 0 : i32
    return %arg0, %c0_i32 : i32, i32
  }
  func.func @transform_5(%arg0: i32) -> (i32, i32) {
    %c0_i32 = arith.constant 0 : i32
    %c0_i32_0 = arith.constant 0 : i32
    %c0_i32_1 = arith.constant 0 : i32
    return %c0_i32, %c0_i32_0 : i32, i32
  }
  func.func @transform_6(%arg0: i32) -> (i32, i32) {
    %c0_i32 = arith.constant 0 : i32
    %c0_i32_0 = arith.constant 0 : i32
    %c0_i32_1 = arith.constant 0 : i32
    return %c0_i32, %c0_i32_0 : i32, i32
  }
  func.func @transform_7(%arg0: i32) -> (i32, i32) {
    %c0_i32 = arith.constant 0 : i32
    %c0_i32_0 = arith.constant 0 : i32
    %c0_i32_1 = arith.constant 0 : i32
    return %c0_i32, %c0_i32_0 : i32, i32
  }
  func.func @transform_8(%arg0: i32) -> (i32, i32) {
    %c0_i32 = arith.constant 0 : i32
    %c0_i32_0 = arith.constant 0 : i32
    %c0_i32_1 = arith.constant 0 : i32
    return %c0_i32, %c0_i32_0 : i32, i32
  }
  func.func @transform_9(%arg0: i32) -> (i32, i32) {
    %c0_i32 = arith.constant 0 : i32
    %c0_i32_0 = arith.constant 0 : i32
    %c0_i32_1 = arith.constant 0 : i32
    return %c0_i32, %c0_i32_0 : i32, i32
  }
  func.func @transform_10(%arg0: i32) -> (i32, i32) {
    %c0_i32 = arith.constant 0 : i32
    %c0_i32_0 = arith.constant 0 : i32
    %c0_i32_1 = arith.constant 0 : i32
    return %c0_i32, %c0_i32_0 : i32, i32
  }
  func.func @transform_11(%arg0: i32) -> (i32, i32) {
    %c0_i32 = arith.constant 0 : i32
    %c0_i32_0 = arith.constant 0 : i32
    %c0_i32_1 = arith.constant 0 : i32
    return %c0_i32, %c0_i32_0 : i32, i32
  }
  func.func @transform_12(%arg0: i32) -> (i32, i32) {
    %c0_i32 = arith.constant 0 : i32
    %c0_i32_0 = arith.constant 0 : i32
    %c0_i32_1 = arith.constant 0 : i32
    return %c0_i32, %c0_i32_0 : i32, i32
  }
  func.func @transform_13(%arg0: i32) -> (i32, i32) {
    %c0_i32 = arith.constant 0 : i32
    %c0_i32_0 = arith.constant 0 : i32
    %c0_i32_1 = arith.constant 0 : i32
    return %c0_i32, %c0_i32_0 : i32, i32
  }
  func.func @transform_14(%arg0: i32) -> (i32, i32) {
    %c0_i32 = arith.constant 0 : i32
    %c0_i32_0 = arith.constant 0 : i32
    return %arg0, %c0_i32 : i32, i32
  }
  func.func @transform_15(%arg0: i32) -> (i32, i32) {
    %c0_i32 = arith.constant 0 : i32
    %c0_i32_0 = arith.constant 0 : i32
    return %arg0, %c0_i32 : i32, i32
  }
}

</mosaic_0001>

<sc_bundles>
// kernel: kernel.23.cloned.1.call-start
scs
__scs_entry_jumppad:
0x0: {  	(pc) =	sbr.rel $0x88, $3  }
0x1: {  	(tag) =	ssettag $0x0;
	lr =	simm.s32 $0x1  }
0x2: {  	[smem:$0x3F5E] =	sst lr;
	_ =	strace $0xD0000000  }
0x3: {  	_ = 	snop  }
0x4: {  	_ = 	snop  }
0x5: {  	_ = 	snop  }
0x6: {  	_ = 	snop  }
0x7: {  	_ = 	snop  }
__scs_overlays_trampoline_lowered:
0x8: {  	[smem:$0x3F6D] =	sst s0  }
0x9: {  	[smem:$0x3F6E] =	sst s1  }
0xa: {  	[smem:$0x3F6F] =	sst s2  }
0xb: {  	[smem:$0x3F70] =	sst s3  }
0xc: {  	[smem:$0x3F71] =	sst s4  }
0xd: {  	[smem:$0x3F72] =	sst s5  }
0xe: {  	[smem:$0x3F73] =	sst s6  }
0xf: {  	[smem:$0x3F74] =	sst s7  }
0x10: {  	[smem:$0x3F75] =	sst s8  }
0x11: {  	[smem:$0x3F76] =	sst s9;
	s0 =	simm.s32 @!p0 $0x0  }
0x12: {  	s1 =	sld [smem:$0x3F5C];
	s0 =	simm.s32 @p0 $0x1  }
0x13: {  	[smem:$0x3F77] =	sst s0;
	s0 =	simm.s32 @!p1 $0x0  }
0x14: {  	s2 =	sld [smem:$0x3F5B];
	s0 =	simm.s32 @p1 $0x1  }
0x15: {  	[smem:$0x3F78] =	sst s0;
	s0 =	simm.s32 @!p2 $0x0  }
0x16: {  	s3 =	sld [smem:$0x3FDB];
	s0 =	simm.s32 @p2 $0x1  }
0x17: {  	s4 =	simm.s32 $0x1BF5;
	[smem:$0x3F7A] =	sst s0  }
0x18: {  	s0 =	sld [smem:$0x3F5D];
	_ =	swait.ge [sflag:s4], $0x0  }
0x19: {  	s7 =	sld [smem:$0x3F5E]  }
0x1a: {  	s8 =	sadd.s32 $0xFFFFE003, lr  }
0x1b: {  	s9 =	sadd.s32 $0xFFFFFEF7, lr;
	s5 =	simm.s32 $0xFFFFFFFF;
	p2 =	slt.u32 s8, $0xFFFFF086  }
0x1c: {  	p1 =	slt.u32 s9, $0xF7A;
	s5 =	simm.s32 @!p2 $0x0  }
0x1d: {  	s5 =	simm.s32 @p1 $0x1;
	p0 =	seq.s32 s7, s2  }
0x1e: {  	s7 =	smul.u32 @!p0 $0xF7A, s2;
	p2 =	seq.s32 @!p0 s5, $0x0  }
0x1f: {  	s9 =	smul.u32 $0xF7A, s1;
	s8 =	simm.s32 @!p0 $0x1BF5;
	p2 =	por !p2, p0  }
0x20: {  	[sflag:s8] =	ssyncset.s32 @!p0 $0xFFFFF086;
	s6 =	sadd.s32 @!p0 s3, s7;
	s7 =	simm.s32 @!p0 $0x108  }
0x21: {  	s3 =	sadd.s32 s3, s9;
	s6 =	sadd.s32 @!p0 $0x88, s6;
	s7 =	simm.s32 @p2 $0x1082  }
0x22: {  	[simem:s7], [sflag:s8] =	dma.local @!p0 [hbm:s6], $0xF7A  }
0x23: {  	s9 =	sor.u32 $0xD0000000, s2;
	s6 =	simm.s32 $0x108;
	_ =	swait.ge @!p0 [sflag:s8], $0x0  }
0x24: {  	s3 =	sadd.s32 $0x88, s3;
	s6 =	simm.s32 @!p1 $0x1082;
	[sflag:s4] =	ssyncset.s32 $0xFFFFF086  }
0x25: {  	[simem:s6], [sflag:s4] =	dma.local [hbm:s3], $0xF7A  }
0x26: {  	[smem:$0x3F5E] =	sst s1;
	(tag) =	ssettag s2;
	_ =	strace s9  }
0x27: {  	s1 =	sld [smem:$0x3F6E]  }
0x28: {  	s2 =	sld [smem:$0x3F6F]  }
0x29: {  	s4 =	sld [smem:$0x3F71]  }
0x2a: {  	p0 =	seq.s32 s5, $0x0;
	s5 =	sld [smem:$0x3F72]  }
0x2b: {  	s6 =	sld [smem:$0x3F73]  }
0x2c: {  	s7 =	sld [smem:$0x3F74]  }
0x2d: {  	s3 =	simm.s32 $0x108;
	s8 =	sld [smem:$0x3F75]  }
0x2e: {  	s3 =	simm.s32 @!p0 $0x1082;
	s9 =	sld [smem:$0x3F76]  }
0x2f: {  	lr =	sadd.s32 s0, s3;
	s0 =	sld [smem:$0x3F6D]  }
0x30: {  	s3 =	sld [smem:$0x3F70]  }
0x31: {  	[smem:$0x3F79] =	sst s10  }
0x32: {  	s10 =	sld [smem:$0x3F77];
	_ =	sdelay $0x3  }
0x33: {  	p0 =	seq.s32 s10, $0x1;
	s10 =	sld [smem:$0x3F79];
	_ =	sdelay $0x3  }
0x34: {  	[smem:$0x3F79] =	sst s10  }
0x35: {  	s10 =	sld [smem:$0x3F78];
	_ =	sdelay $0x3  }
0x36: {  	p1 =	seq.s32 s10, $0x1;
	s10 =	sld [smem:$0x3F79];
	_ =	sdelay $0x3  }
0x37: {  	[smem:$0x3F79] =	sst s10  }
0x38: {  	s10 =	sld [smem:$0x3F7A]  }
0x39: {  	_ = 	snop;
	(pc) =	sbr.ind lr, $3  }
0x3a: {  	_ = 	snop  }
0x3b: {  	_ = 	snop  }
0x3c: {  	p2 =	seq.s32 s10, $0x1;
	s10 =	sld [smem:$0x3F79]  }
0x3d: {  	_ =	shalt  }
0x3e: {  	_ =	shalt  }
0x3f: {  	_ =	shalt  }
0x40: {  	_ =	shalt  }
0x41: {  	_ =	shalt  }
0x42: {  	_ =	shalt  }
0x43: {  	_ =	shalt  }
0x44: {  	_ =	shalt  }
0x45: {  	_ =	shalt  }
0x46: {  	_ =	shalt  }
0x47: {  	_ =	shalt  }
0x48: {  	_ =	shalt  }
0x49: {  	_ =	shalt  }
0x4a: {  	_ =	shalt  }
0x4b: {  	_ =	shalt  }
0x4c: {  	_ =	shalt  }
0x4d: {  	_ =	shalt  }
0x4e: {  	_ =	shalt  }
0x4f: {  	_ =	shalt  }
0x50: {  	_ =	shalt  }
0x51: {  	_ =	shalt  }
0x52: {  	_ =	shalt  }
0x53: {  	_ =	shalt  }
0x54: {  	_ =	shalt  }
0x55: {  	_ =	shalt  }
0x56: {  	_ =	shalt  }
0x57: {  	_ =	shalt  }
0x58: {  	_ =	shalt  }
0x59: {  	_ =	shalt  }
0x5a: {  	_ =	shalt  }
0x5b: {  	_ =	shalt  }
0x5c: {  	_ =	shalt  }
0x5d: {  	_ =	shalt  }
0x5e: {  	_ =	shalt  }
0x5f: {  	_ =	shalt  }
0x60: {  	_ =	shalt  }
0x61: {  	_ =	shalt  }
0x62: {  	_ =	shalt  }
0x63: {  	_ =	shalt  }
0x64: {  	_ =	shalt  }
0x65: {  	_ =	shalt  }
0x66: {  	_ =	shalt  }
0x67: {  	_ =	shalt  }
0x68: {  	_ =	shalt  }
0x69: {  	_ =	shalt  }
0x6a: {  	_ =	shalt  }
0x6b: {  	_ =	shalt  }
0x6c: {  	_ =	shalt  }
0x6d: {  	_ =	shalt  }
0x6e: {  	_ =	shalt  }
0x6f: {  	_ =	shalt  }
0x70: {  	_ =	shalt  }
0x71: {  	_ =	shalt  }
0x72: {  	_ =	shalt  }
0x73: {  	_ =	shalt  }
0x74: {  	_ =	shalt  }
0x75: {  	_ =	shalt  }
0x76: {  	_ =	shalt  }
0x77: {  	_ =	shalt  }
0x78: {  	_ =	shalt  }
0x79: {  	_ =	shalt  }
0x7a: {  	_ =	shalt  }
0x7b: {  	_ =	shalt  }
0x7c: {  	_ =	shalt  }
0x7d: {  	_ =	shalt  }
0x7e: {  	_ =	shalt  }
0x7f: {  	_ =	shalt  }
0x80: {  	_ =	shalt  }
0x81: {  	_ =	shalt  }
0x82: {  	_ =	shalt  }
0x83: {  	_ =	shalt  }
0x84: {  	_ =	shalt  }
0x85: {  	_ =	shalt  }
0x86: {  	_ =	shalt  }
0x87: {  	_ =	shalt  }
.Lfunc_end0:
.L_simem_size_0:
called_computation_lowered:
.L_overlay_start_0:
0x88: {  	s2 =	sld [smem:$0x3FD9]  }
0x89: {  	s3 =	sld [smem:$0x3FFE];
	_ =	sdelay $0x1  }
0x8a: {  	s1 =	srdreg.scid  }
0x8b: {  	s0 =	sand.u32 $0x1, s1  }
0x8c: {  	s16 =	sshll.u32 s0, $0xA;
	s2 =	sadd.s32 s3, s2  }
0x8d: {  	s2 =	sadd.s32 s2, s16  }
0x8e: {  	[smem:$0x3F85] =	sst s2  }
0x8f: {  	_ = 	snop  }
0x90: {  	(tm) =	ssettm $0x1  }
0x91: {  	s17 =	sld [smem:$0x3FFB];
	_ =	sdelay $0x3  }
0x92: {  	_ =	strace s17  }
0x93: {  	s2 =	sld [smem:$0x3FFC];
	_ =	sdelay $0x3  }
0x94: {  	_ =	strace s2  }
0x95: {  	s2 =	sld [smem:$0x3FFD];
	_ =	sdelay $0x3  }
0x96: {  	_ =	strace s2  }
0x97: {  	_ =	strace $0x8FFFFFFF  }
0x98: {  	s18 =	sld [smem:$0x3FDB];
	_ =	sdelay $0x1  }
0x99: {  	s19 =	simm.s32 $_scs_section_size  }
0x9a: {  	s4 =	simm.s32 $_size__tile_overlayer_lowered;
	s5 =	simm.s32 $_tile_overlayer_lowered  }
0x9b: {  	s22 =	simm.s32 $0x1BFF;
	s21 =	sshll.u32 s5, $0x1;
	s2 =	sadd.s32 s19, s18  }
0x9c: {  	s6 =	simm.s32 $0x0;
	s20 =	sshll.u32 s4, $0x1;
	s4 =	sadd.s32 s21, s2  }
0x9d: {  	[timem:s6], [sflag:s22] =	dma.local [hbm:s4], s20  }
0x9e: {  	_ =	swait.ge [sflag:s22], s20  }
0x9f: {  	s3 =	ssub.s32 $0x0, s20;
	[sflag:s22] =	ssyncset.done $0x0  }
0xa0: {  	[sflag:s22] =	ssyncadd.s32 s3;
	_ =	sdelay $0x1  }
0xa1: {  	s23 =	simm.s32 $0x1B8B  }
0xa2: {  	_ =	swait.ge [sflag:s23], $0x1  }
0xa3: {  	[sflag:s23] =	ssyncset.done $0x0  }
0xa4: {  	s25 =	simm.s32 $0x1B8E;
	s24 =	sld [smem:$0x3FFE];
	[sflag:s23] =	ssyncadd.s32 $0xFFFFFFFF  }
0xa5: {  	s26 =	simm.s32 $execute0_lowered;
	[smem:$0x3FD2] =	sst s25  }
0xa6: {  	s4 =	sshll.u32 s26, $0x1;
	_ =	strace $0x80000046;
	[dreg:$0x1] =	wrdreg $0xFFFFFFFF  }
0xa7: {  	s28 =	simm.s32 $_size_execute0_lowered;
	s2 =	sadd.s32 s2, s4;
	[dreg:$0x0] =	wrdreg $0x0  }
0xa8: {  	s4 =	sshll.u32 s28, $0x1;
	[dreg:$0x2] =	wrdreg s2  }
0xa9: {  	[dreg:$0x3] =	wrdreg s4  }
0xaa: {  	[dreg:$0x4] =	wrdreg $0xC0  }
0xab: {  	_ =	task [dreg:s6], $0x5FFFF  }
0xac: {  	[dreg:$0x1] =	wrdreg $0xFFFFFFFF  }
0xad: {  	[dreg:$0x0] =	wrdreg $0x60  }
0xae: {  	[dreg:$0x2] =	wrdreg s24  }
0xaf: {  	[dreg:$0x3] =	wrdreg $0x9  }
0xb0: {  	_ =	task.clear_ibuf [dreg:s6], $0x4FFFF;
	_ =	strace $0x90000046  }
0xb1: {  	s29 =	simm.s32 $0x9;
	_ =	strace $0x80000048  }
0xb2: {  	_ =	swait.ge [sflag:s29], $0x1  }
0xb3: {  	[sflag:s29] =	ssyncadd.s32 $0xFFFFFFFF  }
0xb4: {  	_ =	strace $0x90000048  }
0xb5: {  	_ =	sfence  }
0xb6: {  	s30 =	sld [smem:$0x0];
	_ =	sdelay $0x2  }
0xb7: {  	s31 =	sshll.u32 s1, $0xD;
	s1 =	sshrl.u32 s1, $0x2  }
0xb8: {  	s3 =	sand.u32 $0x4000, s31;
	s1 =	sadd.s32 s1, s30  }
0xb9: {  	s0 =	sor.u32 s3, s0;
	s1 =	sshll.u32 s1, $0x11  }
0xba: {  	s0 =	sor.u32 s1, s0  }
0xbb: {  	s0 =	sadd.s32 $0x8F2B, s0  }
0xbc: {  	[sflag:s0] =	ssyncadd.remote.s32 $0x1  }
0xbd: {  	_ =	sfence.sel $0xFFFF  }
0xbe: {  	[dreg:$0x0] =	wrdreg $0xFFFFFFFF;
	(pc) =	sbr.abs _section_cstart, $3  }
0xbf: {  	[dreg:$0x1] =	wrdreg $0xFFFFFFFF  }
0xc0: {  	_ =	task.clear_ibuf [dreg:s6], $0x2FFFF;
	_ =	strace $0x9FFFFFFF  }
0xc1: {  	(tm) =	ssettm $0x7FFFFFFF  }
tec
execute0_lowered:
.L_overlay_start_1:
0x0: {  	(tag) =	ssettag $0x1  }
0x1: {  	s0 =	rddreg [dreg:$0x0]  }
0x2: {  	s1 =	simm.s32 $0x0;
	s6 =	srdreg.scid;
	s12 =	stileid.u32  }
0x3: {  	s18 =	simm.s32 $0x14100;
	s19 =	simm.s32 $0x3;
	s20 =	simm.s32 $0x16900  }
0x4: {  	s21 =	simm.s32 $0x19100;
	s22 =	simm.s32 $0x4;
	s23 =	simm.s32 $0x100  }
0x5: {  	s24 =	simm.s32 $0x8100;
	s14 =	simm.s32 $0xD900;
	s15 =	simm.s32 $0xE100  }
0x6: {  	s16 =	simm.s32 $0xE900;
	s17 =	simm.s32 $0xF100;
	s25 =	simm.s32 $0xF900  }
0x7: {  	s26 =	simm.s32 $0x10100;
	s28 =	simm.s32 $0x1;
	[smem:$0x7FF] =	sst s1  }
0x8: {  	s2 =	sadd.s32 $0x1BE00, s0;
	s3 =	sadd.s32 $0x12000, s0;
	s5 =	sadd.s32 $0x115C00, s0  }
0x9: {  	s4 =	sadd.s32 $0xC5C00, s0;
	s7 =	sadd.s32 $0x4DC00, s0;
	s9 =	sadd.s32 $0x165C00, s0  }
0xa: {  	_ =	strace $0x80000047;
	[dreg:$0x2] =	wrdreg s7;
	s7 =	sand.u32 $0x1, s6  }
.Ltmp0:
0xb: {  	s10 =	sadd.s32 $0xB29C00, s0;
	s6 =	ssub.s32 $0x2, s7;
	(pc) =	sbr.rel .LBB2_1-.Ltmp0, $4  }
0xc: {  	s11 =	sadd.s32 $0x14EDC00, s0;
	s30 =	sadd.s32 $0x4DC10, s0;
	s8 =	sshrl.u32 s6, $0x1  }
0xd: {  	v4 =	vlaneseq.u32;
	v0 =	vimm.f32 $0.0e+00;
	s0 =	sadd.s32 $0x4DC20, s0;
	[dreg:$0x3] =	wrdreg s30;
	s6 =	ssub.s32 s6, s8  }
0xe: {  	vm0 =	vmmov $0xffff;
	s29 =	simm.s32 $0x2;
	v2 =	vshrl.u32 v4, $0x3;
	v1 =	vand.u32 $0x7, v4;
	[dreg:$0x4] =	wrdreg s0;
	s31 =	smax.u32 s6, $0x1  }
0xf: {  	s12 =	sshll.u32 s12, $0x1;
	v3 =	vor.u32 $0x8, v4;
	v4 =	vmul.u32 $0x80, v4;
	v2 =	vmul.u32 $0x8, v2;
	s6 =	simm.s32 $0x0;
	[dreg:$0x5] =	wrdreg s31  }
.LBB2_9:
0x10: {  	s6 =	rddreg [dreg:$0x6]  }
0x11: {  	s0 =	rddreg [dreg:$0x5];
	s6 =	sadd.s32 $0x1, s6  }
0x12: {  	p0 =	sne.s32 s6, s0  }
.Ltmp1:
0x13: {  	_ = 	snop;
	(pc) =	sbr.rel @!p0 .LBB2_10-.Ltmp1, $1  }
0x14: {  	_ =	sdelay $0x3  }
.LBB2_1:
0x15: {  	[dreg:$0x6] =	wrdreg s6  }
0x16: {  	s0 =	rddreg [dreg:$0x2];
	s13 =	simm.s32 $0x80;
	s8 =	simm.s32 $0x400  }
0x17: {  	[tilespmem:s18], [sflag:$0x3] =	stream.strided.gather [hbm4b:s0+s13], $0x2800, s8, s13, $0x38;
	[tilespmem:$0x1B900] =	vst v63  }
0x18: {  	_ =	swait.ge [sflag:s19], $0x2800  }
0x19: {  	[sflag:s19] =	ssyncset.done $0x0  }
0x1a: {  	s30 =	rddreg [dreg:$0x3];
	[sflag:s19] =	ssyncadd.s32 $0xFFFFD800  }
0x1b: {  	[tilespmem:s20], [sflag:$0x3] =	stream.strided.gather [hbm4b:s30+s13], $0x2800, s8, s13, $0x38;
	[tilespmem:$0x1B900] =	vst v63  }
0x1c: {  	_ =	swait.ge [sflag:s19], $0x2800  }
0x1d: {  	[sflag:s19] =	ssyncset.done $0x0  }
0x1e: {  	s31 =	rddreg [dreg:$0x4];
	[sflag:s19] =	ssyncadd.s32 $0xFFFFD800  }
0x1f: {  	[tilespmem:s21], [sflag:$0x3] =	stream.strided.gather [hbm4b:s31+s13], $0x2800, s8, s13, $0x38;
	[tilespmem:$0x1B900] =	vst v63  }
0x20: {  	_ =	swait.ge [sflag:s19], $0x2800  }
0x21: {  	[sflag:s19] =	ssyncset.done $0x0  }
0x22: {  	s0 =	simm.s32 $0x0;
	[sflag:s19] =	ssyncadd.s32 $0xFFFFD800  }
.LBB2_2:
0x23: {  	p0 =	sne.s32 s0, $0xFE00  }
.Ltmp2:
0x24: {  	_ = 	snop;
	(pc) =	sbr.rel @p0 .LBB2_2-.Ltmp2, $3  }
0x25: {  	_ =	sdelay $0x1  }
0x26: {  	s6 =	sshra.s32 s0, $0x2  }
0x27: {  	s0 =	sadd.s32 $0x200, s0;
	[tilespmem:s6+$0x10100] =	vst v0  }
.Ltmp3:
0x28: {  	(pc) =	sbr.rel .LBB2_4-.Ltmp3, $2  }
0x29: {  	_ =	sdelay $0x2  }
0x2a: {  	s30 =	simm.s32 $0x0  }
.LBB2_8:
0x2b: {  	s30 =	sadd.s32 $0x1, s30  }
0x2c: {  	p0 =	sne.s32 s30, $0x4F  }
.Ltmp4:
0x2d: {  	_ = 	snop;
	(pc) =	sbr.rel @!p0 .LBB2_9-.Ltmp4, $1  }
0x2e: {  	_ =	sdelay $0x3  }
.LBB2_4:
0x2f: {  	s0 =	sshll.u32 s30, $0x5  }
0x30: {  	s0 =	sor.u32 s12, s0  }
0x31: {  	p0 =	sgt.u32 s0, $0x9C3  }
.Ltmp5:
0x32: {  	_ = 	snop;
	(pc) =	sbr.rel @p0 .LBB2_8-.Ltmp5, $1  }
0x33: {  	_ =	sdelay $0x3  }
0x34: {  	s31 =	sor.u32 s7, s0  }
0x35: {  	s6 =	sshll.u32 s31, $0x4  }
0x36: {  	s0 =	simm.s32 $0x0;
	s8 =	sadd.s32 s2, s6  }
0x37: {  	[tilespmem:s0], [sflag:$0x4] =	stream.linear.gather [hbm4b:s8+s0], $0x80, $0x38;
	[tilespmem:$0x1B900] =	vst v63  }
0x38: {  	_ =	swait.ge [sflag:s22], $0x80  }
0x39: {  	[sflag:s22] =	ssyncset.done $0x0  }
0x3a: {  	s6 =	sadd.s32 s3, s6;
	s8 =	simm.s32 $0x80;
	[sflag:s22] =	ssyncadd.s32 $0xFFFFFF80  }
0x3b: {  	[tilespmem:s8], [sflag:$0x4] =	stream.linear.gather [hbm4b:s6+s0], $0x80, $0x38;
	[tilespmem:$0x1B900] =	vst v63  }
0x3c: {  	_ =	swait.ge [sflag:s22], $0x80  }
0x3d: {  	[sflag:s22] =	ssyncset.done $0x0  }
0x3e: {  	[sflag:s22] =	ssyncadd.s32 $0xFFFFFF80  }
0x3f: {  	v5 =	vld [tilespmem:$0x0];
	_ =	sdelay $0x4  }
0x40: {  	v6 =	vshll.u32 v5, $0x1  }
0x41: {  	v5 =	vand.u32 $0x7, v5;
	v6 =	vand.u32 $0xFFFFFFF0, v6  }
0x42: {  	v5 =	vor.u32 v5, v6  }
0x43: {  	v6 =	vperm.xlane v5, v1;
	_ =	sdelay $0x1  }
0x44: {  	v5 =	vperm.xlane v5, v3;
	v6 =	vadd.s32 v2, v6;
	_ =	sdelay $0x1  }
0x45: {  	v5 =	vadd.s32 v2, v5;
	_ =	sdelay $0x2  }
0x46: {  	[tilespmem:s23], [sflag:$0x1] =	stream.indirect_vreg.gather [hbm4b:s4+s0], $0x80, v6, vm0, $0xb8;
	[tilespmem:$0x1B900] =	vst v63  }
0x47: {  	s13 =	simm.s32 $0x900  }
0x48: {  	[tilespmem:s13], [sflag:$0x1] =	stream.indirect_vreg.gather [hbm4b:s4+s0], $0x80, v5, vm0, $0xb8;
	[tilespmem:$0x1B900] =	vst v63  }
0x49: {  	v5 =	vld [tilespmem:$0x10];
	_ =	sdelay $0x4  }
0x4a: {  	v6 =	vshll.u32 v5, $0x1  }
0x4b: {  	v5 =	vand.u32 $0x7, v5;
	v6 =	vand.u32 $0xFFFFFFF0, v6  }
0x4c: {  	v5 =	vor.u32 v5, v6  }
0x4d: {  	v6 =	vperm.xlane v5, v1;
	_ =	sdelay $0x1  }
0x4e: {  	v5 =	vperm.xlane v5, v3;
	v6 =	vadd.s32 v2, v6;
	_ =	sdelay $0x1  }
0x4f: {  	v5 =	vadd.s32 v2, v5;
	_ =	sdelay $0x1  }
0x50: {  	s13 =	simm.s32 $0x1100  }
0x51: {  	[tilespmem:s13], [sflag:$0x1] =	stream.indirect_vreg.gather [hbm4b:s4+s0], $0x80, v6, vm0, $0xb8;
	[tilespmem:$0x1B900] =	vst v63  }
0x52: {  	s13 =	simm.s32 $0x1900  }
0x53: {  	[tilespmem:s13], [sflag:$0x1] =	stream.indirect_vreg.gather [hbm4b:s4+s0], $0x80, v5, vm0, $0xb8;
	[tilespmem:$0x1B900] =	vst v63  }
0x54: {  	v5 =	vld [tilespmem:$0x20];
	_ =	sdelay $0x4  }
0x55: {  	v6 =	vshll.u32 v5, $0x1  }
0x56: {  	v5 =	vand.u32 $0x7, v5;
	v6 =	vand.u32 $0xFFFFFFF0, v6  }
0x57: {  	v5 =	vor.u32 v5, v6  }
0x58: {  	v6 =	vperm.xlane v5, v1;
	_ =	sdelay $0x1  }
0x59: {  	v5 =	vperm.xlane v5, v3;
	v6 =	vadd.s32 v2, v6;
	_ =	sdelay $0x1  }
0x5a: {  	v5 =	vadd.s32 v2, v5;
	_ =	sdelay $0x1  }
0x5b: {  	s13 =	simm.s32 $0x2100  }
0x5c: {  	[tilespmem:s13], [sflag:$0x1] =	stream.indirect_vreg.gather [hbm4b:s4+s0], $0x80, v6, vm0, $0xb8;
	[tilespmem:$0x1B900] =	vst v63  }
0x5d: {  	s13 =	simm.s32 $0x2900  }
0x5e: {  	[tilespmem:s13], [sflag:$0x1] =	stream.indirect_vreg.gather [hbm4b:s4+s0], $0x80, v5, vm0, $0xb8;
	[tilespmem:$0x1B900] =	vst v63  }
0x5f: {  	v5 =	vld [tilespmem:$0x30];
	_ =	sdelay $0x4  }
0x60: {  	v6 =	vshll.u32 v5, $0x1  }
0x61: {  	v5 =	vand.u32 $0x7, v5;
	v6 =	vand.u32 $0xFFFFFFF0, v6  }
0x62: {  	v5 =	vor.u32 v5, v6  }
0x63: {  	v6 =	vperm.xlane v5, v1;
	_ =	sdelay $0x1  }
0x64: {  	v5 =	vperm.xlane v5, v3;
	v6 =	vadd.s32 v2, v6;
	_ =	sdelay $0x1  }
0x65: {  	v5 =	vadd.s32 v2, v5;
	_ =	sdelay $0x1  }
0x66: {  	s13 =	simm.s32 $0x3100  }
0x67: {  	[tilespmem:s13], [sflag:$0x1] =	stream.indirect_vreg.gather [hbm4b:s4+s0], $0x80, v6, vm0, $0xb8;
	[tilespmem:$0x1B900] =	vst v63  }
0x68: {  	s13 =	simm.s32 $0x3900  }
0x69: {  	[tilespmem:s13], [sflag:$0x1] =	stream.indirect_vreg.gather [hbm4b:s4+s0], $0x80, v5, vm0, $0xb8;
	[tilespmem:$0x1B900] =	vst v63  }
0x6a: {  	v5 =	vld [tilespmem:$0x40];
	_ =	sdelay $0x4  }
0x6b: {  	v6 =	vshll.u32 v5, $0x1  }
0x6c: {  	v5 =	vand.u32 $0x7, v5;
	v6 =	vand.u32 $0xFFFFFFF0, v6  }
0x6d: {  	v5 =	vor.u32 v5, v6  }
0x6e: {  	v6 =	vperm.xlane v5, v1;
	_ =	sdelay $0x1  }
0x6f: {  	v5 =	vperm.xlane v5, v3;
	v6 =	vadd.s32 v2, v6;
	_ =	sdelay $0x1  }
0x70: {  	v5 =	vadd.s32 v2, v5;
	_ =	sdelay $0x1  }
0x71: {  	s13 =	simm.s32 $0x4100  }
0x72: {  	[tilespmem:s13], [sflag:$0x1] =	stream.indirect_vreg.gather [hbm4b:s4+s0], $0x80, v6, vm0, $0xb8;
	[tilespmem:$0x1B900] =	vst v63  }
0x73: {  	s13 =	simm.s32 $0x4900  }
0x74: {  	[tilespmem:s13], [sflag:$0x1] =	stream.indirect_vreg.gather [hbm4b:s4+s0], $0x80, v5, vm0, $0xb8;
	[tilespmem:$0x1B900] =	vst v63  }
0x75: {  	v5 =	vld [tilespmem:$0x50];
	_ =	sdelay $0x4  }
0x76: {  	v6 =	vshll.u32 v5, $0x1  }
0x77: {  	v5 =	vand.u32 $0x7, v5;
	v6 =	vand.u32 $0xFFFFFFF0, v6  }
0x78: {  	v5 =	vor.u32 v5, v6  }
0x79: {  	v6 =	vperm.xlane v5, v1;
	_ =	sdelay $0x1  }
0x7a: {  	v5 =	vperm.xlane v5, v3;
	v6 =	vadd.s32 v2, v6;
	_ =	sdelay $0x1  }
0x7b: {  	v5 =	vadd.s32 v2, v5;
	_ =	sdelay $0x1  }
0x7c: {  	s13 =	simm.s32 $0x5100  }
0x7d: {  	[tilespmem:s13], [sflag:$0x1] =	stream.indirect_vreg.gather [hbm4b:s4+s0], $0x80, v6, vm0, $0xb8;
	[tilespmem:$0x1B900] =	vst v63  }
0x7e: {  	s13 =	simm.s32 $0x5900  }
0x7f: {  	[tilespmem:s13], [sflag:$0x1] =	stream.indirect_vreg.gather [hbm4b:s4+s0], $0x80, v5, vm0, $0xb8;
	[tilespmem:$0x1B900] =	vst v63  }
0x80: {  	v5 =	vld [tilespmem:$0x60];
	_ =	sdelay $0x4  }
0x81: {  	v6 =	vshll.u32 v5, $0x1  }
0x82: {  	v5 =	vand.u32 $0x7, v5;
	v6 =	vand.u32 $0xFFFFFFF0, v6  }
0x83: {  	v5 =	vor.u32 v5, v6  }
0x84: {  	v6 =	vperm.xlane v5, v1;
	_ =	sdelay $0x1  }
0x85: {  	v5 =	vperm.xlane v5, v3;
	v6 =	vadd.s32 v2, v6;
	_ =	sdelay $0x1  }
0x86: {  	v5 =	vadd.s32 v2, v5;
	_ =	sdelay $0x1  }
0x87: {  	s13 =	simm.s32 $0x6100  }
0x88: {  	[tilespmem:s13], [sflag:$0x1] =	stream.indirect_vreg.gather [hbm4b:s4+s0], $0x80, v6, vm0, $0xb8;
	[tilespmem:$0x1B900] =	vst v63  }
0x89: {  	s13 =	simm.s32 $0x6900  }
0x8a: {  	[tilespmem:s13], [sflag:$0x1] =	stream.indirect_vreg.gather [hbm4b:s4+s0], $0x80, v5, vm0, $0xb8;
	[tilespmem:$0x1B900] =	vst v63  }
0x8b: {  	v5 =	vld [tilespmem:$0x70];
	_ =	sdelay $0x4  }
0x8c: {  	v6 =	vshll.u32 v5, $0x1  }
0x8d: {  	v5 =	vand.u32 $0x7, v5;
	v6 =	vand.u32 $0xFFFFFFF0, v6  }
0x8e: {  	v5 =	vor.u32 v5, v6  }
0x8f: {  	v6 =	vperm.xlane v5, v1;
	_ =	sdelay $0x1  }
0x90: {  	v5 =	vperm.xlane v5, v3;
	v6 =	vadd.s32 v2, v6;
	_ =	sdelay $0x1  }
0x91: {  	v5 =	vadd.s32 v2, v5;
	_ =	sdelay $0x1  }
0x92: {  	s13 =	simm.s32 $0x7100  }
0x93: {  	[tilespmem:s13], [sflag:$0x1] =	stream.indirect_vreg.gather [hbm4b:s4+s0], $0x80, v6, vm0, $0xb8;
	[tilespmem:$0x1B900] =	vst v63  }
0x94: {  	s13 =	simm.s32 $0x7900  }
0x95: {  	[tilespmem:s13], [sflag:$0x1] =	stream.indirect_vreg.gather [hbm4b:s4+s0], $0x80, v5, vm0, $0xb8;
	[tilespmem:$0x1B900] =	vst v63  }
0x96: {  	v5 =	vld [tilespmem:$0x80];
	_ =	sdelay $0x4  }
0x97: {  	v6 =	vshll.u32 v5, $0x1  }
0x98: {  	v5 =	vand.u32 $0x7, v5;
	v6 =	vand.u32 $0xFFFFFFF0, v6  }
0x99: {  	v5 =	vor.u32 v5, v6  }
0x9a: {  	v6 =	vperm.xlane v5, v1;
	_ =	sdelay $0x1  }
0x9b: {  	v5 =	vperm.xlane v5, v3;
	v6 =	vadd.s32 v2, v6;
	_ =	sdelay $0x1  }
0x9c: {  	v5 =	vadd.s32 v2, v5;
	_ =	sdelay $0x2  }
0x9d: {  	[tilespmem:s24], [sflag:$0x2] =	stream.indirect_vreg.gather [hbm4b:s5+s0], $0x80, v6, vm0, $0xb8;
	[tilespmem:$0x1B900] =	vst v63  }
0x9e: {  	s13 =	simm.s32 $0x8900  }
0x9f: {  	[tilespmem:s13], [sflag:$0x2] =	stream.indirect_vreg.gather [hbm4b:s5+s0], $0x80, v5, vm0, $0xb8;
	[tilespmem:$0x1B900] =	vst v63  }
0xa0: {  	v5 =	vld [tilespmem:$0x90];
	_ =	sdelay $0x4  }
0xa1: {  	v6 =	vshll.u32 v5, $0x1  }
0xa2: {  	v5 =	vand.u32 $0x7, v5;
	v6 =	vand.u32 $0xFFFFFFF0, v6  }
0xa3: {  	v5 =	vor.u32 v5, v6  }
0xa4: {  	v6 =	vperm.xlane v5, v1;
	_ =	sdelay $0x1  }
0xa5: {  	v5 =	vperm.xlane v5, v3;
	v6 =	vadd.s32 v2, v6;
	_ =	sdelay $0x1  }
0xa6: {  	v5 =	vadd.s32 v2, v5;
	_ =	sdelay $0x1  }
0xa7: {  	s13 =	simm.s32 $0x9100  }
0xa8: {  	[tilespmem:s13], [sflag:$0x2] =	stream.indirect_vreg.gather [hbm4b:s5+s0], $0x80, v6, vm0, $0xb8;
	[tilespmem:$0x1B900] =	vst v63  }
0xa9: {  	s13 =	simm.s32 $0x9900  }
0xaa: {  	[tilespmem:s13], [sflag:$0x2] =	stream.indirect_vreg.gather [hbm4b:s5+s0], $0x80, v5, vm0, $0xb8;
	[tilespmem:$0x1B900] =	vst v63  }
0xab: {  	v5 =	vld [tilespmem:$0xA0];
	_ =	sdelay $0x4  }
0xac: {  	v6 =	vshll.u32 v5, $0x1  }
0xad: {  	v5 =	vand.u32 $0x7, v5;
	v6 =	vand.u32 $0xFFFFFFF0, v6  }
0xae: {  	v5 =	vor.u32 v5, v6  }
0xaf: {  	v6 =	vperm.xlane v5, v1;
	_ =	sdelay $0x1  }
0xb0: {  	v5 =	vperm.xlane v5, v3;
	v6 =	vadd.s32 v2, v6;
	_ =	sdelay $0x1  }
0xb1: {  	v5 =	vadd.s32 v2, v5;
	_ =	sdelay $0x1  }
0xb2: {  	s13 =	simm.s32 $0xA100  }
0xb3: {  	[tilespmem:s13], [sflag:$0x2] =	stream.indirect_vreg.gather [hbm4b:s5+s0], $0x80, v6, vm0, $0xb8;
	[tilespmem:$0x1B900] =	vst v63  }
0xb4: {  	s13 =	simm.s32 $0xA900  }
0xb5: {  	[tilespmem:s13], [sflag:$0x2] =	stream.indirect_vreg.gather [hbm4b:s5+s0], $0x80, v5, vm0, $0xb8;
	[tilespmem:$0x1B900] =	vst v63  }
0xb6: {  	v5 =	vld [tilespmem:$0xB0];
	_ =	sdelay $0x4  }
0xb7: {  	v6 =	vshll.u32 v5, $0x1  }
0xb8: {  	v5 =	vand.u32 $0x7, v5;
	v6 =	vand.u32 $0xFFFFFFF0, v6  }
0xb9: {  	v5 =	vor.u32 v5, v6  }
0xba: {  	v6 =	vperm.xlane v5, v1;
	_ =	sdelay $0x1  }
0xbb: {  	v5 =	vperm.xlane v5, v3;
	v6 =	vadd.s32 v2, v6;
	_ =	sdelay $0x1  }
0xbc: {  	v5 =	vadd.s32 v2, v5;
	_ =	sdelay $0x1  }
0xbd: {  	s13 =	simm.s32 $0xB100  }
0xbe: {  	[tilespmem:s13], [sflag:$0x2] =	stream.indirect_vreg.gather [hbm4b:s5+s0], $0x80, v6, vm0, $0xb8;
	[tilespmem:$0x1B900] =	vst v63  }
0xbf: {  	s13 =	simm.s32 $0xB900  }
0xc0: {  	[tilespmem:s13], [sflag:$0x2] =	stream.indirect_vreg.gather [hbm4b:s5+s0], $0x80, v5, vm0, $0xb8;
	[tilespmem:$0x1B900] =	vst v63  }
0xc1: {  	v5 =	vld [tilespmem:$0xC0];
	_ =	sdelay $0x4  }
0xc2: {  	v6 =	vshll.u32 v5, $0x1  }
0xc3: {  	v5 =	vand.u32 $0x7, v5;
	v6 =	vand.u32 $0xFFFFFFF0, v6  }
0xc4: {  	v5 =	vor.u32 v5, v6  }
0xc5: {  	v6 =	vperm.xlane v5, v1;
	_ =	sdelay $0x1  }
0xc6: {  	v5 =	vperm.xlane v5, v3;
	v6 =	vadd.s32 v2, v6;
	_ =	sdelay $0x1  }
0xc7: {  	v5 =	vadd.s32 v2, v5;
	_ =	sdelay $0x1  }
0xc8: {  	s13 =	simm.s32 $0xC100  }
0xc9: {  	[tilespmem:s13], [sflag:$0x2] =	stream.indirect_vreg.gather [hbm4b:s5+s0], $0x80, v6, vm0, $0xb8;
	[tilespmem:$0x1B900] =	vst v63  }
0xca: {  	s13 =	simm.s32 $0xC900  }
0xcb: {  	[tilespmem:s13], [sflag:$0x2] =	stream.indirect_vreg.gather [hbm4b:s5+s0], $0x80, v5, vm0, $0xb8;
	[tilespmem:$0x1B900] =	vst v63  }
0xcc: {  	v5 =	vld [tilespmem:$0xD0];
	_ =	sdelay $0x4  }
0xcd: {  	v6 =	vshll.u32 v5, $0x1  }
0xce: {  	v5 =	vand.u32 $0x7, v5;
	v6 =	vand.u32 $0xFFFFFFF0, v6  }
0xcf: {  	v5 =	vor.u32 v5, v6  }
0xd0: {  	v6 =	vperm.xlane v5, v1;
	_ =	sdelay $0x1  }
0xd1: {  	v5 =	vperm.xlane v5, v3;
	v6 =	vadd.s32 v2, v6;
	_ =	sdelay $0x1  }
0xd2: {  	v5 =	vadd.s32 v2, v5;
	_ =	sdelay $0x1  }
0xd3: {  	s13 =	simm.s32 $0xD100  }
0xd4: {  	[tilespmem:s13], [sflag:$0x2] =	stream.indirect_vreg.gather [hbm4b:s5+s0], $0x80, v6, vm0, $0xb8;
	[tilespmem:$0x1B900] =	vst v63  }
0xd5: {  	_ = 	snop  }
0xd6: {  	[tilespmem:s14], [sflag:$0x2] =	stream.indirect_vreg.gather [hbm4b:s5+s0], $0x80, v5, vm0, $0xb8;
	[tilespmem:$0x1B900] =	vst v63  }
0xd7: {  	v5 =	vld [tilespmem:$0xE0];
	_ =	sdelay $0x4  }
0xd8: {  	v6 =	vshll.u32 v5, $0x1  }
0xd9: {  	v5 =	vand.u32 $0x7, v5;
	v6 =	vand.u32 $0xFFFFFFF0, v6  }
0xda: {  	v5 =	vor.u32 v5, v6  }
0xdb: {  	v6 =	vperm.xlane v5, v1;
	_ =	sdelay $0x1  }
0xdc: {  	v5 =	vperm.xlane v5, v3;
	v6 =	vadd.s32 v2, v6;
	_ =	sdelay $0x1  }
0xdd: {  	v5 =	vadd.s32 v2, v5;
	_ =	sdelay $0x2  }
0xde: {  	[tilespmem:s15], [sflag:$0x2] =	stream.indirect_vreg.gather [hbm4b:s5+s0], $0x80, v6, vm0, $0xb8;
	[tilespmem:$0x1B900] =	vst v63  }
0xdf: {  	_ = 	snop  }
0xe0: {  	[tilespmem:s16], [sflag:$0x2] =	stream.indirect_vreg.gather [hbm4b:s5+s0], $0x80, v5, vm0, $0xb8;
	[tilespmem:$0x1B900] =	vst v63  }
0xe1: {  	v5 =	vld [tilespmem:$0xF0];
	_ =	sdelay $0x4  }
0xe2: {  	v6 =	vshll.u32 v5, $0x1  }
0xe3: {  	v5 =	vand.u32 $0x7, v5;
	v6 =	vand.u32 $0xFFFFFFF0, v6  }
0xe4: {  	v5 =	vor.u32 v5, v6  }
0xe5: {  	v6 =	vperm.xlane v5, v1;
	_ =	sdelay $0x1  }
0xe6: {  	v5 =	vperm.xlane v5, v3;
	v6 =	vadd.s32 v2, v6;
	_ =	sdelay $0x1  }
0xe7: {  	v5 =	vadd.s32 v2, v5;
	_ =	sdelay $0x2  }
0xe8: {  	[tilespmem:s17], [sflag:$0x2] =	stream.indirect_vreg.gather [hbm4b:s5+s0], $0x80, v6, vm0, $0xb8;
	[tilespmem:$0x1B900] =	vst v63  }
0xe9: {  	_ = 	snop  }
0xea: {  	[tilespmem:s25], [sflag:$0x2] =	stream.indirect_vreg.gather [hbm4b:s5+s0], $0x80, v5, vm0, $0xb8;
	[tilespmem:$0x1B900] =	vst v63  }
0xeb: {  	v5 =	vld [tilespmem:s0+$0x0]  }
0xec: {  	v7 =	vld [tilespmem:s8+$0x0];
	_ =	sdelay $0x6  }
0xed: {  	v6 =	vld.idx.msk [tilespmem:v5+s18+$0x0], $0xffff  }
0xee: {  	v9 =	vmov s0;
	v8 =	vld.idx.msk [tilespmem:v7+s18+$0x0], $0xffff  }
0xef: {  	v9 =	vshll.u32 v9, $0x7  }
0xf0: {  	v9 =	vor.u32 v4, v9;
	_ =	sdelay $0x2  }
0xf1: {  	v6 =	vsub.f32 v6, v8;
	_ =	sdelay $0x1  }
0xf2: {  	[tilespmem:v9+s26+$0x0] =	vst.idx.msk $0xffff, v6  }
0xf3: {  	v6 =	vld.idx.msk [tilespmem:v5+s20+$0x0], $0xffff  }
0xf4: {  	v8 =	vld.idx.msk [tilespmem:v7+s20+$0x0], $0xffff;
	_ =	sdelay $0x1  }
0xf5: {  	v10 =	vor.u32 $0x1, v9;
	_ =	sdelay $0x2  }
0xf6: {  	v6 =	vsub.f32 v6, v8;
	_ =	sdelay $0x1  }
0xf7: {  	[tilespmem:v10+s26+$0x0] =	vst.idx.msk $0xffff, v6  }
0xf8: {  	v6 =	vld.idx.msk [tilespmem:v5+s21+$0x0], $0xffff  }
0xf9: {  	v7 =	vld.idx.msk [tilespmem:v7+s21+$0x0], $0xffff  }
0xfa: {  	s6 =	simm.s32 $0x10;
	v5 =	vor.u32 $0x2, v9  }
.LBB2_6:
0xfb: {  	_ =	sdelay $0x2  }
0xfc: {  	p0 =	sne.s32 s6, $0x70;
	s0 =	sadd.s32 $0x10, s0;
	s8 =	sadd.s32 $0x10, s8;
	v6 =	vsub.f32 v6, v7  }
0xfd: {  	s13 =	smov.u32 s6;
	s6 =	sadd.s32 $0x10, s6  }
0xfe: {  	[tilespmem:v5+s26+$0x0] =	vst.idx.msk $0xffff, v6  }
0xff: {  	v5 =	vld [tilespmem:s0+$0x0]  }
0x100: {  	v7 =	vld [tilespmem:s8+$0x0];
	_ =	sdelay $0x6  }
0x101: {  	v6 =	vld.idx.msk [tilespmem:v5+s18+$0x0], $0xffff  }
0x102: {  	v8 =	vld.idx.msk [tilespmem:v7+s18+$0x0], $0xffff  }
0x103: {  	v9 =	vmov s13  }
0x104: {  	v9 =	vshll.u32 v9, $0x7  }
0x105: {  	v9 =	vor.u32 v4, v9;
	_ =	sdelay $0x2  }
0x106: {  	v6 =	vsub.f32 v6, v8;
	_ =	sdelay $0x1  }
0x107: {  	[tilespmem:v9+s26+$0x0] =	vst.idx.msk $0xffff, v6  }
0x108: {  	v6 =	vld.idx.msk [tilespmem:v5+s20+$0x0], $0xffff  }
0x109: {  	v8 =	vld.idx.msk [tilespmem:v7+s20+$0x0], $0xffff;
	_ =	sdelay $0x1  }
0x10a: {  	v10 =	vor.u32 $0x1, v9;
	_ =	sdelay $0x3  }
0x10b: {  	v6 =	vsub.f32 v6, v8  }
.Ltmp6:
0x10c: {  	(pc) =	sbr.rel @p0 .LBB2_6-.Ltmp6, $4  }
0x10d: {  	[tilespmem:v10+s26+$0x0] =	vst.idx.msk $0xffff, v6  }
0x10e: {  	v6 =	vld.idx.msk [tilespmem:v5+s21+$0x0], $0xffff  }
0x10f: {  	v7 =	vld.idx.msk [tilespmem:v7+s21+$0x0], $0xffff  }
0x110: {  	v5 =	vor.u32 $0x2, v9  }
0x111: {  	_ =	sdelay $0x2  }
0x112: {  	v6 =	vsub.f32 v6, v7;
	_ =	sdelay $0x1  }
0x113: {  	[tilespmem:v5+s26+$0x0] =	vst.idx.msk $0xffff, v6  }
0x114: {  	_ =	swait.ge [sflag:s28], $0x8000  }
0x115: {  	[sflag:s28] =	ssyncset.done $0x0  }
0x116: {  	[sflag:s28] =	ssyncadd.s32 $0xFFFF8000  }
0x117: {  	_ =	swait.ge [sflag:s29], $0x8000  }
0x118: {  	s0 =	sshll.u32 s31, $0xC;
	[sflag:s29] =	ssyncset.done $0x0  }
0x119: {  	s6 =	sadd.s32 s9, s0;
	[sflag:s29] =	ssyncadd.s32 $0xFFFF8000  }
0x11a: {  	[hbm4b:s6+s1] =	stream.linear.scatter [tilespmem:s23], [sflag:$0x4], $0x8000, $0x38;
	[tilespmem:$0x1B900] =	vst v63  }
0x11b: {  	_ =	swait.ge [sflag:s22], $0x8000  }
0x11c: {  	[sflag:s22] =	ssyncset.done $0x0  }
0x11d: {  	s0 =	sadd.s32 s10, s0;
	[sflag:s22] =	ssyncadd.s32 $0xFFFF8000  }
0x11e: {  	[hbm4b:s0+s1] =	stream.linear.scatter [tilespmem:s24], [sflag:$0x4], $0x8000, $0x38;
	[tilespmem:$0x1B900] =	vst v63  }
0x11f: {  	_ =	swait.ge [sflag:s22], $0x8000  }
0x120: {  	s31 =	sshll.u32 s31, $0xB;
	[sflag:s22] =	ssyncset.done $0x0  }
.Ltmp7:
0x121: {  	s0 =	sadd.s32 s11, s31;
	[sflag:s22] =	ssyncadd.s32 $0xFFFF8000;
	(pc) =	sbr.rel .LBB2_8-.Ltmp7, $4  }
0x122: {  	[hbm4b:s0+s1] =	stream.linear.scatter [tilespmem:s26], [sflag:$0x3], $0x4000, $0x38;
	[tilespmem:$0x1B900] =	vst v63  }
0x123: {  	_ =	swait.ge [sflag:s19], $0x4000  }
0x124: {  	[sflag:s19] =	ssyncset.done $0x0  }
0x125: {  	[sflag:s19] =	ssyncadd.s32 $0xFFFFC000  }
.LBB2_10:
0x126: {  	_ =	sfence.sel $0x180000  }
0x127: {  	[bflag:$0x0] =	sbarrier.arrive $0xFFFF  }
0x128: {  	_ =	strace $0x90000047  }
0x129: {  	s0 =	stileid.u32;
	[bflag:$0x2] =	sbarrier.arrive $0xFFFF  }
0x12a: {  	p0 =	sne.s32 s0, $0x0;
	s0 =	rddreg [dreg:$0x1]  }
0x12b: {  	s0 =	sadd.s32 @!p0 $0x100000, s0  }
0x12c: {  	[sflag:s0] =	ssyncadd.tile.s32 @!p0 $0x1;
	_ =	shalt  }
.Lfunc_end2:
_tile_overlayer_lowered:
.L_overlay_start_2:
0x12d: {  	(tag) =	ssettag $0x2  }
0x12e: {  	s0 =	rddreg [dreg:$0x0];
	s2 =	stileid.u32  }
0x12f: {  	s1 =	rddreg [dreg:$0x1];
	p0 =	sne.s32 s2, $0x0  }
0x130: {  	s3 =	rddreg [dreg:$0x2];
	[bflag:$0x3] =	sbarrier.arrive $0xFFFF;
	s2 =	simm.s32 @!p0 $0x1C03  }
0x131: {  	[timem:s3], [sflag:s2] =	dma.local @!p0 [hbm:s0], s1  }
0x132: {  	s0 =	simm.s32 @!p0 $0x3  }
0x133: {  	_ =	swait.ge @!p0 [sflag:s0], s1  }
0x134: {  	s1 =	ssub.s32 @!p0 $0x0, s1;
	[sflag:s0] =	ssyncset.done @!p0 $0x0  }
0x135: {  	[sflag:s0] =	ssyncadd.s32 @!p0 s1  }
0x136: {  	[bflag:$0x3] =	sbarrier.arrive $0xFFFF  }
0x137: {  	_ =	shalt  }

// kernel: kernel.26.cloned.1.call-start
scs
__scs_entry_jumppad:
0x0: {  	(pc) =	sbr.rel $0x88, $3  }
0x1: {  	(tag) =	ssettag $0x0;
	lr =	simm.s32 $0x1  }
0x2: {  	[smem:$0x3F5E] =	sst lr;
	_ =	strace $0xD0000000  }
0x3: {  	_ = 	snop  }
0x4: {  	_ = 	snop  }
0x5: {  	_ = 	snop  }
0x6: {  	_ = 	snop  }
0x7: {  	_ = 	snop  }
__scs_overlays_trampoline_lowered:
0x8: {  	[smem:$0x3F6D] =	sst s0  }
0x9: {  	[smem:$0x3F6E] =	sst s1  }
0xa: {  	[smem:$0x3F6F] =	sst s2  }
0xb: {  	[smem:$0x3F70] =	sst s3  }
0xc: {  	[smem:$0x3F71] =	sst s4  }
0xd: {  	[smem:$0x3F72] =	sst s5  }
0xe: {  	[smem:$0x3F73] =	sst s6  }
0xf: {  	[smem:$0x3F74] =	sst s7  }
0x10: {  	[smem:$0x3F75] =	sst s8  }
0x11: {  	[smem:$0x3F76] =	sst s9;
	s0 =	simm.s32 @!p0 $0x0  }
0x12: {  	s1 =	sld [smem:$0x3F5C];
	s0 =	simm.s32 @p0 $0x1  }
0x13: {  	[smem:$0x3F77] =	sst s0;
	s0 =	simm.s32 @!p1 $0x0  }
0x14: {  	s2 =	sld [smem:$0x3F5B];
	s0 =	simm.s32 @p1 $0x1  }
0x15: {  	[smem:$0x3F78] =	sst s0;
	s0 =	simm.s32 @!p2 $0x0  }
0x16: {  	s3 =	sld [smem:$0x3FDB];
	s0 =	simm.s32 @p2 $0x1  }
0x17: {  	s4 =	simm.s32 $0x1BF5;
	[smem:$0x3F7A] =	sst s0  }
0x18: {  	s0 =	sld [smem:$0x3F5D];
	_ =	swait.ge [sflag:s4], $0x0  }
0x19: {  	s7 =	sld [smem:$0x3F5E]  }
0x1a: {  	s8 =	sadd.s32 $0xFFFFE003, lr  }
0x1b: {  	s9 =	sadd.s32 $0xFFFFFEF7, lr;
	s5 =	simm.s32 $0xFFFFFFFF;
	p2 =	slt.u32 s8, $0xFFFFF086  }
0x1c: {  	p1 =	slt.u32 s9, $0xF7A;
	s5 =	simm.s32 @!p2 $0x0  }
0x1d: {  	s5 =	simm.s32 @p1 $0x1;
	p0 =	seq.s32 s7, s2  }
0x1e: {  	s7 =	smul.u32 @!p0 $0xF7A, s2;
	p2 =	seq.s32 @!p0 s5, $0x0  }
0x1f: {  	s9 =	smul.u32 $0xF7A, s1;
	s8 =	simm.s32 @!p0 $0x1BF5;
	p2 =	por !p2, p0  }
0x20: {  	[sflag:s8] =	ssyncset.s32 @!p0 $0xFFFFF086;
	s6 =	sadd.s32 @!p0 s3, s7;
	s7 =	simm.s32 @!p0 $0x108  }
0x21: {  	s3 =	sadd.s32 s3, s9;
	s6 =	sadd.s32 @!p0 $0x88, s6;
	s7 =	simm.s32 @p2 $0x1082  }
0x22: {  	[simem:s7], [sflag:s8] =	dma.local @!p0 [hbm:s6], $0xF7A  }
0x23: {  	s9 =	sor.u32 $0xD0000000, s2;
	s6 =	simm.s32 $0x108;
	_ =	swait.ge @!p0 [sflag:s8], $0x0  }
0x24: {  	s3 =	sadd.s32 $0x88, s3;
	s6 =	simm.s32 @!p1 $0x1082;
	[sflag:s4] =	ssyncset.s32 $0xFFFFF086  }
0x25: {  	[simem:s6], [sflag:s4] =	dma.local [hbm:s3], $0xF7A  }
0x26: {  	[smem:$0x3F5E] =	sst s1;
	(tag) =	ssettag s2;
	_ =	strace s9  }
0x27: {  	s1 =	sld [smem:$0x3F6E]  }
0x28: {  	s2 =	sld [smem:$0x3F6F]  }
0x29: {  	s4 =	sld [smem:$0x3F71]  }
0x2a: {  	p0 =	seq.s32 s5, $0x0;
	s5 =	sld [smem:$0x3F72]  }
0x2b: {  	s6 =	sld [smem:$0x3F73]  }
0x2c: {  	s7 =	sld [smem:$0x3F74]  }
0x2d: {  	s3 =	simm.s32 $0x108;
	s8 =	sld [smem:$0x3F75]  }
0x2e: {  	s3 =	simm.s32 @!p0 $0x1082;
	s9 =	sld [smem:$0x3F76]  }
0x2f: {  	lr =	sadd.s32 s0, s3;
	s0 =	sld [smem:$0x3F6D]  }
0x30: {  	s3 =	sld [smem:$0x3F70]  }
0x31: {  	[smem:$0x3F79] =	sst s10  }
0x32: {  	s10 =	sld [smem:$0x3F77];
	_ =	sdelay $0x3  }
0x33: {  	p0 =	seq.s32 s10, $0x1;
	s10 =	sld [smem:$0x3F79];
	_ =	sdelay $0x3  }
0x34: {  	[smem:$0x3F79] =	sst s10  }
0x35: {  	s10 =	sld [smem:$0x3F78];
	_ =	sdelay $0x3  }
0x36: {  	p1 =	seq.s32 s10, $0x1;
	s10 =	sld [smem:$0x3F79];
	_ =	sdelay $0x3  }
0x37: {  	[smem:$0x3F79] =	sst s10  }
0x38: {  	s10 =	sld [smem:$0x3F7A]  }
0x39: {  	_ = 	snop;
	(pc) =	sbr.ind lr, $3  }
0x3a: {  	_ = 	snop  }
0x3b: {  	_ = 	snop  }
0x3c: {  	p2 =	seq.s32 s10, $0x1;
	s10 =	sld [smem:$0x3F79]  }
0x3d: {  	_ =	shalt  }
0x3e: {  	_ =	shalt  }
0x3f: {  	_ =	shalt  }
0x40: {  	_ =	shalt  }
0x41: {  	_ =	shalt  }
0x42: {  	_ =	shalt  }
0x43: {  	_ =	shalt  }
0x44: {  	_ =	shalt  }
0x45: {  	_ =	shalt  }
0x46: {  	_ =	shalt  }
0x47: {  	_ =	shalt  }
0x48: {  	_ =	shalt  }
0x49: {  	_ =	shalt  }
0x4a: {  	_ =	shalt  }
0x4b: {  	_ =	shalt  }
0x4c: {  	_ =	shalt  }
0x4d: {  	_ =	shalt  }
0x4e: {  	_ =	shalt  }
0x4f: {  	_ =	shalt  }
0x50: {  	_ =	shalt  }
0x51: {  	_ =	shalt  }
0x52: {  	_ =	shalt  }
0x53: {  	_ =	shalt  }
0x54: {  	_ =	shalt  }
0x55: {  	_ =	shalt  }
0x56: {  	_ =	shalt  }
0x57: {  	_ =	shalt  }
0x58: {  	_ =	shalt  }
0x59: {  	_ =	shalt  }
0x5a: {  	_ =	shalt  }
0x5b: {  	_ =	shalt  }
0x5c: {  	_ =	shalt  }
0x5d: {  	_ =	shalt  }
0x5e: {  	_ =	shalt  }
0x5f: {  	_ =	shalt  }
0x60: {  	_ =	shalt  }
0x61: {  	_ =	shalt  }
0x62: {  	_ =	shalt  }
0x63: {  	_ =	shalt  }
0x64: {  	_ =	shalt  }
0x65: {  	_ =	shalt  }
0x66: {  	_ =	shalt  }
0x67: {  	_ =	shalt  }
0x68: {  	_ =	shalt  }
0x69: {  	_ =	shalt  }
0x6a: {  	_ =	shalt  }
0x6b: {  	_ =	shalt  }
0x6c: {  	_ =	shalt  }
0x6d: {  	_ =	shalt  }
0x6e: {  	_ =	shalt  }
0x6f: {  	_ =	shalt  }
0x70: {  	_ =	shalt  }
0x71: {  	_ =	shalt  }
0x72: {  	_ =	shalt  }
0x73: {  	_ =	shalt  }
0x74: {  	_ =	shalt  }
0x75: {  	_ =	shalt  }
0x76: {  	_ =	shalt  }
0x77: {  	_ =	shalt  }
0x78: {  	_ =	shalt  }
0x79: {  	_ =	shalt  }
0x7a: {  	_ =	shalt  }
0x7b: {  	_ =	shalt  }
0x7c: {  	_ =	shalt  }
0x7d: {  	_ =	shalt  }
0x7e: {  	_ =	shalt  }
0x7f: {  	_ =	shalt  }
0x80: {  	_ =	shalt  }
0x81: {  	_ =	shalt  }
0x82: {  	_ =	shalt  }
0x83: {  	_ =	shalt  }
0x84: {  	_ =	shalt  }
0x85: {  	_ =	shalt  }
0x86: {  	_ =	shalt  }
0x87: {  	_ =	shalt  }
.Lfunc_end0:
.L_simem_size_0:
called_computation.1_lowered:
.L_overlay_start_0:
0x88: {  	s2 =	sld [smem:$0x3FD9]  }
0x89: {  	s3 =	sld [smem:$0x3FFE];
	_ =	sdelay $0x1  }
0x8a: {  	s1 =	srdreg.scid  }
0x8b: {  	s0 =	sand.u32 $0x1, s1  }
0x8c: {  	s17 =	sshll.u32 s0, $0xA;
	s2 =	sadd.s32 s3, s2  }
0x8d: {  	s2 =	sadd.s32 s2, s17  }
0x8e: {  	[smem:$0x3F85] =	sst s2  }
0x8f: {  	_ = 	snop  }
0x90: {  	s2 =	sld [smem:$0x3FD0];
	(tm) =	ssettm $0x1  }
0x91: {  	s18 =	sld [smem:$0x3FFB];
	_ =	sdelay $0x3  }
0x92: {  	_ =	strace s18  }
0x93: {  	s3 =	sld [smem:$0x3FFC];
	_ =	sdelay $0x3  }
0x94: {  	_ =	strace s3  }
0x95: {  	s3 =	sld [smem:$0x3FFD];
	_ =	sdelay $0x3  }
0x96: {  	_ =	strace s3  }
0x97: {  	_ =	strace $0x8FFFFFFF  }
0x98: {  	s19 =	sld [smem:$0x3FDB];
	_ =	sdelay $0x1  }
0x99: {  	s4 =	simm.s32 $_scs_section_size  }
0x9a: {  	s5 =	simm.s32 $_size__tile_overlayer_lowered;
	s6 =	simm.s32 $_tile_overlayer_lowered  }
0x9b: {  	s22 =	simm.s32 $0x1BFF;
	s21 =	sshll.u32 s6, $0x1;
	s3 =	sadd.s32 s4, s19  }
0x9c: {  	s7 =	simm.s32 $0x0;
	s20 =	sshll.u32 s5, $0x1;
	s5 =	sadd.s32 s21, s3  }
0x9d: {  	[timem:s7], [sflag:s22] =	dma.local [hbm:s5], s20  }
0x9e: {  	_ =	swait.ge [sflag:s22], s20  }
0x9f: {  	s4 =	ssub.s32 $0x0, s20;
	[sflag:s22] =	ssyncset.done $0x0  }
0xa0: {  	[sflag:s22] =	ssyncadd.s32 s4;
	_ =	sdelay $0x1  }
0xa1: {  	s23 =	simm.s32 $0x1B8B  }
0xa2: {  	_ =	swait.ge [sflag:s23], $0x1  }
0xa3: {  	[sflag:s23] =	ssyncset.done $0x0  }
0xa4: {  	s25 =	simm.s32 $0x1B8E;
	s24 =	sld [smem:$0x3FFE];
	[sflag:s23] =	ssyncadd.s32 $0xFFFFFFFF  }
0xa5: {  	s26 =	simm.s32 $execute0_lowered;
	[smem:$0x3FD2] =	sst s25  }
0xa6: {  	s5 =	sshll.u32 s26, $0x1;
	_ =	strace $0x80000049;
	[dreg:$0x1] =	wrdreg $0xFFFFFFFF  }
0xa7: {  	s28 =	simm.s32 $_size_execute0_lowered;
	s3 =	sadd.s32 s3, s5;
	[dreg:$0x0] =	wrdreg $0x0  }
0xa8: {  	s5 =	sshll.u32 s28, $0x1;
	[dreg:$0x2] =	wrdreg s3  }
0xa9: {  	[dreg:$0x3] =	wrdreg s5  }
0xaa: {  	[dreg:$0x4] =	wrdreg $0xC0  }
0xab: {  	_ =	task [dreg:s7], $0x5FFFF  }
0xac: {  	[dreg:$0x1] =	wrdreg $0xFFFFFFFF  }
0xad: {  	[dreg:$0x0] =	wrdreg $0x60  }
0xae: {  	[dreg:$0x2] =	wrdreg s24  }
0xaf: {  	[dreg:$0x3] =	wrdreg s2  }
0xb0: {  	[dreg:$0x4] =	wrdreg $0x40800  }
0xb1: {  	[dreg:$0x5] =	wrdreg $0x9  }
0xb2: {  	_ =	task.clear_ibuf [dreg:s7], $0x6FFFF;
	_ =	strace $0x90000049  }
0xb3: {  	s29 =	simm.s32 $0x9;
	_ =	strace $0x8000004B  }
0xb4: {  	_ =	swait.ge [sflag:s29], $0x1  }
0xb5: {  	[sflag:s29] =	ssyncadd.s32 $0xFFFFFFFF  }
0xb6: {  	_ =	strace $0x9000004B  }
0xb7: {  	_ =	sfence  }
0xb8: {  	s30 =	sld [smem:$0x0];
	_ =	sdelay $0x2  }
0xb9: {  	s31 =	sshll.u32 s1, $0xD;
	s1 =	sshrl.u32 s1, $0x2  }
0xba: {  	s3 =	sand.u32 $0x4000, s31;
	s1 =	sadd.s32 s1, s30  }
0xbb: {  	s0 =	sor.u32 s3, s0;
	s1 =	sshll.u32 s1, $0x11  }
0xbc: {  	s0 =	sor.u32 s1, s0  }
0xbd: {  	s0 =	sadd.s32 $0x8F2B, s0  }
0xbe: {  	[sflag:s0] =	ssyncadd.remote.s32 $0x1  }
0xbf: {  	_ =	sfence.sel $0xFFFF  }
0xc0: {  	[dreg:$0x0] =	wrdreg $0xFFFFFFFF;
	(pc) =	sbr.abs _section_cstart, $3  }
0xc1: {  	[dreg:$0x1] =	wrdreg $0xFFFFFFFF  }
0xc2: {  	_ =	task.clear_ibuf [dreg:s7], $0x2FFFF;
	_ =	strace $0x9FFFFFFF  }
0xc3: {  	(tm) =	ssettm $0x7FFFFFFF  }
tec
execute0_lowered:
.L_overlay_start_1:
0x0: {  	(tag) =	ssettag $0x1  }
0x1: {  	s0 =	rddreg [dreg:$0x0]  }
0x2: {  	s19 =	rddreg [dreg:$0x1]  }
0x3: {  	s3 =	rddreg [dreg:$0x2];
	s1 =	stileid.u32  }
0x4: {  	s4 =	srdreg.scid;
	s8 =	smul.u32 $0x280, s1  }
0x5: {  	s31 =	simm.s32 $0x80;
	s2 =	sshll.u32 s1, $0xC;
	s16 =	smul.u32 $0x50000, s1  }
0x6: {  	s5 =	sadd.s32 $0x1BE00, s0;
	s4 =	sand.u32 $0x1, s4;
	s24 =	smul.u32 $0x5000, s1  }
0x7: {  	s14 =	smul.u32 $0x14000, s1;
	s2 =	sadd.s32 s2, s0;
	s6 =	sshll.u32 s4, $0x7  }
0x8: {  	s7 =	ssub.s32 $0x2, s4;
	s11 =	smul.u32 $0x140000, s4;
	s9 =	sadd.s32 s6, s0  }
0x9: {  	s10 =	sshrl.u32 s7, $0x1;
	s0 =	sadd.s32 $0x115C00, s0;
	s12 =	sadd.s32 $0x80, s8  }
0xa: {  	s13 =	sadd.s32 $0x100, s8;
	s6 =	sadd.s32 s6, s2;
	s7 =	ssub.s32 s7, s10  }
0xb: {  	s9 =	sadd.s32 $0xC5C00, s9;
	s25 =	sshll.u32 s12, $0x5;
	s20 =	sshll.u32 s12, $0x7  }
0xc: {  	s26 =	sshll.u32 s13, $0x5;
	s21 =	sshll.u32 s13, $0x7;
	s12 =	sadd.s32 $0x180, s8  }
0xd: {  	s8 =	sadd.s32 $0x200, s8;
	s17 =	sadd.s32 s11, s14;
	s10 =	sadd.s32 s24, s9  }
0xe: {  	s13 =	sshll.u32 s12, $0x5;
	s22 =	sshll.u32 s12, $0x7;
	s23 =	sshll.u32 s8, $0x7  }
0xf: {  	s8 =	sshll.u32 s8, $0x5;
	s18 =	sadd.s32 s11, s20;
	s24 =	sshrl.u32 s17, $0x3  }
0x10: {  	s17 =	sshll.u32 s1, $0x4;
	[dreg:$0x4] =	wrdreg s10;
	s10 =	sadd.s32 s25, s9  }
0x11: {  	s20 =	sadd.s32 s20, s3;
	s15 =	sadd.s32 s13, s9;
	[dreg:$0x5] =	wrdreg s10  }
0x12: {  	s8 =	sadd.s32 s8, s9;
	s25 =	sshrl.u32 s18, $0x3;
	[dreg:$0x7] =	wrdreg s15  }
0x13: {  	s18 =	sadd.s32 s17, s5;
	s10 =	sadd.s32 s26, s9;
	[dreg:$0x8] =	wrdreg s8  }
0x14: {  	s8 =	sadd.s32 s0, s24;
	s26 =	sadd.s32 s0, s25;
	s9 =	sadd.s32 s11, s21  }
0x15: {  	s15 =	sshll.u32 s4, $0xB;
	[dreg:$0xe] =	wrdreg s18;
	s24 =	sshll.u32 s1, $0x5  }
0x16: {  	s25 =	sshrl.u32 s16, $0x2;
	s4 =	sshll.u32 s4, $0x4;
	[dreg:$0x6] =	wrdreg s10  }
0x17: {  	s18 =	sshll.u32 s1, $0x1;
	s21 =	sadd.s32 s21, s3;
	[dreg:$0x9] =	wrdreg s8  }
0x18: {  	[dreg:$0xa] =	wrdreg s26;
	s8 =	sshrl.u32 s9, $0x3;
	s10 =	sadd.s32 s11, s22  }
0x19: {  	s11 =	sadd.s32 s11, s23;
	s16 =	sadd.s32 s25, s3;
	s26 =	smax.u32 s7, $0x1  }
0x1a: {  	s22 =	sadd.s32 s22, s3;
	s23 =	sadd.s32 s23, s3;
	s8 =	sadd.s32 s0, s8  }
0x1b: {  	s13 =	sshrl.u32 s10, $0x3;
	s14 =	sshrl.u32 s11, $0x3;
	s28 =	sadd.s32 $0x8000, s16  }
0x1c: {  	s29 =	sadd.s32 $0xC000, s16;
	[dreg:$0xb] =	wrdreg s8;
	s8 =	sadd.s32 s0, s13  }
0x1d: {  	s30 =	sadd.s32 $0x10000, s16;
	s0 =	sadd.s32 s0, s14;
	[dreg:$0xc] =	wrdreg s8  }
0x1e: {  	s14 =	simm.s32 $0x0;
	[dreg:$0xd] =	wrdreg s0;
	s0 =	sadd.s32 s15, s2  }
0x1f: {  	s2 =	sadd.s32 s24, s5;
	[smem:$0x7FF] =	sst s14;
	s24 =	sadd.s32 $0x1EB1C00, s6  }
0x20: {  	s5 =	simm.s32 $0x0;
	_ =	strace $0x8000004A;
	s17 =	sadd.s32 s4, s2  }
0x21: {  	[dreg:$0xf] =	wrdreg s26;
	s25 =	sadd.s32 $0x2875C00, s0;
	s26 =	sadd.s32 $0x4000, s16  }
0x22: {  	s0 =	simm.s32 $0x1;
	s2 =	simm.s32 $0x400;
	s4 =	simm.s32 $0x800  }
.LBB2_1:
0x23: {  	[tilespmem:s31], [sflag:$0x1] =	stream.linear.gather [hbm4b:s19+s14], $0x4000, $0x38;
	[tilespmem:$0x18080] =	vst v63  }
0x24: {  	_ =	swait.ge [sflag:s0], $0x4000  }
0x25: {  	[sflag:s0] =	ssyncset.done $0x0  }
0x26: {  	[sflag:s0] =	ssyncadd.s32 $0xFFFFC000  }
0x27: {  	[spmem:s16] =	stream.linear.scatter [tilespmem:s31], [sflag:$0x1], $0x4000, $0x38;
	[tilespmem:$0x18080] =	vst v63  }
0x28: {  	_ =	swait.ge [sflag:s0], $0x4000  }
0x29: {  	[sflag:s0] =	ssyncset.done $0x0  }
0x2a: {  	[sflag:s0] =	ssyncadd.s32 $0xFFFFC000  }
0x2b: {  	[spmem:s26] =	stream.linear.scatter [tilespmem:s31], [sflag:$0x1], $0x4000, $0x38;
	[tilespmem:$0x18080] =	vst v63  }
0x2c: {  	_ =	swait.ge [sflag:s0], $0x4000  }
0x2d: {  	[sflag:s0] =	ssyncset.done $0x0  }
0x2e: {  	[sflag:s0] =	ssyncadd.s32 $0xFFFFC000  }
0x2f: {  	[spmem:s28] =	stream.linear.scatter [tilespmem:s31], [sflag:$0x1], $0x4000, $0x38;
	[tilespmem:$0x18080] =	vst v63  }
0x30: {  	_ =	swait.ge [sflag:s0], $0x4000  }
0x31: {  	[sflag:s0] =	ssyncset.done $0x0  }
0x32: {  	[sflag:s0] =	ssyncadd.s32 $0xFFFFC000  }
0x33: {  	[spmem:s29] =	stream.linear.scatter [tilespmem:s31], [sflag:$0x1], $0x4000, $0x38;
	[tilespmem:$0x18080] =	vst v63  }
0x34: {  	_ =	swait.ge [sflag:s0], $0x4000  }
0x35: {  	[sflag:s0] =	ssyncset.done $0x0  }
0x36: {  	[sflag:s0] =	ssyncadd.s32 $0xFFFFC000  }
0x37: {  	[spmem:s30] =	stream.linear.scatter [tilespmem:s31], [sflag:$0x1], $0x4000, $0x38;
	[tilespmem:$0x18080] =	vst v63  }
0x38: {  	_ =	swait.ge [sflag:s0], $0x4000  }
0x39: {  	[sflag:s0] =	ssyncset.done $0x0  }
0x3a: {  	s6 =	sadd.s32 $0x0, s1;
	[sflag:s0] =	ssyncadd.s32 $0xFFFFC000  }
0x3b: {  	p0 =	sgt.u32 s6, $0x9C3;
	[bflag:$0x0] =	sbarrier.arrive $0xFFFF  }
0x3c: {  	s6 =	simm.s32 @!p0 $0x0;
	s8 =	simm.s32 @!p0 $0x2;
	s11 =	rddreg [dreg:$0xe]  }
0x3d: {  	[tilespmem:s6], [sflag:$0x2] =	stream.linear.gather @!p0 [hbm4b:s11+s6], $0x80, $0x38;
	[tilespmem:$0x18080] =	vst v63  }
0x3e: {  	_ =	swait.ge @!p0 [sflag:s8], $0x80  }
0x3f: {  	s10 =	simm.s32 @!p0 $0x80;
	[sflag:s8] =	ssyncset.done @!p0 $0x0  }
0x40: {  	s7 =	simm.s32 @!p0 $0x400;
	s9 =	simm.s32 @!p0 $0x800;
	[sflag:s8] =	ssyncadd.s32 @!p0 $0xFFFFFF80  }
0x41: {  	[tilespmem:s10], [sflag:$0x2] =	stream.strided.gather @!p0 [hbm4b:s24+s7], $0x4000, s9, s7, $0x38;
	[tilespmem:$0x18080] =	vst v63  }
0x42: {  	p1 =	por p0, p0;
	_ =	swait.ge @!p0 [sflag:s8], $0x4000  }
0x43: {  	s15 =	smov.u32 s19;
	[sflag:s8] =	ssyncset.done @!p1 $0x0  }
0x44: {  	s19 =	sadd.s32 $0x10, s1;
	s9 =	simm.s32 @!p1 $0x1;
	[sflag:s8] =	ssyncadd.s32 @!p1 $0xFFFFC000  }
0x45: {  	[spmem:s3] =	stream.indirect.scatter.add.f32 @!p1 [tilespmem:s10], [sflag:$0x1], $0x80, s6, s10, $0xb8;
	[tilespmem:$0x18080] =	vst v63  }
0x46: {  	s7 =	simm.s32 $0x20;
	p0 =	sgt.u32 s19, $0x9C3;
	_ =	swait.ge @!p1 [sflag:s9], $0x4000  }
0x47: {  	s8 =	sadd.s32 $0x100, s11;
	s6 =	sadd.s32 $0x10000, s24;
	[sflag:s9] =	ssyncset.done @!p1 $0x0  }
.LBB2_2:
0x48: {  	s10 =	simm.s32 @!p0 $0x0;
	s11 =	simm.s32 @!p0 $0x2;
	[sflag:s9] =	ssyncadd.s32 @!p1 $0xFFFFC000  }
0x49: {  	[tilespmem:s10], [sflag:$0x2] =	stream.linear.gather @!p0 [hbm4b:s8+s10], $0x80, $0x38;
	[tilespmem:$0x18080] =	vst v63  }
0x4a: {  	s12 =	smov.u32 s7;
	s7 =	sadd.s32 $0x10, s7;
	_ =	swait.ge @!p0 [sflag:s11], $0x80  }
0x4b: {  	s13 =	simm.s32 @!p0 $0x80;
	p2 =	sne.s32 s7, $0x9D0;
	[sflag:s11] =	ssyncset.done @!p0 $0x0  }
0x4c: {  	s9 =	simm.s32 @!p0 $0x400;
	s19 =	simm.s32 @!p0 $0x800;
	[sflag:s11] =	ssyncadd.s32 @!p0 $0xFFFFFF80  }
0x4d: {  	[tilespmem:s13], [sflag:$0x2] =	stream.strided.gather @!p0 [hbm4b:s6+s9], $0x4000, s19, s9, $0x38;
	[tilespmem:$0x18080] =	vst v63  }
0x4e: {  	p1 =	por p0, p0;
	_ =	swait.ge @!p0 [sflag:s11], $0x4000  }
.Ltmp0:
0x4f: {  	[sflag:s11] =	ssyncset.done @!p1 $0x0;
	(pc) =	sbr.rel @p2 .LBB2_2-.Ltmp0, $4  }
0x50: {  	s9 =	simm.s32 @!p1 $0x1;
	[sflag:s11] =	ssyncadd.s32 @!p1 $0xFFFFC000  }
0x51: {  	[spmem:s3] =	stream.indirect.scatter.add.f32 @!p1 [tilespmem:s13], [sflag:$0x1], $0x80, s10, s13, $0xb8;
	[tilespmem:$0x18080] =	vst v63  }
0x52: {  	s6 =	sadd.s32 $0x10000, s6;
	s10 =	sadd.s32 s12, s1;
	_ =	swait.ge @!p1 [sflag:s9], $0x4000  }
0x53: {  	s8 =	sadd.s32 $0x100, s8;
	p0 =	sgt.u32 s10, $0x9C3;
	[sflag:s9] =	ssyncset.done @!p1 $0x0  }
0x54: {  	s7 =	simm.s32 @!p0 $0x0;
	s10 =	simm.s32 @!p0 $0x2;
	[sflag:s9] =	ssyncadd.s32 @!p1 $0xFFFFC000  }
0x55: {  	[tilespmem:s7], [sflag:$0x2] =	stream.linear.gather @!p0 [hbm4b:s8+s7], $0x80, $0x38;
	[tilespmem:$0x18080] =	vst v63  }
0x56: {  	_ =	swait.ge @!p0 [sflag:s10], $0x80  }
0x57: {  	s9 =	simm.s32 @!p0 $0x400;
	[sflag:s10] =	ssyncset.done @!p0 $0x0  }
0x58: {  	s11 =	simm.s32 @!p0 $0x800;
	s8 =	simm.s32 @!p0 $0x80;
	[sflag:s10] =	ssyncadd.s32 @!p0 $0xFFFFFF80  }
0x59: {  	[tilespmem:s8], [sflag:$0x2] =	stream.strided.gather @!p0 [hbm4b:s6+s9], $0x4000, s11, s9, $0x38;
	[tilespmem:$0x18080] =	vst v63  }
0x5a: {  	_ =	swait.ge @!p0 [sflag:s10], $0x4000;
	p0 =	por p0, p0  }
0x5b: {  	[sflag:s10] =	ssyncset.done @!p0 $0x0  }
0x5c: {  	s6 =	simm.s32 @!p0 $0x1;
	[sflag:s10] =	ssyncadd.s32 @!p0 $0xFFFFC000  }
0x5d: {  	[spmem:s3] =	stream.indirect.scatter.add.f32 @!p0 [tilespmem:s8], [sflag:$0x1], $0x80, s7, s8, $0xb8;
	[tilespmem:$0x18080] =	vst v63  }
0x5e: {  	_ =	swait.ge @!p0 [sflag:s6], $0x4000  }
0x5f: {  	[sflag:s6] =	ssyncset.done @!p0 $0x0  }
0x60: {  	[sflag:s6] =	ssyncadd.s32 @!p0 $0xFFFFC000  }
0x61: {  	[bflag:$0x0] =	sbarrier.arrive $0xFFFF  }
0x62: {  	[tilespmem:s31], [sflag:$0x1] =	stream.linear.gather [spmem:s16], $0x4000, $0x38;
	[tilespmem:$0x18080] =	vst v63  }
0x63: {  	_ =	swait.ge [sflag:s0], $0x4000  }
0x64: {  	[sflag:s0] =	ssyncset.done $0x0  }
0x65: {  	s7 =	rddreg [dreg:$0x4];
	[sflag:s0] =	ssyncadd.s32 $0xFFFFC000  }
0x66: {  	[hbm4b:s7+s2] =	stream.strided.scatter [tilespmem:s31], [sflag:$0x1], $0x4000, s4, s2, $0x38;
	[tilespmem:$0x18080] =	vst v63  }
0x67: {  	_ =	swait.ge [sflag:s0], $0x4000  }
0x68: {  	[sflag:s0] =	ssyncset.done $0x0  }
0x69: {  	[sflag:s0] =	ssyncadd.s32 $0xFFFFC000  }
0x6a: {  	[tilespmem:s31], [sflag:$0x1] =	stream.linear.gather [spmem:s20], $0x4000, $0x38;
	[tilespmem:$0x18080] =	vst v63  }
0x6b: {  	_ =	swait.ge [sflag:s0], $0x4000  }
0x6c: {  	[sflag:s0] =	ssyncset.done $0x0  }
0x6d: {  	s8 =	rddreg [dreg:$0x5];
	[sflag:s0] =	ssyncadd.s32 $0xFFFFC000  }
0x6e: {  	[hbm4b:s8+s2] =	stream.strided.scatter [tilespmem:s31], [sflag:$0x1], $0x4000, s4, s2, $0x38;
	[tilespmem:$0x18080] =	vst v63  }
0x6f: {  	_ =	swait.ge [sflag:s0], $0x4000  }
0x70: {  	[sflag:s0] =	ssyncset.done $0x0  }
0x71: {  	[sflag:s0] =	ssyncadd.s32 $0xFFFFC000  }
0x72: {  	[tilespmem:s31], [sflag:$0x1] =	stream.linear.gather [spmem:s21], $0x4000, $0x38;
	[tilespmem:$0x18080] =	vst v63  }
0x73: {  	_ =	swait.ge [sflag:s0], $0x4000  }
0x74: {  	[sflag:s0] =	ssyncset.done $0x0  }
0x75: {  	s9 =	rddreg [dreg:$0x6];
	[sflag:s0] =	ssyncadd.s32 $0xFFFFC000  }
0x76: {  	[hbm4b:s9+s2] =	stream.strided.scatter [tilespmem:s31], [sflag:$0x1], $0x4000, s4, s2, $0x38;
	[tilespmem:$0x18080] =	vst v63  }
0x77: {  	_ =	swait.ge [sflag:s0], $0x4000  }
0x78: {  	[sflag:s0] =	ssyncset.done $0x0  }
0x79: {  	[sflag:s0] =	ssyncadd.s32 $0xFFFFC000  }
0x7a: {  	[tilespmem:s31], [sflag:$0x1] =	stream.linear.gather [spmem:s22], $0x4000, $0x38;
	[tilespmem:$0x18080] =	vst v63  }
0x7b: {  	_ =	swait.ge [sflag:s0], $0x4000  }
0x7c: {  	[sflag:s0] =	ssyncset.done $0x0  }
0x7d: {  	s10 =	rddreg [dreg:$0x7];
	[sflag:s0] =	ssyncadd.s32 $0xFFFFC000  }
0x7e: {  	[hbm4b:s10+s2] =	stream.strided.scatter [tilespmem:s31], [sflag:$0x1], $0x4000, s4, s2, $0x38;
	[tilespmem:$0x18080] =	vst v63  }
0x7f: {  	_ =	swait.ge [sflag:s0], $0x4000  }
0x80: {  	[sflag:s0] =	ssyncset.done $0x0  }
0x81: {  	[sflag:s0] =	ssyncadd.s32 $0xFFFFC000  }
0x82: {  	[tilespmem:s31], [sflag:$0x1] =	stream.linear.gather [spmem:s23], $0x4000, $0x38;
	[tilespmem:$0x18080] =	vst v63  }
0x83: {  	_ =	swait.ge [sflag:s0], $0x4000  }
0x84: {  	[sflag:s0] =	ssyncset.done $0x0  }
0x85: {  	s11 =	rddreg [dreg:$0x8];
	[sflag:s0] =	ssyncadd.s32 $0xFFFFC000  }
0x86: {  	[hbm4b:s11+s2] =	stream.strided.scatter [tilespmem:s31], [sflag:$0x1], $0x4000, s4, s2, $0x38;
	[tilespmem:$0x18080] =	vst v63  }
0x87: {  	_ =	swait.ge [sflag:s0], $0x4000  }
0x88: {  	[sflag:s0] =	ssyncset.done $0x0  }
0x89: {  	[sflag:s0] =	ssyncadd.s32 $0xFFFFC000  }
0x8a: {  	s12 =	simm.s32 $0x0;
	[bflag:$0x0] =	sbarrier.arrive $0xFFFF  }
0x8b: {  	[tilespmem:s31], [sflag:$0x1] =	stream.linear.gather [hbm4b:s15+s12], $0x4000, $0x38;
	[tilespmem:$0x18080] =	vst v63  }
0x8c: {  	_ =	swait.ge [sflag:s0], $0x4000  }
0x8d: {  	[sflag:s0] =	ssyncset.done $0x0  }
0x8e: {  	[sflag:s0] =	ssyncadd.s32 $0xFFFFC000  }
0x8f: {  	[spmem:s16] =	stream.linear.scatter [tilespmem:s31], [sflag:$0x1], $0x4000, $0x38;
	[tilespmem:$0x18080] =	vst v63  }
0x90: {  	_ =	swait.ge [sflag:s0], $0x4000  }
0x91: {  	[sflag:s0] =	ssyncset.done $0x0  }
0x92: {  	[sflag:s0] =	ssyncadd.s32 $0xFFFFC000  }
0x93: {  	[spmem:s26] =	stream.linear.scatter [tilespmem:s31], [sflag:$0x1], $0x4000, $0x38;
	[tilespmem:$0x18080] =	vst v63  }
0x94: {  	_ =	swait.ge [sflag:s0], $0x4000  }
0x95: {  	[sflag:s0] =	ssyncset.done $0x0  }
0x96: {  	[sflag:s0] =	ssyncadd.s32 $0xFFFFC000  }
0x97: {  	[spmem:s28] =	stream.linear.scatter [tilespmem:s31], [sflag:$0x1], $0x4000, $0x38;
	[tilespmem:$0x18080] =	vst v63  }
0x98: {  	_ =	swait.ge [sflag:s0], $0x4000  }
0x99: {  	[sflag:s0] =	ssyncset.done $0x0  }
0x9a: {  	[sflag:s0] =	ssyncadd.s32 $0xFFFFC000  }
0x9b: {  	[spmem:s29] =	stream.linear.scatter [tilespmem:s31], [sflag:$0x1], $0x4000, $0x38;
	[tilespmem:$0x18080] =	vst v63  }
0x9c: {  	_ =	swait.ge [sflag:s0], $0x4000  }
0x9d: {  	[sflag:s0] =	ssyncset.done $0x0  }
0x9e: {  	[sflag:s0] =	ssyncadd.s32 $0xFFFFC000  }
0x9f: {  	[spmem:s30] =	stream.linear.scatter [tilespmem:s31], [sflag:$0x1], $0x4000, $0x38;
	[tilespmem:$0x18080] =	vst v63  }
0xa0: {  	_ =	swait.ge [sflag:s0], $0x4000  }
0xa1: {  	s13 =	sadd.s32 $0x0, s18;
	[sflag:s0] =	ssyncset.done $0x0  }
0xa2: {  	p0 =	sgt.u32 s13, $0x9C3;
	[sflag:s0] =	ssyncadd.s32 $0xFFFFC000  }
0xa3: {  	s6 =	simm.s32 @!p0 $0x0;
	s8 =	simm.s32 @!p0 $0x2;
	[bflag:$0x0] =	sbarrier.arrive $0xFFFF  }
0xa4: {  	[tilespmem:s6], [sflag:$0x2] =	stream.linear.gather @!p0 [hbm4b:s17+s6], $0x80, $0x38;
	[tilespmem:$0x18080] =	vst v63  }
0xa5: {  	_ =	swait.ge @!p0 [sflag:s8], $0x80  }
0xa6: {  	[sflag:s8] =	ssyncset.done @!p0 $0x0;
	p0 =	por p0, p0  }
0xa7: {  	[sflag:s8] =	ssyncadd.s32 @!p0 $0xFFFFFF80;
	s10 =	simm.s32 @!p0 $0x80  }
0xa8: {  	[tilespmem:s10], [sflag:$0x2] =	stream.linear.gather @!p0 [hbm4b:s25+s6], $0x4000, $0x38;
	[tilespmem:$0x18080] =	vst v63  }
0xa9: {  	_ =	swait.ge @!p0 [sflag:s8], $0x4000  }
0xaa: {  	s19 =	smov.u32 s15;
	[sflag:s8] =	ssyncset.done @!p0 $0x0  }
0xab: {  	s15 =	sadd.s32 $0x20, s18;
	s9 =	simm.s32 @!p0 $0x1;
	[sflag:s8] =	ssyncadd.s32 @!p0 $0xFFFFC000  }
0xac: {  	[spmem:s3] =	stream.indirect.scatter.add.f32 @!p0 [tilespmem:s10], [sflag:$0x1], $0x80, s6, s10, $0xb8;
	[tilespmem:$0x18080] =	vst v63  }
0xad: {  	s7 =	simm.s32 $0x40;
	p1 =	sgt.u32 s15, $0x9C3;
	_ =	swait.ge @!p0 [sflag:s9], $0x4000  }
0xae: {  	s8 =	sadd.s32 $0x200, s17;
	s6 =	sadd.s32 $0x10000, s25;
	[sflag:s9] =	ssyncset.done @!p0 $0x0  }
.LBB2_4:
0xaf: {  	s10 =	simm.s32 @!p1 $0x0;
	s11 =	simm.s32 @!p1 $0x2;
	[sflag:s9] =	ssyncadd.s32 @!p0 $0xFFFFC000  }
0xb0: {  	[tilespmem:s10], [sflag:$0x2] =	stream.linear.gather @!p1 [hbm4b:s8+s10], $0x80, $0x38;
	[tilespmem:$0x18080] =	vst v63  }
0xb1: {  	s12 =	smov.u32 s7;
	s7 =	sadd.s32 $0x20, s7;
	_ =	swait.ge @!p1 [sflag:s11], $0x80  }
0xb2: {  	p0 =	por p1, p1;
	p2 =	sne.s32 s7, $0x9E0;
	[sflag:s11] =	ssyncset.done @!p1 $0x0  }
0xb3: {  	s13 =	simm.s32 @!p0 $0x80;
	[sflag:s11] =	ssyncadd.s32 @!p0 $0xFFFFFF80  }
0xb4: {  	[tilespmem:s13], [sflag:$0x2] =	stream.linear.gather @!p0 [hbm4b:s6+s10], $0x4000, $0x38;
	[tilespmem:$0x18080] =	vst v63  }
0xb5: {  	_ =	swait.ge @!p0 [sflag:s11], $0x4000  }
.Ltmp1:
0xb6: {  	[sflag:s11] =	ssyncset.done @!p0 $0x0;
	(pc) =	sbr.rel @p2 .LBB2_4-.Ltmp1, $4  }
0xb7: {  	s9 =	simm.s32 @!p0 $0x1;
	[sflag:s11] =	ssyncadd.s32 @!p0 $0xFFFFC000  }
0xb8: {  	[spmem:s3] =	stream.indirect.scatter.add.f32 @!p0 [tilespmem:s13], [sflag:$0x1], $0x80, s10, s13, $0xb8;
	[tilespmem:$0x18080] =	vst v63  }
0xb9: {  	s8 =	sadd.s32 $0x200, s8;
	s10 =	sadd.s32 s12, s18;
	_ =	swait.ge @!p0 [sflag:s9], $0x4000  }
0xba: {  	s6 =	sadd.s32 $0x10000, s6;
	p1 =	sgt.u32 s10, $0x9C3;
	[sflag:s9] =	ssyncset.done @!p0 $0x0  }
0xbb: {  	s7 =	simm.s32 @!p1 $0x0;
	s10 =	simm.s32 @!p1 $0x2;
	[sflag:s9] =	ssyncadd.s32 @!p0 $0xFFFFC000  }
0xbc: {  	[tilespmem:s7], [sflag:$0x2] =	stream.linear.gather @!p1 [hbm4b:s8+s7], $0x80, $0x38;
	[tilespmem:$0x18080] =	vst v63  }
0xbd: {  	_ =	swait.ge @!p1 [sflag:s10], $0x80  }
0xbe: {  	p0 =	por p1, p1;
	[sflag:s10] =	ssyncset.done @!p1 $0x0  }
0xbf: {  	s8 =	simm.s32 @!p0 $0x80;
	[sflag:s10] =	ssyncadd.s32 @!p0 $0xFFFFFF80  }
0xc0: {  	[tilespmem:s8], [sflag:$0x2] =	stream.linear.gather @!p0 [hbm4b:s6+s7], $0x4000, $0x38;
	[tilespmem:$0x18080] =	vst v63  }
0xc1: {  	_ =	swait.ge @!p0 [sflag:s10], $0x4000  }
0xc2: {  	[sflag:s10] =	ssyncset.done @!p0 $0x0  }
0xc3: {  	s6 =	simm.s32 @!p0 $0x1;
	[sflag:s10] =	ssyncadd.s32 @!p0 $0xFFFFC000  }
0xc4: {  	[spmem:s3] =	stream.indirect.scatter.add.f32 @!p0 [tilespmem:s8], [sflag:$0x1], $0x80, s7, s8, $0xb8;
	[tilespmem:$0x18080] =	vst v63  }
0xc5: {  	_ =	swait.ge @!p0 [sflag:s6], $0x4000  }
0xc6: {  	[sflag:s6] =	ssyncset.done @!p0 $0x0  }
0xc7: {  	[sflag:s6] =	ssyncadd.s32 @!p0 $0xFFFFC000  }
0xc8: {  	[bflag:$0x0] =	sbarrier.arrive $0xFFFF  }
0xc9: {  	[tilespmem:s31], [sflag:$0x1] =	stream.linear.gather [spmem:s16], $0x4000, $0x38;
	[tilespmem:$0x18080] =	vst v63  }
0xca: {  	_ =	swait.ge [sflag:s0], $0x4000  }
0xcb: {  	[sflag:s0] =	ssyncset.done $0x0  }
0xcc: {  	s9 =	rddreg [dreg:$0x9];
	[sflag:s0] =	ssyncadd.s32 $0xFFFFC000  }
0xcd: {  	[hbm4b:s9+s14] =	stream.linear.scatter [tilespmem:s31], [sflag:$0x1], $0x4000, $0x38;
	[tilespmem:$0x18080] =	vst v63  }
0xce: {  	_ =	swait.ge [sflag:s0], $0x4000  }
0xcf: {  	[sflag:s0] =	ssyncset.done $0x0  }
0xd0: {  	[sflag:s0] =	ssyncadd.s32 $0xFFFFC000  }
0xd1: {  	[tilespmem:s31], [sflag:$0x1] =	stream.linear.gather [spmem:s20], $0x4000, $0x38;
	[tilespmem:$0x18080] =	vst v63  }
0xd2: {  	_ =	swait.ge [sflag:s0], $0x4000  }
0xd3: {  	[sflag:s0] =	ssyncset.done $0x0  }
0xd4: {  	s10 =	rddreg [dreg:$0xa];
	[sflag:s0] =	ssyncadd.s32 $0xFFFFC000  }
0xd5: {  	[hbm4b:s10+s14] =	stream.linear.scatter [tilespmem:s31], [sflag:$0x1], $0x4000, $0x38;
	[tilespmem:$0x18080] =	vst v63  }
0xd6: {  	_ =	swait.ge [sflag:s0], $0x4000  }
0xd7: {  	[sflag:s0] =	ssyncset.done $0x0  }
0xd8: {  	[sflag:s0] =	ssyncadd.s32 $0xFFFFC000  }
0xd9: {  	[tilespmem:s31], [sflag:$0x1] =	stream.linear.gather [spmem:s21], $0x4000, $0x38;
	[tilespmem:$0x18080] =	vst v63  }
0xda: {  	_ =	swait.ge [sflag:s0], $0x4000  }
0xdb: {  	[sflag:s0] =	ssyncset.done $0x0  }
0xdc: {  	s11 =	rddreg [dreg:$0xb];
	[sflag:s0] =	ssyncadd.s32 $0xFFFFC000  }
0xdd: {  	[hbm4b:s11+s14] =	stream.linear.scatter [tilespmem:s31], [sflag:$0x1], $0x4000, $0x38;
	[tilespmem:$0x18080] =	vst v63  }
0xde: {  	_ =	swait.ge [sflag:s0], $0x4000  }
0xdf: {  	[sflag:s0] =	ssyncset.done $0x0  }
0xe0: {  	[sflag:s0] =	ssyncadd.s32 $0xFFFFC000  }
0xe1: {  	[tilespmem:s31], [sflag:$0x1] =	stream.linear.gather [spmem:s22], $0x4000, $0x38;
	[tilespmem:$0x18080] =	vst v63  }
0xe2: {  	_ =	swait.ge [sflag:s0], $0x4000  }
0xe3: {  	[sflag:s0] =	ssyncset.done $0x0  }
0xe4: {  	s12 =	rddreg [dreg:$0xc];
	[sflag:s0] =	ssyncadd.s32 $0xFFFFC000  }
0xe5: {  	[hbm4b:s12+s14] =	stream.linear.scatter [tilespmem:s31], [sflag:$0x1], $0x4000, $0x38;
	[tilespmem:$0x18080] =	vst v63  }
0xe6: {  	_ =	swait.ge [sflag:s0], $0x4000  }
0xe7: {  	[sflag:s0] =	ssyncset.done $0x0  }
0xe8: {  	[sflag:s0] =	ssyncadd.s32 $0xFFFFC000  }
0xe9: {  	[tilespmem:s31], [sflag:$0x1] =	stream.linear.gather [spmem:s23], $0x4000, $0x38;
	[tilespmem:$0x18080] =	vst v63  }
0xea: {  	_ =	swait.ge [sflag:s0], $0x4000  }
0xeb: {  	[sflag:s0] =	ssyncset.done $0x0  }
0xec: {  	s13 =	rddreg [dreg:$0xd];
	[sflag:s0] =	ssyncadd.s32 $0xFFFFC000  }
0xed: {  	[hbm4b:s13+s14] =	stream.linear.scatter [tilespmem:s31], [sflag:$0x1], $0x4000, $0x38;
	[tilespmem:$0x18080] =	vst v63  }
0xee: {  	_ =	swait.ge [sflag:s0], $0x4000  }
0xef: {  	s5 =	sadd.s32 $0x1, s5;
	s15 =	rddreg [dreg:$0xf]  }
0xf0: {  	p0 =	sne.s32 s5, s15  }
.Ltmp2:
0xf1: {  	_ = 	snop;
	(pc) =	sbr.rel @p0 .LBB2_1-.Ltmp2, $3  }
0xf2: {  	_ =	sdelay $0x1  }
0xf3: {  	[sflag:s0] =	ssyncset.done $0x0  }
0xf4: {  	[sflag:s0] =	ssyncadd.s32 $0xFFFFC000  }
0xf5: {  	_ =	sfence.sel $0x180000  }
0xf6: {  	[bflag:$0x0] =	sbarrier.arrive $0xFFFF  }
0xf7: {  	_ =	strace $0x9000004A  }
0xf8: {  	[bflag:$0x2] =	sbarrier.arrive $0xFFFF  }
0xf9: {  	p0 =	sne.s32 s1, $0x0;
	s0 =	rddreg [dreg:$0x3]  }
0xfa: {  	s0 =	sadd.s32 @!p0 $0x100000, s0  }
0xfb: {  	[sflag:s0] =	ssyncadd.tile.s32 @!p0 $0x1;
	_ =	shalt  }
.Lfunc_end2:
_tile_overlayer_lowered:
.L_overlay_start_2:
0xfc: {  	(tag) =	ssettag $0x2  }
0xfd: {  	s0 =	rddreg [dreg:$0x0];
	s2 =	stileid.u32  }
0xfe: {  	s1 =	rddreg [dreg:$0x1];
	p0 =	sne.s32 s2, $0x0  }
0xff: {  	s3 =	rddreg [dreg:$0x2];
	[bflag:$0x3] =	sbarrier.arrive $0xFFFF;
	s2 =	simm.s32 @!p0 $0x1C01  }
0x100: {  	[timem:s3], [sflag:s2] =	dma.local @!p0 [hbm:s0], s1  }
0x101: {  	s0 =	simm.s32 @!p0 $0x1  }
0x102: {  	_ =	swait.ge @!p0 [sflag:s0], s1  }
0x103: {  	s1 =	ssub.s32 @!p0 $0x0, s1;
	[sflag:s0] =	ssyncset.done @!p0 $0x0  }
0x104: {  	[sflag:s0] =	ssyncadd.s32 @!p0 s1  }
0x105: {  	[bflag:$0x3] =	sbarrier.arrive $0xFFFF  }
0x106: {  	_ =	shalt  }

// kernel: kernel.29.cloned.1.call-start
scs
__scs_entry_jumppad:
0x0: {  	(pc) =	sbr.rel $0x88, $3  }
0x1: {  	(tag) =	ssettag $0x0;
	lr =	simm.s32 $0x1  }
0x2: {  	[smem:$0x3F5E] =	sst lr;
	_ =	strace $0xD0000000  }
0x3: {  	_ = 	snop  }
0x4: {  	_ = 	snop  }
0x5: {  	_ = 	snop  }
0x6: {  	_ = 	snop  }
0x7: {  	_ = 	snop  }
__scs_overlays_trampoline_lowered:
0x8: {  	[smem:$0x3F6D] =	sst s0  }
0x9: {  	[smem:$0x3F6E] =	sst s1  }
0xa: {  	[smem:$0x3F6F] =	sst s2  }
0xb: {  	[smem:$0x3F70] =	sst s3  }
0xc: {  	[smem:$0x3F71] =	sst s4  }
0xd: {  	[smem:$0x3F72] =	sst s5  }
0xe: {  	[smem:$0x3F73] =	sst s6  }
0xf: {  	[smem:$0x3F74] =	sst s7  }
0x10: {  	[smem:$0x3F75] =	sst s8  }
0x11: {  	[smem:$0x3F76] =	sst s9;
	s0 =	simm.s32 @!p0 $0x0  }
0x12: {  	s1 =	sld [smem:$0x3F5C];
	s0 =	simm.s32 @p0 $0x1  }
0x13: {  	[smem:$0x3F77] =	sst s0;
	s0 =	simm.s32 @!p1 $0x0  }
0x14: {  	s2 =	sld [smem:$0x3F5B];
	s0 =	simm.s32 @p1 $0x1  }
0x15: {  	[smem:$0x3F78] =	sst s0;
	s0 =	simm.s32 @!p2 $0x0  }
0x16: {  	s3 =	sld [smem:$0x3FDB];
	s0 =	simm.s32 @p2 $0x1  }
0x17: {  	s4 =	simm.s32 $0x1BF5;
	[smem:$0x3F7A] =	sst s0  }
0x18: {  	s0 =	sld [smem:$0x3F5D];
	_ =	swait.ge [sflag:s4], $0x0  }
0x19: {  	s7 =	sld [smem:$0x3F5E]  }
0x1a: {  	s8 =	sadd.s32 $0xFFFFE003, lr  }
0x1b: {  	s9 =	sadd.s32 $0xFFFFFEF7, lr;
	s5 =	simm.s32 $0xFFFFFFFF;
	p2 =	slt.u32 s8, $0xFFFFF086  }
0x1c: {  	p1 =	slt.u32 s9, $0xF7A;
	s5 =	simm.s32 @!p2 $0x0  }
0x1d: {  	s5 =	simm.s32 @p1 $0x1;
	p0 =	seq.s32 s7, s2  }
0x1e: {  	s7 =	smul.u32 @!p0 $0xF7A, s2;
	p2 =	seq.s32 @!p0 s5, $0x0  }
0x1f: {  	s9 =	smul.u32 $0xF7A, s1;
	s8 =	simm.s32 @!p0 $0x1BF5;
	p2 =	por !p2, p0  }
0x20: {  	[sflag:s8] =	ssyncset.s32 @!p0 $0xFFFFF086;
	s6 =	sadd.s32 @!p0 s3, s7;
	s7 =	simm.s32 @!p0 $0x108  }
0x21: {  	s3 =	sadd.s32 s3, s9;
	s6 =	sadd.s32 @!p0 $0x88, s6;
	s7 =	simm.s32 @p2 $0x1082  }
0x22: {  	[simem:s7], [sflag:s8] =	dma.local @!p0 [hbm:s6], $0xF7A  }
0x23: {  	s9 =	sor.u32 $0xD0000000, s2;
	s6 =	simm.s32 $0x108;
	_ =	swait.ge @!p0 [sflag:s8], $0x0  }
0x24: {  	s3 =	sadd.s32 $0x88, s3;
	s6 =	simm.s32 @!p1 $0x1082;
	[sflag:s4] =	ssyncset.s32 $0xFFFFF086  }
0x25: {  	[simem:s6], [sflag:s4] =	dma.local [hbm:s3], $0xF7A  }
0x26: {  	[smem:$0x3F5E] =	sst s1;
	(tag) =	ssettag s2;
	_ =	strace s9  }
0x27: {  	s1 =	sld [smem:$0x3F6E]  }
0x28: {  	s2 =	sld [smem:$0x3F6F]  }
0x29: {  	s4 =	sld [smem:$0x3F71]  }
0x2a: {  	p0 =	seq.s32 s5, $0x0;
	s5 =	sld [smem:$0x3F72]  }
0x2b: {  	s6 =	sld [smem:$0x3F73]  }
0x2c: {  	s7 =	sld [smem:$0x3F74]  }
0x2d: {  	s3 =	simm.s32 $0x108;
	s8 =	sld [smem:$0x3F75]  }
0x2e: {  	s3 =	simm.s32 @!p0 $0x1082;
	s9 =	sld [smem:$0x3F76]  }
0x2f: {  	lr =	sadd.s32 s0, s3;
	s0 =	sld [smem:$0x3F6D]  }
0x30: {  	s3 =	sld [smem:$0x3F70]  }
0x31: {  	[smem:$0x3F79] =	sst s10  }
0x32: {  	s10 =	sld [smem:$0x3F77];
	_ =	sdelay $0x3  }
0x33: {  	p0 =	seq.s32 s10, $0x1;
	s10 =	sld [smem:$0x3F79];
	_ =	sdelay $0x3  }
0x34: {  	[smem:$0x3F79] =	sst s10  }
0x35: {  	s10 =	sld [smem:$0x3F78];
	_ =	sdelay $0x3  }
0x36: {  	p1 =	seq.s32 s10, $0x1;
	s10 =	sld [smem:$0x3F79];
	_ =	sdelay $0x3  }
0x37: {  	[smem:$0x3F79] =	sst s10  }
0x38: {  	s10 =	sld [smem:$0x3F7A]  }
0x39: {  	_ = 	snop;
	(pc) =	sbr.ind lr, $3  }
0x3a: {  	_ = 	snop  }
0x3b: {  	_ = 	snop  }
0x3c: {  	p2 =	seq.s32 s10, $0x1;
	s10 =	sld [smem:$0x3F79]  }
0x3d: {  	_ =	shalt  }
0x3e: {  	_ =	shalt  }
0x3f: {  	_ =	shalt  }
0x40: {  	_ =	shalt  }
0x41: {  	_ =	shalt  }
0x42: {  	_ =	shalt  }
0x43: {  	_ =	shalt  }
0x44: {  	_ =	shalt  }
0x45: {  	_ =	shalt  }
0x46: {  	_ =	shalt  }
0x47: {  	_ =	shalt  }
0x48: {  	_ =	shalt  }
0x49: {  	_ =	shalt  }
0x4a: {  	_ =	shalt  }
0x4b: {  	_ =	shalt  }
0x4c: {  	_ =	shalt  }
0x4d: {  	_ =	shalt  }
0x4e: {  	_ =	shalt  }
0x4f: {  	_ =	shalt  }
0x50: {  	_ =	shalt  }
0x51: {  	_ =	shalt  }
0x52: {  	_ =	shalt  }
0x53: {  	_ =	shalt  }
0x54: {  	_ =	shalt  }
0x55: {  	_ =	shalt  }
0x56: {  	_ =	shalt  }
0x57: {  	_ =	shalt  }
0x58: {  	_ =	shalt  }
0x59: {  	_ =	shalt  }
0x5a: {  	_ =	shalt  }
0x5b: {  	_ =	shalt  }
0x5c: {  	_ =	shalt  }
0x5d: {  	_ =	shalt  }
0x5e: {  	_ =	shalt  }
0x5f: {  	_ =	shalt  }
0x60: {  	_ =	shalt  }
0x61: {  	_ =	shalt  }
0x62: {  	_ =	shalt  }
0x63: {  	_ =	shalt  }
0x64: {  	_ =	shalt  }
0x65: {  	_ =	shalt  }
0x66: {  	_ =	shalt  }
0x67: {  	_ =	shalt  }
0x68: {  	_ =	shalt  }
0x69: {  	_ =	shalt  }
0x6a: {  	_ =	shalt  }
0x6b: {  	_ =	shalt  }
0x6c: {  	_ =	shalt  }
0x6d: {  	_ =	shalt  }
0x6e: {  	_ =	shalt  }
0x6f: {  	_ =	shalt  }
0x70: {  	_ =	shalt  }
0x71: {  	_ =	shalt  }
0x72: {  	_ =	shalt  }
0x73: {  	_ =	shalt  }
0x74: {  	_ =	shalt  }
0x75: {  	_ =	shalt  }
0x76: {  	_ =	shalt  }
0x77: {  	_ =	shalt  }
0x78: {  	_ =	shalt  }
0x79: {  	_ =	shalt  }
0x7a: {  	_ =	shalt  }
0x7b: {  	_ =	shalt  }
0x7c: {  	_ =	shalt  }
0x7d: {  	_ =	shalt  }
0x7e: {  	_ =	shalt  }
0x7f: {  	_ =	shalt  }
0x80: {  	_ =	shalt  }
0x81: {  	_ =	shalt  }
0x82: {  	_ =	shalt  }
0x83: {  	_ =	shalt  }
0x84: {  	_ =	shalt  }
0x85: {  	_ =	shalt  }
0x86: {  	_ =	shalt  }
0x87: {  	_ =	shalt  }
.Lfunc_end0:
.L_simem_size_0:
called_computation.2_lowered:
.L_overlay_start_0:
0x88: {  	s2 =	sld [smem:$0x3FD9]  }
0x89: {  	s3 =	sld [smem:$0x3FFE];
	_ =	sdelay $0x1  }
0x8a: {  	s1 =	srdreg.scid  }
0x8b: {  	s0 =	sand.u32 $0x1, s1  }
0x8c: {  	s16 =	sshll.u32 s0, $0xA;
	s2 =	sadd.s32 s3, s2  }
0x8d: {  	s2 =	sadd.s32 s2, s16  }
0x8e: {  	[smem:$0x3F85] =	sst s2  }
0x8f: {  	_ = 	snop  }
0x90: {  	(tm) =	ssettm $0x1  }
0x91: {  	s17 =	sld [smem:$0x3FFB];
	_ =	sdelay $0x3  }
0x92: {  	_ =	strace s17  }
0x93: {  	s2 =	sld [smem:$0x3FFC];
	_ =	sdelay $0x3  }
0x94: {  	_ =	strace s2  }
0x95: {  	s2 =	sld [smem:$0x3FFD];
	_ =	sdelay $0x3  }
0x96: {  	_ =	strace s2  }
0x97: {  	_ =	strace $0x8FFFFFFF  }
0x98: {  	s18 =	sld [smem:$0x3FDB];
	_ =	sdelay $0x1  }
0x99: {  	s19 =	simm.s32 $_scs_section_size  }
0x9a: {  	s4 =	simm.s32 $_size__tile_overlayer_lowered;
	s5 =	simm.s32 $_tile_overlayer_lowered  }
0x9b: {  	s22 =	simm.s32 $0x1BFF;
	s21 =	sshll.u32 s5, $0x1;
	s2 =	sadd.s32 s19, s18  }
0x9c: {  	s6 =	simm.s32 $0x0;
	s20 =	sshll.u32 s4, $0x1;
	s4 =	sadd.s32 s21, s2  }
0x9d: {  	[timem:s6], [sflag:s22] =	dma.local [hbm:s4], s20  }
0x9e: {  	_ =	swait.ge [sflag:s22], s20  }
0x9f: {  	s3 =	ssub.s32 $0x0, s20;
	[sflag:s22] =	ssyncset.done $0x0  }
0xa0: {  	[sflag:s22] =	ssyncadd.s32 s3;
	_ =	sdelay $0x1  }
0xa1: {  	s23 =	simm.s32 $0x1B8B  }
0xa2: {  	_ =	swait.ge [sflag:s23], $0x1  }
0xa3: {  	[sflag:s23] =	ssyncset.done $0x0  }
0xa4: {  	s25 =	simm.s32 $0x1B8E;
	s24 =	sld [smem:$0x3FFE];
	[sflag:s23] =	ssyncadd.s32 $0xFFFFFFFF  }
0xa5: {  	s26 =	simm.s32 $execute0_lowered;
	[smem:$0x3FD2] =	sst s25  }
0xa6: {  	s4 =	sshll.u32 s26, $0x1;
	_ =	strace $0x8000004C;
	[dreg:$0x1] =	wrdreg $0xFFFFFFFF  }
0xa7: {  	s28 =	simm.s32 $_size_execute0_lowered;
	s2 =	sadd.s32 s2, s4;
	[dreg:$0x0] =	wrdreg $0x0  }
0xa8: {  	s4 =	sshll.u32 s28, $0x1;
	[dreg:$0x2] =	wrdreg s2  }
0xa9: {  	[dreg:$0x3] =	wrdreg s4  }
0xaa: {  	[dreg:$0x4] =	wrdreg $0xC0  }
0xab: {  	_ =	task [dreg:s6], $0x5FFFF  }
0xac: {  	[dreg:$0x1] =	wrdreg $0xFFFFFFFF  }
0xad: {  	[dreg:$0x0] =	wrdreg $0x60  }
0xae: {  	[dreg:$0x2] =	wrdreg s24  }
0xaf: {  	[dreg:$0x3] =	wrdreg $0x9  }
0xb0: {  	_ =	task.clear_ibuf [dreg:s6], $0x4FFFF;
	_ =	strace $0x9000004C  }
0xb1: {  	s29 =	simm.s32 $0x9;
	_ =	strace $0x8000004E  }
0xb2: {  	_ =	swait.ge [sflag:s29], $0x1  }
0xb3: {  	[sflag:s29] =	ssyncadd.s32 $0xFFFFFFFF  }
0xb4: {  	_ =	strace $0x9000004E  }
0xb5: {  	_ =	sfence  }
0xb6: {  	s30 =	sld [smem:$0x0];
	_ =	sdelay $0x2  }
0xb7: {  	s31 =	sshll.u32 s1, $0xD;
	s1 =	sshrl.u32 s1, $0x2  }
0xb8: {  	s3 =	sand.u32 $0x4000, s31;
	s1 =	sadd.s32 s1, s30  }
0xb9: {  	s0 =	sor.u32 s3, s0;
	s1 =	sshll.u32 s1, $0x11  }
0xba: {  	s0 =	sor.u32 s1, s0  }
0xbb: {  	s0 =	sadd.s32 $0x8F2B, s0  }
0xbc: {  	[sflag:s0] =	ssyncadd.remote.s32 $0x1  }
0xbd: {  	_ =	sfence.sel $0xFFFF  }
0xbe: {  	[dreg:$0x0] =	wrdreg $0xFFFFFFFF;
	(pc) =	sbr.abs _section_cstart, $3  }
0xbf: {  	[dreg:$0x1] =	wrdreg $0xFFFFFFFF  }
0xc0: {  	_ =	task.clear_ibuf [dreg:s6], $0x2FFFF;
	_ =	strace $0x9FFFFFFF  }
0xc1: {  	(tm) =	ssettm $0x7FFFFFFF  }
tec
execute0_lowered:
.L_overlay_start_1:
0x0: {  	(tag) =	ssettag $0x1  }
0x1: {  	s0 =	rddreg [dreg:$0x0]  }
0x2: {  	s1 =	simm.s32 $0x0;
	s6 =	srdreg.scid;
	s12 =	stileid.u32  }
0x3: {  	s18 =	simm.s32 $0x14100;
	s19 =	simm.s32 $0x3;
	s20 =	simm.s32 $0x16900  }
0x4: {  	s21 =	simm.s32 $0x19100;
	s22 =	simm.s32 $0x4;
	s23 =	simm.s32 $0x100  }
0x5: {  	s24 =	simm.s32 $0x8100;
	s14 =	simm.s32 $0xD900;
	s15 =	simm.s32 $0xE100  }
0x6: {  	s16 =	simm.s32 $0xE900;
	s17 =	simm.s32 $0xF100;
	s25 =	simm.s32 $0xF900  }
0x7: {  	s26 =	simm.s32 $0x10100;
	s28 =	simm.s32 $0x1;
	[smem:$0x7FF] =	sst s1  }
0x8: {  	s2 =	sadd.s32 $0x1BE00, s0;
	s3 =	sadd.s32 $0x12000, s0;
	s4 =	sadd.s32 $0x9DC00, s0  }
0x9: {  	s5 =	sadd.s32 $0xEDC00, s0;
	s7 =	sadd.s32 $0x75C00, s0;
	s9 =	sadd.s32 $0x1B5E00, s0  }
0xa: {  	_ =	strace $0x8000004D;
	[dreg:$0x2] =	wrdreg s7;
	s7 =	sand.u32 $0x1, s6  }
.Ltmp0:
0xb: {  	s10 =	sadd.s32 $0xB79E00, s0;
	s6 =	ssub.s32 $0x2, s7;
	(pc) =	sbr.rel .LBB2_1-.Ltmp0, $4  }
0xc: {  	s11 =	sadd.s32 $0x1EB1C00, s0;
	s30 =	sadd.s32 $0x75C10, s0;
	s8 =	sshrl.u32 s6, $0x1  }
0xd: {  	v4 =	vlaneseq.u32;
	v0 =	vimm.f32 $0.0e+00;
	s0 =	sadd.s32 $0x75C20, s0;
	[dreg:$0x3] =	wrdreg s30;
	s6 =	ssub.s32 s6, s8  }
0xe: {  	vm0 =	vmmov $0xffff;
	s29 =	simm.s32 $0x2;
	v2 =	vshrl.u32 v4, $0x3;
	v1 =	vand.u32 $0x7, v4;
	[dreg:$0x4] =	wrdreg s0;
	s31 =	smax.u32 s6, $0x1  }
0xf: {  	s12 =	sshll.u32 s12, $0x1;
	v3 =	vor.u32 $0x8, v4;
	v4 =	vmul.u32 $0x80, v4;
	v2 =	vmul.u32 $0x8, v2;
	s6 =	simm.s32 $0x0;
	[dreg:$0x5] =	wrdreg s31  }
.LBB2_9:
0x10: {  	s6 =	rddreg [dreg:$0x6]  }
0x11: {  	s0 =	rddreg [dreg:$0x5];
	s6 =	sadd.s32 $0x1, s6  }
0x12: {  	p0 =	sne.s32 s6, s0  }
.Ltmp1:
0x13: {  	_ = 	snop;
	(pc) =	sbr.rel @!p0 .LBB2_10-.Ltmp1, $1  }
0x14: {  	_ =	sdelay $0x3  }
.LBB2_1:
0x15: {  	[dreg:$0x6] =	wrdreg s6  }
0x16: {  	s0 =	rddreg [dreg:$0x2];
	s13 =	simm.s32 $0x80;
	s8 =	simm.s32 $0x400  }
0x17: {  	[tilespmem:s18], [sflag:$0x3] =	stream.strided.gather [hbm4b:s0+s13], $0x2800, s8, s13, $0x38;
	[tilespmem:$0x1B900] =	vst v63  }
0x18: {  	_ =	swait.ge [sflag:s19], $0x2800  }
0x19: {  	[sflag:s19] =	ssyncset.done $0x0  }
0x1a: {  	s30 =	rddreg [dreg:$0x3];
	[sflag:s19] =	ssyncadd.s32 $0xFFFFD800  }
0x1b: {  	[tilespmem:s20], [sflag:$0x3] =	stream.strided.gather [hbm4b:s30+s13], $0x2800, s8, s13, $0x38;
	[tilespmem:$0x1B900] =	vst v63  }
0x1c: {  	_ =	swait.ge [sflag:s19], $0x2800  }
0x1d: {  	[sflag:s19] =	ssyncset.done $0x0  }
0x1e: {  	s31 =	rddreg [dreg:$0x4];
	[sflag:s19] =	ssyncadd.s32 $0xFFFFD800  }
0x1f: {  	[tilespmem:s21], [sflag:$0x3] =	stream.strided.gather [hbm4b:s31+s13], $0x2800, s8, s13, $0x38;
	[tilespmem:$0x1B900] =	vst v63  }
0x20: {  	_ =	swait.ge [sflag:s19], $0x2800  }
0x21: {  	[sflag:s19] =	ssyncset.done $0x0  }
0x22: {  	s0 =	simm.s32 $0x0;
	[sflag:s19] =	ssyncadd.s32 $0xFFFFD800  }
.LBB2_2:
0x23: {  	p0 =	sne.s32 s0, $0xFE00  }
.Ltmp2:
0x24: {  	_ = 	snop;
	(pc) =	sbr.rel @p0 .LBB2_2-.Ltmp2, $3  }
0x25: {  	_ =	sdelay $0x1  }
0x26: {  	s6 =	sshra.s32 s0, $0x2  }
0x27: {  	s0 =	sadd.s32 $0x200, s0;
	[tilespmem:s6+$0x10100] =	vst v0  }
.Ltmp3:
0x28: {  	(pc) =	sbr.rel .LBB2_4-.Ltmp3, $2  }
0x29: {  	_ =	sdelay $0x2  }
0x2a: {  	s30 =	simm.s32 $0x0  }
.LBB2_8:
0x2b: {  	s30 =	sadd.s32 $0x1, s30  }
0x2c: {  	p0 =	sne.s32 s30, $0x4F  }
.Ltmp4:
0x2d: {  	_ = 	snop;
	(pc) =	sbr.rel @!p0 .LBB2_9-.Ltmp4, $1  }
0x2e: {  	_ =	sdelay $0x3  }
.LBB2_4:
0x2f: {  	s0 =	sshll.u32 s30, $0x5  }
0x30: {  	s0 =	sor.u32 s12, s0  }
0x31: {  	p0 =	sgt.u32 s0, $0x9C3  }
.Ltmp5:
0x32: {  	_ = 	snop;
	(pc) =	sbr.rel @p0 .LBB2_8-.Ltmp5, $1  }
0x33: {  	_ =	sdelay $0x3  }
0x34: {  	s31 =	sor.u32 s7, s0  }
0x35: {  	s6 =	sshll.u32 s31, $0x4  }
0x36: {  	s0 =	simm.s32 $0x0;
	s8 =	sadd.s32 s2, s6  }
0x37: {  	[tilespmem:s0], [sflag:$0x4] =	stream.linear.gather [hbm4b:s8+s0], $0x80, $0x38;
	[tilespmem:$0x1B900] =	vst v63  }
0x38: {  	_ =	swait.ge [sflag:s22], $0x80  }
0x39: {  	[sflag:s22] =	ssyncset.done $0x0  }
0x3a: {  	s6 =	sadd.s32 s3, s6;
	s8 =	simm.s32 $0x80;
	[sflag:s22] =	ssyncadd.s32 $0xFFFFFF80  }
0x3b: {  	[tilespmem:s8], [sflag:$0x4] =	stream.linear.gather [hbm4b:s6+s0], $0x80, $0x38;
	[tilespmem:$0x1B900] =	vst v63  }
0x3c: {  	_ =	swait.ge [sflag:s22], $0x80  }
0x3d: {  	[sflag:s22] =	ssyncset.done $0x0  }
0x3e: {  	[sflag:s22] =	ssyncadd.s32 $0xFFFFFF80  }
0x3f: {  	v5 =	vld [tilespmem:$0x0];
	_ =	sdelay $0x4  }
0x40: {  	v6 =	vshll.u32 v5, $0x1  }
0x41: {  	v5 =	vand.u32 $0x7, v5;
	v6 =	vand.u32 $0xFFFFFFF0, v6  }
0x42: {  	v5 =	vor.u32 v5, v6  }
0x43: {  	v6 =	vperm.xlane v5, v1;
	_ =	sdelay $0x1  }
0x44: {  	v5 =	vperm.xlane v5, v3;
	v6 =	vadd.s32 v2, v6;
	_ =	sdelay $0x1  }
0x45: {  	v5 =	vadd.s32 v2, v5;
	_ =	sdelay $0x2  }
0x46: {  	[tilespmem:s23], [sflag:$0x1] =	stream.indirect_vreg.gather [hbm4b:s4+s0], $0x80, v6, vm0, $0xb8;
	[tilespmem:$0x1B900] =	vst v63  }
0x47: {  	s13 =	simm.s32 $0x900  }
0x48: {  	[tilespmem:s13], [sflag:$0x1] =	stream.indirect_vreg.gather [hbm4b:s4+s0], $0x80, v5, vm0, $0xb8;
	[tilespmem:$0x1B900] =	vst v63  }
0x49: {  	v5 =	vld [tilespmem:$0x10];
	_ =	sdelay $0x4  }
0x4a: {  	v6 =	vshll.u32 v5, $0x1  }
0x4b: {  	v5 =	vand.u32 $0x7, v5;
	v6 =	vand.u32 $0xFFFFFFF0, v6  }
0x4c: {  	v5 =	vor.u32 v5, v6  }
0x4d: {  	v6 =	vperm.xlane v5, v1;
	_ =	sdelay $0x1  }
0x4e: {  	v5 =	vperm.xlane v5, v3;
	v6 =	vadd.s32 v2, v6;
	_ =	sdelay $0x1  }
0x4f: {  	v5 =	vadd.s32 v2, v5;
	_ =	sdelay $0x1  }
0x50: {  	s13 =	simm.s32 $0x1100  }
0x51: {  	[tilespmem:s13], [sflag:$0x1] =	stream.indirect_vreg.gather [hbm4b:s4+s0], $0x80, v6, vm0, $0xb8;
	[tilespmem:$0x1B900] =	vst v63  }
0x52: {  	s13 =	simm.s32 $0x1900  }
0x53: {  	[tilespmem:s13], [sflag:$0x1] =	stream.indirect_vreg.gather [hbm4b:s4+s0], $0x80, v5, vm0, $0xb8;
	[tilespmem:$0x1B900] =	vst v63  }
0x54: {  	v5 =	vld [tilespmem:$0x20];
	_ =	sdelay $0x4  }
0x55: {  	v6 =	vshll.u32 v5, $0x1  }
0x56: {  	v5 =	vand.u32 $0x7, v5;
	v6 =	vand.u32 $0xFFFFFFF0, v6  }
0x57: {  	v5 =	vor.u32 v5, v6  }
0x58: {  	v6 =	vperm.xlane v5, v1;
	_ =	sdelay $0x1  }
0x59: {  	v5 =	vperm.xlane v5, v3;
	v6 =	vadd.s32 v2, v6;
	_ =	sdelay $0x1  }
0x5a: {  	v5 =	vadd.s32 v2, v5;
	_ =	sdelay $0x1  }
0x5b: {  	s13 =	simm.s32 $0x2100  }
0x5c: {  	[tilespmem:s13], [sflag:$0x1] =	stream.indirect_vreg.gather [hbm4b:s4+s0], $0x80, v6, vm0, $0xb8;
	[tilespmem:$0x1B900] =	vst v63  }
0x5d: {  	s13 =	simm.s32 $0x2900  }
0x5e: {  	[tilespmem:s13], [sflag:$0x1] =	stream.indirect_vreg.gather [hbm4b:s4+s0], $0x80, v5, vm0, $0xb8;
	[tilespmem:$0x1B900] =	vst v63  }
0x5f: {  	v5 =	vld [tilespmem:$0x30];
	_ =	sdelay $0x4  }
0x60: {  	v6 =	vshll.u32 v5, $0x1  }
0x61: {  	v5 =	vand.u32 $0x7, v5;
	v6 =	vand.u32 $0xFFFFFFF0, v6  }
0x62: {  	v5 =	vor.u32 v5, v6  }
0x63: {  	v6 =	vperm.xlane v5, v1;
	_ =	sdelay $0x1  }
0x64: {  	v5 =	vperm.xlane v5, v3;
	v6 =	vadd.s32 v2, v6;
	_ =	sdelay $0x1  }
0x65: {  	v5 =	vadd.s32 v2, v5;
	_ =	sdelay $0x1  }
0x66: {  	s13 =	simm.s32 $0x3100  }
0x67: {  	[tilespmem:s13], [sflag:$0x1] =	stream.indirect_vreg.gather [hbm4b:s4+s0], $0x80, v6, vm0, $0xb8;
	[tilespmem:$0x1B900] =	vst v63  }
0x68: {  	s13 =	simm.s32 $0x3900  }
0x69: {  	[tilespmem:s13], [sflag:$0x1] =	stream.indirect_vreg.gather [hbm4b:s4+s0], $0x80, v5, vm0, $0xb8;
	[tilespmem:$0x1B900] =	vst v63  }
0x6a: {  	v5 =	vld [tilespmem:$0x40];
	_ =	sdelay $0x4  }
0x6b: {  	v6 =	vshll.u32 v5, $0x1  }
0x6c: {  	v5 =	vand.u32 $0x7, v5;
	v6 =	vand.u32 $0xFFFFFFF0, v6  }
0x6d: {  	v5 =	vor.u32 v5, v6  }
0x6e: {  	v6 =	vperm.xlane v5, v1;
	_ =	sdelay $0x1  }
0x6f: {  	v5 =	vperm.xlane v5, v3;
	v6 =	vadd.s32 v2, v6;
	_ =	sdelay $0x1  }
0x70: {  	v5 =	vadd.s32 v2, v5;
	_ =	sdelay $0x1  }
0x71: {  	s13 =	simm.s32 $0x4100  }
0x72: {  	[tilespmem:s13], [sflag:$0x1] =	stream.indirect_vreg.gather [hbm4b:s4+s0], $0x80, v6, vm0, $0xb8;
	[tilespmem:$0x1B900] =	vst v63  }
0x73: {  	s13 =	simm.s32 $0x4900  }
0x74: {  	[tilespmem:s13], [sflag:$0x1] =	stream.indirect_vreg.gather [hbm4b:s4+s0], $0x80, v5, vm0, $0xb8;
	[tilespmem:$0x1B900] =	vst v63  }
0x75: {  	v5 =	vld [tilespmem:$0x50];
	_ =	sdelay $0x4  }
0x76: {  	v6 =	vshll.u32 v5, $0x1  }
0x77: {  	v5 =	vand.u32 $0x7, v5;
	v6 =	vand.u32 $0xFFFFFFF0, v6  }
0x78: {  	v5 =	vor.u32 v5, v6  }
0x79: {  	v6 =	vperm.xlane v5, v1;
	_ =	sdelay $0x1  }
0x7a: {  	v5 =	vperm.xlane v5, v3;
	v6 =	vadd.s32 v2, v6;
	_ =	sdelay $0x1  }
0x7b: {  	v5 =	vadd.s32 v2, v5;
	_ =	sdelay $0x1  }
0x7c: {  	s13 =	simm.s32 $0x5100  }
0x7d: {  	[tilespmem:s13], [sflag:$0x1] =	stream.indirect_vreg.gather [hbm4b:s4+s0], $0x80, v6, vm0, $0xb8;
	[tilespmem:$0x1B900] =	vst v63  }
0x7e: {  	s13 =	simm.s32 $0x5900  }
0x7f: {  	[tilespmem:s13], [sflag:$0x1] =	stream.indirect_vreg.gather [hbm4b:s4+s0], $0x80, v5, vm0, $0xb8;
	[tilespmem:$0x1B900] =	vst v63  }
0x80: {  	v5 =	vld [tilespmem:$0x60];
	_ =	sdelay $0x4  }
0x81: {  	v6 =	vshll.u32 v5, $0x1  }
0x82: {  	v5 =	vand.u32 $0x7, v5;
	v6 =	vand.u32 $0xFFFFFFF0, v6  }
0x83: {  	v5 =	vor.u32 v5, v6  }
0x84: {  	v6 =	vperm.xlane v5, v1;
	_ =	sdelay $0x1  }
0x85: {  	v5 =	vperm.xlane v5, v3;
	v6 =	vadd.s32 v2, v6;
	_ =	sdelay $0x1  }
0x86: {  	v5 =	vadd.s32 v2, v5;
	_ =	sdelay $0x1  }
0x87: {  	s13 =	simm.s32 $0x6100  }
0x88: {  	[tilespmem:s13], [sflag:$0x1] =	stream.indirect_vreg.gather [hbm4b:s4+s0], $0x80, v6, vm0, $0xb8;
	[tilespmem:$0x1B900] =	vst v63  }
0x89: {  	s13 =	simm.s32 $0x6900  }
0x8a: {  	[tilespmem:s13], [sflag:$0x1] =	stream.indirect_vreg.gather [hbm4b:s4+s0], $0x80, v5, vm0, $0xb8;
	[tilespmem:$0x1B900] =	vst v63  }
0x8b: {  	v5 =	vld [tilespmem:$0x70];
	_ =	sdelay $0x4  }
0x8c: {  	v6 =	vshll.u32 v5, $0x1  }
0x8d: {  	v5 =	vand.u32 $0x7, v5;
	v6 =	vand.u32 $0xFFFFFFF0, v6  }
0x8e: {  	v5 =	vor.u32 v5, v6  }
0x8f: {  	v6 =	vperm.xlane v5, v1;
	_ =	sdelay $0x1  }
0x90: {  	v5 =	vperm.xlane v5, v3;
	v6 =	vadd.s32 v2, v6;
	_ =	sdelay $0x1  }
0x91: {  	v5 =	vadd.s32 v2, v5;
	_ =	sdelay $0x1  }
0x92: {  	s13 =	simm.s32 $0x7100  }
0x93: {  	[tilespmem:s13], [sflag:$0x1] =	stream.indirect_vreg.gather [hbm4b:s4+s0], $0x80, v6, vm0, $0xb8;
	[tilespmem:$0x1B900] =	vst v63  }
0x94: {  	s13 =	simm.s32 $0x7900  }
0x95: {  	[tilespmem:s13], [sflag:$0x1] =	stream.indirect_vreg.gather [hbm4b:s4+s0], $0x80, v5, vm0, $0xb8;
	[tilespmem:$0x1B900] =	vst v63  }
0x96: {  	v5 =	vld [tilespmem:$0x80];
	_ =	sdelay $0x4  }
0x97: {  	v6 =	vshll.u32 v5, $0x1  }
0x98: {  	v5 =	vand.u32 $0x7, v5;
	v6 =	vand.u32 $0xFFFFFFF0, v6  }
0x99: {  	v5 =	vor.u32 v5, v6  }
0x9a: {  	v6 =	vperm.xlane v5, v1;
	_ =	sdelay $0x1  }
0x9b: {  	v5 =	vperm.xlane v5, v3;
	v6 =	vadd.s32 v2, v6;
	_ =	sdelay $0x1  }
0x9c: {  	v5 =	vadd.s32 v2, v5;
	_ =	sdelay $0x2  }
0x9d: {  	[tilespmem:s24], [sflag:$0x2] =	stream.indirect_vreg.gather [hbm4b:s5+s0], $0x80, v6, vm0, $0xb8;
	[tilespmem:$0x1B900] =	vst v63  }
0x9e: {  	s13 =	simm.s32 $0x8900  }
0x9f: {  	[tilespmem:s13], [sflag:$0x2] =	stream.indirect_vreg.gather [hbm4b:s5+s0], $0x80, v5, vm0, $0xb8;
	[tilespmem:$0x1B900] =	vst v63  }
0xa0: {  	v5 =	vld [tilespmem:$0x90];
	_ =	sdelay $0x4  }
0xa1: {  	v6 =	vshll.u32 v5, $0x1  }
0xa2: {  	v5 =	vand.u32 $0x7, v5;
	v6 =	vand.u32 $0xFFFFFFF0, v6  }
0xa3: {  	v5 =	vor.u32 v5, v6  }
0xa4: {  	v6 =	vperm.xlane v5, v1;
	_ =	sdelay $0x1  }
0xa5: {  	v5 =	vperm.xlane v5, v3;
	v6 =	vadd.s32 v2, v6;
	_ =	sdelay $0x1  }
0xa6: {  	v5 =	vadd.s32 v2, v5;
	_ =	sdelay $0x1  }
0xa7: {  	s13 =	simm.s32 $0x9100  }
0xa8: {  	[tilespmem:s13], [sflag:$0x2] =	stream.indirect_vreg.gather [hbm4b:s5+s0], $0x80, v6, vm0, $0xb8;
	[tilespmem:$0x1B900] =	vst v63  }
0xa9: {  	s13 =	simm.s32 $0x9900  }
0xaa: {  	[tilespmem:s13], [sflag:$0x2] =	stream.indirect_vreg.gather [hbm4b:s5+s0], $0x80, v5, vm0, $0xb8;
	[tilespmem:$0x1B900] =	vst v63  }
0xab: {  	v5 =	vld [tilespmem:$0xA0];
	_ =	sdelay $0x4  }
0xac: {  	v6 =	vshll.u32 v5, $0x1  }
0xad: {  	v5 =	vand.u32 $0x7, v5;
	v6 =	vand.u32 $0xFFFFFFF0, v6  }
0xae: {  	v5 =	vor.u32 v5, v6  }
0xaf: {  	v6 =	vperm.xlane v5, v1;
	_ =	sdelay $0x1  }
0xb0: {  	v5 =	vperm.xlane v5, v3;
	v6 =	vadd.s32 v2, v6;
	_ =	sdelay $0x1  }
0xb1: {  	v5 =	vadd.s32 v2, v5;
	_ =	sdelay $0x1  }
0xb2: {  	s13 =	simm.s32 $0xA100  }
0xb3: {  	[tilespmem:s13], [sflag:$0x2] =	stream.indirect_vreg.gather [hbm4b:s5+s0], $0x80, v6, vm0, $0xb8;
	[tilespmem:$0x1B900] =	vst v63  }
0xb4: {  	s13 =	simm.s32 $0xA900  }
0xb5: {  	[tilespmem:s13], [sflag:$0x2] =	stream.indirect_vreg.gather [hbm4b:s5+s0], $0x80, v5, vm0, $0xb8;
	[tilespmem:$0x1B900] =	vst v63  }
0xb6: {  	v5 =	vld [tilespmem:$0xB0];
	_ =	sdelay $0x4  }
0xb7: {  	v6 =	vshll.u32 v5, $0x1  }
0xb8: {  	v5 =	vand.u32 $0x7, v5;
	v6 =	vand.u32 $0xFFFFFFF0, v6  }
0xb9: {  	v5 =	vor.u32 v5, v6  }
0xba: {  	v6 =	vperm.xlane v5, v1;
	_ =	sdelay $0x1  }
0xbb: {  	v5 =	vperm.xlane v5, v3;
	v6 =	vadd.s32 v2, v6;
	_ =	sdelay $0x1  }
0xbc: {  	v5 =	vadd.s32 v2, v5;
	_ =	sdelay $0x1  }
0xbd: {  	s13 =	simm.s32 $0xB100  }
0xbe: {  	[tilespmem:s13], [sflag:$0x2] =	stream.indirect_vreg.gather [hbm4b:s5+s0], $0x80, v6, vm0, $0xb8;
	[tilespmem:$0x1B900] =	vst v63  }
0xbf: {  	s13 =	simm.s32 $0xB900  }
0xc0: {  	[tilespmem:s13], [sflag:$0x2] =	stream.indirect_vreg.gather [hbm4b:s5+s0], $0x80, v5, vm0, $0xb8;
	[tilespmem:$0x1B900] =	vst v63  }
0xc1: {  	v5 =	vld [tilespmem:$0xC0];
	_ =	sdelay $0x4  }
0xc2: {  	v6 =	vshll.u32 v5, $0x1  }
0xc3: {  	v5 =	vand.u32 $0x7, v5;
	v6 =	vand.u32 $0xFFFFFFF0, v6  }
0xc4: {  	v5 =	vor.u32 v5, v6  }
0xc5: {  	v6 =	vperm.xlane v5, v1;
	_ =	sdelay $0x1  }
0xc6: {  	v5 =	vperm.xlane v5, v3;
	v6 =	vadd.s32 v2, v6;
	_ =	sdelay $0x1  }
0xc7: {  	v5 =	vadd.s32 v2, v5;
	_ =	sdelay $0x1  }
0xc8: {  	s13 =	simm.s32 $0xC100  }
0xc9: {  	[tilespmem:s13], [sflag:$0x2] =	stream.indirect_vreg.gather [hbm4b:s5+s0], $0x80, v6, vm0, $0xb8;
	[tilespmem:$0x1B900] =	vst v63  }
0xca: {  	s13 =	simm.s32 $0xC900  }
0xcb: {  	[tilespmem:s13], [sflag:$0x2] =	stream.indirect_vreg.gather [hbm4b:s5+s0], $0x80, v5, vm0, $0xb8;
	[tilespmem:$0x1B900] =	vst v63  }
0xcc: {  	v5 =	vld [tilespmem:$0xD0];
	_ =	sdelay $0x4  }
0xcd: {  	v6 =	vshll.u32 v5, $0x1  }
0xce: {  	v5 =	vand.u32 $0x7, v5;
	v6 =	vand.u32 $0xFFFFFFF0, v6  }
0xcf: {  	v5 =	vor.u32 v5, v6  }
0xd0: {  	v6 =	vperm.xlane v5, v1;
	_ =	sdelay $0x1  }
0xd1: {  	v5 =	vperm.xlane v5, v3;
	v6 =	vadd.s32 v2, v6;
	_ =	sdelay $0x1  }
0xd2: {  	v5 =	vadd.s32 v2, v5;
	_ =	sdelay $0x1  }
0xd3: {  	s13 =	simm.s32 $0xD100  }
0xd4: {  	[tilespmem:s13], [sflag:$0x2] =	stream.indirect_vreg.gather [hbm4b:s5+s0], $0x80, v6, vm0, $0xb8;
	[tilespmem:$0x1B900] =	vst v63  }
0xd5: {  	_ = 	snop  }
0xd6: {  	[tilespmem:s14], [sflag:$0x2] =	stream.indirect_vreg.gather [hbm4b:s5+s0], $0x80, v5, vm0, $0xb8;
	[tilespmem:$0x1B900] =	vst v63  }
0xd7: {  	v5 =	vld [tilespmem:$0xE0];
	_ =	sdelay $0x4  }
0xd8: {  	v6 =	vshll.u32 v5, $0x1  }
0xd9: {  	v5 =	vand.u32 $0x7, v5;
	v6 =	vand.u32 $0xFFFFFFF0, v6  }
0xda: {  	v5 =	vor.u32 v5, v6  }
0xdb: {  	v6 =	vperm.xlane v5, v1;
	_ =	sdelay $0x1  }
0xdc: {  	v5 =	vperm.xlane v5, v3;
	v6 =	vadd.s32 v2, v6;
	_ =	sdelay $0x1  }
0xdd: {  	v5 =	vadd.s32 v2, v5;
	_ =	sdelay $0x2  }
0xde: {  	[tilespmem:s15], [sflag:$0x2] =	stream.indirect_vreg.gather [hbm4b:s5+s0], $0x80, v6, vm0, $0xb8;
	[tilespmem:$0x1B900] =	vst v63  }
0xdf: {  	_ = 	snop  }
0xe0: {  	[tilespmem:s16], [sflag:$0x2] =	stream.indirect_vreg.gather [hbm4b:s5+s0], $0x80, v5, vm0, $0xb8;
	[tilespmem:$0x1B900] =	vst v63  }
0xe1: {  	v5 =	vld [tilespmem:$0xF0];
	_ =	sdelay $0x4  }
0xe2: {  	v6 =	vshll.u32 v5, $0x1  }
0xe3: {  	v5 =	vand.u32 $0x7, v5;
	v6 =	vand.u32 $0xFFFFFFF0, v6  }
0xe4: {  	v5 =	vor.u32 v5, v6  }
0xe5: {  	v6 =	vperm.xlane v5, v1;
	_ =	sdelay $0x1  }
0xe6: {  	v5 =	vperm.xlane v5, v3;
	v6 =	vadd.s32 v2, v6;
	_ =	sdelay $0x1  }
0xe7: {  	v5 =	vadd.s32 v2, v5;
	_ =	sdelay $0x2  }
0xe8: {  	[tilespmem:s17], [sflag:$0x2] =	stream.indirect_vreg.gather [hbm4b:s5+s0], $0x80, v6, vm0, $0xb8;
	[tilespmem:$0x1B900] =	vst v63  }
0xe9: {  	_ = 	snop  }
0xea: {  	[tilespmem:s25], [sflag:$0x2] =	stream.indirect_vreg.gather [hbm4b:s5+s0], $0x80, v5, vm0, $0xb8;
	[tilespmem:$0x1B900] =	vst v63  }
0xeb: {  	v5 =	vld [tilespmem:s0+$0x0]  }
0xec: {  	v7 =	vld [tilespmem:s8+$0x0];
	_ =	sdelay $0x6  }
0xed: {  	v6 =	vld.idx.msk [tilespmem:v5+s18+$0x0], $0xffff  }
0xee: {  	v9 =	vmov s0;
	v8 =	vld.idx.msk [tilespmem:v7+s18+$0x0], $0xffff  }
0xef: {  	v9 =	vshll.u32 v9, $0x7  }
0xf0: {  	v9 =	vor.u32 v4, v9;
	_ =	sdelay $0x2  }
0xf1: {  	v6 =	vsub.f32 v6, v8;
	_ =	sdelay $0x1  }
0xf2: {  	[tilespmem:v9+s26+$0x0] =	vst.idx.msk $0xffff, v6  }
0xf3: {  	v6 =	vld.idx.msk [tilespmem:v5+s20+$0x0], $0xffff  }
0xf4: {  	v8 =	vld.idx.msk [tilespmem:v7+s20+$0x0], $0xffff;
	_ =	sdelay $0x1  }
0xf5: {  	v10 =	vor.u32 $0x1, v9;
	_ =	sdelay $0x2  }
0xf6: {  	v6 =	vsub.f32 v6, v8;
	_ =	sdelay $0x1  }
0xf7: {  	[tilespmem:v10+s26+$0x0] =	vst.idx.msk $0xffff, v6  }
0xf8: {  	v6 =	vld.idx.msk [tilespmem:v5+s21+$0x0], $0xffff  }
0xf9: {  	v7 =	vld.idx.msk [tilespmem:v7+s21+$0x0], $0xffff  }
0xfa: {  	s6 =	simm.s32 $0x10;
	v5 =	vor.u32 $0x2, v9  }
.LBB2_6:
0xfb: {  	_ =	sdelay $0x2  }
0xfc: {  	p0 =	sne.s32 s6, $0x70;
	s0 =	sadd.s32 $0x10, s0;
	s8 =	sadd.s32 $0x10, s8;
	v6 =	vsub.f32 v6, v7  }
0xfd: {  	s13 =	smov.u32 s6;
	s6 =	sadd.s32 $0x10, s6  }
0xfe: {  	[tilespmem:v5+s26+$0x0] =	vst.idx.msk $0xffff, v6  }
0xff: {  	v5 =	vld [tilespmem:s0+$0x0]  }
0x100: {  	v7 =	vld [tilespmem:s8+$0x0];
	_ =	sdelay $0x6  }
0x101: {  	v6 =	vld.idx.msk [tilespmem:v5+s18+$0x0], $0xffff  }
0x102: {  	v8 =	vld.idx.msk [tilespmem:v7+s18+$0x0], $0xffff  }
0x103: {  	v9 =	vmov s13  }
0x104: {  	v9 =	vshll.u32 v9, $0x7  }
0x105: {  	v9 =	vor.u32 v4, v9;
	_ =	sdelay $0x2  }
0x106: {  	v6 =	vsub.f32 v6, v8;
	_ =	sdelay $0x1  }
0x107: {  	[tilespmem:v9+s26+$0x0] =	vst.idx.msk $0xffff, v6  }
0x108: {  	v6 =	vld.idx.msk [tilespmem:v5+s20+$0x0], $0xffff  }
0x109: {  	v8 =	vld.idx.msk [tilespmem:v7+s20+$0x0], $0xffff;
	_ =	sdelay $0x1  }
0x10a: {  	v10 =	vor.u32 $0x1, v9;
	_ =	sdelay $0x3  }
0x10b: {  	v6 =	vsub.f32 v6, v8  }
.Ltmp6:
0x10c: {  	(pc) =	sbr.rel @p0 .LBB2_6-.Ltmp6, $4  }
0x10d: {  	[tilespmem:v10+s26+$0x0] =	vst.idx.msk $0xffff, v6  }
0x10e: {  	v6 =	vld.idx.msk [tilespmem:v5+s21+$0x0], $0xffff  }
0x10f: {  	v7 =	vld.idx.msk [tilespmem:v7+s21+$0x0], $0xffff  }
0x110: {  	v5 =	vor.u32 $0x2, v9  }
0x111: {  	_ =	sdelay $0x2  }
0x112: {  	v6 =	vsub.f32 v6, v7;
	_ =	sdelay $0x1  }
0x113: {  	[tilespmem:v5+s26+$0x0] =	vst.idx.msk $0xffff, v6  }
0x114: {  	_ =	swait.ge [sflag:s28], $0x8000  }
0x115: {  	[sflag:s28] =	ssyncset.done $0x0  }
0x116: {  	[sflag:s28] =	ssyncadd.s32 $0xFFFF8000  }
0x117: {  	_ =	swait.ge [sflag:s29], $0x8000  }
0x118: {  	s0 =	sshll.u32 s31, $0xC;
	[sflag:s29] =	ssyncset.done $0x0  }
0x119: {  	s6 =	sadd.s32 s9, s0;
	[sflag:s29] =	ssyncadd.s32 $0xFFFF8000  }
0x11a: {  	[hbm4b:s6+s1] =	stream.linear.scatter [tilespmem:s23], [sflag:$0x4], $0x8000, $0x38;
	[tilespmem:$0x1B900] =	vst v63  }
0x11b: {  	_ =	swait.ge [sflag:s22], $0x8000  }
0x11c: {  	[sflag:s22] =	ssyncset.done $0x0  }
0x11d: {  	s0 =	sadd.s32 s10, s0;
	[sflag:s22] =	ssyncadd.s32 $0xFFFF8000  }
0x11e: {  	[hbm4b:s0+s1] =	stream.linear.scatter [tilespmem:s24], [sflag:$0x4], $0x8000, $0x38;
	[tilespmem:$0x1B900] =	vst v63  }
0x11f: {  	_ =	swait.ge [sflag:s22], $0x8000  }
0x120: {  	s31 =	sshll.u32 s31, $0xB;
	[sflag:s22] =	ssyncset.done $0x0  }
.Ltmp7:
0x121: {  	s0 =	sadd.s32 s11, s31;
	[sflag:s22] =	ssyncadd.s32 $0xFFFF8000;
	(pc) =	sbr.rel .LBB2_8-.Ltmp7, $4  }
0x122: {  	[hbm4b:s0+s1] =	stream.linear.scatter [tilespmem:s26], [sflag:$0x3], $0x4000, $0x38;
	[tilespmem:$0x1B900] =	vst v63  }
0x123: {  	_ =	swait.ge [sflag:s19], $0x4000  }
0x124: {  	[sflag:s19] =	ssyncset.done $0x0  }
0x125: {  	[sflag:s19] =	ssyncadd.s32 $0xFFFFC000  }
.LBB2_10:
0x126: {  	_ =	sfence.sel $0x180000  }
0x127: {  	[bflag:$0x0] =	sbarrier.arrive $0xFFFF  }
0x128: {  	_ =	strace $0x9000004D  }
0x129: {  	s0 =	stileid.u32;
	[bflag:$0x2] =	sbarrier.arrive $0xFFFF  }
0x12a: {  	p0 =	sne.s32 s0, $0x0;
	s0 =	rddreg [dreg:$0x1]  }
0x12b: {  	s0 =	sadd.s32 @!p0 $0x100000, s0  }
0x12c: {  	[sflag:s0] =	ssyncadd.tile.s32 @!p0 $0x1;
	_ =	shalt  }
.Lfunc_end2:
_tile_overlayer_lowered:
.L_overlay_start_2:
0x12d: {  	(tag) =	ssettag $0x2  }
0x12e: {  	s0 =	rddreg [dreg:$0x0];
	s2 =	stileid.u32  }
0x12f: {  	s1 =	rddreg [dreg:$0x1];
	p0 =	sne.s32 s2, $0x0  }
0x130: {  	s3 =	rddreg [dreg:$0x2];
	[bflag:$0x3] =	sbarrier.arrive $0xFFFF;
	s2 =	simm.s32 @!p0 $0x1C03  }
0x131: {  	[timem:s3], [sflag:s2] =	dma.local @!p0 [hbm:s0], s1  }
0x132: {  	s0 =	simm.s32 @!p0 $0x3  }
0x133: {  	_ =	swait.ge @!p0 [sflag:s0], s1  }
0x134: {  	s1 =	ssub.s32 @!p0 $0x0, s1;
	[sflag:s0] =	ssyncset.done @!p0 $0x0  }
0x135: {  	[sflag:s0] =	ssyncadd.s32 @!p0 s1  }
0x136: {  	[bflag:$0x3] =	sbarrier.arrive $0xFFFF  }
0x137: {  	_ =	shalt  }

// kernel: kernel.32.cloned.1.call-start
scs
__scs_entry_jumppad:
0x0: {  	(pc) =	sbr.rel $0x88, $3  }
0x1: {  	(tag) =	ssettag $0x0;
	lr =	simm.s32 $0x1  }
0x2: {  	[smem:$0x3F5E] =	sst lr;
	_ =	strace $0xD0000000  }
0x3: {  	_ = 	snop  }
0x4: {  	_ = 	snop  }
0x5: {  	_ = 	snop  }
0x6: {  	_ = 	snop  }
0x7: {  	_ = 	snop  }
__scs_overlays_trampoline_lowered:
0x8: {  	[smem:$0x3F6D] =	sst s0  }
0x9: {  	[smem:$0x3F6E] =	sst s1  }
0xa: {  	[smem:$0x3F6F] =	sst s2  }
0xb: {  	[smem:$0x3F70] =	sst s3  }
0xc: {  	[smem:$0x3F71] =	sst s4  }
0xd: {  	[smem:$0x3F72] =	sst s5  }
0xe: {  	[smem:$0x3F73] =	sst s6  }
0xf: {  	[smem:$0x3F74] =	sst s7  }
0x10: {  	[smem:$0x3F75] =	sst s8  }
0x11: {  	[smem:$0x3F76] =	sst s9;
	s0 =	simm.s32 @!p0 $0x0  }
0x12: {  	s1 =	sld [smem:$0x3F5C];
	s0 =	simm.s32 @p0 $0x1  }
0x13: {  	[smem:$0x3F77] =	sst s0;
	s0 =	simm.s32 @!p1 $0x0  }
0x14: {  	s2 =	sld [smem:$0x3F5B];
	s0 =	simm.s32 @p1 $0x1  }
0x15: {  	[smem:$0x3F78] =	sst s0;
	s0 =	simm.s32 @!p2 $0x0  }
0x16: {  	s3 =	sld [smem:$0x3FDB];
	s0 =	simm.s32 @p2 $0x1  }
0x17: {  	s4 =	simm.s32 $0x1BF5;
	[smem:$0x3F7A] =	sst s0  }
0x18: {  	s0 =	sld [smem:$0x3F5D];
	_ =	swait.ge [sflag:s4], $0x0  }
0x19: {  	s7 =	sld [smem:$0x3F5E]  }
0x1a: {  	s8 =	sadd.s32 $0xFFFFE003, lr  }
0x1b: {  	s9 =	sadd.s32 $0xFFFFFEF7, lr;
	s5 =	simm.s32 $0xFFFFFFFF;
	p2 =	slt.u32 s8, $0xFFFFF086  }
0x1c: {  	p1 =	slt.u32 s9, $0xF7A;
	s5 =	simm.s32 @!p2 $0x0  }
0x1d: {  	s5 =	simm.s32 @p1 $0x1;
	p0 =	seq.s32 s7, s2  }
0x1e: {  	s7 =	smul.u32 @!p0 $0xF7A, s2;
	p2 =	seq.s32 @!p0 s5, $0x0  }
0x1f: {  	s9 =	smul.u32 $0xF7A, s1;
	s8 =	simm.s32 @!p0 $0x1BF5;
	p2 =	por !p2, p0  }
0x20: {  	[sflag:s8] =	ssyncset.s32 @!p0 $0xFFFFF086;
	s6 =	sadd.s32 @!p0 s3, s7;
	s7 =	simm.s32 @!p0 $0x108  }
0x21: {  	s3 =	sadd.s32 s3, s9;
	s6 =	sadd.s32 @!p0 $0x88, s6;
	s7 =	simm.s32 @p2 $0x1082  }
0x22: {  	[simem:s7], [sflag:s8] =	dma.local @!p0 [hbm:s6], $0xF7A  }
0x23: {  	s9 =	sor.u32 $0xD0000000, s2;
	s6 =	simm.s32 $0x108;
	_ =	swait.ge @!p0 [sflag:s8], $0x0  }
0x24: {  	s3 =	sadd.s32 $0x88, s3;
	s6 =	simm.s32 @!p1 $0x1082;
	[sflag:s4] =	ssyncset.s32 $0xFFFFF086  }
0x25: {  	[simem:s6], [sflag:s4] =	dma.local [hbm:s3], $0xF7A  }
0x26: {  	[smem:$0x3F5E] =	sst s1;
	(tag) =	ssettag s2;
	_ =	strace s9  }
0x27: {  	s1 =	sld [smem:$0x3F6E]  }
0x28: {  	s2 =	sld [smem:$0x3F6F]  }
0x29: {  	s4 =	sld [smem:$0x3F71]  }
0x2a: {  	p0 =	seq.s32 s5, $0x0;
	s5 =	sld [smem:$0x3F72]  }
0x2b: {  	s6 =	sld [smem:$0x3F73]  }
0x2c: {  	s7 =	sld [smem:$0x3F74]  }
0x2d: {  	s3 =	simm.s32 $0x108;
	s8 =	sld [smem:$0x3F75]  }
0x2e: {  	s3 =	simm.s32 @!p0 $0x1082;
	s9 =	sld [smem:$0x3F76]  }
0x2f: {  	lr =	sadd.s32 s0, s3;
	s0 =	sld [smem:$0x3F6D]  }
0x30: {  	s3 =	sld [smem:$0x3F70]  }
0x31: {  	[smem:$0x3F79] =	sst s10  }
0x32: {  	s10 =	sld [smem:$0x3F77];
	_ =	sdelay $0x3  }
0x33: {  	p0 =	seq.s32 s10, $0x1;
	s10 =	sld [smem:$0x3F79];
	_ =	sdelay $0x3  }
0x34: {  	[smem:$0x3F79] =	sst s10  }
0x35: {  	s10 =	sld [smem:$0x3F78];
	_ =	sdelay $0x3  }
0x36: {  	p1 =	seq.s32 s10, $0x1;
	s10 =	sld [smem:$0x3F79];
	_ =	sdelay $0x3  }
0x37: {  	[smem:$0x3F79] =	sst s10  }
0x38: {  	s10 =	sld [smem:$0x3F7A]  }
0x39: {  	_ = 	snop;
	(pc) =	sbr.ind lr, $3  }
0x3a: {  	_ = 	snop  }
0x3b: {  	_ = 	snop  }
0x3c: {  	p2 =	seq.s32 s10, $0x1;
	s10 =	sld [smem:$0x3F79]  }
0x3d: {  	_ =	shalt  }
0x3e: {  	_ =	shalt  }
0x3f: {  	_ =	shalt  }
0x40: {  	_ =	shalt  }
0x41: {  	_ =	shalt  }
0x42: {  	_ =	shalt  }
0x43: {  	_ =	shalt  }
0x44: {  	_ =	shalt  }
0x45: {  	_ =	shalt  }
0x46: {  	_ =	shalt  }
0x47: {  	_ =	shalt  }
0x48: {  	_ =	shalt  }
0x49: {  	_ =	shalt  }
0x4a: {  	_ =	shalt  }
0x4b: {  	_ =	shalt  }
0x4c: {  	_ =	shalt  }
0x4d: {  	_ =	shalt  }
0x4e: {  	_ =	shalt  }
0x4f: {  	_ =	shalt  }
0x50: {  	_ =	shalt  }
0x51: {  	_ =	shalt  }
0x52: {  	_ =	shalt  }
0x53: {  	_ =	shalt  }
0x54: {  	_ =	shalt  }
0x55: {  	_ =	shalt  }
0x56: {  	_ =	shalt  }
0x57: {  	_ =	shalt  }
0x58: {  	_ =	shalt  }
0x59: {  	_ =	shalt  }
0x5a: {  	_ =	shalt  }
0x5b: {  	_ =	shalt  }
0x5c: {  	_ =	shalt  }
0x5d: {  	_ =	shalt  }
0x5e: {  	_ =	shalt  }
0x5f: {  	_ =	shalt  }
0x60: {  	_ =	shalt  }
0x61: {  	_ =	shalt  }
0x62: {  	_ =	shalt  }
0x63: {  	_ =	shalt  }
0x64: {  	_ =	shalt  }
0x65: {  	_ =	shalt  }
0x66: {  	_ =	shalt  }
0x67: {  	_ =	shalt  }
0x68: {  	_ =	shalt  }
0x69: {  	_ =	shalt  }
0x6a: {  	_ =	shalt  }
0x6b: {  	_ =	shalt  }
0x6c: {  	_ =	shalt  }
0x6d: {  	_ =	shalt  }
0x6e: {  	_ =	shalt  }
0x6f: {  	_ =	shalt  }
0x70: {  	_ =	shalt  }
0x71: {  	_ =	shalt  }
0x72: {  	_ =	shalt  }
0x73: {  	_ =	shalt  }
0x74: {  	_ =	shalt  }
0x75: {  	_ =	shalt  }
0x76: {  	_ =	shalt  }
0x77: {  	_ =	shalt  }
0x78: {  	_ =	shalt  }
0x79: {  	_ =	shalt  }
0x7a: {  	_ =	shalt  }
0x7b: {  	_ =	shalt  }
0x7c: {  	_ =	shalt  }
0x7d: {  	_ =	shalt  }
0x7e: {  	_ =	shalt  }
0x7f: {  	_ =	shalt  }
0x80: {  	_ =	shalt  }
0x81: {  	_ =	shalt  }
0x82: {  	_ =	shalt  }
0x83: {  	_ =	shalt  }
0x84: {  	_ =	shalt  }
0x85: {  	_ =	shalt  }
0x86: {  	_ =	shalt  }
0x87: {  	_ =	shalt  }
.Lfunc_end0:
.L_simem_size_0:
called_computation.3_lowered:
.L_overlay_start_0:
0x88: {  	s2 =	sld [smem:$0x3FD9]  }
0x89: {  	s3 =	sld [smem:$0x3FFE];
	_ =	sdelay $0x1  }
0x8a: {  	s1 =	srdreg.scid  }
0x8b: {  	s0 =	sand.u32 $0x1, s1  }
0x8c: {  	s17 =	sshll.u32 s0, $0xA;
	s2 =	sadd.s32 s3, s2  }
0x8d: {  	s2 =	sadd.s32 s2, s17  }
0x8e: {  	[smem:$0x3F85] =	sst s2  }
0x8f: {  	_ = 	snop  }
0x90: {  	s2 =	sld [smem:$0x3FD0];
	(tm) =	ssettm $0x1  }
0x91: {  	s18 =	sld [smem:$0x3FFB];
	_ =	sdelay $0x3  }
0x92: {  	_ =	strace s18  }
0x93: {  	s3 =	sld [smem:$0x3FFC];
	_ =	sdelay $0x3  }
0x94: {  	_ =	strace s3  }
0x95: {  	s3 =	sld [smem:$0x3FFD];
	_ =	sdelay $0x3  }
0x96: {  	_ =	strace s3  }
0x97: {  	_ =	strace $0x8FFFFFFF  }
0x98: {  	s19 =	sld [smem:$0x3FDB];
	_ =	sdelay $0x1  }
0x99: {  	s4 =	simm.s32 $_scs_section_size  }
0x9a: {  	s5 =	simm.s32 $_size__tile_overlayer_lowered;
	s6 =	simm.s32 $_tile_overlayer_lowered  }
0x9b: {  	s22 =	simm.s32 $0x1BFF;
	s21 =	sshll.u32 s6, $0x1;
	s3 =	sadd.s32 s4, s19  }
0x9c: {  	s7 =	simm.s32 $0x0;
	s20 =	sshll.u32 s5, $0x1;
	s5 =	sadd.s32 s21, s3  }
0x9d: {  	[timem:s7], [sflag:s22] =	dma.local [hbm:s5], s20  }
0x9e: {  	_ =	swait.ge [sflag:s22], s20  }
0x9f: {  	s4 =	ssub.s32 $0x0, s20;
	[sflag:s22] =	ssyncset.done $0x0  }
0xa0: {  	[sflag:s22] =	ssyncadd.s32 s4;
	_ =	sdelay $0x1  }
0xa1: {  	s23 =	simm.s32 $0x1B8B  }
0xa2: {  	_ =	swait.ge [sflag:s23], $0x1  }
0xa3: {  	[sflag:s23] =	ssyncset.done $0x0  }
0xa4: {  	s25 =	simm.s32 $0x1B8E;
	s24 =	sld [smem:$0x3FFE];
	[sflag:s23] =	ssyncadd.s32 $0xFFFFFFFF  }
0xa5: {  	s26 =	simm.s32 $execute0_lowered;
	[smem:$0x3FD2] =	sst s25  }
0xa6: {  	s5 =	sshll.u32 s26, $0x1;
	_ =	strace $0x8000004F;
	[dreg:$0x1] =	wrdreg $0xFFFFFFFF  }
0xa7: {  	s28 =	simm.s32 $_size_execute0_lowered;
	s3 =	sadd.s32 s3, s5;
	[dreg:$0x0] =	wrdreg $0x0  }
0xa8: {  	s5 =	sshll.u32 s28, $0x1;
	[dreg:$0x2] =	wrdreg s3  }
0xa9: {  	[dreg:$0x3] =	wrdreg s5  }
0xaa: {  	[dreg:$0x4] =	wrdreg $0xC0  }
0xab: {  	_ =	task [dreg:s7], $0x5FFFF  }
0xac: {  	[dreg:$0x1] =	wrdreg $0xFFFFFFFF  }
0xad: {  	[dreg:$0x0] =	wrdreg $0x60  }
0xae: {  	[dreg:$0x2] =	wrdreg s24  }
0xaf: {  	[dreg:$0x3] =	wrdreg s2  }
0xb0: {  	[dreg:$0x4] =	wrdreg $0x40800  }
0xb1: {  	[dreg:$0x5] =	wrdreg $0x9  }
0xb2: {  	_ =	task.clear_ibuf [dreg:s7], $0x6FFFF;
	_ =	strace $0x9000004F  }
0xb3: {  	s29 =	simm.s32 $0x9;
	_ =	strace $0x80000051  }
0xb4: {  	_ =	swait.ge [sflag:s29], $0x1  }
0xb5: {  	[sflag:s29] =	ssyncadd.s32 $0xFFFFFFFF  }
0xb6: {  	_ =	strace $0x90000051  }
0xb7: {  	_ =	sfence  }
0xb8: {  	s30 =	sld [smem:$0x0];
	_ =	sdelay $0x2  }
0xb9: {  	s31 =	sshll.u32 s1, $0xD;
	s1 =	sshrl.u32 s1, $0x2  }
0xba: {  	s3 =	sand.u32 $0x4000, s31;
	s1 =	sadd.s32 s1, s30  }
0xbb: {  	s0 =	sor.u32 s3, s0;
	s1 =	sshll.u32 s1, $0x11  }
0xbc: {  	s0 =	sor.u32 s1, s0  }
0xbd: {  	s0 =	sadd.s32 $0x8F2B, s0  }
0xbe: {  	[sflag:s0] =	ssyncadd.remote.s32 $0x1  }
0xbf: {  	_ =	sfence.sel $0xFFFF  }
0xc0: {  	[dreg:$0x0] =	wrdreg $0xFFFFFFFF;
	(pc) =	sbr.abs _section_cstart, $3  }
0xc1: {  	[dreg:$0x1] =	wrdreg $0xFFFFFFFF  }
0xc2: {  	_ =	task.clear_ibuf [dreg:s7], $0x2FFFF;
	_ =	strace $0x9FFFFFFF  }
0xc3: {  	(tm) =	ssettm $0x7FFFFFFF  }
tec
execute0_lowered:
.L_overlay_start_1:
0x0: {  	(tag) =	ssettag $0x1  }
0x1: {  	s0 =	rddreg [dreg:$0x0]  }
0x2: {  	s19 =	rddreg [dreg:$0x1]  }
0x3: {  	s3 =	rddreg [dreg:$0x2];
	s1 =	stileid.u32  }
0x4: {  	s4 =	srdreg.scid;
	s8 =	smul.u32 $0x280, s1  }
0x5: {  	s31 =	simm.s32 $0x80;
	s2 =	sshll.u32 s1, $0xC;
	s16 =	smul.u32 $0x50000, s1  }
0x6: {  	s5 =	sadd.s32 $0x1BE00, s0;
	s4 =	sand.u32 $0x1, s4;
	s24 =	smul.u32 $0x5000, s1  }
0x7: {  	s14 =	smul.u32 $0x14000, s1;
	s2 =	sadd.s32 s2, s0;
	s6 =	sshll.u32 s4, $0x7  }
0x8: {  	s7 =	ssub.s32 $0x2, s4;
	s11 =	smul.u32 $0x140000, s4;
	s9 =	sadd.s32 s6, s0  }
0x9: {  	s10 =	sshrl.u32 s7, $0x1;
	s0 =	sadd.s32 $0xC5C00, s0;
	s12 =	sadd.s32 $0x80, s8  }
0xa: {  	s13 =	sadd.s32 $0x100, s8;
	s6 =	sadd.s32 s6, s2;
	s7 =	ssub.s32 s7, s10  }
0xb: {  	s9 =	sadd.s32 $0x75C00, s9;
	s25 =	sshll.u32 s12, $0x5;
	s20 =	sshll.u32 s12, $0x7  }
0xc: {  	s26 =	sshll.u32 s13, $0x5;
	s21 =	sshll.u32 s13, $0x7;
	s12 =	sadd.s32 $0x180, s8  }
0xd: {  	s8 =	sadd.s32 $0x200, s8;
	s17 =	sadd.s32 s11, s14;
	s10 =	sadd.s32 s24, s9  }
0xe: {  	s13 =	sshll.u32 s12, $0x5;
	s22 =	sshll.u32 s12, $0x7;
	s23 =	sshll.u32 s8, $0x7  }
0xf: {  	s8 =	sshll.u32 s8, $0x5;
	s18 =	sadd.s32 s11, s20;
	s24 =	sshrl.u32 s17, $0x3  }
0x10: {  	s17 =	sshll.u32 s1, $0x4;
	[dreg:$0x4] =	wrdreg s10;
	s10 =	sadd.s32 s25, s9  }
0x11: {  	s20 =	sadd.s32 s20, s3;
	s15 =	sadd.s32 s13, s9;
	[dreg:$0x5] =	wrdreg s10  }
0x12: {  	s8 =	sadd.s32 s8, s9;
	s25 =	sshrl.u32 s18, $0x3;
	[dreg:$0x7] =	wrdreg s15  }
0x13: {  	s18 =	sadd.s32 s17, s5;
	s10 =	sadd.s32 s26, s9;
	[dreg:$0x8] =	wrdreg s8  }
0x14: {  	s8 =	sadd.s32 s0, s24;
	s26 =	sadd.s32 s0, s25;
	s9 =	sadd.s32 s11, s21  }
0x15: {  	s15 =	sshll.u32 s4, $0xB;
	[dreg:$0xe] =	wrdreg s18;
	s24 =	sshll.u32 s1, $0x5  }
0x16: {  	s25 =	sshrl.u32 s16, $0x2;
	s4 =	sshll.u32 s4, $0x4;
	[dreg:$0x6] =	wrdreg s10  }
0x17: {  	s18 =	sshll.u32 s1, $0x1;
	s21 =	sadd.s32 s21, s3;
	[dreg:$0x9] =	wrdreg s8  }
0x18: {  	[dreg:$0xa] =	wrdreg s26;
	s8 =	sshrl.u32 s9, $0x3;
	s10 =	sadd.s32 s11, s22  }
0x19: {  	s11 =	sadd.s32 s11, s23;
	s16 =	sadd.s32 s25, s3;
	s26 =	smax.u32 s7, $0x1  }
0x1a: {  	s22 =	sadd.s32 s22, s3;
	s23 =	sadd.s32 s23, s3;
	s8 =	sadd.s32 s0, s8  }
0x1b: {  	s13 =	sshrl.u32 s10, $0x3;
	s14 =	sshrl.u32 s11, $0x3;
	s28 =	sadd.s32 $0x8000, s16  }
0x1c: {  	s29 =	sadd.s32 $0xC000, s16;
	[dreg:$0xb] =	wrdreg s8;
	s8 =	sadd.s32 s0, s13  }
0x1d: {  	s30 =	sadd.s32 $0x10000, s16;
	s0 =	sadd.s32 s0, s14;
	[dreg:$0xc] =	wrdreg s8  }
0x1e: {  	s14 =	simm.s32 $0x0;
	[dreg:$0xd] =	wrdreg s0;
	s0 =	sadd.s32 s15, s2  }
0x1f: {  	s2 =	sadd.s32 s24, s5;
	[smem:$0x7FF] =	sst s14;
	s24 =	sadd.s32 $0x2393C00, s6  }
0x20: {  	s5 =	simm.s32 $0x0;
	_ =	strace $0x80000050;
	s17 =	sadd.s32 s4, s2  }
0x21: {  	[dreg:$0xf] =	wrdreg s26;
	s25 =	sadd.s32 $0x2D57C00, s0;
	s26 =	sadd.s32 $0x4000, s16  }
0x22: {  	s0 =	simm.s32 $0x1;
	s2 =	simm.s32 $0x400;
	s4 =	simm.s32 $0x800  }
.LBB2_1:
0x23: {  	[tilespmem:s31], [sflag:$0x1] =	stream.linear.gather [hbm4b:s19+s14], $0x4000, $0x38;
	[tilespmem:$0x18080] =	vst v63  }
0x24: {  	_ =	swait.ge [sflag:s0], $0x4000  }
0x25: {  	[sflag:s0] =	ssyncset.done $0x0  }
0x26: {  	[sflag:s0] =	ssyncadd.s32 $0xFFFFC000  }
0x27: {  	[spmem:s16] =	stream.linear.scatter [tilespmem:s31], [sflag:$0x1], $0x4000, $0x38;
	[tilespmem:$0x18080] =	vst v63  }
0x28: {  	_ =	swait.ge [sflag:s0], $0x4000  }
0x29: {  	[sflag:s0] =	ssyncset.done $0x0  }
0x2a: {  	[sflag:s0] =	ssyncadd.s32 $0xFFFFC000  }
0x2b: {  	[spmem:s26] =	stream.linear.scatter [tilespmem:s31], [sflag:$0x1], $0x4000, $0x38;
	[tilespmem:$0x18080] =	vst v63  }
0x2c: {  	_ =	swait.ge [sflag:s0], $0x4000  }
0x2d: {  	[sflag:s0] =	ssyncset.done $0x0  }
0x2e: {  	[sflag:s0] =	ssyncadd.s32 $0xFFFFC000  }
0x2f: {  	[spmem:s28] =	stream.linear.scatter [tilespmem:s31], [sflag:$0x1], $0x4000, $0x38;
	[tilespmem:$0x18080] =	vst v63  }
0x30: {  	_ =	swait.ge [sflag:s0], $0x4000  }
0x31: {  	[sflag:s0] =	ssyncset.done $0x0  }
0x32: {  	[sflag:s0] =	ssyncadd.s32 $0xFFFFC000  }
0x33: {  	[spmem:s29] =	stream.linear.scatter [tilespmem:s31], [sflag:$0x1], $0x4000, $0x38;
	[tilespmem:$0x18080] =	vst v63  }
0x34: {  	_ =	swait.ge [sflag:s0], $0x4000  }
0x35: {  	[sflag:s0] =	ssyncset.done $0x0  }
0x36: {  	[sflag:s0] =	ssyncadd.s32 $0xFFFFC000  }
0x37: {  	[spmem:s30] =	stream.linear.scatter [tilespmem:s31], [sflag:$0x1], $0x4000, $0x38;
	[tilespmem:$0x18080] =	vst v63  }
0x38: {  	_ =	swait.ge [sflag:s0], $0x4000  }
0x39: {  	[sflag:s0] =	ssyncset.done $0x0  }
0x3a: {  	s6 =	sadd.s32 $0x0, s1;
	[sflag:s0] =	ssyncadd.s32 $0xFFFFC000  }
0x3b: {  	p0 =	sgt.u32 s6, $0x9C3;
	[bflag:$0x0] =	sbarrier.arrive $0xFFFF  }
0x3c: {  	s6 =	simm.s32 @!p0 $0x0;
	s8 =	simm.s32 @!p0 $0x2;
	s11 =	rddreg [dreg:$0xe]  }
0x3d: {  	[tilespmem:s6], [sflag:$0x2] =	stream.linear.gather @!p0 [hbm4b:s11+s6], $0x80, $0x38;
	[tilespmem:$0x18080] =	vst v63  }
0x3e: {  	_ =	swait.ge @!p0 [sflag:s8], $0x80  }
0x3f: {  	s10 =	simm.s32 @!p0 $0x80;
	[sflag:s8] =	ssyncset.done @!p0 $0x0  }
0x40: {  	s7 =	simm.s32 @!p0 $0x400;
	s9 =	simm.s32 @!p0 $0x800;
	[sflag:s8] =	ssyncadd.s32 @!p0 $0xFFFFFF80  }
0x41: {  	[tilespmem:s10], [sflag:$0x2] =	stream.strided.gather @!p0 [hbm4b:s24+s7], $0x4000, s9, s7, $0x38;
	[tilespmem:$0x18080] =	vst v63  }
0x42: {  	p1 =	por p0, p0;
	_ =	swait.ge @!p0 [sflag:s8], $0x4000  }
0x43: {  	s15 =	smov.u32 s19;
	[sflag:s8] =	ssyncset.done @!p1 $0x0  }
0x44: {  	s19 =	sadd.s32 $0x10, s1;
	s9 =	simm.s32 @!p1 $0x1;
	[sflag:s8] =	ssyncadd.s32 @!p1 $0xFFFFC000  }
0x45: {  	[spmem:s3] =	stream.indirect.scatter.add.f32 @!p1 [tilespmem:s10], [sflag:$0x1], $0x80, s6, s10, $0xb8;
	[tilespmem:$0x18080] =	vst v63  }
0x46: {  	s7 =	simm.s32 $0x20;
	p0 =	sgt.u32 s19, $0x9C3;
	_ =	swait.ge @!p1 [sflag:s9], $0x4000  }
0x47: {  	s8 =	sadd.s32 $0x100, s11;
	s6 =	sadd.s32 $0x10000, s24;
	[sflag:s9] =	ssyncset.done @!p1 $0x0  }
.LBB2_2:
0x48: {  	s10 =	simm.s32 @!p0 $0x0;
	s11 =	simm.s32 @!p0 $0x2;
	[sflag:s9] =	ssyncadd.s32 @!p1 $0xFFFFC000  }
0x49: {  	[tilespmem:s10], [sflag:$0x2] =	stream.linear.gather @!p0 [hbm4b:s8+s10], $0x80, $0x38;
	[tilespmem:$0x18080] =	vst v63  }
0x4a: {  	s12 =	smov.u32 s7;
	s7 =	sadd.s32 $0x10, s7;
	_ =	swait.ge @!p0 [sflag:s11], $0x80  }
0x4b: {  	s13 =	simm.s32 @!p0 $0x80;
	p2 =	sne.s32 s7, $0x9D0;
	[sflag:s11] =	ssyncset.done @!p0 $0x0  }
0x4c: {  	s9 =	simm.s32 @!p0 $0x400;
	s19 =	simm.s32 @!p0 $0x800;
	[sflag:s11] =	ssyncadd.s32 @!p0 $0xFFFFFF80  }
0x4d: {  	[tilespmem:s13], [sflag:$0x2] =	stream.strided.gather @!p0 [hbm4b:s6+s9], $0x4000, s19, s9, $0x38;
	[tilespmem:$0x18080] =	vst v63  }
0x4e: {  	p1 =	por p0, p0;
	_ =	swait.ge @!p0 [sflag:s11], $0x4000  }
.Ltmp0:
0x4f: {  	[sflag:s11] =	ssyncset.done @!p1 $0x0;
	(pc) =	sbr.rel @p2 .LBB2_2-.Ltmp0, $4  }
0x50: {  	s9 =	simm.s32 @!p1 $0x1;
	[sflag:s11] =	ssyncadd.s32 @!p1 $0xFFFFC000  }
0x51: {  	[spmem:s3] =	stream.indirect.scatter.add.f32 @!p1 [tilespmem:s13], [sflag:$0x1], $0x80, s10, s13, $0xb8;
	[tilespmem:$0x18080] =	vst v63  }
0x52: {  	s6 =	sadd.s32 $0x10000, s6;
	s10 =	sadd.s32 s12, s1;
	_ =	swait.ge @!p1 [sflag:s9], $0x4000  }
0x53: {  	s8 =	sadd.s32 $0x100, s8;
	p0 =	sgt.u32 s10, $0x9C3;
	[sflag:s9] =	ssyncset.done @!p1 $0x0  }
0x54: {  	s7 =	simm.s32 @!p0 $0x0;
	s10 =	simm.s32 @!p0 $0x2;
	[sflag:s9] =	ssyncadd.s32 @!p1 $0xFFFFC000  }
0x55: {  	[tilespmem:s7], [sflag:$0x2] =	stream.linear.gather @!p0 [hbm4b:s8+s7], $0x80, $0x38;
	[tilespmem:$0x18080] =	vst v63  }
0x56: {  	_ =	swait.ge @!p0 [sflag:s10], $0x80  }
0x57: {  	s9 =	simm.s32 @!p0 $0x400;
	[sflag:s10] =	ssyncset.done @!p0 $0x0  }
0x58: {  	s11 =	simm.s32 @!p0 $0x800;
	s8 =	simm.s32 @!p0 $0x80;
	[sflag:s10] =	ssyncadd.s32 @!p0 $0xFFFFFF80  }
0x59: {  	[tilespmem:s8], [sflag:$0x2] =	stream.strided.gather @!p0 [hbm4b:s6+s9], $0x4000, s11, s9, $0x38;
	[tilespmem:$0x18080] =	vst v63  }
0x5a: {  	_ =	swait.ge @!p0 [sflag:s10], $0x4000;
	p0 =	por p0, p0  }
0x5b: {  	[sflag:s10] =	ssyncset.done @!p0 $0x0  }
0x5c: {  	s6 =	simm.s32 @!p0 $0x1;
	[sflag:s10] =	ssyncadd.s32 @!p0 $0xFFFFC000  }
0x5d: {  	[spmem:s3] =	stream.indirect.scatter.add.f32 @!p0 [tilespmem:s8], [sflag:$0x1], $0x80, s7, s8, $0xb8;
	[tilespmem:$0x18080] =	vst v63  }
0x5e: {  	_ =	swait.ge @!p0 [sflag:s6], $0x4000  }
0x5f: {  	[sflag:s6] =	ssyncset.done @!p0 $0x0  }
0x60: {  	[sflag:s6] =	ssyncadd.s32 @!p0 $0xFFFFC000  }
0x61: {  	[bflag:$0x0] =	sbarrier.arrive $0xFFFF  }
0x62: {  	[tilespmem:s31], [sflag:$0x1] =	stream.linear.gather [spmem:s16], $0x4000, $0x38;
	[tilespmem:$0x18080] =	vst v63  }
0x63: {  	_ =	swait.ge [sflag:s0], $0x4000  }
0x64: {  	[sflag:s0] =	ssyncset.done $0x0  }
0x65: {  	s7 =	rddreg [dreg:$0x4];
	[sflag:s0] =	ssyncadd.s32 $0xFFFFC000  }
0x66: {  	[hbm4b:s7+s2] =	stream.strided.scatter [tilespmem:s31], [sflag:$0x1], $0x4000, s4, s2, $0x38;
	[tilespmem:$0x18080] =	vst v63  }
0x67: {  	_ =	swait.ge [sflag:s0], $0x4000  }
0x68: {  	[sflag:s0] =	ssyncset.done $0x0  }
0x69: {  	[sflag:s0] =	ssyncadd.s32 $0xFFFFC000  }
0x6a: {  	[tilespmem:s31], [sflag:$0x1] =	stream.linear.gather [spmem:s20], $0x4000, $0x38;
	[tilespmem:$0x18080] =	vst v63  }
0x6b: {  	_ =	swait.ge [sflag:s0], $0x4000  }
0x6c: {  	[sflag:s0] =	ssyncset.done $0x0  }
0x6d: {  	s8 =	rddreg [dreg:$0x5];
	[sflag:s0] =	ssyncadd.s32 $0xFFFFC000  }
0x6e: {  	[hbm4b:s8+s2] =	stream.strided.scatter [tilespmem:s31], [sflag:$0x1], $0x4000, s4, s2, $0x38;
	[tilespmem:$0x18080] =	vst v63  }
0x6f: {  	_ =	swait.ge [sflag:s0], $0x4000  }
0x70: {  	[sflag:s0] =	ssyncset.done $0x0  }
0x71: {  	[sflag:s0] =	ssyncadd.s32 $0xFFFFC000  }
0x72: {  	[tilespmem:s31], [sflag:$0x1] =	stream.linear.gather [spmem:s21], $0x4000, $0x38;
	[tilespmem:$0x18080] =	vst v63  }
0x73: {  	_ =	swait.ge [sflag:s0], $0x4000  }
0x74: {  	[sflag:s0] =	ssyncset.done $0x0  }
0x75: {  	s9 =	rddreg [dreg:$0x6];
	[sflag:s0] =	ssyncadd.s32 $0xFFFFC000  }
0x76: {  	[hbm4b:s9+s2] =	stream.strided.scatter [tilespmem:s31], [sflag:$0x1], $0x4000, s4, s2, $0x38;
	[tilespmem:$0x18080] =	vst v63  }
0x77: {  	_ =	swait.ge [sflag:s0], $0x4000  }
0x78: {  	[sflag:s0] =	ssyncset.done $0x0  }
0x79: {  	[sflag:s0] =	ssyncadd.s32 $0xFFFFC000  }
0x7a: {  	[tilespmem:s31], [sflag:$0x1] =	stream.linear.gather [spmem:s22], $0x4000, $0x38;
	[tilespmem:$0x18080] =	vst v63  }
0x7b: {  	_ =	swait.ge [sflag:s0], $0x4000  }
0x7c: {  	[sflag:s0] =	ssyncset.done $0x0  }
0x7d: {  	s10 =	rddreg [dreg:$0x7];
	[sflag:s0] =	ssyncadd.s32 $0xFFFFC000  }
0x7e: {  	[hbm4b:s10+s2] =	stream.strided.scatter [tilespmem:s31], [sflag:$0x1], $0x4000, s4, s2, $0x38;
	[tilespmem:$0x18080] =	vst v63  }
0x7f: {  	_ =	swait.ge [sflag:s0], $0x4000  }
0x80: {  	[sflag:s0] =	ssyncset.done $0x0  }
0x81: {  	[sflag:s0] =	ssyncadd.s32 $0xFFFFC000  }
0x82: {  	[tilespmem:s31], [sflag:$0x1] =	stream.linear.gather [spmem:s23], $0x4000, $0x38;
	[tilespmem:$0x18080] =	vst v63  }
0x83: {  	_ =	swait.ge [sflag:s0], $0x4000  }
0x84: {  	[sflag:s0] =	ssyncset.done $0x0  }
0x85: {  	s11 =	rddreg [dreg:$0x8];
	[sflag:s0] =	ssyncadd.s32 $0xFFFFC000  }
0x86: {  	[hbm4b:s11+s2] =	stream.strided.scatter [tilespmem:s31], [sflag:$0x1], $0x4000, s4, s2, $0x38;
	[tilespmem:$0x18080] =	vst v63  }
0x87: {  	_ =	swait.ge [sflag:s0], $0x4000  }
0x88: {  	[sflag:s0] =	ssyncset.done $0x0  }
0x89: {  	[sflag:s0] =	ssyncadd.s32 $0xFFFFC000  }
0x8a: {  	s12 =	simm.s32 $0x0;
	[bflag:$0x0] =	sbarrier.arrive $0xFFFF  }
0x8b: {  	[tilespmem:s31], [sflag:$0x1] =	stream.linear.gather [hbm4b:s15+s12], $0x4000, $0x38;
	[tilespmem:$0x18080] =	vst v63  }
0x8c: {  	_ =	swait.ge [sflag:s0], $0x4000  }
0x8d: {  	[sflag:s0] =	ssyncset.done $0x0  }
0x8e: {  	[sflag:s0] =	ssyncadd.s32 $0xFFFFC000  }
0x8f: {  	[spmem:s16] =	stream.linear.scatter [tilespmem:s31], [sflag:$0x1], $0x4000, $0x38;
	[tilespmem:$0x18080] =	vst v63  }
0x90: {  	_ =	swait.ge [sflag:s0], $0x4000  }
0x91: {  	[sflag:s0] =	ssyncset.done $0x0  }
0x92: {  	[sflag:s0] =	ssyncadd.s32 $0xFFFFC000  }
0x93: {  	[spmem:s26] =	stream.linear.scatter [tilespmem:s31], [sflag:$0x1], $0x4000, $0x38;
	[tilespmem:$0x18080] =	vst v63  }
0x94: {  	_ =	swait.ge [sflag:s0], $0x4000  }
0x95: {  	[sflag:s0] =	ssyncset.done $0x0  }
0x96: {  	[sflag:s0] =	ssyncadd.s32 $0xFFFFC000  }
0x97: {  	[spmem:s28] =	stream.linear.scatter [tilespmem:s31], [sflag:$0x1], $0x4000, $0x38;
	[tilespmem:$0x18080] =	vst v63  }
0x98: {  	_ =	swait.ge [sflag:s0], $0x4000  }
0x99: {  	[sflag:s0] =	ssyncset.done $0x0  }
0x9a: {  	[sflag:s0] =	ssyncadd.s32 $0xFFFFC000  }
0x9b: {  	[spmem:s29] =	stream.linear.scatter [tilespmem:s31], [sflag:$0x1], $0x4000, $0x38;
	[tilespmem:$0x18080] =	vst v63  }
0x9c: {  	_ =	swait.ge [sflag:s0], $0x4000  }
0x9d: {  	[sflag:s0] =	ssyncset.done $0x0  }
0x9e: {  	[sflag:s0] =	ssyncadd.s32 $0xFFFFC000  }
0x9f: {  	[spmem:s30] =	stream.linear.scatter [tilespmem:s31], [sflag:$0x1], $0x4000, $0x38;
	[tilespmem:$0x18080] =	vst v63  }
0xa0: {  	_ =	swait.ge [sflag:s0], $0x4000  }
0xa1: {  	s13 =	sadd.s32 $0x0, s18;
	[sflag:s0] =	ssyncset.done $0x0  }
0xa2: {  	p0 =	sgt.u32 s13, $0x9C3;
	[sflag:s0] =	ssyncadd.s32 $0xFFFFC000  }
0xa3: {  	s6 =	simm.s32 @!p0 $0x0;
	s8 =	simm.s32 @!p0 $0x2;
	[bflag:$0x0] =	sbarrier.arrive $0xFFFF  }
0xa4: {  	[tilespmem:s6], [sflag:$0x2] =	stream.linear.gather @!p0 [hbm4b:s17+s6], $0x80, $0x38;
	[tilespmem:$0x18080] =	vst v63  }
0xa5: {  	_ =	swait.ge @!p0 [sflag:s8], $0x80  }
0xa6: {  	[sflag:s8] =	ssyncset.done @!p0 $0x0;
	p0 =	por p0, p0  }
0xa7: {  	[sflag:s8] =	ssyncadd.s32 @!p0 $0xFFFFFF80;
	s10 =	simm.s32 @!p0 $0x80  }
0xa8: {  	[tilespmem:s10], [sflag:$0x2] =	stream.linear.gather @!p0 [hbm4b:s25+s6], $0x4000, $0x38;
	[tilespmem:$0x18080] =	vst v63  }
0xa9: {  	_ =	swait.ge @!p0 [sflag:s8], $0x4000  }
0xaa: {  	s19 =	smov.u32 s15;
	[sflag:s8] =	ssyncset.done @!p0 $0x0  }
0xab: {  	s15 =	sadd.s32 $0x20, s18;
	s9 =	simm.s32 @!p0 $0x1;
	[sflag:s8] =	ssyncadd.s32 @!p0 $0xFFFFC000  }
0xac: {  	[spmem:s3] =	stream.indirect.scatter.add.f32 @!p0 [tilespmem:s10], [sflag:$0x1], $0x80, s6, s10, $0xb8;
	[tilespmem:$0x18080] =	vst v63  }
0xad: {  	s7 =	simm.s32 $0x40;
	p1 =	sgt.u32 s15, $0x9C3;
	_ =	swait.ge @!p0 [sflag:s9], $0x4000  }
0xae: {  	s8 =	sadd.s32 $0x200, s17;
	s6 =	sadd.s32 $0x10000, s25;
	[sflag:s9] =	ssyncset.done @!p0 $0x0  }
.LBB2_4:
0xaf: {  	s10 =	simm.s32 @!p1 $0x0;
	s11 =	simm.s32 @!p1 $0x2;
	[sflag:s9] =	ssyncadd.s32 @!p0 $0xFFFFC000  }
0xb0: {  	[tilespmem:s10], [sflag:$0x2] =	stream.linear.gather @!p1 [hbm4b:s8+s10], $0x80, $0x38;
	[tilespmem:$0x18080] =	vst v63  }
0xb1: {  	s12 =	smov.u32 s7;
	s7 =	sadd.s32 $0x20, s7;
	_ =	swait.ge @!p1 [sflag:s11], $0x80  }
0xb2: {  	p0 =	por p1, p1;
	p2 =	sne.s32 s7, $0x9E0;
	[sflag:s11] =	ssyncset.done @!p1 $0x0  }
0xb3: {  	s13 =	simm.s32 @!p0 $0x80;
	[sflag:s11] =	ssyncadd.s32 @!p0 $0xFFFFFF80  }
0xb4: {  	[tilespmem:s13], [sflag:$0x2] =	stream.linear.gather @!p0 [hbm4b:s6+s10], $0x4000, $0x38;
	[tilespmem:$0x18080] =	vst v63  }
0xb5: {  	_ =	swait.ge @!p0 [sflag:s11], $0x4000  }
.Ltmp1:
0xb6: {  	[sflag:s11] =	ssyncset.done @!p0 $0x0;
	(pc) =	sbr.rel @p2 .LBB2_4-.Ltmp1, $4  }
0xb7: {  	s9 =	simm.s32 @!p0 $0x1;
	[sflag:s11] =	ssyncadd.s32 @!p0 $0xFFFFC000  }
0xb8: {  	[spmem:s3] =	stream.indirect.scatter.add.f32 @!p0 [tilespmem:s13], [sflag:$0x1], $0x80, s10, s13, $0xb8;
	[tilespmem:$0x18080] =	vst v63  }
0xb9: {  	s8 =	sadd.s32 $0x200, s8;
	s10 =	sadd.s32 s12, s18;
	_ =	swait.ge @!p0 [sflag:s9], $0x4000  }
0xba: {  	s6 =	sadd.s32 $0x10000, s6;
	p1 =	sgt.u32 s10, $0x9C3;
	[sflag:s9] =	ssyncset.done @!p0 $0x0  }
0xbb: {  	s7 =	simm.s32 @!p1 $0x0;
	s10 =	simm.s32 @!p1 $0x2;
	[sflag:s9] =	ssyncadd.s32 @!p0 $0xFFFFC000  }
0xbc: {  	[tilespmem:s7], [sflag:$0x2] =	stream.linear.gather @!p1 [hbm4b:s8+s7], $0x80, $0x38;
	[tilespmem:$0x18080] =	vst v63  }
0xbd: {  	_ =	swait.ge @!p1 [sflag:s10], $0x80  }
0xbe: {  	p0 =	por p1, p1;
	[sflag:s10] =	ssyncset.done @!p1 $0x0  }
0xbf: {  	s8 =	simm.s32 @!p0 $0x80;
	[sflag:s10] =	ssyncadd.s32 @!p0 $0xFFFFFF80  }
0xc0: {  	[tilespmem:s8], [sflag:$0x2] =	stream.linear.gather @!p0 [hbm4b:s6+s7], $0x4000, $0x38;
	[tilespmem:$0x18080] =	vst v63  }
0xc1: {  	_ =	swait.ge @!p0 [sflag:s10], $0x4000  }
0xc2: {  	[sflag:s10] =	ssyncset.done @!p0 $0x0  }
0xc3: {  	s6 =	simm.s32 @!p0 $0x1;
	[sflag:s10] =	ssyncadd.s32 @!p0 $0xFFFFC000  }
0xc4: {  	[spmem:s3] =	stream.indirect.scatter.add.f32 @!p0 [tilespmem:s8], [sflag:$0x1], $0x80, s7, s8, $0xb8;
	[tilespmem:$0x18080] =	vst v63  }
0xc5: {  	_ =	swait.ge @!p0 [sflag:s6], $0x4000  }
0xc6: {  	[sflag:s6] =	ssyncset.done @!p0 $0x0  }
0xc7: {  	[sflag:s6] =	ssyncadd.s32 @!p0 $0xFFFFC000  }
0xc8: {  	[bflag:$0x0] =	sbarrier.arrive $0xFFFF  }
0xc9: {  	[tilespmem:s31], [sflag:$0x1] =	stream.linear.gather [spmem:s16], $0x4000, $0x38;
	[tilespmem:$0x18080] =	vst v63  }
0xca: {  	_ =	swait.ge [sflag:s0], $0x4000  }
0xcb: {  	[sflag:s0] =	ssyncset.done $0x0  }
0xcc: {  	s9 =	rddreg [dreg:$0x9];
	[sflag:s0] =	ssyncadd.s32 $0xFFFFC000  }
0xcd: {  	[hbm4b:s9+s14] =	stream.linear.scatter [tilespmem:s31], [sflag:$0x1], $0x4000, $0x38;
	[tilespmem:$0x18080] =	vst v63  }
0xce: {  	_ =	swait.ge [sflag:s0], $0x4000  }
0xcf: {  	[sflag:s0] =	ssyncset.done $0x0  }
0xd0: {  	[sflag:s0] =	ssyncadd.s32 $0xFFFFC000  }
0xd1: {  	[tilespmem:s31], [sflag:$0x1] =	stream.linear.gather [spmem:s20], $0x4000, $0x38;
	[tilespmem:$0x18080] =	vst v63  }
0xd2: {  	_ =	swait.ge [sflag:s0], $0x4000  }
0xd3: {  	[sflag:s0] =	ssyncset.done $0x0  }
0xd4: {  	s10 =	rddreg [dreg:$0xa];
	[sflag:s0] =	ssyncadd.s32 $0xFFFFC000  }
0xd5: {  	[hbm4b:s10+s14] =	stream.linear.scatter [tilespmem:s31], [sflag:$0x1], $0x4000, $0x38;
	[tilespmem:$0x18080] =	vst v63  }
0xd6: {  	_ =	swait.ge [sflag:s0], $0x4000  }
0xd7: {  	[sflag:s0] =	ssyncset.done $0x0  }
0xd8: {  	[sflag:s0] =	ssyncadd.s32 $0xFFFFC000  }
0xd9: {  	[tilespmem:s31], [sflag:$0x1] =	stream.linear.gather [spmem:s21], $0x4000, $0x38;
	[tilespmem:$0x18080] =	vst v63  }
0xda: {  	_ =	swait.ge [sflag:s0], $0x4000  }
0xdb: {  	[sflag:s0] =	ssyncset.done $0x0  }
0xdc: {  	s11 =	rddreg [dreg:$0xb];
	[sflag:s0] =	ssyncadd.s32 $0xFFFFC000  }
0xdd: {  	[hbm4b:s11+s14] =	stream.linear.scatter [tilespmem:s31], [sflag:$0x1], $0x4000, $0x38;
	[tilespmem:$0x18080] =	vst v63  }
0xde: {  	_ =	swait.ge [sflag:s0], $0x4000  }
0xdf: {  	[sflag:s0] =	ssyncset.done $0x0  }
0xe0: {  	[sflag:s0] =	ssyncadd.s32 $0xFFFFC000  }
0xe1: {  	[tilespmem:s31], [sflag:$0x1] =	stream.linear.gather [spmem:s22], $0x4000, $0x38;
	[tilespmem:$0x18080] =	vst v63  }
0xe2: {  	_ =	swait.ge [sflag:s0], $0x4000  }
0xe3: {  	[sflag:s0] =	ssyncset.done $0x0  }
0xe4: {  	s12 =	rddreg [dreg:$0xc];
	[sflag:s0] =	ssyncadd.s32 $0xFFFFC000  }
0xe5: {  	[hbm4b:s12+s14] =	stream.linear.scatter [tilespmem:s31], [sflag:$0x1], $0x4000, $0x38;
	[tilespmem:$0x18080] =	vst v63  }
0xe6: {  	_ =	swait.ge [sflag:s0], $0x4000  }
0xe7: {  	[sflag:s0] =	ssyncset.done $0x0  }
0xe8: {  	[sflag:s0] =	ssyncadd.s32 $0xFFFFC000  }
0xe9: {  	[tilespmem:s31], [sflag:$0x1] =	stream.linear.gather [spmem:s23], $0x4000, $0x38;
	[tilespmem:$0x18080] =	vst v63  }
0xea: {  	_ =	swait.ge [sflag:s0], $0x4000  }
0xeb: {  	[sflag:s0] =	ssyncset.done $0x0  }
0xec: {  	s13 =	rddreg [dreg:$0xd];
	[sflag:s0] =	ssyncadd.s32 $0xFFFFC000  }
0xed: {  	[hbm4b:s13+s14] =	stream.linear.scatter [tilespmem:s31], [sflag:$0x1], $0x4000, $0x38;
	[tilespmem:$0x18080] =	vst v63  }
0xee: {  	_ =	swait.ge [sflag:s0], $0x4000  }
0xef: {  	s5 =	sadd.s32 $0x1, s5;
	s15 =	rddreg [dreg:$0xf]  }
0xf0: {  	p0 =	sne.s32 s5, s15  }
.Ltmp2:
0xf1: {  	_ = 	snop;
	(pc) =	sbr.rel @p0 .LBB2_1-.Ltmp2, $3  }
0xf2: {  	_ =	sdelay $0x1  }
0xf3: {  	[sflag:s0] =	ssyncset.done $0x0  }
0xf4: {  	[sflag:s0] =	ssyncadd.s32 $0xFFFFC000  }
0xf5: {  	_ =	sfence.sel $0x180000  }
0xf6: {  	[bflag:$0x0] =	sbarrier.arrive $0xFFFF  }
0xf7: {  	_ =	strace $0x90000050  }
0xf8: {  	[bflag:$0x2] =	sbarrier.arrive $0xFFFF  }
0xf9: {  	p0 =	sne.s32 s1, $0x0;
	s0 =	rddreg [dreg:$0x3]  }
0xfa: {  	s0 =	sadd.s32 @!p0 $0x100000, s0  }
0xfb: {  	[sflag:s0] =	ssyncadd.tile.s32 @!p0 $0x1;
	_ =	shalt  }
.Lfunc_end2:
_tile_overlayer_lowered:
.L_overlay_start_2:
0xfc: {  	(tag) =	ssettag $0x2  }
0xfd: {  	s0 =	rddreg [dreg:$0x0];
	s2 =	stileid.u32  }
0xfe: {  	s1 =	rddreg [dreg:$0x1];
	p0 =	sne.s32 s2, $0x0  }
0xff: {  	s3 =	rddreg [dreg:$0x2];
	[bflag:$0x3] =	sbarrier.arrive $0xFFFF;
	s2 =	simm.s32 @!p0 $0x1C01  }
0x100: {  	[timem:s3], [sflag:s2] =	dma.local @!p0 [hbm:s0], s1  }
0x101: {  	s0 =	simm.s32 @!p0 $0x1  }
0x102: {  	_ =	swait.ge @!p0 [sflag:s0], s1  }
0x103: {  	s1 =	ssub.s32 @!p0 $0x0, s1;
	[sflag:s0] =	ssyncset.done @!p0 $0x0  }
0x104: {  	[sflag:s0] =	ssyncadd.s32 @!p0 s1  }
0x105: {  	[bflag:$0x3] =	sbarrier.arrive $0xFFFF  }
0x106: {  	_ =	shalt  }

// kernel: kernel.35.cloned.1.call-start
scs
__scs_entry_jumppad:
0x0: {  	(pc) =	sbr.rel $0x88, $3  }
0x1: {  	(tag) =	ssettag $0x0;
	lr =	simm.s32 $0x1  }
0x2: {  	[smem:$0x3F5E] =	sst lr;
	_ =	strace $0xD0000000  }
0x3: {  	_ = 	snop  }
0x4: {  	_ = 	snop  }
0x5: {  	_ = 	snop  }
0x6: {  	_ = 	snop  }
0x7: {  	_ = 	snop  }
__scs_overlays_trampoline_lowered:
0x8: {  	[smem:$0x3F6D] =	sst s0  }
0x9: {  	[smem:$0x3F6E] =	sst s1  }
0xa: {  	[smem:$0x3F6F] =	sst s2  }
0xb: {  	[smem:$0x3F70] =	sst s3  }
0xc: {  	[smem:$0x3F71] =	sst s4  }
0xd: {  	[smem:$0x3F72] =	sst s5  }
0xe: {  	[smem:$0x3F73] =	sst s6  }
0xf: {  	[smem:$0x3F74] =	sst s7  }
0x10: {  	[smem:$0x3F75] =	sst s8  }
0x11: {  	[smem:$0x3F76] =	sst s9;
	s0 =	simm.s32 @!p0 $0x0  }
0x12: {  	s1 =	sld [smem:$0x3F5C];
	s0 =	simm.s32 @p0 $0x1  }
0x13: {  	[smem:$0x3F77] =	sst s0;
	s0 =	simm.s32 @!p1 $0x0  }
0x14: {  	s2 =	sld [smem:$0x3F5B];
	s0 =	simm.s32 @p1 $0x1  }
0x15: {  	[smem:$0x3F78] =	sst s0;
	s0 =	simm.s32 @!p2 $0x0  }
0x16: {  	s3 =	sld [smem:$0x3FDB];
	s0 =	simm.s32 @p2 $0x1  }
0x17: {  	s4 =	simm.s32 $0x1BF5;
	[smem:$0x3F7A] =	sst s0  }
0x18: {  	s0 =	sld [smem:$0x3F5D];
	_ =	swait.ge [sflag:s4], $0x0  }
0x19: {  	s7 =	sld [smem:$0x3F5E]  }
0x1a: {  	s8 =	sadd.s32 $0xFFFFE003, lr  }
0x1b: {  	s9 =	sadd.s32 $0xFFFFFEF7, lr;
	s5 =	simm.s32 $0xFFFFFFFF;
	p2 =	slt.u32 s8, $0xFFFFF086  }
0x1c: {  	p1 =	slt.u32 s9, $0xF7A;
	s5 =	simm.s32 @!p2 $0x0  }
0x1d: {  	s5 =	simm.s32 @p1 $0x1;
	p0 =	seq.s32 s7, s2  }
0x1e: {  	s7 =	smul.u32 @!p0 $0xF7A, s2;
	p2 =	seq.s32 @!p0 s5, $0x0  }
0x1f: {  	s9 =	smul.u32 $0xF7A, s1;
	s8 =	simm.s32 @!p0 $0x1BF5;
	p2 =	por !p2, p0  }
0x20: {  	[sflag:s8] =	ssyncset.s32 @!p0 $0xFFFFF086;
	s6 =	sadd.s32 @!p0 s3, s7;
	s7 =	simm.s32 @!p0 $0x108  }
0x21: {  	s3 =	sadd.s32 s3, s9;
	s6 =	sadd.s32 @!p0 $0x88, s6;
	s7 =	simm.s32 @p2 $0x1082  }
0x22: {  	[simem:s7], [sflag:s8] =	dma.local @!p0 [hbm:s6], $0xF7A  }
0x23: {  	s9 =	sor.u32 $0xD0000000, s2;
	s6 =	simm.s32 $0x108;
	_ =	swait.ge @!p0 [sflag:s8], $0x0  }
0x24: {  	s3 =	sadd.s32 $0x88, s3;
	s6 =	simm.s32 @!p1 $0x1082;
	[sflag:s4] =	ssyncset.s32 $0xFFFFF086  }
0x25: {  	[simem:s6], [sflag:s4] =	dma.local [hbm:s3], $0xF7A  }
0x26: {  	[smem:$0x3F5E] =	sst s1;
	(tag) =	ssettag s2;
	_ =	strace s9  }
0x27: {  	s1 =	sld [smem:$0x3F6E]  }
0x28: {  	s2 =	sld [smem:$0x3F6F]  }
0x29: {  	s4 =	sld [smem:$0x3F71]  }
0x2a: {  	p0 =	seq.s32 s5, $0x0;
	s5 =	sld [smem:$0x3F72]  }
0x2b: {  	s6 =	sld [smem:$0x3F73]  }
0x2c: {  	s7 =	sld [smem:$0x3F74]  }
0x2d: {  	s3 =	simm.s32 $0x108;
	s8 =	sld [smem:$0x3F75]  }
0x2e: {  	s3 =	simm.s32 @!p0 $0x1082;
	s9 =	sld [smem:$0x3F76]  }
0x2f: {  	lr =	sadd.s32 s0, s3;
	s0 =	sld [smem:$0x3F6D]  }
0x30: {  	s3 =	sld [smem:$0x3F70]  }
0x31: {  	[smem:$0x3F79] =	sst s10  }
0x32: {  	s10 =	sld [smem:$0x3F77];
	_ =	sdelay $0x3  }
0x33: {  	p0 =	seq.s32 s10, $0x1;
	s10 =	sld [smem:$0x3F79];
	_ =	sdelay $0x3  }
0x34: {  	[smem:$0x3F79] =	sst s10  }
0x35: {  	s10 =	sld [smem:$0x3F78];
	_ =	sdelay $0x3  }
0x36: {  	p1 =	seq.s32 s10, $0x1;
	s10 =	sld [smem:$0x3F79];
	_ =	sdelay $0x3  }
0x37: {  	[smem:$0x3F79] =	sst s10  }
0x38: {  	s10 =	sld [smem:$0x3F7A]  }
0x39: {  	_ = 	snop;
	(pc) =	sbr.ind lr, $3  }
0x3a: {  	_ = 	snop  }
0x3b: {  	_ = 	snop  }
0x3c: {  	p2 =	seq.s32 s10, $0x1;
	s10 =	sld [smem:$0x3F79]  }
0x3d: {  	_ =	shalt  }
0x3e: {  	_ =	shalt  }
0x3f: {  	_ =	shalt  }
0x40: {  	_ =	shalt  }
0x41: {  	_ =	shalt  }
0x42: {  	_ =	shalt  }
0x43: {  	_ =	shalt  }
0x44: {  	_ =	shalt  }
0x45: {  	_ =	shalt  }
0x46: {  	_ =	shalt  }
0x47: {  	_ =	shalt  }
0x48: {  	_ =	shalt  }
0x49: {  	_ =	shalt  }
0x4a: {  	_ =	shalt  }
0x4b: {  	_ =	shalt  }
0x4c: {  	_ =	shalt  }
0x4d: {  	_ =	shalt  }
0x4e: {  	_ =	shalt  }
0x4f: {  	_ =	shalt  }
0x50: {  	_ =	shalt  }
0x51: {  	_ =	shalt  }
0x52: {  	_ =	shalt  }
0x53: {  	_ =	shalt  }
0x54: {  	_ =	shalt  }
0x55: {  	_ =	shalt  }
0x56: {  	_ =	shalt  }
0x57: {  	_ =	shalt  }
0x58: {  	_ =	shalt  }
0x59: {  	_ =	shalt  }
0x5a: {  	_ =	shalt  }
0x5b: {  	_ =	shalt  }
0x5c: {  	_ =	shalt  }
0x5d: {  	_ =	shalt  }
0x5e: {  	_ =	shalt  }
0x5f: {  	_ =	shalt  }
0x60: {  	_ =	shalt  }
0x61: {  	_ =	shalt  }
0x62: {  	_ =	shalt  }
0x63: {  	_ =	shalt  }
0x64: {  	_ =	shalt  }
0x65: {  	_ =	shalt  }
0x66: {  	_ =	shalt  }
0x67: {  	_ =	shalt  }
0x68: {  	_ =	shalt  }
0x69: {  	_ =	shalt  }
0x6a: {  	_ =	shalt  }
0x6b: {  	_ =	shalt  }
0x6c: {  	_ =	shalt  }
0x6d: {  	_ =	shalt  }
0x6e: {  	_ =	shalt  }
0x6f: {  	_ =	shalt  }
0x70: {  	_ =	shalt  }
0x71: {  	_ =	shalt  }
0x72: {  	_ =	shalt  }
0x73: {  	_ =	shalt  }
0x74: {  	_ =	shalt  }
0x75: {  	_ =	shalt  }
0x76: {  	_ =	shalt  }
0x77: {  	_ =	shalt  }
0x78: {  	_ =	shalt  }
0x79: {  	_ =	shalt  }
0x7a: {  	_ =	shalt  }
0x7b: {  	_ =	shalt  }
0x7c: {  	_ =	shalt  }
0x7d: {  	_ =	shalt  }
0x7e: {  	_ =	shalt  }
0x7f: {  	_ =	shalt  }
0x80: {  	_ =	shalt  }
0x81: {  	_ =	shalt  }
0x82: {  	_ =	shalt  }
0x83: {  	_ =	shalt  }
0x84: {  	_ =	shalt  }
0x85: {  	_ =	shalt  }
0x86: {  	_ =	shalt  }
0x87: {  	_ =	shalt  }
.Lfunc_end0:
.L_simem_size_0:
called_computation.4_lowered:
.L_overlay_start_0:
0x88: {  	s2 =	sld [smem:$0x3FD9]  }
0x89: {  	s3 =	sld [smem:$0x3FFE];
	_ =	sdelay $0x1  }
0x8a: {  	s1 =	srdreg.scid  }
0x8b: {  	s0 =	sand.u32 $0x1, s1  }
0x8c: {  	s16 =	sshll.u32 s0, $0xA;
	s2 =	sadd.s32 s3, s2  }
0x8d: {  	s2 =	sadd.s32 s2, s16  }
0x8e: {  	[smem:$0x3F85] =	sst s2  }
0x8f: {  	_ = 	snop  }
0x90: {  	(tm) =	ssettm $0x1  }
0x91: {  	s17 =	sld [smem:$0x3FFB];
	_ =	sdelay $0x3  }
0x92: {  	_ =	strace s17  }
0x93: {  	s2 =	sld [smem:$0x3FFC];
	_ =	sdelay $0x3  }
0x94: {  	_ =	strace s2  }
0x95: {  	s2 =	sld [smem:$0x3FFD];
	_ =	sdelay $0x3  }
0x96: {  	_ =	strace s2  }
0x97: {  	_ =	strace $0x8FFFFFFF  }
0x98: {  	s18 =	sld [smem:$0x3FDB];
	_ =	sdelay $0x1  }
0x99: {  	s19 =	simm.s32 $_scs_section_size  }
0x9a: {  	s4 =	simm.s32 $_size__tile_overlayer_lowered;
	s5 =	simm.s32 $_tile_overlayer_lowered  }
0x9b: {  	s22 =	simm.s32 $0x1BFF;
	s21 =	sshll.u32 s5, $0x1;
	s2 =	sadd.s32 s19, s18  }
0x9c: {  	s6 =	simm.s32 $0x0;
	s20 =	sshll.u32 s4, $0x1;
	s4 =	sadd.s32 s21, s2  }
0x9d: {  	[timem:s6], [sflag:s22] =	dma.local [hbm:s4], s20  }
0x9e: {  	_ =	swait.ge [sflag:s22], s20  }
0x9f: {  	s3 =	ssub.s32 $0x0, s20;
	[sflag:s22] =	ssyncset.done $0x0  }
0xa0: {  	[sflag:s22] =	ssyncadd.s32 s3;
	_ =	sdelay $0x1  }
0xa1: {  	s23 =	simm.s32 $0x1B8B  }
0xa2: {  	_ =	swait.ge [sflag:s23], $0x1  }
0xa3: {  	[sflag:s23] =	ssyncset.done $0x0  }
0xa4: {  	s25 =	simm.s32 $0x1B8E;
	s24 =	sld [smem:$0x3FFE];
	[sflag:s23] =	ssyncadd.s32 $0xFFFFFFFF  }
0xa5: {  	s26 =	simm.s32 $execute0_lowered;
	[smem:$0x3FD2] =	sst s25  }
0xa6: {  	s4 =	sshll.u32 s26, $0x1;
	_ =	strace $0x80000052;
	[dreg:$0x1] =	wrdreg $0xFFFFFFFF  }
0xa7: {  	s28 =	simm.s32 $_size_execute0_lowered;
	s2 =	sadd.s32 s2, s4;
	[dreg:$0x0] =	wrdreg $0x0  }
0xa8: {  	s4 =	sshll.u32 s28, $0x1;
	[dreg:$0x2] =	wrdreg s2  }
0xa9: {  	[dreg:$0x3] =	wrdreg s4  }
0xaa: {  	[dreg:$0x4] =	wrdreg $0xC0  }
0xab: {  	_ =	task [dreg:s6], $0x5FFFF  }
0xac: {  	[dreg:$0x1] =	wrdreg $0xFFFFFFFF  }
0xad: {  	[dreg:$0x0] =	wrdreg $0x60  }
0xae: {  	[dreg:$0x2] =	wrdreg s24  }
0xaf: {  	[dreg:$0x3] =	wrdreg $0x9  }
0xb0: {  	_ =	task.clear_ibuf [dreg:s6], $0x4FFFF;
	_ =	strace $0x90000052  }
0xb1: {  	s29 =	simm.s32 $0x9;
	_ =	strace $0x80000054  }
0xb2: {  	_ =	swait.ge [sflag:s29], $0x1  }
0xb3: {  	[sflag:s29] =	ssyncadd.s32 $0xFFFFFFFF  }
0xb4: {  	_ =	strace $0x90000054  }
0xb5: {  	_ =	sfence  }
0xb6: {  	s30 =	sld [smem:$0x0];
	_ =	sdelay $0x2  }
0xb7: {  	s31 =	sshll.u32 s1, $0xD;
	s1 =	sshrl.u32 s1, $0x2  }
0xb8: {  	s3 =	sand.u32 $0x4000, s31;
	s1 =	sadd.s32 s1, s30  }
0xb9: {  	s0 =	sor.u32 s3, s0;
	s1 =	sshll.u32 s1, $0x11  }
0xba: {  	s0 =	sor.u32 s1, s0  }
0xbb: {  	s0 =	sadd.s32 $0x8F2B, s0  }
0xbc: {  	[sflag:s0] =	ssyncadd.remote.s32 $0x1  }
0xbd: {  	_ =	sfence.sel $0xFFFF  }
0xbe: {  	[dreg:$0x0] =	wrdreg $0xFFFFFFFF;
	(pc) =	sbr.abs _section_cstart, $3  }
0xbf: {  	[dreg:$0x1] =	wrdreg $0xFFFFFFFF  }
0xc0: {  	_ =	task.clear_ibuf [dreg:s6], $0x2FFFF;
	_ =	strace $0x9FFFFFFF  }
0xc1: {  	(tm) =	ssettm $0x7FFFFFFF  }
tec
execute0_lowered:
.L_overlay_start_1:
0x0: {  	(tag) =	ssettag $0x1  }
0x1: {  	s0 =	rddreg [dreg:$0x0]  }
0x2: {  	s1 =	simm.s32 $0x0;
	s6 =	srdreg.scid;
	s12 =	stileid.u32  }
0x3: {  	s18 =	simm.s32 $0x14100;
	s19 =	simm.s32 $0x3;
	s20 =	simm.s32 $0x16900  }
0x4: {  	s21 =	simm.s32 $0x19100;
	s22 =	simm.s32 $0x4;
	s23 =	simm.s32 $0x100  }
0x5: {  	s24 =	simm.s32 $0x8100;
	s14 =	simm.s32 $0xD900;
	s15 =	simm.s32 $0xE100  }
0x6: {  	s16 =	simm.s32 $0xE900;
	s17 =	simm.s32 $0xF100;
	s25 =	simm.s32 $0xF900  }
0x7: {  	s26 =	simm.s32 $0x10100;
	s28 =	simm.s32 $0x1;
	[smem:$0x7FF] =	sst s1  }
0x8: {  	s2 =	sadd.s32 $0x1BE00, s0;
	s3 =	sadd.s32 $0x12000, s0;
	s4 =	sadd.s32 $0x9DC00, s0  }
0x9: {  	s5 =	sadd.s32 $0xEDC00, s0;
	s7 =	sadd.s32 $0x75C00, s0;
	s9 =	sadd.s32 $0x205E00, s0  }
0xa: {  	_ =	strace $0x80000053;
	[dreg:$0x2] =	wrdreg s7;
	s7 =	sand.u32 $0x1, s6  }
.Ltmp0:
0xb: {  	s10 =	sadd.s32 $0xBC9E00, s0;
	s6 =	ssub.s32 $0x2, s7;
	(pc) =	sbr.rel .LBB2_1-.Ltmp0, $4  }
0xc: {  	s11 =	sadd.s32 $0x1EB1C00, s0;
	s30 =	sadd.s32 $0x75C10, s0;
	s8 =	sshrl.u32 s6, $0x1  }
0xd: {  	v4 =	vlaneseq.u32;
	v0 =	vimm.f32 $0.0e+00;
	s0 =	sadd.s32 $0x75C20, s0;
	[dreg:$0x3] =	wrdreg s30;
	s6 =	ssub.s32 s6, s8  }
0xe: {  	vm0 =	vmmov $0xffff;
	s29 =	simm.s32 $0x2;
	v2 =	vshrl.u32 v4, $0x3;
	v1 =	vand.u32 $0x7, v4;
	[dreg:$0x4] =	wrdreg s0;
	s31 =	smax.u32 s6, $0x1  }
0xf: {  	s12 =	sshll.u32 s12, $0x1;
	v3 =	vor.u32 $0x8, v4;
	v4 =	vmul.u32 $0x80, v4;
	v2 =	vmul.u32 $0x8, v2;
	s6 =	simm.s32 $0x0;
	[dreg:$0x5] =	wrdreg s31  }
.LBB2_9:
0x10: {  	s6 =	rddreg [dreg:$0x6]  }
0x11: {  	s0 =	rddreg [dreg:$0x5];
	s6 =	sadd.s32 $0x1, s6  }
0x12: {  	p0 =	sne.s32 s6, s0  }
.Ltmp1:
0x13: {  	_ = 	snop;
	(pc) =	sbr.rel @!p0 .LBB2_10-.Ltmp1, $1  }
0x14: {  	_ =	sdelay $0x3  }
.LBB2_1:
0x15: {  	[dreg:$0x6] =	wrdreg s6  }
0x16: {  	s0 =	rddreg [dreg:$0x2];
	s13 =	simm.s32 $0x80;
	s8 =	simm.s32 $0x400  }
0x17: {  	[tilespmem:s18], [sflag:$0x3] =	stream.strided.gather [hbm4b:s0+s13], $0x2800, s8, s13, $0x38;
	[tilespmem:$0x1B900] =	vst v63  }
0x18: {  	_ =	swait.ge [sflag:s19], $0x2800  }
0x19: {  	[sflag:s19] =	ssyncset.done $0x0  }
0x1a: {  	s30 =	rddreg [dreg:$0x3];
	[sflag:s19] =	ssyncadd.s32 $0xFFFFD800  }
0x1b: {  	[tilespmem:s20], [sflag:$0x3] =	stream.strided.gather [hbm4b:s30+s13], $0x2800, s8, s13, $0x38;
	[tilespmem:$0x1B900] =	vst v63  }
0x1c: {  	_ =	swait.ge [sflag:s19], $0x2800  }
0x1d: {  	[sflag:s19] =	ssyncset.done $0x0  }
0x1e: {  	s31 =	rddreg [dreg:$0x4];
	[sflag:s19] =	ssyncadd.s32 $0xFFFFD800  }
0x1f: {  	[tilespmem:s21], [sflag:$0x3] =	stream.strided.gather [hbm4b:s31+s13], $0x2800, s8, s13, $0x38;
	[tilespmem:$0x1B900] =	vst v63  }
0x20: {  	_ =	swait.ge [sflag:s19], $0x2800  }
0x21: {  	[sflag:s19] =	ssyncset.done $0x0  }
0x22: {  	s0 =	simm.s32 $0x0;
	[sflag:s19] =	ssyncadd.s32 $0xFFFFD800  }
.LBB2_2:
0x23: {  	p0 =	sne.s32 s0, $0xFE00  }
.Ltmp2:
0x24: {  	_ = 	snop;
	(pc) =	sbr.rel @p0 .LBB2_2-.Ltmp2, $3  }
0x25: {  	_ =	sdelay $0x1  }
0x26: {  	s6 =	sshra.s32 s0, $0x2  }
0x27: {  	s0 =	sadd.s32 $0x200, s0;
	[tilespmem:s6+$0x10100] =	vst v0  }
.Ltmp3:
0x28: {  	(pc) =	sbr.rel .LBB2_4-.Ltmp3, $2  }
0x29: {  	_ =	sdelay $0x2  }
0x2a: {  	s30 =	simm.s32 $0x0  }
.LBB2_8:
0x2b: {  	s30 =	sadd.s32 $0x1, s30  }
0x2c: {  	p0 =	sne.s32 s30, $0x4F  }
.Ltmp4:
0x2d: {  	_ = 	snop;
	(pc) =	sbr.rel @!p0 .LBB2_9-.Ltmp4, $1  }
0x2e: {  	_ =	sdelay $0x3  }
.LBB2_4:
0x2f: {  	s0 =	sshll.u32 s30, $0x5  }
0x30: {  	s0 =	sor.u32 s12, s0  }
0x31: {  	p0 =	sgt.u32 s0, $0x9C3  }
.Ltmp5:
0x32: {  	_ = 	snop;
	(pc) =	sbr.rel @p0 .LBB2_8-.Ltmp5, $1  }
0x33: {  	_ =	sdelay $0x3  }
0x34: {  	s31 =	sor.u32 s7, s0  }
0x35: {  	s6 =	sshll.u32 s31, $0x4  }
0x36: {  	s0 =	simm.s32 $0x0;
	s8 =	sadd.s32 s2, s6  }
0x37: {  	[tilespmem:s0], [sflag:$0x4] =	stream.linear.gather [hbm4b:s8+s0], $0x80, $0x38;
	[tilespmem:$0x1B900] =	vst v63  }
0x38: {  	_ =	swait.ge [sflag:s22], $0x80  }
0x39: {  	[sflag:s22] =	ssyncset.done $0x0  }
0x3a: {  	s6 =	sadd.s32 s3, s6;
	s8 =	simm.s32 $0x80;
	[sflag:s22] =	ssyncadd.s32 $0xFFFFFF80  }
0x3b: {  	[tilespmem:s8], [sflag:$0x4] =	stream.linear.gather [hbm4b:s6+s0], $0x80, $0x38;
	[tilespmem:$0x1B900] =	vst v63  }
0x3c: {  	_ =	swait.ge [sflag:s22], $0x80  }
0x3d: {  	[sflag:s22] =	ssyncset.done $0x0  }
0x3e: {  	[sflag:s22] =	ssyncadd.s32 $0xFFFFFF80  }
0x3f: {  	v5 =	vld [tilespmem:$0x0];
	_ =	sdelay $0x4  }
0x40: {  	v6 =	vshll.u32 v5, $0x1  }
0x41: {  	v5 =	vand.u32 $0x7, v5;
	v6 =	vand.u32 $0xFFFFFFF0, v6  }
0x42: {  	v5 =	vor.u32 v5, v6  }
0x43: {  	v6 =	vperm.xlane v5, v1;
	_ =	sdelay $0x1  }
0x44: {  	v5 =	vperm.xlane v5, v3;
	v6 =	vadd.s32 v2, v6;
	_ =	sdelay $0x1  }
0x45: {  	v5 =	vadd.s32 v2, v5;
	_ =	sdelay $0x2  }
0x46: {  	[tilespmem:s23], [sflag:$0x1] =	stream.indirect_vreg.gather [hbm4b:s4+s0], $0x80, v6, vm0, $0xb8;
	[tilespmem:$0x1B900] =	vst v63  }
0x47: {  	s13 =	simm.s32 $0x900  }
0x48: {  	[tilespmem:s13], [sflag:$0x1] =	stream.indirect_vreg.gather [hbm4b:s4+s0], $0x80, v5, vm0, $0xb8;
	[tilespmem:$0x1B900] =	vst v63  }
0x49: {  	v5 =	vld [tilespmem:$0x10];
	_ =	sdelay $0x4  }
0x4a: {  	v6 =	vshll.u32 v5, $0x1  }
0x4b: {  	v5 =	vand.u32 $0x7, v5;
	v6 =	vand.u32 $0xFFFFFFF0, v6  }
0x4c: {  	v5 =	vor.u32 v5, v6  }
0x4d: {  	v6 =	vperm.xlane v5, v1;
	_ =	sdelay $0x1  }
0x4e: {  	v5 =	vperm.xlane v5, v3;
	v6 =	vadd.s32 v2, v6;
	_ =	sdelay $0x1  }
0x4f: {  	v5 =	vadd.s32 v2, v5;
	_ =	sdelay $0x1  }
0x50: {  	s13 =	simm.s32 $0x1100  }
0x51: {  	[tilespmem:s13], [sflag:$0x1] =	stream.indirect_vreg.gather [hbm4b:s4+s0], $0x80, v6, vm0, $0xb8;
	[tilespmem:$0x1B900] =	vst v63  }
0x52: {  	s13 =	simm.s32 $0x1900  }
0x53: {  	[tilespmem:s13], [sflag:$0x1] =	stream.indirect_vreg.gather [hbm4b:s4+s0], $0x80, v5, vm0, $0xb8;
	[tilespmem:$0x1B900] =	vst v63  }
0x54: {  	v5 =	vld [tilespmem:$0x20];
	_ =	sdelay $0x4  }
0x55: {  	v6 =	vshll.u32 v5, $0x1  }
0x56: {  	v5 =	vand.u32 $0x7, v5;
	v6 =	vand.u32 $0xFFFFFFF0, v6  }
0x57: {  	v5 =	vor.u32 v5, v6  }
0x58: {  	v6 =	vperm.xlane v5, v1;
	_ =	sdelay $0x1  }
0x59: {  	v5 =	vperm.xlane v5, v3;
	v6 =	vadd.s32 v2, v6;
	_ =	sdelay $0x1  }
0x5a: {  	v5 =	vadd.s32 v2, v5;
	_ =	sdelay $0x1  }
0x5b: {  	s13 =	simm.s32 $0x2100  }
0x5c: {  	[tilespmem:s13], [sflag:$0x1] =	stream.indirect_vreg.gather [hbm4b:s4+s0], $0x80, v6, vm0, $0xb8;
	[tilespmem:$0x1B900] =	vst v63  }
0x5d: {  	s13 =	simm.s32 $0x2900  }
0x5e: {  	[tilespmem:s13], [sflag:$0x1] =	stream.indirect_vreg.gather [hbm4b:s4+s0], $0x80, v5, vm0, $0xb8;
	[tilespmem:$0x1B900] =	vst v63  }
0x5f: {  	v5 =	vld [tilespmem:$0x30];
	_ =	sdelay $0x4  }
0x60: {  	v6 =	vshll.u32 v5, $0x1  }
0x61: {  	v5 =	vand.u32 $0x7, v5;
	v6 =	vand.u32 $0xFFFFFFF0, v6  }
0x62: {  	v5 =	vor.u32 v5, v6  }
0x63: {  	v6 =	vperm.xlane v5, v1;
	_ =	sdelay $0x1  }
0x64: {  	v5 =	vperm.xlane v5, v3;
	v6 =	vadd.s32 v2, v6;
	_ =	sdelay $0x1  }
0x65: {  	v5 =	vadd.s32 v2, v5;
	_ =	sdelay $0x1  }
0x66: {  	s13 =	simm.s32 $0x3100  }
0x67: {  	[tilespmem:s13], [sflag:$0x1] =	stream.indirect_vreg.gather [hbm4b:s4+s0], $0x80, v6, vm0, $0xb8;
	[tilespmem:$0x1B900] =	vst v63  }
0x68: {  	s13 =	simm.s32 $0x3900  }
0x69: {  	[tilespmem:s13], [sflag:$0x1] =	stream.indirect_vreg.gather [hbm4b:s4+s0], $0x80, v5, vm0, $0xb8;
	[tilespmem:$0x1B900] =	vst v63  }
0x6a: {  	v5 =	vld [tilespmem:$0x40];
	_ =	sdelay $0x4  }
0x6b: {  	v6 =	vshll.u32 v5, $0x1  }
0x6c: {  	v5 =	vand.u32 $0x7, v5;
	v6 =	vand.u32 $0xFFFFFFF0, v6  }
0x6d: {  	v5 =	vor.u32 v5, v6  }
0x6e: {  	v6 =	vperm.xlane v5, v1;
	_ =	sdelay $0x1  }
0x6f: {  	v5 =	vperm.xlane v5, v3;
	v6 =	vadd.s32 v2, v6;
	_ =	sdelay $0x1  }
0x70: {  	v5 =	vadd.s32 v2, v5;
	_ =	sdelay $0x1  }
0x71: {  	s13 =	simm.s32 $0x4100  }
0x72: {  	[tilespmem:s13], [sflag:$0x1] =	stream.indirect_vreg.gather [hbm4b:s4+s0], $0x80, v6, vm0, $0xb8;
	[tilespmem:$0x1B900] =	vst v63  }
0x73: {  	s13 =	simm.s32 $0x4900  }
0x74: {  	[tilespmem:s13], [sflag:$0x1] =	stream.indirect_vreg.gather [hbm4b:s4+s0], $0x80, v5, vm0, $0xb8;
	[tilespmem:$0x1B900] =	vst v63  }
0x75: {  	v5 =	vld [tilespmem:$0x50];
	_ =	sdelay $0x4  }
0x76: {  	v6 =	vshll.u32 v5, $0x1  }
0x77: {  	v5 =	vand.u32 $0x7, v5;
	v6 =	vand.u32 $0xFFFFFFF0, v6  }
0x78: {  	v5 =	vor.u32 v5, v6  }
0x79: {  	v6 =	vperm.xlane v5, v1;
	_ =	sdelay $0x1  }
0x7a: {  	v5 =	vperm.xlane v5, v3;
	v6 =	vadd.s32 v2, v6;
	_ =	sdelay $0x1  }
0x7b: {  	v5 =	vadd.s32 v2, v5;
	_ =	sdelay $0x1  }
0x7c: {  	s13 =	simm.s32 $0x5100  }
0x7d: {  	[tilespmem:s13], [sflag:$0x1] =	stream.indirect_vreg.gather [hbm4b:s4+s0], $0x80, v6, vm0, $0xb8;
	[tilespmem:$0x1B900] =	vst v63  }
0x7e: {  	s13 =	simm.s32 $0x5900  }
0x7f: {  	[tilespmem:s13], [sflag:$0x1] =	stream.indirect_vreg.gather [hbm4b:s4+s0], $0x80, v5, vm0, $0xb8;
	[tilespmem:$0x1B900] =	vst v63  }
0x80: {  	v5 =	vld [tilespmem:$0x60];
	_ =	sdelay $0x4  }
0x81: {  	v6 =	vshll.u32 v5, $0x1  }
0x82: {  	v5 =	vand.u32 $0x7, v5;
	v6 =	vand.u32 $0xFFFFFFF0, v6  }
0x83: {  	v5 =	vor.u32 v5, v6  }
0x84: {  	v6 =	vperm.xlane v5, v1;
	_ =	sdelay $0x1  }
0x85: {  	v5 =	vperm.xlane v5, v3;
	v6 =	vadd.s32 v2, v6;
	_ =	sdelay $0x1  }
0x86: {  	v5 =	vadd.s32 v2, v5;
	_ =	sdelay $0x1  }
0x87: {  	s13 =	simm.s32 $0x6100  }
0x88: {  	[tilespmem:s13], [sflag:$0x1] =	stream.indirect_vreg.gather [hbm4b:s4+s0], $0x80, v6, vm0, $0xb8;
	[tilespmem:$0x1B900] =	vst v63  }
0x89: {  	s13 =	simm.s32 $0x6900  }
0x8a: {  	[tilespmem:s13], [sflag:$0x1] =	stream.indirect_vreg.gather [hbm4b:s4+s0], $0x80, v5, vm0, $0xb8;
	[tilespmem:$0x1B900] =	vst v63  }
0x8b: {  	v5 =	vld [tilespmem:$0x70];
	_ =	sdelay $0x4  }
0x8c: {  	v6 =	vshll.u32 v5, $0x1  }
0x8d: {  	v5 =	vand.u32 $0x7, v5;
	v6 =	vand.u32 $0xFFFFFFF0, v6  }
0x8e: {  	v5 =	vor.u32 v5, v6  }
0x8f: {  	v6 =	vperm.xlane v5, v1;
	_ =	sdelay $0x1  }
0x90: {  	v5 =	vperm.xlane v5, v3;
	v6 =	vadd.s32 v2, v6;
	_ =	sdelay $0x1  }
0x91: {  	v5 =	vadd.s32 v2, v5;
	_ =	sdelay $0x1  }
0x92: {  	s13 =	simm.s32 $0x7100  }
0x93: {  	[tilespmem:s13], [sflag:$0x1] =	stream.indirect_vreg.gather [hbm4b:s4+s0], $0x80, v6, vm0, $0xb8;
	[tilespmem:$0x1B900] =	vst v63  }
0x94: {  	s13 =	simm.s32 $0x7900  }
0x95: {  	[tilespmem:s13], [sflag:$0x1] =	stream.indirect_vreg.gather [hbm4b:s4+s0], $0x80, v5, vm0, $0xb8;
	[tilespmem:$0x1B900] =	vst v63  }
0x96: {  	v5 =	vld [tilespmem:$0x80];
	_ =	sdelay $0x4  }
0x97: {  	v6 =	vshll.u32 v5, $0x1  }
0x98: {  	v5 =	vand.u32 $0x7, v5;
	v6 =	vand.u32 $0xFFFFFFF0, v6  }
0x99: {  	v5 =	vor.u32 v5, v6  }
0x9a: {  	v6 =	vperm.xlane v5, v1;
	_ =	sdelay $0x1  }
0x9b: {  	v5 =	vperm.xlane v5, v3;
	v6 =	vadd.s32 v2, v6;
	_ =	sdelay $0x1  }
0x9c: {  	v5 =	vadd.s32 v2, v5;
	_ =	sdelay $0x2  }
0x9d: {  	[tilespmem:s24], [sflag:$0x2] =	stream.indirect_vreg.gather [hbm4b:s5+s0], $0x80, v6, vm0, $0xb8;
	[tilespmem:$0x1B900] =	vst v63  }
0x9e: {  	s13 =	simm.s32 $0x8900  }
0x9f: {  	[tilespmem:s13], [sflag:$0x2] =	stream.indirect_vreg.gather [hbm4b:s5+s0], $0x80, v5, vm0, $0xb8;
	[tilespmem:$0x1B900] =	vst v63  }
0xa0: {  	v5 =	vld [tilespmem:$0x90];
	_ =	sdelay $0x4  }
0xa1: {  	v6 =	vshll.u32 v5, $0x1  }
0xa2: {  	v5 =	vand.u32 $0x7, v5;
	v6 =	vand.u32 $0xFFFFFFF0, v6  }
0xa3: {  	v5 =	vor.u32 v5, v6  }
0xa4: {  	v6 =	vperm.xlane v5, v1;
	_ =	sdelay $0x1  }
0xa5: {  	v5 =	vperm.xlane v5, v3;
	v6 =	vadd.s32 v2, v6;
	_ =	sdelay $0x1  }
0xa6: {  	v5 =	vadd.s32 v2, v5;
	_ =	sdelay $0x1  }
0xa7: {  	s13 =	simm.s32 $0x9100  }
0xa8: {  	[tilespmem:s13], [sflag:$0x2] =	stream.indirect_vreg.gather [hbm4b:s5+s0], $0x80, v6, vm0, $0xb8;
	[tilespmem:$0x1B900] =	vst v63  }
0xa9: {  	s13 =	simm.s32 $0x9900  }
0xaa: {  	[tilespmem:s13], [sflag:$0x2] =	stream.indirect_vreg.gather [hbm4b:s5+s0], $0x80, v5, vm0, $0xb8;
	[tilespmem:$0x1B900] =	vst v63  }
0xab: {  	v5 =	vld [tilespmem:$0xA0];
	_ =	sdelay $0x4  }
0xac: {  	v6 =	vshll.u32 v5, $0x1  }
0xad: {  	v5 =	vand.u32 $0x7, v5;
	v6 =	vand.u32 $0xFFFFFFF0, v6  }
0xae: {  	v5 =	vor.u32 v5, v6  }
0xaf: {  	v6 =	vperm.xlane v5, v1;
	_ =	sdelay $0x1  }
0xb0: {  	v5 =	vperm.xlane v5, v3;
	v6 =	vadd.s32 v2, v6;
	_ =	sdelay $0x1  }
0xb1: {  	v5 =	vadd.s32 v2, v5;
	_ =	sdelay $0x1  }
0xb2: {  	s13 =	simm.s32 $0xA100  }
0xb3: {  	[tilespmem:s13], [sflag:$0x2] =	stream.indirect_vreg.gather [hbm4b:s5+s0], $0x80, v6, vm0, $0xb8;
	[tilespmem:$0x1B900] =	vst v63  }
0xb4: {  	s13 =	simm.s32 $0xA900  }
0xb5: {  	[tilespmem:s13], [sflag:$0x2] =	stream.indirect_vreg.gather [hbm4b:s5+s0], $0x80, v5, vm0, $0xb8;
	[tilespmem:$0x1B900] =	vst v63  }
0xb6: {  	v5 =	vld [tilespmem:$0xB0];
	_ =	sdelay $0x4  }
0xb7: {  	v6 =	vshll.u32 v5, $0x1  }
0xb8: {  	v5 =	vand.u32 $0x7, v5;
	v6 =	vand.u32 $0xFFFFFFF0, v6  }
0xb9: {  	v5 =	vor.u32 v5, v6  }
0xba: {  	v6 =	vperm.xlane v5, v1;
	_ =	sdelay $0x1  }
0xbb: {  	v5 =	vperm.xlane v5, v3;
	v6 =	vadd.s32 v2, v6;
	_ =	sdelay $0x1  }
0xbc: {  	v5 =	vadd.s32 v2, v5;
	_ =	sdelay $0x1  }
0xbd: {  	s13 =	simm.s32 $0xB100  }
0xbe: {  	[tilespmem:s13], [sflag:$0x2] =	stream.indirect_vreg.gather [hbm4b:s5+s0], $0x80, v6, vm0, $0xb8;
	[tilespmem:$0x1B900] =	vst v63  }
0xbf: {  	s13 =	simm.s32 $0xB900  }
0xc0: {  	[tilespmem:s13], [sflag:$0x2] =	stream.indirect_vreg.gather [hbm4b:s5+s0], $0x80, v5, vm0, $0xb8;
	[tilespmem:$0x1B900] =	vst v63  }
0xc1: {  	v5 =	vld [tilespmem:$0xC0];
	_ =	sdelay $0x4  }
0xc2: {  	v6 =	vshll.u32 v5, $0x1  }
0xc3: {  	v5 =	vand.u32 $0x7, v5;
	v6 =	vand.u32 $0xFFFFFFF0, v6  }
0xc4: {  	v5 =	vor.u32 v5, v6  }
0xc5: {  	v6 =	vperm.xlane v5, v1;
	_ =	sdelay $0x1  }
0xc6: {  	v5 =	vperm.xlane v5, v3;
	v6 =	vadd.s32 v2, v6;
	_ =	sdelay $0x1  }
0xc7: {  	v5 =	vadd.s32 v2, v5;
	_ =	sdelay $0x1  }
0xc8: {  	s13 =	simm.s32 $0xC100  }
0xc9: {  	[tilespmem:s13], [sflag:$0x2] =	stream.indirect_vreg.gather [hbm4b:s5+s0], $0x80, v6, vm0, $0xb8;
	[tilespmem:$0x1B900] =	vst v63  }
0xca: {  	s13 =	simm.s32 $0xC900  }
0xcb: {  	[tilespmem:s13], [sflag:$0x2] =	stream.indirect_vreg.gather [hbm4b:s5+s0], $0x80, v5, vm0, $0xb8;
	[tilespmem:$0x1B900] =	vst v63  }
0xcc: {  	v5 =	vld [tilespmem:$0xD0];
	_ =	sdelay $0x4  }
0xcd: {  	v6 =	vshll.u32 v5, $0x1  }
0xce: {  	v5 =	vand.u32 $0x7, v5;
	v6 =	vand.u32 $0xFFFFFFF0, v6  }
0xcf: {  	v5 =	vor.u32 v5, v6  }
0xd0: {  	v6 =	vperm.xlane v5, v1;
	_ =	sdelay $0x1  }
0xd1: {  	v5 =	vperm.xlane v5, v3;
	v6 =	vadd.s32 v2, v6;
	_ =	sdelay $0x1  }
0xd2: {  	v5 =	vadd.s32 v2, v5;
	_ =	sdelay $0x1  }
0xd3: {  	s13 =	simm.s32 $0xD100  }
0xd4: {  	[tilespmem:s13], [sflag:$0x2] =	stream.indirect_vreg.gather [hbm4b:s5+s0], $0x80, v6, vm0, $0xb8;
	[tilespmem:$0x1B900] =	vst v63  }
0xd5: {  	_ = 	snop  }
0xd6: {  	[tilespmem:s14], [sflag:$0x2] =	stream.indirect_vreg.gather [hbm4b:s5+s0], $0x80, v5, vm0, $0xb8;
	[tilespmem:$0x1B900] =	vst v63  }
0xd7: {  	v5 =	vld [tilespmem:$0xE0];
	_ =	sdelay $0x4  }
0xd8: {  	v6 =	vshll.u32 v5, $0x1  }
0xd9: {  	v5 =	vand.u32 $0x7, v5;
	v6 =	vand.u32 $0xFFFFFFF0, v6  }
0xda: {  	v5 =	vor.u32 v5, v6  }
0xdb: {  	v6 =	vperm.xlane v5, v1;
	_ =	sdelay $0x1  }
0xdc: {  	v5 =	vperm.xlane v5, v3;
	v6 =	vadd.s32 v2, v6;
	_ =	sdelay $0x1  }
0xdd: {  	v5 =	vadd.s32 v2, v5;
	_ =	sdelay $0x2  }
0xde: {  	[tilespmem:s15], [sflag:$0x2] =	stream.indirect_vreg.gather [hbm4b:s5+s0], $0x80, v6, vm0, $0xb8;
	[tilespmem:$0x1B900] =	vst v63  }
0xdf: {  	_ = 	snop  }
0xe0: {  	[tilespmem:s16], [sflag:$0x2] =	stream.indirect_vreg.gather [hbm4b:s5+s0], $0x80, v5, vm0, $0xb8;
	[tilespmem:$0x1B900] =	vst v63  }
0xe1: {  	v5 =	vld [tilespmem:$0xF0];
	_ =	sdelay $0x4  }
0xe2: {  	v6 =	vshll.u32 v5, $0x1  }
0xe3: {  	v5 =	vand.u32 $0x7, v5;
	v6 =	vand.u32 $0xFFFFFFF0, v6  }
0xe4: {  	v5 =	vor.u32 v5, v6  }
0xe5: {  	v6 =	vperm.xlane v5, v1;
	_ =	sdelay $0x1  }
0xe6: {  	v5 =	vperm.xlane v5, v3;
	v6 =	vadd.s32 v2, v6;
	_ =	sdelay $0x1  }
0xe7: {  	v5 =	vadd.s32 v2, v5;
	_ =	sdelay $0x2  }
0xe8: {  	[tilespmem:s17], [sflag:$0x2] =	stream.indirect_vreg.gather [hbm4b:s5+s0], $0x80, v6, vm0, $0xb8;
	[tilespmem:$0x1B900] =	vst v63  }
0xe9: {  	_ = 	snop  }
0xea: {  	[tilespmem:s25], [sflag:$0x2] =	stream.indirect_vreg.gather [hbm4b:s5+s0], $0x80, v5, vm0, $0xb8;
	[tilespmem:$0x1B900] =	vst v63  }
0xeb: {  	v5 =	vld [tilespmem:s0+$0x0]  }
0xec: {  	v7 =	vld [tilespmem:s8+$0x0];
	_ =	sdelay $0x6  }
0xed: {  	v6 =	vld.idx.msk [tilespmem:v5+s18+$0x0], $0xffff  }
0xee: {  	v9 =	vmov s0;
	v8 =	vld.idx.msk [tilespmem:v7+s18+$0x0], $0xffff  }
0xef: {  	v9 =	vshll.u32 v9, $0x7  }
0xf0: {  	v9 =	vor.u32 v4, v9;
	_ =	sdelay $0x2  }
0xf1: {  	v6 =	vsub.f32 v6, v8;
	_ =	sdelay $0x1  }
0xf2: {  	[tilespmem:v9+s26+$0x0] =	vst.idx.msk $0xffff, v6  }
0xf3: {  	v6 =	vld.idx.msk [tilespmem:v5+s20+$0x0], $0xffff  }
0xf4: {  	v8 =	vld.idx.msk [tilespmem:v7+s20+$0x0], $0xffff;
	_ =	sdelay $0x1  }
0xf5: {  	v10 =	vor.u32 $0x1, v9;
	_ =	sdelay $0x2  }
0xf6: {  	v6 =	vsub.f32 v6, v8;
	_ =	sdelay $0x1  }
0xf7: {  	[tilespmem:v10+s26+$0x0] =	vst.idx.msk $0xffff, v6  }
0xf8: {  	v6 =	vld.idx.msk [tilespmem:v5+s21+$0x0], $0xffff  }
0xf9: {  	v7 =	vld.idx.msk [tilespmem:v7+s21+$0x0], $0xffff  }
0xfa: {  	s6 =	simm.s32 $0x10;
	v5 =	vor.u32 $0x2, v9  }
.LBB2_6:
0xfb: {  	_ =	sdelay $0x2  }
0xfc: {  	p0 =	sne.s32 s6, $0x70;
	s0 =	sadd.s32 $0x10, s0;
	s8 =	sadd.s32 $0x10, s8;
	v6 =	vsub.f32 v6, v7  }
0xfd: {  	s13 =	smov.u32 s6;
	s6 =	sadd.s32 $0x10, s6  }
0xfe: {  	[tilespmem:v5+s26+$0x0] =	vst.idx.msk $0xffff, v6  }
0xff: {  	v5 =	vld [tilespmem:s0+$0x0]  }
0x100: {  	v7 =	vld [tilespmem:s8+$0x0];
	_ =	sdelay $0x6  }
0x101: {  	v6 =	vld.idx.msk [tilespmem:v5+s18+$0x0], $0xffff  }
0x102: {  	v8 =	vld.idx.msk [tilespmem:v7+s18+$0x0], $0xffff  }
0x103: {  	v9 =	vmov s13  }
0x104: {  	v9 =	vshll.u32 v9, $0x7  }
0x105: {  	v9 =	vor.u32 v4, v9;
	_ =	sdelay $0x2  }
0x106: {  	v6 =	vsub.f32 v6, v8;
	_ =	sdelay $0x1  }
0x107: {  	[tilespmem:v9+s26+$0x0] =	vst.idx.msk $0xffff, v6  }
0x108: {  	v6 =	vld.idx.msk [tilespmem:v5+s20+$0x0], $0xffff  }
0x109: {  	v8 =	vld.idx.msk [tilespmem:v7+s20+$0x0], $0xffff;
	_ =	sdelay $0x1  }
0x10a: {  	v10 =	vor.u32 $0x1, v9;
	_ =	sdelay $0x3  }
0x10b: {  	v6 =	vsub.f32 v6, v8  }
.Ltmp6:
0x10c: {  	(pc) =	sbr.rel @p0 .LBB2_6-.Ltmp6, $4  }
0x10d: {  	[tilespmem:v10+s26+$0x0] =	vst.idx.msk $0xffff, v6  }
0x10e: {  	v6 =	vld.idx.msk [tilespmem:v5+s21+$0x0], $0xffff  }
0x10f: {  	v7 =	vld.idx.msk [tilespmem:v7+s21+$0x0], $0xffff  }
0x110: {  	v5 =	vor.u32 $0x2, v9  }
0x111: {  	_ =	sdelay $0x2  }
0x112: {  	v6 =	vsub.f32 v6, v7;
	_ =	sdelay $0x1  }
0x113: {  	[tilespmem:v5+s26+$0x0] =	vst.idx.msk $0xffff, v6  }
0x114: {  	_ =	swait.ge [sflag:s28], $0x8000  }
0x115: {  	[sflag:s28] =	ssyncset.done $0x0  }
0x116: {  	[sflag:s28] =	ssyncadd.s32 $0xFFFF8000  }
0x117: {  	_ =	swait.ge [sflag:s29], $0x8000  }
0x118: {  	s0 =	sshll.u32 s31, $0xC;
	[sflag:s29] =	ssyncset.done $0x0  }
0x119: {  	s6 =	sadd.s32 s9, s0;
	[sflag:s29] =	ssyncadd.s32 $0xFFFF8000  }
0x11a: {  	[hbm4b:s6+s1] =	stream.linear.scatter [tilespmem:s23], [sflag:$0x4], $0x8000, $0x38;
	[tilespmem:$0x1B900] =	vst v63  }
0x11b: {  	_ =	swait.ge [sflag:s22], $0x8000  }
0x11c: {  	[sflag:s22] =	ssyncset.done $0x0  }
0x11d: {  	s0 =	sadd.s32 s10, s0;
	[sflag:s22] =	ssyncadd.s32 $0xFFFF8000  }
0x11e: {  	[hbm4b:s0+s1] =	stream.linear.scatter [tilespmem:s24], [sflag:$0x4], $0x8000, $0x38;
	[tilespmem:$0x1B900] =	vst v63  }
0x11f: {  	_ =	swait.ge [sflag:s22], $0x8000  }
0x120: {  	s31 =	sshll.u32 s31, $0xB;
	[sflag:s22] =	ssyncset.done $0x0  }
.Ltmp7:
0x121: {  	s0 =	sadd.s32 s11, s31;
	[sflag:s22] =	ssyncadd.s32 $0xFFFF8000;
	(pc) =	sbr.rel .LBB2_8-.Ltmp7, $4  }
0x122: {  	[hbm4b:s0+s1] =	stream.linear.scatter [tilespmem:s26], [sflag:$0x3], $0x4000, $0x38;
	[tilespmem:$0x1B900] =	vst v63  }
0x123: {  	_ =	swait.ge [sflag:s19], $0x4000  }
0x124: {  	[sflag:s19] =	ssyncset.done $0x0  }
0x125: {  	[sflag:s19] =	ssyncadd.s32 $0xFFFFC000  }
.LBB2_10:
0x126: {  	_ =	sfence.sel $0x180000  }
0x127: {  	[bflag:$0x0] =	sbarrier.arrive $0xFFFF  }
0x128: {  	_ =	strace $0x90000053  }
0x129: {  	s0 =	stileid.u32;
	[bflag:$0x2] =	sbarrier.arrive $0xFFFF  }
0x12a: {  	p0 =	sne.s32 s0, $0x0;
	s0 =	rddreg [dreg:$0x1]  }
0x12b: {  	s0 =	sadd.s32 @!p0 $0x100000, s0  }
0x12c: {  	[sflag:s0] =	ssyncadd.tile.s32 @!p0 $0x1;
	_ =	shalt  }
.Lfunc_end2:
_tile_overlayer_lowered:
.L_overlay_start_2:
0x12d: {  	(tag) =	ssettag $0x2  }
0x12e: {  	s0 =	rddreg [dreg:$0x0];
	s2 =	stileid.u32  }
0x12f: {  	s1 =	rddreg [dreg:$0x1];
	p0 =	sne.s32 s2, $0x0  }
0x130: {  	s3 =	rddreg [dreg:$0x2];
	[bflag:$0x3] =	sbarrier.arrive $0xFFFF;
	s2 =	simm.s32 @!p0 $0x1C03  }
0x131: {  	[timem:s3], [sflag:s2] =	dma.local @!p0 [hbm:s0], s1  }
0x132: {  	s0 =	simm.s32 @!p0 $0x3  }
0x133: {  	_ =	swait.ge @!p0 [sflag:s0], s1  }
0x134: {  	s1 =	ssub.s32 @!p0 $0x0, s1;
	[sflag:s0] =	ssyncset.done @!p0 $0x0  }
0x135: {  	[sflag:s0] =	ssyncadd.s32 @!p0 s1  }
0x136: {  	[bflag:$0x3] =	sbarrier.arrive $0xFFFF  }
0x137: {  	_ =	shalt  }

// kernel: kernel.38.cloned.1.call-start
scs
__scs_entry_jumppad:
0x0: {  	(pc) =	sbr.rel $0x88, $3  }
0x1: {  	(tag) =	ssettag $0x0;
	lr =	simm.s32 $0x1  }
0x2: {  	[smem:$0x3F5E] =	sst lr;
	_ =	strace $0xD0000000  }
0x3: {  	_ = 	snop  }
0x4: {  	_ = 	snop  }
0x5: {  	_ = 	snop  }
0x6: {  	_ = 	snop  }
0x7: {  	_ = 	snop  }
__scs_overlays_trampoline_lowered:
0x8: {  	[smem:$0x3F6D] =	sst s0  }
0x9: {  	[smem:$0x3F6E] =	sst s1  }
0xa: {  	[smem:$0x3F6F] =	sst s2  }
0xb: {  	[smem:$0x3F70] =	sst s3  }
0xc: {  	[smem:$0x3F71] =	sst s4  }
0xd: {  	[smem:$0x3F72] =	sst s5  }
0xe: {  	[smem:$0x3F73] =	sst s6  }
0xf: {  	[smem:$0x3F74] =	sst s7  }
0x10: {  	[smem:$0x3F75] =	sst s8  }
0x11: {  	[smem:$0x3F76] =	sst s9;
	s0 =	simm.s32 @!p0 $0x0  }
0x12: {  	s1 =	sld [smem:$0x3F5C];
	s0 =	simm.s32 @p0 $0x1  }
0x13: {  	[smem:$0x3F77] =	sst s0;
	s0 =	simm.s32 @!p1 $0x0  }
0x14: {  	s2 =	sld [smem:$0x3F5B];
	s0 =	simm.s32 @p1 $0x1  }
0x15: {  	[smem:$0x3F78] =	sst s0;
	s0 =	simm.s32 @!p2 $0x0  }
0x16: {  	s3 =	sld [smem:$0x3FDB];
	s0 =	simm.s32 @p2 $0x1  }
0x17: {  	s4 =	simm.s32 $0x1BF5;
	[smem:$0x3F7A] =	sst s0  }
0x18: {  	s0 =	sld [smem:$0x3F5D];
	_ =	swait.ge [sflag:s4], $0x0  }
0x19: {  	s7 =	sld [smem:$0x3F5E]  }
0x1a: {  	s8 =	sadd.s32 $0xFFFFE003, lr  }
0x1b: {  	s9 =	sadd.s32 $0xFFFFFEF7, lr;
	s5 =	simm.s32 $0xFFFFFFFF;
	p2 =	slt.u32 s8, $0xFFFFF086  }
0x1c: {  	p1 =	slt.u32 s9, $0xF7A;
	s5 =	simm.s32 @!p2 $0x0  }
0x1d: {  	s5 =	simm.s32 @p1 $0x1;
	p0 =	seq.s32 s7, s2  }
0x1e: {  	s7 =	smul.u32 @!p0 $0xF7A, s2;
	p2 =	seq.s32 @!p0 s5, $0x0  }
0x1f: {  	s9 =	smul.u32 $0xF7A, s1;
	s8 =	simm.s32 @!p0 $0x1BF5;
	p2 =	por !p2, p0  }
0x20: {  	[sflag:s8] =	ssyncset.s32 @!p0 $0xFFFFF086;
	s6 =	sadd.s32 @!p0 s3, s7;
	s7 =	simm.s32 @!p0 $0x108  }
0x21: {  	s3 =	sadd.s32 s3, s9;
	s6 =	sadd.s32 @!p0 $0x88, s6;
	s7 =	simm.s32 @p2 $0x1082  }
0x22: {  	[simem:s7], [sflag:s8] =	dma.local @!p0 [hbm:s6], $0xF7A  }
0x23: {  	s9 =	sor.u32 $0xD0000000, s2;
	s6 =	simm.s32 $0x108;
	_ =	swait.ge @!p0 [sflag:s8], $0x0  }
0x24: {  	s3 =	sadd.s32 $0x88, s3;
	s6 =	simm.s32 @!p1 $0x1082;
	[sflag:s4] =	ssyncset.s32 $0xFFFFF086  }
0x25: {  	[simem:s6], [sflag:s4] =	dma.local [hbm:s3], $0xF7A  }
0x26: {  	[smem:$0x3F5E] =	sst s1;
	(tag) =	ssettag s2;
	_ =	strace s9  }
0x27: {  	s1 =	sld [smem:$0x3F6E]  }
0x28: {  	s2 =	sld [smem:$0x3F6F]  }
0x29: {  	s4 =	sld [smem:$0x3F71]  }
0x2a: {  	p0 =	seq.s32 s5, $0x0;
	s5 =	sld [smem:$0x3F72]  }
0x2b: {  	s6 =	sld [smem:$0x3F73]  }
0x2c: {  	s7 =	sld [smem:$0x3F74]  }
0x2d: {  	s3 =	simm.s32 $0x108;
	s8 =	sld [smem:$0x3F75]  }
0x2e: {  	s3 =	simm.s32 @!p0 $0x1082;
	s9 =	sld [smem:$0x3F76]  }
0x2f: {  	lr =	sadd.s32 s0, s3;
	s0 =	sld [smem:$0x3F6D]  }
0x30: {  	s3 =	sld [smem:$0x3F70]  }
0x31: {  	[smem:$0x3F79] =	sst s10  }
0x32: {  	s10 =	sld [smem:$0x3F77];
	_ =	sdelay $0x3  }
0x33: {  	p0 =	seq.s32 s10, $0x1;
	s10 =	sld [smem:$0x3F79];
	_ =	sdelay $0x3  }
0x34: {  	[smem:$0x3F79] =	sst s10  }
0x35: {  	s10 =	sld [smem:$0x3F78];
	_ =	sdelay $0x3  }
0x36: {  	p1 =	seq.s32 s10, $0x1;
	s10 =	sld [smem:$0x3F79];
	_ =	sdelay $0x3  }
0x37: {  	[smem:$0x3F79] =	sst s10  }
0x38: {  	s10 =	sld [smem:$0x3F7A]  }
0x39: {  	_ = 	snop;
	(pc) =	sbr.ind lr, $3  }
0x3a: {  	_ = 	snop  }
0x3b: {  	_ = 	snop  }
0x3c: {  	p2 =	seq.s32 s10, $0x1;
	s10 =	sld [smem:$0x3F79]  }
0x3d: {  	_ =	shalt  }
0x3e: {  	_ =	shalt  }
0x3f: {  	_ =	shalt  }
0x40: {  	_ =	shalt  }
0x41: {  	_ =	shalt  }
0x42: {  	_ =	shalt  }
0x43: {  	_ =	shalt  }
0x44: {  	_ =	shalt  }
0x45: {  	_ =	shalt  }
0x46: {  	_ =	shalt  }
0x47: {  	_ =	shalt  }
0x48: {  	_ =	shalt  }
0x49: {  	_ =	shalt  }
0x4a: {  	_ =	shalt  }
0x4b: {  	_ =	shalt  }
0x4c: {  	_ =	shalt  }
0x4d: {  	_ =	shalt  }
0x4e: {  	_ =	shalt  }
0x4f: {  	_ =	shalt  }
0x50: {  	_ =	shalt  }
0x51: {  	_ =	shalt  }
0x52: {  	_ =	shalt  }
0x53: {  	_ =	shalt  }
0x54: {  	_ =	shalt  }
0x55: {  	_ =	shalt  }
0x56: {  	_ =	shalt  }
0x57: {  	_ =	shalt  }
0x58: {  	_ =	shalt  }
0x59: {  	_ =	shalt  }
0x5a: {  	_ =	shalt  }
0x5b: {  	_ =	shalt  }
0x5c: {  	_ =	shalt  }
0x5d: {  	_ =	shalt  }
0x5e: {  	_ =	shalt  }
0x5f: {  	_ =	shalt  }
0x60: {  	_ =	shalt  }
0x61: {  	_ =	shalt  }
0x62: {  	_ =	shalt  }
0x63: {  	_ =	shalt  }
0x64: {  	_ =	shalt  }
0x65: {  	_ =	shalt  }
0x66: {  	_ =	shalt  }
0x67: {  	_ =	shalt  }
0x68: {  	_ =	shalt  }
0x69: {  	_ =	shalt  }
0x6a: {  	_ =	shalt  }
0x6b: {  	_ =	shalt  }
0x6c: {  	_ =	shalt  }
0x6d: {  	_ =	shalt  }
0x6e: {  	_ =	shalt  }
0x6f: {  	_ =	shalt  }
0x70: {  	_ =	shalt  }
0x71: {  	_ =	shalt  }
0x72: {  	_ =	shalt  }
0x73: {  	_ =	shalt  }
0x74: {  	_ =	shalt  }
0x75: {  	_ =	shalt  }
0x76: {  	_ =	shalt  }
0x77: {  	_ =	shalt  }
0x78: {  	_ =	shalt  }
0x79: {  	_ =	shalt  }
0x7a: {  	_ =	shalt  }
0x7b: {  	_ =	shalt  }
0x7c: {  	_ =	shalt  }
0x7d: {  	_ =	shalt  }
0x7e: {  	_ =	shalt  }
0x7f: {  	_ =	shalt  }
0x80: {  	_ =	shalt  }
0x81: {  	_ =	shalt  }
0x82: {  	_ =	shalt  }
0x83: {  	_ =	shalt  }
0x84: {  	_ =	shalt  }
0x85: {  	_ =	shalt  }
0x86: {  	_ =	shalt  }
0x87: {  	_ =	shalt  }
.Lfunc_end0:
.L_simem_size_0:
called_computation.5_lowered:
.L_overlay_start_0:
0x88: {  	s2 =	sld [smem:$0x3FD9]  }
0x89: {  	s3 =	sld [smem:$0x3FFE];
	_ =	sdelay $0x1  }
0x8a: {  	s1 =	srdreg.scid  }
0x8b: {  	s0 =	sand.u32 $0x1, s1  }
0x8c: {  	s17 =	sshll.u32 s0, $0xA;
	s2 =	sadd.s32 s3, s2  }
0x8d: {  	s2 =	sadd.s32 s2, s17  }
0x8e: {  	[smem:$0x3F85] =	sst s2  }
0x8f: {  	_ = 	snop  }
0x90: {  	s2 =	sld [smem:$0x3FD0];
	(tm) =	ssettm $0x1  }
0x91: {  	s18 =	sld [smem:$0x3FFB];
	_ =	sdelay $0x3  }
0x92: {  	_ =	strace s18  }
0x93: {  	s3 =	sld [smem:$0x3FFC];
	_ =	sdelay $0x3  }
0x94: {  	_ =	strace s3  }
0x95: {  	s3 =	sld [smem:$0x3FFD];
	_ =	sdelay $0x3  }
0x96: {  	_ =	strace s3  }
0x97: {  	_ =	strace $0x8FFFFFFF  }
0x98: {  	s19 =	sld [smem:$0x3FDB];
	_ =	sdelay $0x1  }
0x99: {  	s4 =	simm.s32 $_scs_section_size  }
0x9a: {  	s5 =	simm.s32 $_size__tile_overlayer_lowered;
	s6 =	simm.s32 $_tile_overlayer_lowered  }
0x9b: {  	s22 =	simm.s32 $0x1BFF;
	s21 =	sshll.u32 s6, $0x1;
	s3 =	sadd.s32 s4, s19  }
0x9c: {  	s7 =	simm.s32 $0x0;
	s20 =	sshll.u32 s5, $0x1;
	s5 =	sadd.s32 s21, s3  }
0x9d: {  	[timem:s7], [sflag:s22] =	dma.local [hbm:s5], s20  }
0x9e: {  	_ =	swait.ge [sflag:s22], s20  }
0x9f: {  	s4 =	ssub.s32 $0x0, s20;
	[sflag:s22] =	ssyncset.done $0x0  }
0xa0: {  	[sflag:s22] =	ssyncadd.s32 s4;
	_ =	sdelay $0x1  }
0xa1: {  	s23 =	simm.s32 $0x1B8B  }
0xa2: {  	_ =	swait.ge [sflag:s23], $0x1  }
0xa3: {  	[sflag:s23] =	ssyncset.done $0x0  }
0xa4: {  	s25 =	simm.s32 $0x1B8E;
	s24 =	sld [smem:$0x3FFE];
	[sflag:s23] =	ssyncadd.s32 $0xFFFFFFFF  }
0xa5: {  	s26 =	simm.s32 $execute0_lowered;
	[smem:$0x3FD2] =	sst s25  }
0xa6: {  	s5 =	sshll.u32 s26, $0x1;
	_ =	strace $0x80000055;
	[dreg:$0x1] =	wrdreg $0xFFFFFFFF  }
0xa7: {  	s28 =	simm.s32 $_size_execute0_lowered;
	s3 =	sadd.s32 s3, s5;
	[dreg:$0x0] =	wrdreg $0x0  }
0xa8: {  	s5 =	sshll.u32 s28, $0x1;
	[dreg:$0x2] =	wrdreg s3  }
0xa9: {  	[dreg:$0x3] =	wrdreg s5  }
0xaa: {  	[dreg:$0x4] =	wrdreg $0xC0  }
0xab: {  	_ =	task [dreg:s7], $0x5FFFF  }
0xac: {  	[dreg:$0x1] =	wrdreg $0xFFFFFFFF  }
0xad: {  	[dreg:$0x0] =	wrdreg $0x60  }
0xae: {  	[dreg:$0x2] =	wrdreg s24  }
0xaf: {  	[dreg:$0x3] =	wrdreg s2  }
0xb0: {  	[dreg:$0x4] =	wrdreg $0x40800  }
0xb1: {  	[dreg:$0x5] =	wrdreg $0x9  }
0xb2: {  	_ =	task.clear_ibuf [dreg:s7], $0x6FFFF;
	_ =	strace $0x90000055  }
0xb3: {  	s29 =	simm.s32 $0x9;
	_ =	strace $0x80000057  }
0xb4: {  	_ =	swait.ge [sflag:s29], $0x1  }
0xb5: {  	[sflag:s29] =	ssyncadd.s32 $0xFFFFFFFF  }
0xb6: {  	_ =	strace $0x90000057  }
0xb7: {  	_ =	sfence  }
0xb8: {  	s30 =	sld [smem:$0x0];
	_ =	sdelay $0x2  }
0xb9: {  	s31 =	sshll.u32 s1, $0xD;
	s1 =	sshrl.u32 s1, $0x2  }
0xba: {  	s3 =	sand.u32 $0x4000, s31;
	s1 =	sadd.s32 s1, s30  }
0xbb: {  	s0 =	sor.u32 s3, s0;
	s1 =	sshll.u32 s1, $0x11  }
0xbc: {  	s0 =	sor.u32 s1, s0  }
0xbd: {  	s0 =	sadd.s32 $0x8F2B, s0  }
0xbe: {  	[sflag:s0] =	ssyncadd.remote.s32 $0x1  }
0xbf: {  	_ =	sfence.sel $0xFFFF  }
0xc0: {  	[dreg:$0x0] =	wrdreg $0xFFFFFFFF;
	(pc) =	sbr.abs _section_cstart, $3  }
0xc1: {  	[dreg:$0x1] =	wrdreg $0xFFFFFFFF  }
0xc2: {  	_ =	task.clear_ibuf [dreg:s7], $0x2FFFF;
	_ =	strace $0x9FFFFFFF  }
0xc3: {  	(tm) =	ssettm $0x7FFFFFFF  }
tec
execute0_lowered:
.L_overlay_start_1:
0x0: {  	(tag) =	ssettag $0x1  }
0x1: {  	s0 =	rddreg [dreg:$0x0]  }
0x2: {  	s19 =	rddreg [dreg:$0x1]  }
0x3: {  	s3 =	rddreg [dreg:$0x2];
	s1 =	stileid.u32  }
0x4: {  	s4 =	srdreg.scid;
	s8 =	smul.u32 $0x280, s1  }
0x5: {  	s31 =	simm.s32 $0x80;
	s2 =	sshll.u32 s1, $0xC;
	s16 =	smul.u32 $0x50000, s1  }
0x6: {  	s5 =	sadd.s32 $0x1BE00, s0;
	s4 =	sand.u32 $0x1, s4;
	s24 =	smul.u32 $0x5000, s1  }
0x7: {  	s14 =	smul.u32 $0x14000, s1;
	s2 =	sadd.s32 s2, s0;
	s6 =	sshll.u32 s4, $0x7  }
0x8: {  	s7 =	ssub.s32 $0x2, s4;
	s11 =	smul.u32 $0x140000, s4;
	s9 =	sadd.s32 s6, s0  }
0x9: {  	s10 =	sshrl.u32 s7, $0x1;
	s0 =	sadd.s32 $0xC5C00, s0;
	s12 =	sadd.s32 $0x80, s8  }
0xa: {  	s13 =	sadd.s32 $0x100, s8;
	s6 =	sadd.s32 s6, s2;
	s7 =	ssub.s32 s7, s10  }
0xb: {  	s9 =	sadd.s32 $0x75C00, s9;
	s25 =	sshll.u32 s12, $0x5;
	s20 =	sshll.u32 s12, $0x7  }
0xc: {  	s26 =	sshll.u32 s13, $0x5;
	s21 =	sshll.u32 s13, $0x7;
	s12 =	sadd.s32 $0x180, s8  }
0xd: {  	s8 =	sadd.s32 $0x200, s8;
	s17 =	sadd.s32 s11, s14;
	s10 =	sadd.s32 s24, s9  }
0xe: {  	s13 =	sshll.u32 s12, $0x5;
	s22 =	sshll.u32 s12, $0x7;
	s23 =	sshll.u32 s8, $0x7  }
0xf: {  	s8 =	sshll.u32 s8, $0x5;
	s18 =	sadd.s32 s11, s20;
	s24 =	sshrl.u32 s17, $0x3  }
0x10: {  	s17 =	sshll.u32 s1, $0x4;
	[dreg:$0x4] =	wrdreg s10;
	s10 =	sadd.s32 s25, s9  }
0x11: {  	s20 =	sadd.s32 s20, s3;
	s15 =	sadd.s32 s13, s9;
	[dreg:$0x5] =	wrdreg s10  }
0x12: {  	s8 =	sadd.s32 s8, s9;
	s25 =	sshrl.u32 s18, $0x3;
	[dreg:$0x7] =	wrdreg s15  }
0x13: {  	s18 =	sadd.s32 s17, s5;
	s10 =	sadd.s32 s26, s9;
	[dreg:$0x8] =	wrdreg s8  }
0x14: {  	s8 =	sadd.s32 s0, s24;
	s26 =	sadd.s32 s0, s25;
	s9 =	sadd.s32 s11, s21  }
0x15: {  	s15 =	sshll.u32 s4, $0xB;
	[dreg:$0xe] =	wrdreg s18;
	s24 =	sshll.u32 s1, $0x5  }
0x16: {  	s25 =	sshrl.u32 s16, $0x2;
	s4 =	sshll.u32 s4, $0x4;
	[dreg:$0x6] =	wrdreg s10  }
0x17: {  	s18 =	sshll.u32 s1, $0x1;
	s21 =	sadd.s32 s21, s3;
	[dreg:$0x9] =	wrdreg s8  }
0x18: {  	[dreg:$0xa] =	wrdreg s26;
	s8 =	sshrl.u32 s9, $0x3;
	s10 =	sadd.s32 s11, s22  }
0x19: {  	s11 =	sadd.s32 s11, s23;
	s16 =	sadd.s32 s25, s3;
	s26 =	smax.u32 s7, $0x1  }
0x1a: {  	s22 =	sadd.s32 s22, s3;
	s23 =	sadd.s32 s23, s3;
	s8 =	sadd.s32 s0, s8  }
0x1b: {  	s13 =	sshrl.u32 s10, $0x3;
	s14 =	sshrl.u32 s11, $0x3;
	s28 =	sadd.s32 $0x8000, s16  }
0x1c: {  	s29 =	sadd.s32 $0xC000, s16;
	[dreg:$0xb] =	wrdreg s8;
	s8 =	sadd.s32 s0, s13  }
0x1d: {  	s30 =	sadd.s32 $0x10000, s16;
	s0 =	sadd.s32 s0, s14;
	[dreg:$0xc] =	wrdreg s8  }
0x1e: {  	s14 =	simm.s32 $0x0;
	[dreg:$0xd] =	wrdreg s0;
	s0 =	sadd.s32 s15, s2  }
0x1f: {  	s2 =	sadd.s32 s24, s5;
	[smem:$0x7FF] =	sst s14;
	s24 =	sadd.s32 $0x2393C00, s6  }
0x20: {  	s5 =	simm.s32 $0x0;
	_ =	strace $0x80000056;
	s17 =	sadd.s32 s4, s2  }
0x21: {  	[dreg:$0xf] =	wrdreg s26;
	s25 =	sadd.s32 $0x2D57C00, s0;
	s26 =	sadd.s32 $0x4000, s16  }
0x22: {  	s0 =	simm.s32 $0x1;
	s2 =	simm.s32 $0x400;
	s4 =	simm.s32 $0x800  }
.LBB2_1:
0x23: {  	[tilespmem:s31], [sflag:$0x1] =	stream.linear.gather [hbm4b:s19+s14], $0x4000, $0x38;
	[tilespmem:$0x18080] =	vst v63  }
0x24: {  	_ =	swait.ge [sflag:s0], $0x4000  }
0x25: {  	[sflag:s0] =	ssyncset.done $0x0  }
0x26: {  	[sflag:s0] =	ssyncadd.s32 $0xFFFFC000  }
0x27: {  	[spmem:s16] =	stream.linear.scatter [tilespmem:s31], [sflag:$0x1], $0x4000, $0x38;
	[tilespmem:$0x18080] =	vst v63  }
0x28: {  	_ =	swait.ge [sflag:s0], $0x4000  }
0x29: {  	[sflag:s0] =	ssyncset.done $0x0  }
0x2a: {  	[sflag:s0] =	ssyncadd.s32 $0xFFFFC000  }
0x2b: {  	[spmem:s26] =	stream.linear.scatter [tilespmem:s31], [sflag:$0x1], $0x4000, $0x38;
	[tilespmem:$0x18080] =	vst v63  }
0x2c: {  	_ =	swait.ge [sflag:s0], $0x4000  }
0x2d: {  	[sflag:s0] =	ssyncset.done $0x0  }
0x2e: {  	[sflag:s0] =	ssyncadd.s32 $0xFFFFC000  }
0x2f: {  	[spmem:s28] =	stream.linear.scatter [tilespmem:s31], [sflag:$0x1], $0x4000, $0x38;
	[tilespmem:$0x18080] =	vst v63  }
0x30: {  	_ =	swait.ge [sflag:s0], $0x4000  }
0x31: {  	[sflag:s0] =	ssyncset.done $0x0  }
0x32: {  	[sflag:s0] =	ssyncadd.s32 $0xFFFFC000  }
0x33: {  	[spmem:s29] =	stream.linear.scatter [tilespmem:s31], [sflag:$0x1], $0x4000, $0x38;
	[tilespmem:$0x18080] =	vst v63  }
0x34: {  	_ =	swait.ge [sflag:s0], $0x4000  }
0x35: {  	[sflag:s0] =	ssyncset.done $0x0  }
0x36: {  	[sflag:s0] =	ssyncadd.s32 $0xFFFFC000  }
0x37: {  	[spmem:s30] =	stream.linear.scatter [tilespmem:s31], [sflag:$0x1], $0x4000, $0x38;
	[tilespmem:$0x18080] =	vst v63  }
0x38: {  	_ =	swait.ge [sflag:s0], $0x4000  }
0x39: {  	[sflag:s0] =	ssyncset.done $0x0  }
0x3a: {  	s6 =	sadd.s32 $0x0, s1;
	[sflag:s0] =	ssyncadd.s32 $0xFFFFC000  }
0x3b: {  	p0 =	sgt.u32 s6, $0x9C3;
	[bflag:$0x0] =	sbarrier.arrive $0xFFFF  }
0x3c: {  	s6 =	simm.s32 @!p0 $0x0;
	s8 =	simm.s32 @!p0 $0x2;
	s11 =	rddreg [dreg:$0xe]  }
0x3d: {  	[tilespmem:s6], [sflag:$0x2] =	stream.linear.gather @!p0 [hbm4b:s11+s6], $0x80, $0x38;
	[tilespmem:$0x18080] =	vst v63  }
0x3e: {  	_ =	swait.ge @!p0 [sflag:s8], $0x80  }
0x3f: {  	s10 =	simm.s32 @!p0 $0x80;
	[sflag:s8] =	ssyncset.done @!p0 $0x0  }
0x40: {  	s7 =	simm.s32 @!p0 $0x400;
	s9 =	simm.s32 @!p0 $0x800;
	[sflag:s8] =	ssyncadd.s32 @!p0 $0xFFFFFF80  }
0x41: {  	[tilespmem:s10], [sflag:$0x2] =	stream.strided.gather @!p0 [hbm4b:s24+s7], $0x4000, s9, s7, $0x38;
	[tilespmem:$0x18080] =	vst v63  }
0x42: {  	p1 =	por p0, p0;
	_ =	swait.ge @!p0 [sflag:s8], $0x4000  }
0x43: {  	s15 =	smov.u32 s19;
	[sflag:s8] =	ssyncset.done @!p1 $0x0  }
0x44: {  	s19 =	sadd.s32 $0x10, s1;
	s9 =	simm.s32 @!p1 $0x1;
	[sflag:s8] =	ssyncadd.s32 @!p1 $0xFFFFC000  }
0x45: {  	[spmem:s3] =	stream.indirect.scatter.add.f32 @!p1 [tilespmem:s10], [sflag:$0x1], $0x80, s6, s10, $0xb8;
	[tilespmem:$0x18080] =	vst v63  }
0x46: {  	s7 =	simm.s32 $0x20;
	p0 =	sgt.u32 s19, $0x9C3;
	_ =	swait.ge @!p1 [sflag:s9], $0x4000  }
0x47: {  	s8 =	sadd.s32 $0x100, s11;
	s6 =	sadd.s32 $0x10000, s24;
	[sflag:s9] =	ssyncset.done @!p1 $0x0  }
.LBB2_2:
0x48: {  	s10 =	simm.s32 @!p0 $0x0;
	s11 =	simm.s32 @!p0 $0x2;
	[sflag:s9] =	ssyncadd.s32 @!p1 $0xFFFFC000  }
0x49: {  	[tilespmem:s10], [sflag:$0x2] =	stream.linear.gather @!p0 [hbm4b:s8+s10], $0x80, $0x38;
	[tilespmem:$0x18080] =	vst v63  }
0x4a: {  	s12 =	smov.u32 s7;
	s7 =	sadd.s32 $0x10, s7;
	_ =	swait.ge @!p0 [sflag:s11], $0x80  }
0x4b: {  	s13 =	simm.s32 @!p0 $0x80;
	p2 =	sne.s32 s7, $0x9D0;
	[sflag:s11] =	ssyncset.done @!p0 $0x0  }
0x4c: {  	s9 =	simm.s32 @!p0 $0x400;
	s19 =	simm.s32 @!p0 $0x800;
	[sflag:s11] =	ssyncadd.s32 @!p0 $0xFFFFFF80  }
0x4d: {  	[tilespmem:s13], [sflag:$0x2] =	stream.strided.gather @!p0 [hbm4b:s6+s9], $0x4000, s19, s9, $0x38;
	[tilespmem:$0x18080] =	vst v63  }
0x4e: {  	p1 =	por p0, p0;
	_ =	swait.ge @!p0 [sflag:s11], $0x4000  }
.Ltmp0:
0x4f: {  	[sflag:s11] =	ssyncset.done @!p1 $0x0;
	(pc) =	sbr.rel @p2 .LBB2_2-.Ltmp0, $4  }
0x50: {  	s9 =	simm.s32 @!p1 $0x1;
	[sflag:s11] =	ssyncadd.s32 @!p1 $0xFFFFC000  }
0x51: {  	[spmem:s3] =	stream.indirect.scatter.add.f32 @!p1 [tilespmem:s13], [sflag:$0x1], $0x80, s10, s13, $0xb8;
	[tilespmem:$0x18080] =	vst v63  }
0x52: {  	s6 =	sadd.s32 $0x10000, s6;
	s10 =	sadd.s32 s12, s1;
	_ =	swait.ge @!p1 [sflag:s9], $0x4000  }
0x53: {  	s8 =	sadd.s32 $0x100, s8;
	p0 =	sgt.u32 s10, $0x9C3;
	[sflag:s9] =	ssyncset.done @!p1 $0x0  }
0x54: {  	s7 =	simm.s32 @!p0 $0x0;
	s10 =	simm.s32 @!p0 $0x2;
	[sflag:s9] =	ssyncadd.s32 @!p1 $0xFFFFC000  }
0x55: {  	[tilespmem:s7], [sflag:$0x2] =	stream.linear.gather @!p0 [hbm4b:s8+s7], $0x80, $0x38;
	[tilespmem:$0x18080] =	vst v63  }
0x56: {  	_ =	swait.ge @!p0 [sflag:s10], $0x80  }
0x57: {  	s9 =	simm.s32 @!p0 $0x400;
	[sflag:s10] =	ssyncset.done @!p0 $0x0  }
0x58: {  	s11 =	simm.s32 @!p0 $0x800;
	s8 =	simm.s32 @!p0 $0x80;
	[sflag:s10] =	ssyncadd.s32 @!p0 $0xFFFFFF80  }
0x59: {  	[tilespmem:s8], [sflag:$0x2] =	stream.strided.gather @!p0 [hbm4b:s6+s9], $0x4000, s11, s9, $0x38;
	[tilespmem:$0x18080] =	vst v63  }
0x5a: {  	_ =	swait.ge @!p0 [sflag:s10], $0x4000;
	p0 =	por p0, p0  }
0x5b: {  	[sflag:s10] =	ssyncset.done @!p0 $0x0  }
0x5c: {  	s6 =	simm.s32 @!p0 $0x1;
	[sflag:s10] =	ssyncadd.s32 @!p0 $0xFFFFC000  }
0x5d: {  	[spmem:s3] =	stream.indirect.scatter.add.f32 @!p0 [tilespmem:s8], [sflag:$0x1], $0x80, s7, s8, $0xb8;
	[tilespmem:$0x18080] =	vst v63  }
0x5e: {  	_ =	swait.ge @!p0 [sflag:s6], $0x4000  }
0x5f: {  	[sflag:s6] =	ssyncset.done @!p0 $0x0  }
0x60: {  	[sflag:s6] =	ssyncadd.s32 @!p0 $0xFFFFC000  }
0x61: {  	[bflag:$0x0] =	sbarrier.arrive $0xFFFF  }
0x62: {  	[tilespmem:s31], [sflag:$0x1] =	stream.linear.gather [spmem:s16], $0x4000, $0x38;
	[tilespmem:$0x18080] =	vst v63  }
0x63: {  	_ =	swait.ge [sflag:s0], $0x4000  }
0x64: {  	[sflag:s0] =	ssyncset.done $0x0  }
0x65: {  	s7 =	rddreg [dreg:$0x4];
	[sflag:s0] =	ssyncadd.s32 $0xFFFFC000  }
0x66: {  	[hbm4b:s7+s2] =	stream.strided.scatter [tilespmem:s31], [sflag:$0x1], $0x4000, s4, s2, $0x38;
	[tilespmem:$0x18080] =	vst v63  }
0x67: {  	_ =	swait.ge [sflag:s0], $0x4000  }
0x68: {  	[sflag:s0] =	ssyncset.done $0x0  }
0x69: {  	[sflag:s0] =	ssyncadd.s32 $0xFFFFC000  }
0x6a: {  	[tilespmem:s31], [sflag:$0x1] =	stream.linear.gather [spmem:s20], $0x4000, $0x38;
	[tilespmem:$0x18080] =	vst v63  }
0x6b: {  	_ =	swait.ge [sflag:s0], $0x4000  }
0x6c: {  	[sflag:s0] =	ssyncset.done $0x0  }
0x6d: {  	s8 =	rddreg [dreg:$0x5];
	[sflag:s0] =	ssyncadd.s32 $0xFFFFC000  }
0x6e: {  	[hbm4b:s8+s2] =	stream.strided.scatter [tilespmem:s31], [sflag:$0x1], $0x4000, s4, s2, $0x38;
	[tilespmem:$0x18080] =	vst v63  }
0x6f: {  	_ =	swait.ge [sflag:s0], $0x4000  }
0x70: {  	[sflag:s0] =	ssyncset.done $0x0  }
0x71: {  	[sflag:s0] =	ssyncadd.s32 $0xFFFFC000  }
0x72: {  	[tilespmem:s31], [sflag:$0x1] =	stream.linear.gather [spmem:s21], $0x4000, $0x38;
	[tilespmem:$0x18080] =	vst v63  }
0x73: {  	_ =	swait.ge [sflag:s0], $0x4000  }
0x74: {  	[sflag:s0] =	ssyncset.done $0x0  }
0x75: {  	s9 =	rddreg [dreg:$0x6];
	[sflag:s0] =	ssyncadd.s32 $0xFFFFC000  }
0x76: {  	[hbm4b:s9+s2] =	stream.strided.scatter [tilespmem:s31], [sflag:$0x1], $0x4000, s4, s2, $0x38;
	[tilespmem:$0x18080] =	vst v63  }
0x77: {  	_ =	swait.ge [sflag:s0], $0x4000  }
0x78: {  	[sflag:s0] =	ssyncset.done $0x0  }
0x79: {  	[sflag:s0] =	ssyncadd.s32 $0xFFFFC000  }
0x7a: {  	[tilespmem:s31], [sflag:$0x1] =	stream.linear.gather [spmem:s22], $0x4000, $0x38;
	[tilespmem:$0x18080] =	vst v63  }
0x7b: {  	_ =	swait.ge [sflag:s0], $0x4000  }
0x7c: {  	[sflag:s0] =	ssyncset.done $0x0  }
0x7d: {  	s10 =	rddreg [dreg:$0x7];
	[sflag:s0] =	ssyncadd.s32 $0xFFFFC000  }
0x7e: {  	[hbm4b:s10+s2] =	stream.strided.scatter [tilespmem:s31], [sflag:$0x1], $0x4000, s4, s2, $0x38;
	[tilespmem:$0x18080] =	vst v63  }
0x7f: {  	_ =	swait.ge [sflag:s0], $0x4000  }
0x80: {  	[sflag:s0] =	ssyncset.done $0x0  }
0x81: {  	[sflag:s0] =	ssyncadd.s32 $0xFFFFC000  }
0x82: {  	[tilespmem:s31], [sflag:$0x1] =	stream.linear.gather [spmem:s23], $0x4000, $0x38;
	[tilespmem:$0x18080] =	vst v63  }
0x83: {  	_ =	swait.ge [sflag:s0], $0x4000  }
0x84: {  	[sflag:s0] =	ssyncset.done $0x0  }
0x85: {  	s11 =	rddreg [dreg:$0x8];
	[sflag:s0] =	ssyncadd.s32 $0xFFFFC000  }
0x86: {  	[hbm4b:s11+s2] =	stream.strided.scatter [tilespmem:s31], [sflag:$0x1], $0x4000, s4, s2, $0x38;
	[tilespmem:$0x18080] =	vst v63  }
0x87: {  	_ =	swait.ge [sflag:s0], $0x4000  }
0x88: {  	[sflag:s0] =	ssyncset.done $0x0  }
0x89: {  	[sflag:s0] =	ssyncadd.s32 $0xFFFFC000  }
0x8a: {  	s12 =	simm.s32 $0x0;
	[bflag:$0x0] =	sbarrier.arrive $0xFFFF  }
0x8b: {  	[tilespmem:s31], [sflag:$0x1] =	stream.linear.gather [hbm4b:s15+s12], $0x4000, $0x38;
	[tilespmem:$0x18080] =	vst v63  }
0x8c: {  	_ =	swait.ge [sflag:s0], $0x4000  }
0x8d: {  	[sflag:s0] =	ssyncset.done $0x0  }
0x8e: {  	[sflag:s0] =	ssyncadd.s32 $0xFFFFC000  }
0x8f: {  	[spmem:s16] =	stream.linear.scatter [tilespmem:s31], [sflag:$0x1], $0x4000, $0x38;
	[tilespmem:$0x18080] =	vst v63  }
0x90: {  	_ =	swait.ge [sflag:s0], $0x4000  }
0x91: {  	[sflag:s0] =	ssyncset.done $0x0  }
0x92: {  	[sflag:s0] =	ssyncadd.s32 $0xFFFFC000  }
0x93: {  	[spmem:s26] =	stream.linear.scatter [tilespmem:s31], [sflag:$0x1], $0x4000, $0x38;
	[tilespmem:$0x18080] =	vst v63  }
0x94: {  	_ =	swait.ge [sflag:s0], $0x4000  }
0x95: {  	[sflag:s0] =	ssyncset.done $0x0  }
0x96: {  	[sflag:s0] =	ssyncadd.s32 $0xFFFFC000  }
0x97: {  	[spmem:s28] =	stream.linear.scatter [tilespmem:s31], [sflag:$0x1], $0x4000, $0x38;
	[tilespmem:$0x18080] =	vst v63  }
0x98: {  	_ =	swait.ge [sflag:s0], $0x4000  }
0x99: {  	[sflag:s0] =	ssyncset.done $0x0  }
0x9a: {  	[sflag:s0] =	ssyncadd.s32 $0xFFFFC000  }
0x9b: {  	[spmem:s29] =	stream.linear.scatter [tilespmem:s31], [sflag:$0x1], $0x4000, $0x38;
	[tilespmem:$0x18080] =	vst v63  }
0x9c: {  	_ =	swait.ge [sflag:s0], $0x4000  }
0x9d: {  	[sflag:s0] =	ssyncset.done $0x0  }
0x9e: {  	[sflag:s0] =	ssyncadd.s32 $0xFFFFC000  }
0x9f: {  	[spmem:s30] =	stream.linear.scatter [tilespmem:s31], [sflag:$0x1], $0x4000, $0x38;
	[tilespmem:$0x18080] =	vst v63  }
0xa0: {  	_ =	swait.ge [sflag:s0], $0x4000  }
0xa1: {  	s13 =	sadd.s32 $0x0, s18;
	[sflag:s0] =	ssyncset.done $0x0  }
0xa2: {  	p0 =	sgt.u32 s13, $0x9C3;
	[sflag:s0] =	ssyncadd.s32 $0xFFFFC000  }
0xa3: {  	s6 =	simm.s32 @!p0 $0x0;
	s8 =	simm.s32 @!p0 $0x2;
	[bflag:$0x0] =	sbarrier.arrive $0xFFFF  }
0xa4: {  	[tilespmem:s6], [sflag:$0x2] =	stream.linear.gather @!p0 [hbm4b:s17+s6], $0x80, $0x38;
	[tilespmem:$0x18080] =	vst v63  }
0xa5: {  	_ =	swait.ge @!p0 [sflag:s8], $0x80  }
0xa6: {  	[sflag:s8] =	ssyncset.done @!p0 $0x0;
	p0 =	por p0, p0  }
0xa7: {  	[sflag:s8] =	ssyncadd.s32 @!p0 $0xFFFFFF80;
	s10 =	simm.s32 @!p0 $0x80  }
0xa8: {  	[tilespmem:s10], [sflag:$0x2] =	stream.linear.gather @!p0 [hbm4b:s25+s6], $0x4000, $0x38;
	[tilespmem:$0x18080] =	vst v63  }
0xa9: {  	_ =	swait.ge @!p0 [sflag:s8], $0x4000  }
0xaa: {  	s19 =	smov.u32 s15;
	[sflag:s8] =	ssyncset.done @!p0 $0x0  }
0xab: {  	s15 =	sadd.s32 $0x20, s18;
	s9 =	simm.s32 @!p0 $0x1;
	[sflag:s8] =	ssyncadd.s32 @!p0 $0xFFFFC000  }
0xac: {  	[spmem:s3] =	stream.indirect.scatter.add.f32 @!p0 [tilespmem:s10], [sflag:$0x1], $0x80, s6, s10, $0xb8;
	[tilespmem:$0x18080] =	vst v63  }
0xad: {  	s7 =	simm.s32 $0x40;
	p1 =	sgt.u32 s15, $0x9C3;
	_ =	swait.ge @!p0 [sflag:s9], $0x4000  }
0xae: {  	s8 =	sadd.s32 $0x200, s17;
	s6 =	sadd.s32 $0x10000, s25;
	[sflag:s9] =	ssyncset.done @!p0 $0x0  }
.LBB2_4:
0xaf: {  	s10 =	simm.s32 @!p1 $0x0;
	s11 =	simm.s32 @!p1 $0x2;
	[sflag:s9] =	ssyncadd.s32 @!p0 $0xFFFFC000  }
0xb0: {  	[tilespmem:s10], [sflag:$0x2] =	stream.linear.gather @!p1 [hbm4b:s8+s10], $0x80, $0x38;
	[tilespmem:$0x18080] =	vst v63  }
0xb1: {  	s12 =	smov.u32 s7;
	s7 =	sadd.s32 $0x20, s7;
	_ =	swait.ge @!p1 [sflag:s11], $0x80  }
0xb2: {  	p0 =	por p1, p1;
	p2 =	sne.s32 s7, $0x9E0;
	[sflag:s11] =	ssyncset.done @!p1 $0x0  }
0xb3: {  	s13 =	simm.s32 @!p0 $0x80;
	[sflag:s11] =	ssyncadd.s32 @!p0 $0xFFFFFF80  }
0xb4: {  	[tilespmem:s13], [sflag:$0x2] =	stream.linear.gather @!p0 [hbm4b:s6+s10], $0x4000, $0x38;
	[tilespmem:$0x18080] =	vst v63  }
0xb5: {  	_ =	swait.ge @!p0 [sflag:s11], $0x4000  }
.Ltmp1:
0xb6: {  	[sflag:s11] =	ssyncset.done @!p0 $0x0;
	(pc) =	sbr.rel @p2 .LBB2_4-.Ltmp1, $4  }
0xb7: {  	s9 =	simm.s32 @!p0 $0x1;
	[sflag:s11] =	ssyncadd.s32 @!p0 $0xFFFFC000  }
0xb8: {  	[spmem:s3] =	stream.indirect.scatter.add.f32 @!p0 [tilespmem:s13], [sflag:$0x1], $0x80, s10, s13, $0xb8;
	[tilespmem:$0x18080] =	vst v63  }
0xb9: {  	s8 =	sadd.s32 $0x200, s8;
	s10 =	sadd.s32 s12, s18;
	_ =	swait.ge @!p0 [sflag:s9], $0x4000  }
0xba: {  	s6 =	sadd.s32 $0x10000, s6;
	p1 =	sgt.u32 s10, $0x9C3;
	[sflag:s9] =	ssyncset.done @!p0 $0x0  }
0xbb: {  	s7 =	simm.s32 @!p1 $0x0;
	s10 =	simm.s32 @!p1 $0x2;
	[sflag:s9] =	ssyncadd.s32 @!p0 $0xFFFFC000  }
0xbc: {  	[tilespmem:s7], [sflag:$0x2] =	stream.linear.gather @!p1 [hbm4b:s8+s7], $0x80, $0x38;
	[tilespmem:$0x18080] =	vst v63  }
0xbd: {  	_ =	swait.ge @!p1 [sflag:s10], $0x80  }
0xbe: {  	p0 =	por p1, p1;
	[sflag:s10] =	ssyncset.done @!p1 $0x0  }
0xbf: {  	s8 =	simm.s32 @!p0 $0x80;
	[sflag:s10] =	ssyncadd.s32 @!p0 $0xFFFFFF80  }
0xc0: {  	[tilespmem:s8], [sflag:$0x2] =	stream.linear.gather @!p0 [hbm4b:s6+s7], $0x4000, $0x38;
	[tilespmem:$0x18080] =	vst v63  }
0xc1: {  	_ =	swait.ge @!p0 [sflag:s10], $0x4000  }
0xc2: {  	[sflag:s10] =	ssyncset.done @!p0 $0x0  }
0xc3: {  	s6 =	simm.s32 @!p0 $0x1;
	[sflag:s10] =	ssyncadd.s32 @!p0 $0xFFFFC000  }
0xc4: {  	[spmem:s3] =	stream.indirect.scatter.add.f32 @!p0 [tilespmem:s8], [sflag:$0x1], $0x80, s7, s8, $0xb8;
	[tilespmem:$0x18080] =	vst v63  }
0xc5: {  	_ =	swait.ge @!p0 [sflag:s6], $0x4000  }
0xc6: {  	[sflag:s6] =	ssyncset.done @!p0 $0x0  }
0xc7: {  	[sflag:s6] =	ssyncadd.s32 @!p0 $0xFFFFC000  }
0xc8: {  	[bflag:$0x0] =	sbarrier.arrive $0xFFFF  }
0xc9: {  	[tilespmem:s31], [sflag:$0x1] =	stream.linear.gather [spmem:s16], $0x4000, $0x38;
	[tilespmem:$0x18080] =	vst v63  }
0xca: {  	_ =	swait.ge [sflag:s0], $0x4000  }
0xcb: {  	[sflag:s0] =	ssyncset.done $0x0  }
0xcc: {  	s9 =	rddreg [dreg:$0x9];
	[sflag:s0] =	ssyncadd.s32 $0xFFFFC000  }
0xcd: {  	[hbm4b:s9+s14] =	stream.linear.scatter [tilespmem:s31], [sflag:$0x1], $0x4000, $0x38;
	[tilespmem:$0x18080] =	vst v63  }
0xce: {  	_ =	swait.ge [sflag:s0], $0x4000  }
0xcf: {  	[sflag:s0] =	ssyncset.done $0x0  }
0xd0: {  	[sflag:s0] =	ssyncadd.s32 $0xFFFFC000  }
0xd1: {  	[tilespmem:s31], [sflag:$0x1] =	stream.linear.gather [spmem:s20], $0x4000, $0x38;
	[tilespmem:$0x18080] =	vst v63  }
0xd2: {  	_ =	swait.ge [sflag:s0], $0x4000  }
0xd3: {  	[sflag:s0] =	ssyncset.done $0x0  }
0xd4: {  	s10 =	rddreg [dreg:$0xa];
	[sflag:s0] =	ssyncadd.s32 $0xFFFFC000  }
0xd5: {  	[hbm4b:s10+s14] =	stream.linear.scatter [tilespmem:s31], [sflag:$0x1], $0x4000, $0x38;
	[tilespmem:$0x18080] =	vst v63  }
0xd6: {  	_ =	swait.ge [sflag:s0], $0x4000  }
0xd7: {  	[sflag:s0] =	ssyncset.done $0x0  }
0xd8: {  	[sflag:s0] =	ssyncadd.s32 $0xFFFFC000  }
0xd9: {  	[tilespmem:s31], [sflag:$0x1] =	stream.linear.gather [spmem:s21], $0x4000, $0x38;
	[tilespmem:$0x18080] =	vst v63  }
0xda: {  	_ =	swait.ge [sflag:s0], $0x4000  }
0xdb: {  	[sflag:s0] =	ssyncset.done $0x0  }
0xdc: {  	s11 =	rddreg [dreg:$0xb];
	[sflag:s0] =	ssyncadd.s32 $0xFFFFC000  }
0xdd: {  	[hbm4b:s11+s14] =	stream.linear.scatter [tilespmem:s31], [sflag:$0x1], $0x4000, $0x38;
	[tilespmem:$0x18080] =	vst v63  }
0xde: {  	_ =	swait.ge [sflag:s0], $0x4000  }
0xdf: {  	[sflag:s0] =	ssyncset.done $0x0  }
0xe0: {  	[sflag:s0] =	ssyncadd.s32 $0xFFFFC000  }
0xe1: {  	[tilespmem:s31], [sflag:$0x1] =	stream.linear.gather [spmem:s22], $0x4000, $0x38;
	[tilespmem:$0x18080] =	vst v63  }
0xe2: {  	_ =	swait.ge [sflag:s0], $0x4000  }
0xe3: {  	[sflag:s0] =	ssyncset.done $0x0  }
0xe4: {  	s12 =	rddreg [dreg:$0xc];
	[sflag:s0] =	ssyncadd.s32 $0xFFFFC000  }
0xe5: {  	[hbm4b:s12+s14] =	stream.linear.scatter [tilespmem:s31], [sflag:$0x1], $0x4000, $0x38;
	[tilespmem:$0x18080] =	vst v63  }
0xe6: {  	_ =	swait.ge [sflag:s0], $0x4000  }
0xe7: {  	[sflag:s0] =	ssyncset.done $0x0  }
0xe8: {  	[sflag:s0] =	ssyncadd.s32 $0xFFFFC000  }
0xe9: {  	[tilespmem:s31], [sflag:$0x1] =	stream.linear.gather [spmem:s23], $0x4000, $0x38;
	[tilespmem:$0x18080] =	vst v63  }
0xea: {  	_ =	swait.ge [sflag:s0], $0x4000  }
0xeb: {  	[sflag:s0] =	ssyncset.done $0x0  }
0xec: {  	s13 =	rddreg [dreg:$0xd];
	[sflag:s0] =	ssyncadd.s32 $0xFFFFC000  }
0xed: {  	[hbm4b:s13+s14] =	stream.linear.scatter [tilespmem:s31], [sflag:$0x1], $0x4000, $0x38;
	[tilespmem:$0x18080] =	vst v63  }
0xee: {  	_ =	swait.ge [sflag:s0], $0x4000  }
0xef: {  	s5 =	sadd.s32 $0x1, s5;
	s15 =	rddreg [dreg:$0xf]  }
0xf0: {  	p0 =	sne.s32 s5, s15  }
.Ltmp2:
0xf1: {  	_ = 	snop;
	(pc) =	sbr.rel @p0 .LBB2_1-.Ltmp2, $3  }
0xf2: {  	_ =	sdelay $0x1  }
0xf3: {  	[sflag:s0] =	ssyncset.done $0x0  }
0xf4: {  	[sflag:s0] =	ssyncadd.s32 $0xFFFFC000  }
0xf5: {  	_ =	sfence.sel $0x180000  }
0xf6: {  	[bflag:$0x0] =	sbarrier.arrive $0xFFFF  }
0xf7: {  	_ =	strace $0x90000056  }
0xf8: {  	[bflag:$0x2] =	sbarrier.arrive $0xFFFF  }
0xf9: {  	p0 =	sne.s32 s1, $0x0;
	s0 =	rddreg [dreg:$0x3]  }
0xfa: {  	s0 =	sadd.s32 @!p0 $0x100000, s0  }
0xfb: {  	[sflag:s0] =	ssyncadd.tile.s32 @!p0 $0x1;
	_ =	shalt  }
.Lfunc_end2:
_tile_overlayer_lowered:
.L_overlay_start_2:
0xfc: {  	(tag) =	ssettag $0x2  }
0xfd: {  	s0 =	rddreg [dreg:$0x0];
	s2 =	stileid.u32  }
0xfe: {  	s1 =	rddreg [dreg:$0x1];
	p0 =	sne.s32 s2, $0x0  }
0xff: {  	s3 =	rddreg [dreg:$0x2];
	[bflag:$0x3] =	sbarrier.arrive $0xFFFF;
	s2 =	simm.s32 @!p0 $0x1C01  }
0x100: {  	[timem:s3], [sflag:s2] =	dma.local @!p0 [hbm:s0], s1  }
0x101: {  	s0 =	simm.s32 @!p0 $0x1  }
0x102: {  	_ =	swait.ge @!p0 [sflag:s0], s1  }
0x103: {  	s1 =	ssub.s32 @!p0 $0x0, s1;
	[sflag:s0] =	ssyncset.done @!p0 $0x0  }
0x104: {  	[sflag:s0] =	ssyncadd.s32 @!p0 s1  }
0x105: {  	[bflag:$0x3] =	sbarrier.arrive $0xFFFF  }
0x106: {  	_ =	shalt  }

// kernel: kernel.41.cloned.1.call-start
scs
__scs_entry_jumppad:
0x0: {  	(pc) =	sbr.rel $0x88, $3  }
0x1: {  	(tag) =	ssettag $0x0;
	lr =	simm.s32 $0x1  }
0x2: {  	[smem:$0x3F5E] =	sst lr;
	_ =	strace $0xD0000000  }
0x3: {  	_ = 	snop  }
0x4: {  	_ = 	snop  }
0x5: {  	_ = 	snop  }
0x6: {  	_ = 	snop  }
0x7: {  	_ = 	snop  }
__scs_overlays_trampoline_lowered:
0x8: {  	[smem:$0x3F6D] =	sst s0  }
0x9: {  	[smem:$0x3F6E] =	sst s1  }
0xa: {  	[smem:$0x3F6F] =	sst s2  }
0xb: {  	[smem:$0x3F70] =	sst s3  }
0xc: {  	[smem:$0x3F71] =	sst s4  }
0xd: {  	[smem:$0x3F72] =	sst s5  }
0xe: {  	[smem:$0x3F73] =	sst s6  }
0xf: {  	[smem:$0x3F74] =	sst s7  }
0x10: {  	[smem:$0x3F75] =	sst s8  }
0x11: {  	[smem:$0x3F76] =	sst s9;
	s0 =	simm.s32 @!p0 $0x0  }
0x12: {  	s1 =	sld [smem:$0x3F5C];
	s0 =	simm.s32 @p0 $0x1  }
0x13: {  	[smem:$0x3F77] =	sst s0;
	s0 =	simm.s32 @!p1 $0x0  }
0x14: {  	s2 =	sld [smem:$0x3F5B];
	s0 =	simm.s32 @p1 $0x1  }
0x15: {  	[smem:$0x3F78] =	sst s0;
	s0 =	simm.s32 @!p2 $0x0  }
0x16: {  	s3 =	sld [smem:$0x3FDB];
	s0 =	simm.s32 @p2 $0x1  }
0x17: {  	s4 =	simm.s32 $0x1BF5;
	[smem:$0x3F7A] =	sst s0  }
0x18: {  	s0 =	sld [smem:$0x3F5D];
	_ =	swait.ge [sflag:s4], $0x0  }
0x19: {  	s7 =	sld [smem:$0x3F5E]  }
0x1a: {  	s8 =	sadd.s32 $0xFFFFE003, lr  }
0x1b: {  	s9 =	sadd.s32 $0xFFFFFEF7, lr;
	s5 =	simm.s32 $0xFFFFFFFF;
	p2 =	slt.u32 s8, $0xFFFFF086  }
0x1c: {  	p1 =	slt.u32 s9, $0xF7A;
	s5 =	simm.s32 @!p2 $0x0  }
0x1d: {  	s5 =	simm.s32 @p1 $0x1;
	p0 =	seq.s32 s7, s2  }
0x1e: {  	s7 =	smul.u32 @!p0 $0xF7A, s2;
	p2 =	seq.s32 @!p0 s5, $0x0  }
0x1f: {  	s9 =	smul.u32 $0xF7A, s1;
	s8 =	simm.s32 @!p0 $0x1BF5;
	p2 =	por !p2, p0  }
0x20: {  	[sflag:s8] =	ssyncset.s32 @!p0 $0xFFFFF086;
	s6 =	sadd.s32 @!p0 s3, s7;
	s7 =	simm.s32 @!p0 $0x108  }
0x21: {  	s3 =	sadd.s32 s3, s9;
	s6 =	sadd.s32 @!p0 $0x88, s6;
	s7 =	simm.s32 @p2 $0x1082  }
0x22: {  	[simem:s7], [sflag:s8] =	dma.local @!p0 [hbm:s6], $0xF7A  }
0x23: {  	s9 =	sor.u32 $0xD0000000, s2;
	s6 =	simm.s32 $0x108;
	_ =	swait.ge @!p0 [sflag:s8], $0x0  }
0x24: {  	s3 =	sadd.s32 $0x88, s3;
	s6 =	simm.s32 @!p1 $0x1082;
	[sflag:s4] =	ssyncset.s32 $0xFFFFF086  }
0x25: {  	[simem:s6], [sflag:s4] =	dma.local [hbm:s3], $0xF7A  }
0x26: {  	[smem:$0x3F5E] =	sst s1;
	(tag) =	ssettag s2;
	_ =	strace s9  }
0x27: {  	s1 =	sld [smem:$0x3F6E]  }
0x28: {  	s2 =	sld [smem:$0x3F6F]  }
0x29: {  	s4 =	sld [smem:$0x3F71]  }
0x2a: {  	p0 =	seq.s32 s5, $0x0;
	s5 =	sld [smem:$0x3F72]  }
0x2b: {  	s6 =	sld [smem:$0x3F73]  }
0x2c: {  	s7 =	sld [smem:$0x3F74]  }
0x2d: {  	s3 =	simm.s32 $0x108;
	s8 =	sld [smem:$0x3F75]  }
0x2e: {  	s3 =	simm.s32 @!p0 $0x1082;
	s9 =	sld [smem:$0x3F76]  }
0x2f: {  	lr =	sadd.s32 s0, s3;
	s0 =	sld [smem:$0x3F6D]  }
0x30: {  	s3 =	sld [smem:$0x3F70]  }
0x31: {  	[smem:$0x3F79] =	sst s10  }
0x32: {  	s10 =	sld [smem:$0x3F77];
	_ =	sdelay $0x3  }
0x33: {  	p0 =	seq.s32 s10, $0x1;
	s10 =	sld [smem:$0x3F79];
	_ =	sdelay $0x3  }
0x34: {  	[smem:$0x3F79] =	sst s10  }
0x35: {  	s10 =	sld [smem:$0x3F78];
	_ =	sdelay $0x3  }
0x36: {  	p1 =	seq.s32 s10, $0x1;
	s10 =	sld [smem:$0x3F79];
	_ =	sdelay $0x3  }
0x37: {  	[smem:$0x3F79] =	sst s10  }
0x38: {  	s10 =	sld [smem:$0x3F7A]  }
0x39: {  	_ = 	snop;
	(pc) =	sbr.ind lr, $3  }
0x3a: {  	_ = 	snop  }
0x3b: {  	_ = 	snop  }
0x3c: {  	p2 =	seq.s32 s10, $0x1;
	s10 =	sld [smem:$0x3F79]  }
0x3d: {  	_ =	shalt  }
0x3e: {  	_ =	shalt  }
0x3f: {  	_ =	shalt  }
0x40: {  	_ =	shalt  }
0x41: {  	_ =	shalt  }
0x42: {  	_ =	shalt  }
0x43: {  	_ =	shalt  }
0x44: {  	_ =	shalt  }
0x45: {  	_ =	shalt  }
0x46: {  	_ =	shalt  }
0x47: {  	_ =	shalt  }
0x48: {  	_ =	shalt  }
0x49: {  	_ =	shalt  }
0x4a: {  	_ =	shalt  }
0x4b: {  	_ =	shalt  }
0x4c: {  	_ =	shalt  }
0x4d: {  	_ =	shalt  }
0x4e: {  	_ =	shalt  }
0x4f: {  	_ =	shalt  }
0x50: {  	_ =	shalt  }
0x51: {  	_ =	shalt  }
0x52: {  	_ =	shalt  }
0x53: {  	_ =	shalt  }
0x54: {  	_ =	shalt  }
0x55: {  	_ =	shalt  }
0x56: {  	_ =	shalt  }
0x57: {  	_ =	shalt  }
0x58: {  	_ =	shalt  }
0x59: {  	_ =	shalt  }
0x5a: {  	_ =	shalt  }
0x5b: {  	_ =	shalt  }
0x5c: {  	_ =	shalt  }
0x5d: {  	_ =	shalt  }
0x5e: {  	_ =	shalt  }
0x5f: {  	_ =	shalt  }
0x60: {  	_ =	shalt  }
0x61: {  	_ =	shalt  }
0x62: {  	_ =	shalt  }
0x63: {  	_ =	shalt  }
0x64: {  	_ =	shalt  }
0x65: {  	_ =	shalt  }
0x66: {  	_ =	shalt  }
0x67: {  	_ =	shalt  }
0x68: {  	_ =	shalt  }
0x69: {  	_ =	shalt  }
0x6a: {  	_ =	shalt  }
0x6b: {  	_ =	shalt  }
0x6c: {  	_ =	shalt  }
0x6d: {  	_ =	shalt  }
0x6e: {  	_ =	shalt  }
0x6f: {  	_ =	shalt  }
0x70: {  	_ =	shalt  }
0x71: {  	_ =	shalt  }
0x72: {  	_ =	shalt  }
0x73: {  	_ =	shalt  }
0x74: {  	_ =	shalt  }
0x75: {  	_ =	shalt  }
0x76: {  	_ =	shalt  }
0x77: {  	_ =	shalt  }
0x78: {  	_ =	shalt  }
0x79: {  	_ =	shalt  }
0x7a: {  	_ =	shalt  }
0x7b: {  	_ =	shalt  }
0x7c: {  	_ =	shalt  }
0x7d: {  	_ =	shalt  }
0x7e: {  	_ =	shalt  }
0x7f: {  	_ =	shalt  }
0x80: {  	_ =	shalt  }
0x81: {  	_ =	shalt  }
0x82: {  	_ =	shalt  }
0x83: {  	_ =	shalt  }
0x84: {  	_ =	shalt  }
0x85: {  	_ =	shalt  }
0x86: {  	_ =	shalt  }
0x87: {  	_ =	shalt  }
.Lfunc_end0:
.L_simem_size_0:
called_computation.6_lowered:
.L_overlay_start_0:
0x88: {  	s2 =	sld [smem:$0x3FD9]  }
0x89: {  	s3 =	sld [smem:$0x3FFE];
	_ =	sdelay $0x1  }
0x8a: {  	s1 =	srdreg.scid  }
0x8b: {  	s0 =	sand.u32 $0x1, s1  }
0x8c: {  	s16 =	sshll.u32 s0, $0xA;
	s2 =	sadd.s32 s3, s2  }
0x8d: {  	s2 =	sadd.s32 s2, s16  }
0x8e: {  	[smem:$0x3F85] =	sst s2  }
0x8f: {  	_ = 	snop  }
0x90: {  	(tm) =	ssettm $0x1  }
0x91: {  	s17 =	sld [smem:$0x3FFB];
	_ =	sdelay $0x3  }
0x92: {  	_ =	strace s17  }
0x93: {  	s2 =	sld [smem:$0x3FFC];
	_ =	sdelay $0x3  }
0x94: {  	_ =	strace s2  }
0x95: {  	s2 =	sld [smem:$0x3FFD];
	_ =	sdelay $0x3  }
0x96: {  	_ =	strace s2  }
0x97: {  	_ =	strace $0x8FFFFFFF  }
0x98: {  	s18 =	sld [smem:$0x3FDB];
	_ =	sdelay $0x1  }
0x99: {  	s19 =	simm.s32 $_scs_section_size  }
0x9a: {  	s4 =	simm.s32 $_size__tile_overlayer_lowered;
	s5 =	simm.s32 $_tile_overlayer_lowered  }
0x9b: {  	s22 =	simm.s32 $0x1BFF;
	s21 =	sshll.u32 s5, $0x1;
	s2 =	sadd.s32 s19, s18  }
0x9c: {  	s6 =	simm.s32 $0x0;
	s20 =	sshll.u32 s4, $0x1;
	s4 =	sadd.s32 s21, s2  }
0x9d: {  	[timem:s6], [sflag:s22] =	dma.local [hbm:s4], s20  }
0x9e: {  	_ =	swait.ge [sflag:s22], s20  }
0x9f: {  	s3 =	ssub.s32 $0x0, s20;
	[sflag:s22] =	ssyncset.done $0x0  }
0xa0: {  	[sflag:s22] =	ssyncadd.s32 s3;
	_ =	sdelay $0x1  }
0xa1: {  	s23 =	simm.s32 $0x1B8B  }
0xa2: {  	_ =	swait.ge [sflag:s23], $0x1  }
0xa3: {  	[sflag:s23] =	ssyncset.done $0x0  }
0xa4: {  	s25 =	simm.s32 $0x1B8E;
	s24 =	sld [smem:$0x3FFE];
	[sflag:s23] =	ssyncadd.s32 $0xFFFFFFFF  }
0xa5: {  	s26 =	simm.s32 $execute0_lowered;
	[smem:$0x3FD2] =	sst s25  }
0xa6: {  	s4 =	sshll.u32 s26, $0x1;
	_ =	strace $0x80000058;
	[dreg:$0x1] =	wrdreg $0xFFFFFFFF  }
0xa7: {  	s28 =	simm.s32 $_size_execute0_lowered;
	s2 =	sadd.s32 s2, s4;
	[dreg:$0x0] =	wrdreg $0x0  }
0xa8: {  	s4 =	sshll.u32 s28, $0x1;
	[dreg:$0x2] =	wrdreg s2  }
0xa9: {  	[dreg:$0x3] =	wrdreg s4  }
0xaa: {  	[dreg:$0x4] =	wrdreg $0xC0  }
0xab: {  	_ =	task [dreg:s6], $0x5FFFF  }
0xac: {  	[dreg:$0x1] =	wrdreg $0xFFFFFFFF  }
0xad: {  	[dreg:$0x0] =	wrdreg $0x60  }
0xae: {  	[dreg:$0x2] =	wrdreg s24  }
0xaf: {  	[dreg:$0x3] =	wrdreg $0x9  }
0xb0: {  	_ =	task.clear_ibuf [dreg:s6], $0x4FFFF;
	_ =	strace $0x90000058  }
0xb1: {  	s29 =	simm.s32 $0x9;
	_ =	strace $0x8000005A  }
0xb2: {  	_ =	swait.ge [sflag:s29], $0x1  }
0xb3: {  	[sflag:s29] =	ssyncadd.s32 $0xFFFFFFFF  }
0xb4: {  	_ =	strace $0x9000005A  }
0xb5: {  	_ =	sfence  }
0xb6: {  	s30 =	sld [smem:$0x0];
	_ =	sdelay $0x2  }
0xb7: {  	s31 =	sshll.u32 s1, $0xD;
	s1 =	sshrl.u32 s1, $0x2  }
0xb8: {  	s3 =	sand.u32 $0x4000, s31;
	s1 =	sadd.s32 s1, s30  }
0xb9: {  	s0 =	sor.u32 s3, s0;
	s1 =	sshll.u32 s1, $0x11  }
0xba: {  	s0 =	sor.u32 s1, s0  }
0xbb: {  	s0 =	sadd.s32 $0x8F2B, s0  }
0xbc: {  	[sflag:s0] =	ssyncadd.remote.s32 $0x1  }
0xbd: {  	_ =	sfence.sel $0xFFFF  }
0xbe: {  	[dreg:$0x0] =	wrdreg $0xFFFFFFFF;
	(pc) =	sbr.abs _section_cstart, $3  }
0xbf: {  	[dreg:$0x1] =	wrdreg $0xFFFFFFFF  }
0xc0: {  	_ =	task.clear_ibuf [dreg:s6], $0x2FFFF;
	_ =	strace $0x9FFFFFFF  }
0xc1: {  	(tm) =	ssettm $0x7FFFFFFF  }
tec
execute0_lowered:
.L_overlay_start_1:
0x0: {  	(tag) =	ssettag $0x1  }
0x1: {  	s0 =	rddreg [dreg:$0x0]  }
0x2: {  	s1 =	simm.s32 $0x0;
	s6 =	srdreg.scid;
	s12 =	stileid.u32  }
0x3: {  	s18 =	simm.s32 $0x14100;
	s19 =	simm.s32 $0x3;
	s20 =	simm.s32 $0x16900  }
0x4: {  	s21 =	simm.s32 $0x19100;
	s22 =	simm.s32 $0x4;
	s23 =	simm.s32 $0x100  }
0x5: {  	s24 =	simm.s32 $0x8100;
	s14 =	simm.s32 $0xD900;
	s15 =	simm.s32 $0xE100  }
0x6: {  	s16 =	simm.s32 $0xE900;
	s17 =	simm.s32 $0xF100;
	s25 =	simm.s32 $0xF900  }
0x7: {  	s26 =	simm.s32 $0x10100;
	s28 =	simm.s32 $0x1;
	[smem:$0x7FF] =	sst s1  }
0x8: {  	s2 =	sadd.s32 $0x1BE00, s0;
	s3 =	sadd.s32 $0x12000, s0;
	s5 =	sadd.s32 $0x165E00, s0  }
0x9: {  	s4 =	sadd.s32 $0x9DC00, s0;
	s7 =	sadd.s32 $0x75C00, s0;
	s9 =	sadd.s32 $0x1B5E00, s0  }
0xa: {  	_ =	strace $0x80000059;
	[dreg:$0x2] =	wrdreg s7;
	s7 =	sand.u32 $0x1, s6  }
.Ltmp0:
0xb: {  	s10 =	sadd.s32 $0xB79E00, s0;
	s6 =	ssub.s32 $0x2, s7;
	(pc) =	sbr.rel .LBB2_1-.Ltmp0, $4  }
0xc: {  	s11 =	sadd.s32 $0x1EB1C00, s0;
	s30 =	sadd.s32 $0x75C10, s0;
	s8 =	sshrl.u32 s6, $0x1  }
0xd: {  	v4 =	vlaneseq.u32;
	v0 =	vimm.f32 $0.0e+00;
	s0 =	sadd.s32 $0x75C20, s0;
	[dreg:$0x3] =	wrdreg s30;
	s6 =	ssub.s32 s6, s8  }
0xe: {  	vm0 =	vmmov $0xffff;
	s29 =	simm.s32 $0x2;
	v2 =	vshrl.u32 v4, $0x3;
	v1 =	vand.u32 $0x7, v4;
	[dreg:$0x4] =	wrdreg s0;
	s31 =	smax.u32 s6, $0x1  }
0xf: {  	s12 =	sshll.u32 s12, $0x1;
	v3 =	vor.u32 $0x8, v4;
	v4 =	vmul.u32 $0x80, v4;
	v2 =	vmul.u32 $0x8, v2;
	s6 =	simm.s32 $0x0;
	[dreg:$0x5] =	wrdreg s31  }
.LBB2_9:
0x10: {  	s6 =	rddreg [dreg:$0x6]  }
0x11: {  	s0 =	rddreg [dreg:$0x5];
	s6 =	sadd.s32 $0x1, s6  }
0x12: {  	p0 =	sne.s32 s6, s0  }
.Ltmp1:
0x13: {  	_ = 	snop;
	(pc) =	sbr.rel @!p0 .LBB2_10-.Ltmp1, $1  }
0x14: {  	_ =	sdelay $0x3  }
.LBB2_1:
0x15: {  	[dreg:$0x6] =	wrdreg s6  }
0x16: {  	s0 =	rddreg [dreg:$0x2];
	s13 =	simm.s32 $0x80;
	s8 =	simm.s32 $0x400  }
0x17: {  	[tilespmem:s18], [sflag:$0x3] =	stream.strided.gather [hbm4b:s0+s13], $0x2800, s8, s13, $0x38;
	[tilespmem:$0x1B900] =	vst v63  }
0x18: {  	_ =	swait.ge [sflag:s19], $0x2800  }
0x19: {  	[sflag:s19] =	ssyncset.done $0x0  }
0x1a: {  	s30 =	rddreg [dreg:$0x3];
	[sflag:s19] =	ssyncadd.s32 $0xFFFFD800  }
0x1b: {  	[tilespmem:s20], [sflag:$0x3] =	stream.strided.gather [hbm4b:s30+s13], $0x2800, s8, s13, $0x38;
	[tilespmem:$0x1B900] =	vst v63  }
0x1c: {  	_ =	swait.ge [sflag:s19], $0x2800  }
0x1d: {  	[sflag:s19] =	ssyncset.done $0x0  }
0x1e: {  	s31 =	rddreg [dreg:$0x4];
	[sflag:s19] =	ssyncadd.s32 $0xFFFFD800  }
0x1f: {  	[tilespmem:s21], [sflag:$0x3] =	stream.strided.gather [hbm4b:s31+s13], $0x2800, s8, s13, $0x38;
	[tilespmem:$0x1B900] =	vst v63  }
0x20: {  	_ =	swait.ge [sflag:s19], $0x2800  }
0x21: {  	[sflag:s19] =	ssyncset.done $0x0  }
0x22: {  	s0 =	simm.s32 $0x0;
	[sflag:s19] =	ssyncadd.s32 $0xFFFFD800  }
.LBB2_2:
0x23: {  	p0 =	sne.s32 s0, $0xFE00  }
.Ltmp2:
0x24: {  	_ = 	snop;
	(pc) =	sbr.rel @p0 .LBB2_2-.Ltmp2, $3  }
0x25: {  	_ =	sdelay $0x1  }
0x26: {  	s6 =	sshra.s32 s0, $0x2  }
0x27: {  	s0 =	sadd.s32 $0x200, s0;
	[tilespmem:s6+$0x10100] =	vst v0  }
.Ltmp3:
0x28: {  	(pc) =	sbr.rel .LBB2_4-.Ltmp3, $2  }
0x29: {  	_ =	sdelay $0x2  }
0x2a: {  	s30 =	simm.s32 $0x0  }
.LBB2_8:
0x2b: {  	s30 =	sadd.s32 $0x1, s30  }
0x2c: {  	p0 =	sne.s32 s30, $0x4F  }
.Ltmp4:
0x2d: {  	_ = 	snop;
	(pc) =	sbr.rel @!p0 .LBB2_9-.Ltmp4, $1  }
0x2e: {  	_ =	sdelay $0x3  }
.LBB2_4:
0x2f: {  	s0 =	sshll.u32 s30, $0x5  }
0x30: {  	s0 =	sor.u32 s12, s0  }
0x31: {  	p0 =	sgt.u32 s0, $0x9C3  }
.Ltmp5:
0x32: {  	_ = 	snop;
	(pc) =	sbr.rel @p0 .LBB2_8-.Ltmp5, $1  }
0x33: {  	_ =	sdelay $0x3  }
0x34: {  	s31 =	sor.u32 s7, s0  }
0x35: {  	s6 =	sshll.u32 s31, $0x4  }
0x36: {  	s0 =	simm.s32 $0x0;
	s8 =	sadd.s32 s2, s6  }
0x37: {  	[tilespmem:s0], [sflag:$0x4] =	stream.linear.gather [hbm4b:s8+s0], $0x80, $0x38;
	[tilespmem:$0x1B900] =	vst v63  }
0x38: {  	_ =	swait.ge [sflag:s22], $0x80  }
0x39: {  	[sflag:s22] =	ssyncset.done $0x0  }
0x3a: {  	s6 =	sadd.s32 s3, s6;
	s8 =	simm.s32 $0x80;
	[sflag:s22] =	ssyncadd.s32 $0xFFFFFF80  }
0x3b: {  	[tilespmem:s8], [sflag:$0x4] =	stream.linear.gather [hbm4b:s6+s0], $0x80, $0x38;
	[tilespmem:$0x1B900] =	vst v63  }
0x3c: {  	_ =	swait.ge [sflag:s22], $0x80  }
0x3d: {  	[sflag:s22] =	ssyncset.done $0x0  }
0x3e: {  	[sflag:s22] =	ssyncadd.s32 $0xFFFFFF80  }
0x3f: {  	v5 =	vld [tilespmem:$0x0];
	_ =	sdelay $0x4  }
0x40: {  	v6 =	vshll.u32 v5, $0x1  }
0x41: {  	v5 =	vand.u32 $0x7, v5;
	v6 =	vand.u32 $0xFFFFFFF0, v6  }
0x42: {  	v5 =	vor.u32 v5, v6  }
0x43: {  	v6 =	vperm.xlane v5, v1;
	_ =	sdelay $0x1  }
0x44: {  	v5 =	vperm.xlane v5, v3;
	v6 =	vadd.s32 v2, v6;
	_ =	sdelay $0x1  }
0x45: {  	v5 =	vadd.s32 v2, v5;
	_ =	sdelay $0x2  }
0x46: {  	[tilespmem:s23], [sflag:$0x1] =	stream.indirect_vreg.gather [hbm4b:s4+s0], $0x80, v6, vm0, $0xb8;
	[tilespmem:$0x1B900] =	vst v63  }
0x47: {  	s13 =	simm.s32 $0x900  }
0x48: {  	[tilespmem:s13], [sflag:$0x1] =	stream.indirect_vreg.gather [hbm4b:s4+s0], $0x80, v5, vm0, $0xb8;
	[tilespmem:$0x1B900] =	vst v63  }
0x49: {  	v5 =	vld [tilespmem:$0x10];
	_ =	sdelay $0x4  }
0x4a: {  	v6 =	vshll.u32 v5, $0x1  }
0x4b: {  	v5 =	vand.u32 $0x7, v5;
	v6 =	vand.u32 $0xFFFFFFF0, v6  }
0x4c: {  	v5 =	vor.u32 v5, v6  }
0x4d: {  	v6 =	vperm.xlane v5, v1;
	_ =	sdelay $0x1  }
0x4e: {  	v5 =	vperm.xlane v5, v3;
	v6 =	vadd.s32 v2, v6;
	_ =	sdelay $0x1  }
0x4f: {  	v5 =	vadd.s32 v2, v5;
	_ =	sdelay $0x1  }
0x50: {  	s13 =	simm.s32 $0x1100  }
0x51: {  	[tilespmem:s13], [sflag:$0x1] =	stream.indirect_vreg.gather [hbm4b:s4+s0], $0x80, v6, vm0, $0xb8;
	[tilespmem:$0x1B900] =	vst v63  }
0x52: {  	s13 =	simm.s32 $0x1900  }
0x53: {  	[tilespmem:s13], [sflag:$0x1] =	stream.indirect_vreg.gather [hbm4b:s4+s0], $0x80, v5, vm0, $0xb8;
	[tilespmem:$0x1B900] =	vst v63  }
0x54: {  	v5 =	vld [tilespmem:$0x20];
	_ =	sdelay $0x4  }
0x55: {  	v6 =	vshll.u32 v5, $0x1  }
0x56: {  	v5 =	vand.u32 $0x7, v5;
	v6 =	vand.u32 $0xFFFFFFF0, v6  }
0x57: {  	v5 =	vor.u32 v5, v6  }
0x58: {  	v6 =	vperm.xlane v5, v1;
	_ =	sdelay $0x1  }
0x59: {  	v5 =	vperm.xlane v5, v3;
	v6 =	vadd.s32 v2, v6;
	_ =	sdelay $0x1  }
0x5a: {  	v5 =	vadd.s32 v2, v5;
	_ =	sdelay $0x1  }
0x5b: {  	s13 =	simm.s32 $0x2100  }
0x5c: {  	[tilespmem:s13], [sflag:$0x1] =	stream.indirect_vreg.gather [hbm4b:s4+s0], $0x80, v6, vm0, $0xb8;
	[tilespmem:$0x1B900] =	vst v63  }
0x5d: {  	s13 =	simm.s32 $0x2900  }
0x5e: {  	[tilespmem:s13], [sflag:$0x1] =	stream.indirect_vreg.gather [hbm4b:s4+s0], $0x80, v5, vm0, $0xb8;
	[tilespmem:$0x1B900] =	vst v63  }
0x5f: {  	v5 =	vld [tilespmem:$0x30];
	_ =	sdelay $0x4  }
0x60: {  	v6 =	vshll.u32 v5, $0x1  }
0x61: {  	v5 =	vand.u32 $0x7, v5;
	v6 =	vand.u32 $0xFFFFFFF0, v6  }
0x62: {  	v5 =	vor.u32 v5, v6  }
0x63: {  	v6 =	vperm.xlane v5, v1;
	_ =	sdelay $0x1  }
0x64: {  	v5 =	vperm.xlane v5, v3;
	v6 =	vadd.s32 v2, v6;
	_ =	sdelay $0x1  }
0x65: {  	v5 =	vadd.s32 v2, v5;
	_ =	sdelay $0x1  }
0x66: {  	s13 =	simm.s32 $0x3100  }
0x67: {  	[tilespmem:s13], [sflag:$0x1] =	stream.indirect_vreg.gather [hbm4b:s4+s0], $0x80, v6, vm0, $0xb8;
	[tilespmem:$0x1B900] =	vst v63  }
0x68: {  	s13 =	simm.s32 $0x3900  }
0x69: {  	[tilespmem:s13], [sflag:$0x1] =	stream.indirect_vreg.gather [hbm4b:s4+s0], $0x80, v5, vm0, $0xb8;
	[tilespmem:$0x1B900] =	vst v63  }
0x6a: {  	v5 =	vld [tilespmem:$0x40];
	_ =	sdelay $0x4  }
0x6b: {  	v6 =	vshll.u32 v5, $0x1  }
0x6c: {  	v5 =	vand.u32 $0x7, v5;
	v6 =	vand.u32 $0xFFFFFFF0, v6  }
0x6d: {  	v5 =	vor.u32 v5, v6  }
0x6e: {  	v6 =	vperm.xlane v5, v1;
	_ =	sdelay $0x1  }
0x6f: {  	v5 =	vperm.xlane v5, v3;
	v6 =	vadd.s32 v2, v6;
	_ =	sdelay $0x1  }
0x70: {  	v5 =	vadd.s32 v2, v5;
	_ =	sdelay $0x1  }
0x71: {  	s13 =	simm.s32 $0x4100  }
0x72: {  	[tilespmem:s13], [sflag:$0x1] =	stream.indirect_vreg.gather [hbm4b:s4+s0], $0x80, v6, vm0, $0xb8;
	[tilespmem:$0x1B900] =	vst v63  }
0x73: {  	s13 =	simm.s32 $0x4900  }
0x74: {  	[tilespmem:s13], [sflag:$0x1] =	stream.indirect_vreg.gather [hbm4b:s4+s0], $0x80, v5, vm0, $0xb8;
	[tilespmem:$0x1B900] =	vst v63  }
0x75: {  	v5 =	vld [tilespmem:$0x50];
	_ =	sdelay $0x4  }
0x76: {  	v6 =	vshll.u32 v5, $0x1  }
0x77: {  	v5 =	vand.u32 $0x7, v5;
	v6 =	vand.u32 $0xFFFFFFF0, v6  }
0x78: {  	v5 =	vor.u32 v5, v6  }
0x79: {  	v6 =	vperm.xlane v5, v1;
	_ =	sdelay $0x1  }
0x7a: {  	v5 =	vperm.xlane v5, v3;
	v6 =	vadd.s32 v2, v6;
	_ =	sdelay $0x1  }
0x7b: {  	v5 =	vadd.s32 v2, v5;
	_ =	sdelay $0x1  }
0x7c: {  	s13 =	simm.s32 $0x5100  }
0x7d: {  	[tilespmem:s13], [sflag:$0x1] =	stream.indirect_vreg.gather [hbm4b:s4+s0], $0x80, v6, vm0, $0xb8;
	[tilespmem:$0x1B900] =	vst v63  }
0x7e: {  	s13 =	simm.s32 $0x5900  }
0x7f: {  	[tilespmem:s13], [sflag:$0x1] =	stream.indirect_vreg.gather [hbm4b:s4+s0], $0x80, v5, vm0, $0xb8;
	[tilespmem:$0x1B900] =	vst v63  }
0x80: {  	v5 =	vld [tilespmem:$0x60];
	_ =	sdelay $0x4  }
0x81: {  	v6 =	vshll.u32 v5, $0x1  }
0x82: {  	v5 =	vand.u32 $0x7, v5;
	v6 =	vand.u32 $0xFFFFFFF0, v6  }
0x83: {  	v5 =	vor.u32 v5, v6  }
0x84: {  	v6 =	vperm.xlane v5, v1;
	_ =	sdelay $0x1  }
0x85: {  	v5 =	vperm.xlane v5, v3;
	v6 =	vadd.s32 v2, v6;
	_ =	sdelay $0x1  }
0x86: {  	v5 =	vadd.s32 v2, v5;
	_ =	sdelay $0x1  }
0x87: {  	s13 =	simm.s32 $0x6100  }
0x88: {  	[tilespmem:s13], [sflag:$0x1] =	stream.indirect_vreg.gather [hbm4b:s4+s0], $0x80, v6, vm0, $0xb8;
	[tilespmem:$0x1B900] =	vst v63  }
0x89: {  	s13 =	simm.s32 $0x6900  }
0x8a: {  	[tilespmem:s13], [sflag:$0x1] =	stream.indirect_vreg.gather [hbm4b:s4+s0], $0x80, v5, vm0, $0xb8;
	[tilespmem:$0x1B900] =	vst v63  }
0x8b: {  	v5 =	vld [tilespmem:$0x70];
	_ =	sdelay $0x4  }
0x8c: {  	v6 =	vshll.u32 v5, $0x1  }
0x8d: {  	v5 =	vand.u32 $0x7, v5;
	v6 =	vand.u32 $0xFFFFFFF0, v6  }
0x8e: {  	v5 =	vor.u32 v5, v6  }
0x8f: {  	v6 =	vperm.xlane v5, v1;
	_ =	sdelay $0x1  }
0x90: {  	v5 =	vperm.xlane v5, v3;
	v6 =	vadd.s32 v2, v6;
	_ =	sdelay $0x1  }
0x91: {  	v5 =	vadd.s32 v2, v5;
	_ =	sdelay $0x1  }
0x92: {  	s13 =	simm.s32 $0x7100  }
0x93: {  	[tilespmem:s13], [sflag:$0x1] =	stream.indirect_vreg.gather [hbm4b:s4+s0], $0x80, v6, vm0, $0xb8;
	[tilespmem:$0x1B900] =	vst v63  }
0x94: {  	s13 =	simm.s32 $0x7900  }
0x95: {  	[tilespmem:s13], [sflag:$0x1] =	stream.indirect_vreg.gather [hbm4b:s4+s0], $0x80, v5, vm0, $0xb8;
	[tilespmem:$0x1B900] =	vst v63  }
0x96: {  	v5 =	vld [tilespmem:$0x80];
	_ =	sdelay $0x4  }
0x97: {  	v6 =	vshll.u32 v5, $0x1  }
0x98: {  	v5 =	vand.u32 $0x7, v5;
	v6 =	vand.u32 $0xFFFFFFF0, v6  }
0x99: {  	v5 =	vor.u32 v5, v6  }
0x9a: {  	v6 =	vperm.xlane v5, v1;
	_ =	sdelay $0x1  }
0x9b: {  	v5 =	vperm.xlane v5, v3;
	v6 =	vadd.s32 v2, v6;
	_ =	sdelay $0x1  }
0x9c: {  	v5 =	vadd.s32 v2, v5;
	_ =	sdelay $0x2  }
0x9d: {  	[tilespmem:s24], [sflag:$0x2] =	stream.indirect_vreg.gather [hbm4b:s5+s0], $0x80, v6, vm0, $0xb8;
	[tilespmem:$0x1B900] =	vst v63  }
0x9e: {  	s13 =	simm.s32 $0x8900  }
0x9f: {  	[tilespmem:s13], [sflag:$0x2] =	stream.indirect_vreg.gather [hbm4b:s5+s0], $0x80, v5, vm0, $0xb8;
	[tilespmem:$0x1B900] =	vst v63  }
0xa0: {  	v5 =	vld [tilespmem:$0x90];
	_ =	sdelay $0x4  }
0xa1: {  	v6 =	vshll.u32 v5, $0x1  }
0xa2: {  	v5 =	vand.u32 $0x7, v5;
	v6 =	vand.u32 $0xFFFFFFF0, v6  }
0xa3: {  	v5 =	vor.u32 v5, v6  }
0xa4: {  	v6 =	vperm.xlane v5, v1;
	_ =	sdelay $0x1  }
0xa5: {  	v5 =	vperm.xlane v5, v3;
	v6 =	vadd.s32 v2, v6;
	_ =	sdelay $0x1  }
0xa6: {  	v5 =	vadd.s32 v2, v5;
	_ =	sdelay $0x1  }
0xa7: {  	s13 =	simm.s32 $0x9100  }
0xa8: {  	[tilespmem:s13], [sflag:$0x2] =	stream.indirect_vreg.gather [hbm4b:s5+s0], $0x80, v6, vm0, $0xb8;
	[tilespmem:$0x1B900] =	vst v63  }
0xa9: {  	s13 =	simm.s32 $0x9900  }
0xaa: {  	[tilespmem:s13], [sflag:$0x2] =	stream.indirect_vreg.gather [hbm4b:s5+s0], $0x80, v5, vm0, $0xb8;
	[tilespmem:$0x1B900] =	vst v63  }
0xab: {  	v5 =	vld [tilespmem:$0xA0];
	_ =	sdelay $0x4  }
0xac: {  	v6 =	vshll.u32 v5, $0x1  }
0xad: {  	v5 =	vand.u32 $0x7, v5;
	v6 =	vand.u32 $0xFFFFFFF0, v6  }
0xae: {  	v5 =	vor.u32 v5, v6  }
0xaf: {  	v6 =	vperm.xlane v5, v1;
	_ =	sdelay $0x1  }
0xb0: {  	v5 =	vperm.xlane v5, v3;
	v6 =	vadd.s32 v2, v6;
	_ =	sdelay $0x1  }
0xb1: {  	v5 =	vadd.s32 v2, v5;
	_ =	sdelay $0x1  }
0xb2: {  	s13 =	simm.s32 $0xA100  }
0xb3: {  	[tilespmem:s13], [sflag:$0x2] =	stream.indirect_vreg.gather [hbm4b:s5+s0], $0x80, v6, vm0, $0xb8;
	[tilespmem:$0x1B900] =	vst v63  }
0xb4: {  	s13 =	simm.s32 $0xA900  }
0xb5: {  	[tilespmem:s13], [sflag:$0x2] =	stream.indirect_vreg.gather [hbm4b:s5+s0], $0x80, v5, vm0, $0xb8;
	[tilespmem:$0x1B900] =	vst v63  }
0xb6: {  	v5 =	vld [tilespmem:$0xB0];
	_ =	sdelay $0x4  }
0xb7: {  	v6 =	vshll.u32 v5, $0x1  }
0xb8: {  	v5 =	vand.u32 $0x7, v5;
	v6 =	vand.u32 $0xFFFFFFF0, v6  }
0xb9: {  	v5 =	vor.u32 v5, v6  }
0xba: {  	v6 =	vperm.xlane v5, v1;
	_ =	sdelay $0x1  }
0xbb: {  	v5 =	vperm.xlane v5, v3;
	v6 =	vadd.s32 v2, v6;
	_ =	sdelay $0x1  }
0xbc: {  	v5 =	vadd.s32 v2, v5;
	_ =	sdelay $0x1  }
0xbd: {  	s13 =	simm.s32 $0xB100  }
0xbe: {  	[tilespmem:s13], [sflag:$0x2] =	stream.indirect_vreg.gather [hbm4b:s5+s0], $0x80, v6, vm0, $0xb8;
	[tilespmem:$0x1B900] =	vst v63  }
0xbf: {  	s13 =	simm.s32 $0xB900  }
0xc0: {  	[tilespmem:s13], [sflag:$0x2] =	stream.indirect_vreg.gather [hbm4b:s5+s0], $0x80, v5, vm0, $0xb8;
	[tilespmem:$0x1B900] =	vst v63  }
0xc1: {  	v5 =	vld [tilespmem:$0xC0];
	_ =	sdelay $0x4  }
0xc2: {  	v6 =	vshll.u32 v5, $0x1  }
0xc3: {  	v5 =	vand.u32 $0x7, v5;
	v6 =	vand.u32 $0xFFFFFFF0, v6  }
0xc4: {  	v5 =	vor.u32 v5, v6  }
0xc5: {  	v6 =	vperm.xlane v5, v1;
	_ =	sdelay $0x1  }
0xc6: {  	v5 =	vperm.xlane v5, v3;
	v6 =	vadd.s32 v2, v6;
	_ =	sdelay $0x1  }
0xc7: {  	v5 =	vadd.s32 v2, v5;
	_ =	sdelay $0x1  }
0xc8: {  	s13 =	simm.s32 $0xC100  }
0xc9: {  	[tilespmem:s13], [sflag:$0x2] =	stream.indirect_vreg.gather [hbm4b:s5+s0], $0x80, v6, vm0, $0xb8;
	[tilespmem:$0x1B900] =	vst v63  }
0xca: {  	s13 =	simm.s32 $0xC900  }
0xcb: {  	[tilespmem:s13], [sflag:$0x2] =	stream.indirect_vreg.gather [hbm4b:s5+s0], $0x80, v5, vm0, $0xb8;
	[tilespmem:$0x1B900] =	vst v63  }
0xcc: {  	v5 =	vld [tilespmem:$0xD0];
	_ =	sdelay $0x4  }
0xcd: {  	v6 =	vshll.u32 v5, $0x1  }
0xce: {  	v5 =	vand.u32 $0x7, v5;
	v6 =	vand.u32 $0xFFFFFFF0, v6  }
0xcf: {  	v5 =	vor.u32 v5, v6  }
0xd0: {  	v6 =	vperm.xlane v5, v1;
	_ =	sdelay $0x1  }
0xd1: {  	v5 =	vperm.xlane v5, v3;
	v6 =	vadd.s32 v2, v6;
	_ =	sdelay $0x1  }
0xd2: {  	v5 =	vadd.s32 v2, v5;
	_ =	sdelay $0x1  }
0xd3: {  	s13 =	simm.s32 $0xD100  }
0xd4: {  	[tilespmem:s13], [sflag:$0x2] =	stream.indirect_vreg.gather [hbm4b:s5+s0], $0x80, v6, vm0, $0xb8;
	[tilespmem:$0x1B900] =	vst v63  }
0xd5: {  	_ = 	snop  }
0xd6: {  	[tilespmem:s14], [sflag:$0x2] =	stream.indirect_vreg.gather [hbm4b:s5+s0], $0x80, v5, vm0, $0xb8;
	[tilespmem:$0x1B900] =	vst v63  }
0xd7: {  	v5 =	vld [tilespmem:$0xE0];
	_ =	sdelay $0x4  }
0xd8: {  	v6 =	vshll.u32 v5, $0x1  }
0xd9: {  	v5 =	vand.u32 $0x7, v5;
	v6 =	vand.u32 $0xFFFFFFF0, v6  }
0xda: {  	v5 =	vor.u32 v5, v6  }
0xdb: {  	v6 =	vperm.xlane v5, v1;
	_ =	sdelay $0x1  }
0xdc: {  	v5 =	vperm.xlane v5, v3;
	v6 =	vadd.s32 v2, v6;
	_ =	sdelay $0x1  }
0xdd: {  	v5 =	vadd.s32 v2, v5;
	_ =	sdelay $0x2  }
0xde: {  	[tilespmem:s15], [sflag:$0x2] =	stream.indirect_vreg.gather [hbm4b:s5+s0], $0x80, v6, vm0, $0xb8;
	[tilespmem:$0x1B900] =	vst v63  }
0xdf: {  	_ = 	snop  }
0xe0: {  	[tilespmem:s16], [sflag:$0x2] =	stream.indirect_vreg.gather [hbm4b:s5+s0], $0x80, v5, vm0, $0xb8;
	[tilespmem:$0x1B900] =	vst v63  }
0xe1: {  	v5 =	vld [tilespmem:$0xF0];
	_ =	sdelay $0x4  }
0xe2: {  	v6 =	vshll.u32 v5, $0x1  }
0xe3: {  	v5 =	vand.u32 $0x7, v5;
	v6 =	vand.u32 $0xFFFFFFF0, v6  }
0xe4: {  	v5 =	vor.u32 v5, v6  }
0xe5: {  	v6 =	vperm.xlane v5, v1;
	_ =	sdelay $0x1  }
0xe6: {  	v5 =	vperm.xlane v5, v3;
	v6 =	vadd.s32 v2, v6;
	_ =	sdelay $0x1  }
0xe7: {  	v5 =	vadd.s32 v2, v5;
	_ =	sdelay $0x2  }
0xe8: {  	[tilespmem:s17], [sflag:$0x2] =	stream.indirect_vreg.gather [hbm4b:s5+s0], $0x80, v6, vm0, $0xb8;
	[tilespmem:$0x1B900] =	vst v63  }
0xe9: {  	_ = 	snop  }
0xea: {  	[tilespmem:s25], [sflag:$0x2] =	stream.indirect_vreg.gather [hbm4b:s5+s0], $0x80, v5, vm0, $0xb8;
	[tilespmem:$0x1B900] =	vst v63  }
0xeb: {  	v5 =	vld [tilespmem:s0+$0x0]  }
0xec: {  	v7 =	vld [tilespmem:s8+$0x0];
	_ =	sdelay $0x6  }
0xed: {  	v6 =	vld.idx.msk [tilespmem:v5+s18+$0x0], $0xffff  }
0xee: {  	v9 =	vmov s0;
	v8 =	vld.idx.msk [tilespmem:v7+s18+$0x0], $0xffff  }
0xef: {  	v9 =	vshll.u32 v9, $0x7  }
0xf0: {  	v9 =	vor.u32 v4, v9;
	_ =	sdelay $0x2  }
0xf1: {  	v6 =	vsub.f32 v6, v8;
	_ =	sdelay $0x1  }
0xf2: {  	[tilespmem:v9+s26+$0x0] =	vst.idx.msk $0xffff, v6  }
0xf3: {  	v6 =	vld.idx.msk [tilespmem:v5+s20+$0x0], $0xffff  }
0xf4: {  	v8 =	vld.idx.msk [tilespmem:v7+s20+$0x0], $0xffff;
	_ =	sdelay $0x1  }
0xf5: {  	v10 =	vor.u32 $0x1, v9;
	_ =	sdelay $0x2  }
0xf6: {  	v6 =	vsub.f32 v6, v8;
	_ =	sdelay $0x1  }
0xf7: {  	[tilespmem:v10+s26+$0x0] =	vst.idx.msk $0xffff, v6  }
0xf8: {  	v6 =	vld.idx.msk [tilespmem:v5+s21+$0x0], $0xffff  }
0xf9: {  	v7 =	vld.idx.msk [tilespmem:v7+s21+$0x0], $0xffff  }
0xfa: {  	s6 =	simm.s32 $0x10;
	v5 =	vor.u32 $0x2, v9  }
.LBB2_6:
0xfb: {  	_ =	sdelay $0x2  }
0xfc: {  	p0 =	sne.s32 s6, $0x70;
	s0 =	sadd.s32 $0x10, s0;
	s8 =	sadd.s32 $0x10, s8;
	v6 =	vsub.f32 v6, v7  }
0xfd: {  	s13 =	smov.u32 s6;
	s6 =	sadd.s32 $0x10, s6  }
0xfe: {  	[tilespmem:v5+s26+$0x0] =	vst.idx.msk $0xffff, v6  }
0xff: {  	v5 =	vld [tilespmem:s0+$0x0]  }
0x100: {  	v7 =	vld [tilespmem:s8+$0x0];
	_ =	sdelay $0x6  }
0x101: {  	v6 =	vld.idx.msk [tilespmem:v5+s18+$0x0], $0xffff  }
0x102: {  	v8 =	vld.idx.msk [tilespmem:v7+s18+$0x0], $0xffff  }
0x103: {  	v9 =	vmov s13  }
0x104: {  	v9 =	vshll.u32 v9, $0x7  }
0x105: {  	v9 =	vor.u32 v4, v9;
	_ =	sdelay $0x2  }
0x106: {  	v6 =	vsub.f32 v6, v8;
	_ =	sdelay $0x1  }
0x107: {  	[tilespmem:v9+s26+$0x0] =	vst.idx.msk $0xffff, v6  }
0x108: {  	v6 =	vld.idx.msk [tilespmem:v5+s20+$0x0], $0xffff  }
0x109: {  	v8 =	vld.idx.msk [tilespmem:v7+s20+$0x0], $0xffff;
	_ =	sdelay $0x1  }
0x10a: {  	v10 =	vor.u32 $0x1, v9;
	_ =	sdelay $0x3  }
0x10b: {  	v6 =	vsub.f32 v6, v8  }
.Ltmp6:
0x10c: {  	(pc) =	sbr.rel @p0 .LBB2_6-.Ltmp6, $4  }
0x10d: {  	[tilespmem:v10+s26+$0x0] =	vst.idx.msk $0xffff, v6  }
0x10e: {  	v6 =	vld.idx.msk [tilespmem:v5+s21+$0x0], $0xffff  }
0x10f: {  	v7 =	vld.idx.msk [tilespmem:v7+s21+$0x0], $0xffff  }
0x110: {  	v5 =	vor.u32 $0x2, v9  }
0x111: {  	_ =	sdelay $0x2  }
0x112: {  	v6 =	vsub.f32 v6, v7;
	_ =	sdelay $0x1  }
0x113: {  	[tilespmem:v5+s26+$0x0] =	vst.idx.msk $0xffff, v6  }
0x114: {  	_ =	swait.ge [sflag:s28], $0x8000  }
0x115: {  	[sflag:s28] =	ssyncset.done $0x0  }
0x116: {  	[sflag:s28] =	ssyncadd.s32 $0xFFFF8000  }
0x117: {  	_ =	swait.ge [sflag:s29], $0x8000  }
0x118: {  	s0 =	sshll.u32 s31, $0xC;
	[sflag:s29] =	ssyncset.done $0x0  }
0x119: {  	s6 =	sadd.s32 s9, s0;
	[sflag:s29] =	ssyncadd.s32 $0xFFFF8000  }
0x11a: {  	[hbm4b:s6+s1] =	stream.linear.scatter [tilespmem:s23], [sflag:$0x4], $0x8000, $0x38;
	[tilespmem:$0x1B900] =	vst v63  }
0x11b: {  	_ =	swait.ge [sflag:s22], $0x8000  }
0x11c: {  	[sflag:s22] =	ssyncset.done $0x0  }
0x11d: {  	s0 =	sadd.s32 s10, s0;
	[sflag:s22] =	ssyncadd.s32 $0xFFFF8000  }
0x11e: {  	[hbm4b:s0+s1] =	stream.linear.scatter [tilespmem:s24], [sflag:$0x4], $0x8000, $0x38;
	[tilespmem:$0x1B900] =	vst v63  }
0x11f: {  	_ =	swait.ge [sflag:s22], $0x8000  }
0x120: {  	s31 =	sshll.u32 s31, $0xB;
	[sflag:s22] =	ssyncset.done $0x0  }
.Ltmp7:
0x121: {  	s0 =	sadd.s32 s11, s31;
	[sflag:s22] =	ssyncadd.s32 $0xFFFF8000;
	(pc) =	sbr.rel .LBB2_8-.Ltmp7, $4  }
0x122: {  	[hbm4b:s0+s1] =	stream.linear.scatter [tilespmem:s26], [sflag:$0x3], $0x4000, $0x38;
	[tilespmem:$0x1B900] =	vst v63  }
0x123: {  	_ =	swait.ge [sflag:s19], $0x4000  }
0x124: {  	[sflag:s19] =	ssyncset.done $0x0  }
0x125: {  	[sflag:s19] =	ssyncadd.s32 $0xFFFFC000  }
.LBB2_10:
0x126: {  	_ =	sfence.sel $0x180000  }
0x127: {  	[bflag:$0x0] =	sbarrier.arrive $0xFFFF  }
0x128: {  	_ =	strace $0x90000059  }
0x129: {  	s0 =	stileid.u32;
	[bflag:$0x2] =	sbarrier.arrive $0xFFFF  }
0x12a: {  	p0 =	sne.s32 s0, $0x0;
	s0 =	rddreg [dreg:$0x1]  }
0x12b: {  	s0 =	sadd.s32 @!p0 $0x100000, s0  }
0x12c: {  	[sflag:s0] =	ssyncadd.tile.s32 @!p0 $0x1;
	_ =	shalt  }
.Lfunc_end2:
_tile_overlayer_lowered:
.L_overlay_start_2:
0x12d: {  	(tag) =	ssettag $0x2  }
0x12e: {  	s0 =	rddreg [dreg:$0x0];
	s2 =	stileid.u32  }
0x12f: {  	s1 =	rddreg [dreg:$0x1];
	p0 =	sne.s32 s2, $0x0  }
0x130: {  	s3 =	rddreg [dreg:$0x2];
	[bflag:$0x3] =	sbarrier.arrive $0xFFFF;
	s2 =	simm.s32 @!p0 $0x1C03  }
0x131: {  	[timem:s3], [sflag:s2] =	dma.local @!p0 [hbm:s0], s1  }
0x132: {  	s0 =	simm.s32 @!p0 $0x3  }
0x133: {  	_ =	swait.ge @!p0 [sflag:s0], s1  }
0x134: {  	s1 =	ssub.s32 @!p0 $0x0, s1;
	[sflag:s0] =	ssyncset.done @!p0 $0x0  }
0x135: {  	[sflag:s0] =	ssyncadd.s32 @!p0 s1  }
0x136: {  	[bflag:$0x3] =	sbarrier.arrive $0xFFFF  }
0x137: {  	_ =	shalt  }

// kernel: kernel.44.cloned.1.call-start
scs
__scs_entry_jumppad:
0x0: {  	(pc) =	sbr.rel $0x88, $3  }
0x1: {  	(tag) =	ssettag $0x0;
	lr =	simm.s32 $0x1  }
0x2: {  	[smem:$0x3F5E] =	sst lr;
	_ =	strace $0xD0000000  }
0x3: {  	_ = 	snop  }
0x4: {  	_ = 	snop  }
0x5: {  	_ = 	snop  }
0x6: {  	_ = 	snop  }
0x7: {  	_ = 	snop  }
__scs_overlays_trampoline_lowered:
0x8: {  	[smem:$0x3F6D] =	sst s0  }
0x9: {  	[smem:$0x3F6E] =	sst s1  }
0xa: {  	[smem:$0x3F6F] =	sst s2  }
0xb: {  	[smem:$0x3F70] =	sst s3  }
0xc: {  	[smem:$0x3F71] =	sst s4  }
0xd: {  	[smem:$0x3F72] =	sst s5  }
0xe: {  	[smem:$0x3F73] =	sst s6  }
0xf: {  	[smem:$0x3F74] =	sst s7  }
0x10: {  	[smem:$0x3F75] =	sst s8  }
0x11: {  	[smem:$0x3F76] =	sst s9;
	s0 =	simm.s32 @!p0 $0x0  }
0x12: {  	s1 =	sld [smem:$0x3F5C];
	s0 =	simm.s32 @p0 $0x1  }
0x13: {  	[smem:$0x3F77] =	sst s0;
	s0 =	simm.s32 @!p1 $0x0  }
0x14: {  	s2 =	sld [smem:$0x3F5B];
	s0 =	simm.s32 @p1 $0x1  }
0x15: {  	[smem:$0x3F78] =	sst s0;
	s0 =	simm.s32 @!p2 $0x0  }
0x16: {  	s3 =	sld [smem:$0x3FDB];
	s0 =	simm.s32 @p2 $0x1  }
0x17: {  	s4 =	simm.s32 $0x1BF5;
	[smem:$0x3F7A] =	sst s0  }
0x18: {  	s0 =	sld [smem:$0x3F5D];
	_ =	swait.ge [sflag:s4], $0x0  }
0x19: {  	s7 =	sld [smem:$0x3F5E]  }
0x1a: {  	s8 =	sadd.s32 $0xFFFFE003, lr  }
0x1b: {  	s9 =	sadd.s32 $0xFFFFFEF7, lr;
	s5 =	simm.s32 $0xFFFFFFFF;
	p2 =	slt.u32 s8, $0xFFFFF086  }
0x1c: {  	p1 =	slt.u32 s9, $0xF7A;
	s5 =	simm.s32 @!p2 $0x0  }
0x1d: {  	s5 =	simm.s32 @p1 $0x1;
	p0 =	seq.s32 s7, s2  }
0x1e: {  	s7 =	smul.u32 @!p0 $0xF7A, s2;
	p2 =	seq.s32 @!p0 s5, $0x0  }
0x1f: {  	s9 =	smul.u32 $0xF7A, s1;
	s8 =	simm.s32 @!p0 $0x1BF5;
	p2 =	por !p2, p0  }
0x20: {  	[sflag:s8] =	ssyncset.s32 @!p0 $0xFFFFF086;
	s6 =	sadd.s32 @!p0 s3, s7;
	s7 =	simm.s32 @!p0 $0x108  }
0x21: {  	s3 =	sadd.s32 s3, s9;
	s6 =	sadd.s32 @!p0 $0x88, s6;
	s7 =	simm.s32 @p2 $0x1082  }
0x22: {  	[simem:s7], [sflag:s8] =	dma.local @!p0 [hbm:s6], $0xF7A  }
0x23: {  	s9 =	sor.u32 $0xD0000000, s2;
	s6 =	simm.s32 $0x108;
	_ =	swait.ge @!p0 [sflag:s8], $0x0  }
0x24: {  	s3 =	sadd.s32 $0x88, s3;
	s6 =	simm.s32 @!p1 $0x1082;
	[sflag:s4] =	ssyncset.s32 $0xFFFFF086  }
0x25: {  	[simem:s6], [sflag:s4] =	dma.local [hbm:s3], $0xF7A  }
0x26: {  	[smem:$0x3F5E] =	sst s1;
	(tag) =	ssettag s2;
	_ =	strace s9  }
0x27: {  	s1 =	sld [smem:$0x3F6E]  }
0x28: {  	s2 =	sld [smem:$0x3F6F]  }
0x29: {  	s4 =	sld [smem:$0x3F71]  }
0x2a: {  	p0 =	seq.s32 s5, $0x0;
	s5 =	sld [smem:$0x3F72]  }
0x2b: {  	s6 =	sld [smem:$0x3F73]  }
0x2c: {  	s7 =	sld [smem:$0x3F74]  }
0x2d: {  	s3 =	simm.s32 $0x108;
	s8 =	sld [smem:$0x3F75]  }
0x2e: {  	s3 =	simm.s32 @!p0 $0x1082;
	s9 =	sld [smem:$0x3F76]  }
0x2f: {  	lr =	sadd.s32 s0, s3;
	s0 =	sld [smem:$0x3F6D]  }
0x30: {  	s3 =	sld [smem:$0x3F70]  }
0x31: {  	[smem:$0x3F79] =	sst s10  }
0x32: {  	s10 =	sld [smem:$0x3F77];
	_ =	sdelay $0x3  }
0x33: {  	p0 =	seq.s32 s10, $0x1;
	s10 =	sld [smem:$0x3F79];
	_ =	sdelay $0x3  }
0x34: {  	[smem:$0x3F79] =	sst s10  }
0x35: {  	s10 =	sld [smem:$0x3F78];
	_ =	sdelay $0x3  }
0x36: {  	p1 =	seq.s32 s10, $0x1;
	s10 =	sld [smem:$0x3F79];
	_ =	sdelay $0x3  }
0x37: {  	[smem:$0x3F79] =	sst s10  }
0x38: {  	s10 =	sld [smem:$0x3F7A]  }
0x39: {  	_ = 	snop;
	(pc) =	sbr.ind lr, $3  }
0x3a: {  	_ = 	snop  }
0x3b: {  	_ = 	snop  }
0x3c: {  	p2 =	seq.s32 s10, $0x1;
	s10 =	sld [smem:$0x3F79]  }
0x3d: {  	_ =	shalt  }
0x3e: {  	_ =	shalt  }
0x3f: {  	_ =	shalt  }
0x40: {  	_ =	shalt  }
0x41: {  	_ =	shalt  }
0x42: {  	_ =	shalt  }
0x43: {  	_ =	shalt  }
0x44: {  	_ =	shalt  }
0x45: {  	_ =	shalt  }
0x46: {  	_ =	shalt  }
0x47: {  	_ =	shalt  }
0x48: {  	_ =	shalt  }
0x49: {  	_ =	shalt  }
0x4a: {  	_ =	shalt  }
0x4b: {  	_ =	shalt  }
0x4c: {  	_ =	shalt  }
0x4d: {  	_ =	shalt  }
0x4e: {  	_ =	shalt  }
0x4f: {  	_ =	shalt  }
0x50: {  	_ =	shalt  }
0x51: {  	_ =	shalt  }
0x52: {  	_ =	shalt  }
0x53: {  	_ =	shalt  }
0x54: {  	_ =	shalt  }
0x55: {  	_ =	shalt  }
0x56: {  	_ =	shalt  }
0x57: {  	_ =	shalt  }
0x58: {  	_ =	shalt  }
0x59: {  	_ =	shalt  }
0x5a: {  	_ =	shalt  }
0x5b: {  	_ =	shalt  }
0x5c: {  	_ =	shalt  }
0x5d: {  	_ =	shalt  }
0x5e: {  	_ =	shalt  }
0x5f: {  	_ =	shalt  }
0x60: {  	_ =	shalt  }
0x61: {  	_ =	shalt  }
0x62: {  	_ =	shalt  }
0x63: {  	_ =	shalt  }
0x64: {  	_ =	shalt  }
0x65: {  	_ =	shalt  }
0x66: {  	_ =	shalt  }
0x67: {  	_ =	shalt  }
0x68: {  	_ =	shalt  }
0x69: {  	_ =	shalt  }
0x6a: {  	_ =	shalt  }
0x6b: {  	_ =	shalt  }
0x6c: {  	_ =	shalt  }
0x6d: {  	_ =	shalt  }
0x6e: {  	_ =	shalt  }
0x6f: {  	_ =	shalt  }
0x70: {  	_ =	shalt  }
0x71: {  	_ =	shalt  }
0x72: {  	_ =	shalt  }
0x73: {  	_ =	shalt  }
0x74: {  	_ =	shalt  }
0x75: {  	_ =	shalt  }
0x76: {  	_ =	shalt  }
0x77: {  	_ =	shalt  }
0x78: {  	_ =	shalt  }
0x79: {  	_ =	shalt  }
0x7a: {  	_ =	shalt  }
0x7b: {  	_ =	shalt  }
0x7c: {  	_ =	shalt  }
0x7d: {  	_ =	shalt  }
0x7e: {  	_ =	shalt  }
0x7f: {  	_ =	shalt  }
0x80: {  	_ =	shalt  }
0x81: {  	_ =	shalt  }
0x82: {  	_ =	shalt  }
0x83: {  	_ =	shalt  }
0x84: {  	_ =	shalt  }
0x85: {  	_ =	shalt  }
0x86: {  	_ =	shalt  }
0x87: {  	_ =	shalt  }
.Lfunc_end0:
.L_simem_size_0:
called_computation.7_lowered:
.L_overlay_start_0:
0x88: {  	s2 =	sld [smem:$0x3FD9]  }
0x89: {  	s3 =	sld [smem:$0x3FFE];
	_ =	sdelay $0x1  }
0x8a: {  	s1 =	srdreg.scid  }
0x8b: {  	s0 =	sand.u32 $0x1, s1  }
0x8c: {  	s17 =	sshll.u32 s0, $0xA;
	s2 =	sadd.s32 s3, s2  }
0x8d: {  	s2 =	sadd.s32 s2, s17  }
0x8e: {  	[smem:$0x3F85] =	sst s2  }
0x8f: {  	_ = 	snop  }
0x90: {  	s2 =	sld [smem:$0x3FD0];
	(tm) =	ssettm $0x1  }
0x91: {  	s18 =	sld [smem:$0x3FFB];
	_ =	sdelay $0x3  }
0x92: {  	_ =	strace s18  }
0x93: {  	s3 =	sld [smem:$0x3FFC];
	_ =	sdelay $0x3  }
0x94: {  	_ =	strace s3  }
0x95: {  	s3 =	sld [smem:$0x3FFD];
	_ =	sdelay $0x3  }
0x96: {  	_ =	strace s3  }
0x97: {  	_ =	strace $0x8FFFFFFF  }
0x98: {  	s19 =	sld [smem:$0x3FDB];
	_ =	sdelay $0x1  }
0x99: {  	s4 =	simm.s32 $_scs_section_size  }
0x9a: {  	s5 =	simm.s32 $_size__tile_overlayer_lowered;
	s6 =	simm.s32 $_tile_overlayer_lowered  }
0x9b: {  	s22 =	simm.s32 $0x1BFF;
	s21 =	sshll.u32 s6, $0x1;
	s3 =	sadd.s32 s4, s19  }
0x9c: {  	s7 =	simm.s32 $0x0;
	s20 =	sshll.u32 s5, $0x1;
	s5 =	sadd.s32 s21, s3  }
0x9d: {  	[timem:s7], [sflag:s22] =	dma.local [hbm:s5], s20  }
0x9e: {  	_ =	swait.ge [sflag:s22], s20  }
0x9f: {  	s4 =	ssub.s32 $0x0, s20;
	[sflag:s22] =	ssyncset.done $0x0  }
0xa0: {  	[sflag:s22] =	ssyncadd.s32 s4;
	_ =	sdelay $0x1  }
0xa1: {  	s23 =	simm.s32 $0x1B8B  }
0xa2: {  	_ =	swait.ge [sflag:s23], $0x1  }
0xa3: {  	[sflag:s23] =	ssyncset.done $0x0  }
0xa4: {  	s25 =	simm.s32 $0x1B8E;
	s24 =	sld [smem:$0x3FFE];
	[sflag:s23] =	ssyncadd.s32 $0xFFFFFFFF  }
0xa5: {  	s26 =	simm.s32 $execute0_lowered;
	[smem:$0x3FD2] =	sst s25  }
0xa6: {  	s5 =	sshll.u32 s26, $0x1;
	_ =	strace $0x8000005B;
	[dreg:$0x1] =	wrdreg $0xFFFFFFFF  }
0xa7: {  	s28 =	simm.s32 $_size_execute0_lowered;
	s3 =	sadd.s32 s3, s5;
	[dreg:$0x0] =	wrdreg $0x0  }
0xa8: {  	s5 =	sshll.u32 s28, $0x1;
	[dreg:$0x2] =	wrdreg s3  }
0xa9: {  	[dreg:$0x3] =	wrdreg s5  }
0xaa: {  	[dreg:$0x4] =	wrdreg $0xC0  }
0xab: {  	_ =	task [dreg:s7], $0x5FFFF  }
0xac: {  	[dreg:$0x1] =	wrdreg $0xFFFFFFFF  }
0xad: {  	[dreg:$0x0] =	wrdreg $0x60  }
0xae: {  	[dreg:$0x2] =	wrdreg s24  }
0xaf: {  	[dreg:$0x3] =	wrdreg s2  }
0xb0: {  	[dreg:$0x4] =	wrdreg $0x40800  }
0xb1: {  	[dreg:$0x5] =	wrdreg $0x9  }
0xb2: {  	_ =	task.clear_ibuf [dreg:s7], $0x6FFFF;
	_ =	strace $0x9000005B  }
0xb3: {  	s29 =	simm.s32 $0x9;
	_ =	strace $0x8000005D  }
0xb4: {  	_ =	swait.ge [sflag:s29], $0x1  }
0xb5: {  	[sflag:s29] =	ssyncadd.s32 $0xFFFFFFFF  }
0xb6: {  	_ =	strace $0x9000005D  }
0xb7: {  	_ =	sfence  }
0xb8: {  	s30 =	sld [smem:$0x0];
	_ =	sdelay $0x2  }
0xb9: {  	s31 =	sshll.u32 s1, $0xD;
	s1 =	sshrl.u32 s1, $0x2  }
0xba: {  	s3 =	sand.u32 $0x4000, s31;
	s1 =	sadd.s32 s1, s30  }
0xbb: {  	s0 =	sor.u32 s3, s0;
	s1 =	sshll.u32 s1, $0x11  }
0xbc: {  	s0 =	sor.u32 s1, s0  }
0xbd: {  	s0 =	sadd.s32 $0x8F2B, s0  }
0xbe: {  	[sflag:s0] =	ssyncadd.remote.s32 $0x1  }
0xbf: {  	_ =	sfence.sel $0xFFFF  }
0xc0: {  	[dreg:$0x0] =	wrdreg $0xFFFFFFFF;
	(pc) =	sbr.abs _section_cstart, $3  }
0xc1: {  	[dreg:$0x1] =	wrdreg $0xFFFFFFFF  }
0xc2: {  	_ =	task.clear_ibuf [dreg:s7], $0x2FFFF;
	_ =	strace $0x9FFFFFFF  }
0xc3: {  	(tm) =	ssettm $0x7FFFFFFF  }
tec
execute0_lowered:
.L_overlay_start_1:
0x0: {  	(tag) =	ssettag $0x1  }
0x1: {  	s0 =	rddreg [dreg:$0x0]  }
0x2: {  	s19 =	rddreg [dreg:$0x1]  }
0x3: {  	s3 =	rddreg [dreg:$0x2];
	s1 =	stileid.u32  }
0x4: {  	s4 =	srdreg.scid;
	s8 =	smul.u32 $0x280, s1  }
0x5: {  	s31 =	simm.s32 $0x80;
	s2 =	sshll.u32 s1, $0xC;
	s16 =	smul.u32 $0x50000, s1  }
0x6: {  	s5 =	sadd.s32 $0x1BE00, s0;
	s4 =	sand.u32 $0x1, s4;
	s24 =	smul.u32 $0x5000, s1  }
0x7: {  	s14 =	smul.u32 $0x14000, s1;
	s2 =	sadd.s32 s2, s0;
	s6 =	sshll.u32 s4, $0x7  }
0x8: {  	s7 =	ssub.s32 $0x2, s4;
	s11 =	smul.u32 $0x140000, s4;
	s9 =	sadd.s32 s6, s0  }
0x9: {  	s10 =	sshrl.u32 s7, $0x1;
	s0 =	sadd.s32 $0xC5C00, s0;
	s12 =	sadd.s32 $0x80, s8  }
0xa: {  	s13 =	sadd.s32 $0x100, s8;
	s6 =	sadd.s32 s6, s2;
	s7 =	ssub.s32 s7, s10  }
0xb: {  	s9 =	sadd.s32 $0x75C00, s9;
	s25 =	sshll.u32 s12, $0x5;
	s20 =	sshll.u32 s12, $0x7  }
0xc: {  	s26 =	sshll.u32 s13, $0x5;
	s21 =	sshll.u32 s13, $0x7;
	s12 =	sadd.s32 $0x180, s8  }
0xd: {  	s8 =	sadd.s32 $0x200, s8;
	s17 =	sadd.s32 s11, s14;
	s10 =	sadd.s32 s24, s9  }
0xe: {  	s13 =	sshll.u32 s12, $0x5;
	s22 =	sshll.u32 s12, $0x7;
	s23 =	sshll.u32 s8, $0x7  }
0xf: {  	s8 =	sshll.u32 s8, $0x5;
	s18 =	sadd.s32 s11, s20;
	s24 =	sshrl.u32 s17, $0x3  }
0x10: {  	s17 =	sshll.u32 s1, $0x4;
	[dreg:$0x4] =	wrdreg s10;
	s10 =	sadd.s32 s25, s9  }
0x11: {  	s20 =	sadd.s32 s20, s3;
	s15 =	sadd.s32 s13, s9;
	[dreg:$0x5] =	wrdreg s10  }
0x12: {  	s8 =	sadd.s32 s8, s9;
	s25 =	sshrl.u32 s18, $0x3;
	[dreg:$0x7] =	wrdreg s15  }
0x13: {  	s18 =	sadd.s32 s17, s5;
	s10 =	sadd.s32 s26, s9;
	[dreg:$0x8] =	wrdreg s8  }
0x14: {  	s8 =	sadd.s32 s0, s24;
	s26 =	sadd.s32 s0, s25;
	s9 =	sadd.s32 s11, s21  }
0x15: {  	s15 =	sshll.u32 s4, $0xB;
	[dreg:$0xe] =	wrdreg s18;
	s24 =	sshll.u32 s1, $0x5  }
0x16: {  	s25 =	sshrl.u32 s16, $0x2;
	s4 =	sshll.u32 s4, $0x4;
	[dreg:$0x6] =	wrdreg s10  }
0x17: {  	s18 =	sshll.u32 s1, $0x1;
	s21 =	sadd.s32 s21, s3;
	[dreg:$0x9] =	wrdreg s8  }
0x18: {  	[dreg:$0xa] =	wrdreg s26;
	s8 =	sshrl.u32 s9, $0x3;
	s10 =	sadd.s32 s11, s22  }
0x19: {  	s11 =	sadd.s32 s11, s23;
	s16 =	sadd.s32 s25, s3;
	s26 =	smax.u32 s7, $0x1  }
0x1a: {  	s22 =	sadd.s32 s22, s3;
	s23 =	sadd.s32 s23, s3;
	s8 =	sadd.s32 s0, s8  }
0x1b: {  	s13 =	sshrl.u32 s10, $0x3;
	s14 =	sshrl.u32 s11, $0x3;
	s28 =	sadd.s32 $0x8000, s16  }
0x1c: {  	s29 =	sadd.s32 $0xC000, s16;
	[dreg:$0xb] =	wrdreg s8;
	s8 =	sadd.s32 s0, s13  }
0x1d: {  	s30 =	sadd.s32 $0x10000, s16;
	s0 =	sadd.s32 s0, s14;
	[dreg:$0xc] =	wrdreg s8  }
0x1e: {  	s14 =	simm.s32 $0x0;
	[dreg:$0xd] =	wrdreg s0;
	s0 =	sadd.s32 s15, s2  }
0x1f: {  	s2 =	sadd.s32 s24, s5;
	[smem:$0x7FF] =	sst s14;
	s24 =	sadd.s32 $0x2393C00, s6  }
0x20: {  	s5 =	simm.s32 $0x0;
	_ =	strace $0x8000005C;
	s17 =	sadd.s32 s4, s2  }
0x21: {  	[dreg:$0xf] =	wrdreg s26;
	s25 =	sadd.s32 $0x2D57C00, s0;
	s26 =	sadd.s32 $0x4000, s16  }
0x22: {  	s0 =	simm.s32 $0x1;
	s2 =	simm.s32 $0x400;
	s4 =	simm.s32 $0x800  }
.LBB2_1:
0x23: {  	[tilespmem:s31], [sflag:$0x1] =	stream.linear.gather [hbm4b:s19+s14], $0x4000, $0x38;
	[tilespmem:$0x18080] =	vst v63  }
0x24: {  	_ =	swait.ge [sflag:s0], $0x4000  }
0x25: {  	[sflag:s0] =	ssyncset.done $0x0  }
0x26: {  	[sflag:s0] =	ssyncadd.s32 $0xFFFFC000  }
0x27: {  	[spmem:s16] =	stream.linear.scatter [tilespmem:s31], [sflag:$0x1], $0x4000, $0x38;
	[tilespmem:$0x18080] =	vst v63  }
0x28: {  	_ =	swait.ge [sflag:s0], $0x4000  }
0x29: {  	[sflag:s0] =	ssyncset.done $0x0  }
0x2a: {  	[sflag:s0] =	ssyncadd.s32 $0xFFFFC000  }
0x2b: {  	[spmem:s26] =	stream.linear.scatter [tilespmem:s31], [sflag:$0x1], $0x4000, $0x38;
	[tilespmem:$0x18080] =	vst v63  }
0x2c: {  	_ =	swait.ge [sflag:s0], $0x4000  }
0x2d: {  	[sflag:s0] =	ssyncset.done $0x0  }
0x2e: {  	[sflag:s0] =	ssyncadd.s32 $0xFFFFC000  }
0x2f: {  	[spmem:s28] =	stream.linear.scatter [tilespmem:s31], [sflag:$0x1], $0x4000, $0x38;
	[tilespmem:$0x18080] =	vst v63  }
0x30: {  	_ =	swait.ge [sflag:s0], $0x4000  }
0x31: {  	[sflag:s0] =	ssyncset.done $0x0  }
0x32: {  	[sflag:s0] =	ssyncadd.s32 $0xFFFFC000  }
0x33: {  	[spmem:s29] =	stream.linear.scatter [tilespmem:s31], [sflag:$0x1], $0x4000, $0x38;
	[tilespmem:$0x18080] =	vst v63  }
0x34: {  	_ =	swait.ge [sflag:s0], $0x4000  }
0x35: {  	[sflag:s0] =	ssyncset.done $0x0  }
0x36: {  	[sflag:s0] =	ssyncadd.s32 $0xFFFFC000  }
0x37: {  	[spmem:s30] =	stream.linear.scatter [tilespmem:s31], [sflag:$0x1], $0x4000, $0x38;
	[tilespmem:$0x18080] =	vst v63  }
0x38: {  	_ =	swait.ge [sflag:s0], $0x4000  }
0x39: {  	[sflag:s0] =	ssyncset.done $0x0  }
0x3a: {  	s6 =	sadd.s32 $0x0, s1;
	[sflag:s0] =	ssyncadd.s32 $0xFFFFC000  }
0x3b: {  	p0 =	sgt.u32 s6, $0x9C3;
	[bflag:$0x0] =	sbarrier.arrive $0xFFFF  }
0x3c: {  	s6 =	simm.s32 @!p0 $0x0;
	s8 =	simm.s32 @!p0 $0x2;
	s11 =	rddreg [dreg:$0xe]  }
0x3d: {  	[tilespmem:s6], [sflag:$0x2] =	stream.linear.gather @!p0 [hbm4b:s11+s6], $0x80, $0x38;
	[tilespmem:$0x18080] =	vst v63  }
0x3e: {  	_ =	swait.ge @!p0 [sflag:s8], $0x80  }
0x3f: {  	s10 =	simm.s32 @!p0 $0x80;
	[sflag:s8] =	ssyncset.done @!p0 $0x0  }
0x40: {  	s7 =	simm.s32 @!p0 $0x400;
	s9 =	simm.s32 @!p0 $0x800;
	[sflag:s8] =	ssyncadd.s32 @!p0 $0xFFFFFF80  }
0x41: {  	[tilespmem:s10], [sflag:$0x2] =	stream.strided.gather @!p0 [hbm4b:s24+s7], $0x4000, s9, s7, $0x38;
	[tilespmem:$0x18080] =	vst v63  }
0x42: {  	p1 =	por p0, p0;
	_ =	swait.ge @!p0 [sflag:s8], $0x4000  }
0x43: {  	s15 =	smov.u32 s19;
	[sflag:s8] =	ssyncset.done @!p1 $0x0  }
0x44: {  	s19 =	sadd.s32 $0x10, s1;
	s9 =	simm.s32 @!p1 $0x1;
	[sflag:s8] =	ssyncadd.s32 @!p1 $0xFFFFC000  }
0x45: {  	[spmem:s3] =	stream.indirect.scatter.add.f32 @!p1 [tilespmem:s10], [sflag:$0x1], $0x80, s6, s10, $0xb8;
	[tilespmem:$0x18080] =	vst v63  }
0x46: {  	s7 =	simm.s32 $0x20;
	p0 =	sgt.u32 s19, $0x9C3;
	_ =	swait.ge @!p1 [sflag:s9], $0x4000  }
0x47: {  	s8 =	sadd.s32 $0x100, s11;
	s6 =	sadd.s32 $0x10000, s24;
	[sflag:s9] =	ssyncset.done @!p1 $0x0  }
.LBB2_2:
0x48: {  	s10 =	simm.s32 @!p0 $0x0;
	s11 =	simm.s32 @!p0 $0x2;
	[sflag:s9] =	ssyncadd.s32 @!p1 $0xFFFFC000  }
0x49: {  	[tilespmem:s10], [sflag:$0x2] =	stream.linear.gather @!p0 [hbm4b:s8+s10], $0x80, $0x38;
	[tilespmem:$0x18080] =	vst v63  }
0x4a: {  	s12 =	smov.u32 s7;
	s7 =	sadd.s32 $0x10, s7;
	_ =	swait.ge @!p0 [sflag:s11], $0x80  }
0x4b: {  	s13 =	simm.s32 @!p0 $0x80;
	p2 =	sne.s32 s7, $0x9D0;
	[sflag:s11] =	ssyncset.done @!p0 $0x0  }
0x4c: {  	s9 =	simm.s32 @!p0 $0x400;
	s19 =	simm.s32 @!p0 $0x800;
	[sflag:s11] =	ssyncadd.s32 @!p0 $0xFFFFFF80  }
0x4d: {  	[tilespmem:s13], [sflag:$0x2] =	stream.strided.gather @!p0 [hbm4b:s6+s9], $0x4000, s19, s9, $0x38;
	[tilespmem:$0x18080] =	vst v63  }
0x4e: {  	p1 =	por p0, p0;
	_ =	swait.ge @!p0 [sflag:s11], $0x4000  }
.Ltmp0:
0x4f: {  	[sflag:s11] =	ssyncset.done @!p1 $0x0;
	(pc) =	sbr.rel @p2 .LBB2_2-.Ltmp0, $4  }
0x50: {  	s9 =	simm.s32 @!p1 $0x1;
	[sflag:s11] =	ssyncadd.s32 @!p1 $0xFFFFC000  }
0x51: {  	[spmem:s3] =	stream.indirect.scatter.add.f32 @!p1 [tilespmem:s13], [sflag:$0x1], $0x80, s10, s13, $0xb8;
	[tilespmem:$0x18080] =	vst v63  }
0x52: {  	s6 =	sadd.s32 $0x10000, s6;
	s10 =	sadd.s32 s12, s1;
	_ =	swait.ge @!p1 [sflag:s9], $0x4000  }
0x53: {  	s8 =	sadd.s32 $0x100, s8;
	p0 =	sgt.u32 s10, $0x9C3;
	[sflag:s9] =	ssyncset.done @!p1 $0x0  }
0x54: {  	s7 =	simm.s32 @!p0 $0x0;
	s10 =	simm.s32 @!p0 $0x2;
	[sflag:s9] =	ssyncadd.s32 @!p1 $0xFFFFC000  }
0x55: {  	[tilespmem:s7], [sflag:$0x2] =	stream.linear.gather @!p0 [hbm4b:s8+s7], $0x80, $0x38;
	[tilespmem:$0x18080] =	vst v63  }
0x56: {  	_ =	swait.ge @!p0 [sflag:s10], $0x80  }
0x57: {  	s9 =	simm.s32 @!p0 $0x400;
	[sflag:s10] =	ssyncset.done @!p0 $0x0  }
0x58: {  	s11 =	simm.s32 @!p0 $0x800;
	s8 =	simm.s32 @!p0 $0x80;
	[sflag:s10] =	ssyncadd.s32 @!p0 $0xFFFFFF80  }
0x59: {  	[tilespmem:s8], [sflag:$0x2] =	stream.strided.gather @!p0 [hbm4b:s6+s9], $0x4000, s11, s9, $0x38;
	[tilespmem:$0x18080] =	vst v63  }
0x5a: {  	_ =	swait.ge @!p0 [sflag:s10], $0x4000;
	p0 =	por p0, p0  }
0x5b: {  	[sflag:s10] =	ssyncset.done @!p0 $0x0  }
0x5c: {  	s6 =	simm.s32 @!p0 $0x1;
	[sflag:s10] =	ssyncadd.s32 @!p0 $0xFFFFC000  }
0x5d: {  	[spmem:s3] =	stream.indirect.scatter.add.f32 @!p0 [tilespmem:s8], [sflag:$0x1], $0x80, s7, s8, $0xb8;
	[tilespmem:$0x18080] =	vst v63  }
0x5e: {  	_ =	swait.ge @!p0 [sflag:s6], $0x4000  }
0x5f: {  	[sflag:s6] =	ssyncset.done @!p0 $0x0  }
0x60: {  	[sflag:s6] =	ssyncadd.s32 @!p0 $0xFFFFC000  }
0x61: {  	[bflag:$0x0] =	sbarrier.arrive $0xFFFF  }
0x62: {  	[tilespmem:s31], [sflag:$0x1] =	stream.linear.gather [spmem:s16], $0x4000, $0x38;
	[tilespmem:$0x18080] =	vst v63  }
0x63: {  	_ =	swait.ge [sflag:s0], $0x4000  }
0x64: {  	[sflag:s0] =	ssyncset.done $0x0  }
0x65: {  	s7 =	rddreg [dreg:$0x4];
	[sflag:s0] =	ssyncadd.s32 $0xFFFFC000  }
0x66: {  	[hbm4b:s7+s2] =	stream.strided.scatter [tilespmem:s31], [sflag:$0x1], $0x4000, s4, s2, $0x38;
	[tilespmem:$0x18080] =	vst v63  }
0x67: {  	_ =	swait.ge [sflag:s0], $0x4000  }
0x68: {  	[sflag:s0] =	ssyncset.done $0x0  }
0x69: {  	[sflag:s0] =	ssyncadd.s32 $0xFFFFC000  }
0x6a: {  	[tilespmem:s31], [sflag:$0x1] =	stream.linear.gather [spmem:s20], $0x4000, $0x38;
	[tilespmem:$0x18080] =	vst v63  }
0x6b: {  	_ =	swait.ge [sflag:s0], $0x4000  }
0x6c: {  	[sflag:s0] =	ssyncset.done $0x0  }
0x6d: {  	s8 =	rddreg [dreg:$0x5];
	[sflag:s0] =	ssyncadd.s32 $0xFFFFC000  }
0x6e: {  	[hbm4b:s8+s2] =	stream.strided.scatter [tilespmem:s31], [sflag:$0x1], $0x4000, s4, s2, $0x38;
	[tilespmem:$0x18080] =	vst v63  }
0x6f: {  	_ =	swait.ge [sflag:s0], $0x4000  }
0x70: {  	[sflag:s0] =	ssyncset.done $0x0  }
0x71: {  	[sflag:s0] =	ssyncadd.s32 $0xFFFFC000  }
0x72: {  	[tilespmem:s31], [sflag:$0x1] =	stream.linear.gather [spmem:s21], $0x4000, $0x38;
	[tilespmem:$0x18080] =	vst v63  }
0x73: {  	_ =	swait.ge [sflag:s0], $0x4000  }
0x74: {  	[sflag:s0] =	ssyncset.done $0x0  }
0x75: {  	s9 =	rddreg [dreg:$0x6];
	[sflag:s0] =	ssyncadd.s32 $0xFFFFC000  }
0x76: {  	[hbm4b:s9+s2] =	stream.strided.scatter [tilespmem:s31], [sflag:$0x1], $0x4000, s4, s2, $0x38;
	[tilespmem:$0x18080] =	vst v63  }
0x77: {  	_ =	swait.ge [sflag:s0], $0x4000  }
0x78: {  	[sflag:s0] =	ssyncset.done $0x0  }
0x79: {  	[sflag:s0] =	ssyncadd.s32 $0xFFFFC000  }
0x7a: {  	[tilespmem:s31], [sflag:$0x1] =	stream.linear.gather [spmem:s22], $0x4000, $0x38;
	[tilespmem:$0x18080] =	vst v63  }
0x7b: {  	_ =	swait.ge [sflag:s0], $0x4000  }
0x7c: {  	[sflag:s0] =	ssyncset.done $0x0  }
0x7d: {  	s10 =	rddreg [dreg:$0x7];
	[sflag:s0] =	ssyncadd.s32 $0xFFFFC000  }
0x7e: {  	[hbm4b:s10+s2] =	stream.strided.scatter [tilespmem:s31], [sflag:$0x1], $0x4000, s4, s2, $0x38;
	[tilespmem:$0x18080] =	vst v63  }
0x7f: {  	_ =	swait.ge [sflag:s0], $0x4000  }
0x80: {  	[sflag:s0] =	ssyncset.done $0x0  }
0x81: {  	[sflag:s0] =	ssyncadd.s32 $0xFFFFC000  }
0x82: {  	[tilespmem:s31], [sflag:$0x1] =	stream.linear.gather [spmem:s23], $0x4000, $0x38;
	[tilespmem:$0x18080] =	vst v63  }
0x83: {  	_ =	swait.ge [sflag:s0], $0x4000  }
0x84: {  	[sflag:s0] =	ssyncset.done $0x0  }
0x85: {  	s11 =	rddreg [dreg:$0x8];
	[sflag:s0] =	ssyncadd.s32 $0xFFFFC000  }
0x86: {  	[hbm4b:s11+s2] =	stream.strided.scatter [tilespmem:s31], [sflag:$0x1], $0x4000, s4, s2, $0x38;
	[tilespmem:$0x18080] =	vst v63  }
0x87: {  	_ =	swait.ge [sflag:s0], $0x4000  }
0x88: {  	[sflag:s0] =	ssyncset.done $0x0  }
0x89: {  	[sflag:s0] =	ssyncadd.s32 $0xFFFFC000  }
0x8a: {  	s12 =	simm.s32 $0x0;
	[bflag:$0x0] =	sbarrier.arrive $0xFFFF  }
0x8b: {  	[tilespmem:s31], [sflag:$0x1] =	stream.linear.gather [hbm4b:s15+s12], $0x4000, $0x38;
	[tilespmem:$0x18080] =	vst v63  }
0x8c: {  	_ =	swait.ge [sflag:s0], $0x4000  }
0x8d: {  	[sflag:s0] =	ssyncset.done $0x0  }
0x8e: {  	[sflag:s0] =	ssyncadd.s32 $0xFFFFC000  }
0x8f: {  	[spmem:s16] =	stream.linear.scatter [tilespmem:s31], [sflag:$0x1], $0x4000, $0x38;
	[tilespmem:$0x18080] =	vst v63  }
0x90: {  	_ =	swait.ge [sflag:s0], $0x4000  }
0x91: {  	[sflag:s0] =	ssyncset.done $0x0  }
0x92: {  	[sflag:s0] =	ssyncadd.s32 $0xFFFFC000  }
0x93: {  	[spmem:s26] =	stream.linear.scatter [tilespmem:s31], [sflag:$0x1], $0x4000, $0x38;
	[tilespmem:$0x18080] =	vst v63  }
0x94: {  	_ =	swait.ge [sflag:s0], $0x4000  }
0x95: {  	[sflag:s0] =	ssyncset.done $0x0  }
0x96: {  	[sflag:s0] =	ssyncadd.s32 $0xFFFFC000  }
0x97: {  	[spmem:s28] =	stream.linear.scatter [tilespmem:s31], [sflag:$0x1], $0x4000, $0x38;
	[tilespmem:$0x18080] =	vst v63  }
0x98: {  	_ =	swait.ge [sflag:s0], $0x4000  }
0x99: {  	[sflag:s0] =	ssyncset.done $0x0  }
0x9a: {  	[sflag:s0] =	ssyncadd.s32 $0xFFFFC000  }
0x9b: {  	[spmem:s29] =	stream.linear.scatter [tilespmem:s31], [sflag:$0x1], $0x4000, $0x38;
	[tilespmem:$0x18080] =	vst v63  }
0x9c: {  	_ =	swait.ge [sflag:s0], $0x4000  }
0x9d: {  	[sflag:s0] =	ssyncset.done $0x0  }
0x9e: {  	[sflag:s0] =	ssyncadd.s32 $0xFFFFC000  }
0x9f: {  	[spmem:s30] =	stream.linear.scatter [tilespmem:s31], [sflag:$0x1], $0x4000, $0x38;
	[tilespmem:$0x18080] =	vst v63  }
0xa0: {  	_ =	swait.ge [sflag:s0], $0x4000  }
0xa1: {  	s13 =	sadd.s32 $0x0, s18;
	[sflag:s0] =	ssyncset.done $0x0  }
0xa2: {  	p0 =	sgt.u32 s13, $0x9C3;
	[sflag:s0] =	ssyncadd.s32 $0xFFFFC000  }
0xa3: {  	s6 =	simm.s32 @!p0 $0x0;
	s8 =	simm.s32 @!p0 $0x2;
	[bflag:$0x0] =	sbarrier.arrive $0xFFFF  }
0xa4: {  	[tilespmem:s6], [sflag:$0x2] =	stream.linear.gather @!p0 [hbm4b:s17+s6], $0x80, $0x38;
	[tilespmem:$0x18080] =	vst v63  }
0xa5: {  	_ =	swait.ge @!p0 [sflag:s8], $0x80  }
0xa6: {  	[sflag:s8] =	ssyncset.done @!p0 $0x0;
	p0 =	por p0, p0  }
0xa7: {  	[sflag:s8] =	ssyncadd.s32 @!p0 $0xFFFFFF80;
	s10 =	simm.s32 @!p0 $0x80  }
0xa8: {  	[tilespmem:s10], [sflag:$0x2] =	stream.linear.gather @!p0 [hbm4b:s25+s6], $0x4000, $0x38;
	[tilespmem:$0x18080] =	vst v63  }
0xa9: {  	_ =	swait.ge @!p0 [sflag:s8], $0x4000  }
0xaa: {  	s19 =	smov.u32 s15;
	[sflag:s8] =	ssyncset.done @!p0 $0x0  }
0xab: {  	s15 =	sadd.s32 $0x20, s18;
	s9 =	simm.s32 @!p0 $0x1;
	[sflag:s8] =	ssyncadd.s32 @!p0 $0xFFFFC000  }
0xac: {  	[spmem:s3] =	stream.indirect.scatter.add.f32 @!p0 [tilespmem:s10], [sflag:$0x1], $0x80, s6, s10, $0xb8;
	[tilespmem:$0x18080] =	vst v63  }
0xad: {  	s7 =	simm.s32 $0x40;
	p1 =	sgt.u32 s15, $0x9C3;
	_ =	swait.ge @!p0 [sflag:s9], $0x4000  }
0xae: {  	s8 =	sadd.s32 $0x200, s17;
	s6 =	sadd.s32 $0x10000, s25;
	[sflag:s9] =	ssyncset.done @!p0 $0x0  }
.LBB2_4:
0xaf: {  	s10 =	simm.s32 @!p1 $0x0;
	s11 =	simm.s32 @!p1 $0x2;
	[sflag:s9] =	ssyncadd.s32 @!p0 $0xFFFFC000  }
0xb0: {  	[tilespmem:s10], [sflag:$0x2] =	stream.linear.gather @!p1 [hbm4b:s8+s10], $0x80, $0x38;
	[tilespmem:$0x18080] =	vst v63  }
0xb1: {  	s12 =	smov.u32 s7;
	s7 =	sadd.s32 $0x20, s7;
	_ =	swait.ge @!p1 [sflag:s11], $0x80  }
0xb2: {  	p0 =	por p1, p1;
	p2 =	sne.s32 s7, $0x9E0;
	[sflag:s11] =	ssyncset.done @!p1 $0x0  }
0xb3: {  	s13 =	simm.s32 @!p0 $0x80;
	[sflag:s11] =	ssyncadd.s32 @!p0 $0xFFFFFF80  }
0xb4: {  	[tilespmem:s13], [sflag:$0x2] =	stream.linear.gather @!p0 [hbm4b:s6+s10], $0x4000, $0x38;
	[tilespmem:$0x18080] =	vst v63  }
0xb5: {  	_ =	swait.ge @!p0 [sflag:s11], $0x4000  }
.Ltmp1:
0xb6: {  	[sflag:s11] =	ssyncset.done @!p0 $0x0;
	(pc) =	sbr.rel @p2 .LBB2_4-.Ltmp1, $4  }
0xb7: {  	s9 =	simm.s32 @!p0 $0x1;
	[sflag:s11] =	ssyncadd.s32 @!p0 $0xFFFFC000  }
0xb8: {  	[spmem:s3] =	stream.indirect.scatter.add.f32 @!p0 [tilespmem:s13], [sflag:$0x1], $0x80, s10, s13, $0xb8;
	[tilespmem:$0x18080] =	vst v63  }
0xb9: {  	s8 =	sadd.s32 $0x200, s8;
	s10 =	sadd.s32 s12, s18;
	_ =	swait.ge @!p0 [sflag:s9], $0x4000  }
0xba: {  	s6 =	sadd.s32 $0x10000, s6;
	p1 =	sgt.u32 s10, $0x9C3;
	[sflag:s9] =	ssyncset.done @!p0 $0x0  }
0xbb: {  	s7 =	simm.s32 @!p1 $0x0;
	s10 =	simm.s32 @!p1 $0x2;
	[sflag:s9] =	ssyncadd.s32 @!p0 $0xFFFFC000  }
0xbc: {  	[tilespmem:s7], [sflag:$0x2] =	stream.linear.gather @!p1 [hbm4b:s8+s7], $0x80, $0x38;
	[tilespmem:$0x18080] =	vst v63  }
0xbd: {  	_ =	swait.ge @!p1 [sflag:s10], $0x80  }
0xbe: {  	p0 =	por p1, p1;
	[sflag:s10] =	ssyncset.done @!p1 $0x0  }
0xbf: {  	s8 =	simm.s32 @!p0 $0x80;
	[sflag:s10] =	ssyncadd.s32 @!p0 $0xFFFFFF80  }
0xc0: {  	[tilespmem:s8], [sflag:$0x2] =	stream.linear.gather @!p0 [hbm4b:s6+s7], $0x4000, $0x38;
	[tilespmem:$0x18080] =	vst v63  }
0xc1: {  	_ =	swait.ge @!p0 [sflag:s10], $0x4000  }
0xc2: {  	[sflag:s10] =	ssyncset.done @!p0 $0x0  }
0xc3: {  	s6 =	simm.s32 @!p0 $0x1;
	[sflag:s10] =	ssyncadd.s32 @!p0 $0xFFFFC000  }
0xc4: {  	[spmem:s3] =	stream.indirect.scatter.add.f32 @!p0 [tilespmem:s8], [sflag:$0x1], $0x80, s7, s8, $0xb8;
	[tilespmem:$0x18080] =	vst v63  }
0xc5: {  	_ =	swait.ge @!p0 [sflag:s6], $0x4000  }
0xc6: {  	[sflag:s6] =	ssyncset.done @!p0 $0x0  }
0xc7: {  	[sflag:s6] =	ssyncadd.s32 @!p0 $0xFFFFC000  }
0xc8: {  	[bflag:$0x0] =	sbarrier.arrive $0xFFFF  }
0xc9: {  	[tilespmem:s31], [sflag:$0x1] =	stream.linear.gather [spmem:s16], $0x4000, $0x38;
	[tilespmem:$0x18080] =	vst v63  }
0xca: {  	_ =	swait.ge [sflag:s0], $0x4000  }
0xcb: {  	[sflag:s0] =	ssyncset.done $0x0  }
0xcc: {  	s9 =	rddreg [dreg:$0x9];
	[sflag:s0] =	ssyncadd.s32 $0xFFFFC000  }
0xcd: {  	[hbm4b:s9+s14] =	stream.linear.scatter [tilespmem:s31], [sflag:$0x1], $0x4000, $0x38;
	[tilespmem:$0x18080] =	vst v63  }
0xce: {  	_ =	swait.ge [sflag:s0], $0x4000  }
0xcf: {  	[sflag:s0] =	ssyncset.done $0x0  }
0xd0: {  	[sflag:s0] =	ssyncadd.s32 $0xFFFFC000  }
0xd1: {  	[tilespmem:s31], [sflag:$0x1] =	stream.linear.gather [spmem:s20], $0x4000, $0x38;
	[tilespmem:$0x18080] =	vst v63  }
0xd2: {  	_ =	swait.ge [sflag:s0], $0x4000  }
0xd3: {  	[sflag:s0] =	ssyncset.done $0x0  }
0xd4: {  	s10 =	rddreg [dreg:$0xa];
	[sflag:s0] =	ssyncadd.s32 $0xFFFFC000  }
0xd5: {  	[hbm4b:s10+s14] =	stream.linear.scatter [tilespmem:s31], [sflag:$0x1], $0x4000, $0x38;
	[tilespmem:$0x18080] =	vst v63  }
0xd6: {  	_ =	swait.ge [sflag:s0], $0x4000  }
0xd7: {  	[sflag:s0] =	ssyncset.done $0x0  }
0xd8: {  	[sflag:s0] =	ssyncadd.s32 $0xFFFFC000  }
0xd9: {  	[tilespmem:s31], [sflag:$0x1] =	stream.linear.gather [spmem:s21], $0x4000, $0x38;
	[tilespmem:$0x18080] =	vst v63  }
0xda: {  	_ =	swait.ge [sflag:s0], $0x4000  }
0xdb: {  	[sflag:s0] =	ssyncset.done $0x0  }
0xdc: {  	s11 =	rddreg [dreg:$0xb];
	[sflag:s0] =	ssyncadd.s32 $0xFFFFC000  }
0xdd: {  	[hbm4b:s11+s14] =	stream.linear.scatter [tilespmem:s31], [sflag:$0x1], $0x4000, $0x38;
	[tilespmem:$0x18080] =	vst v63  }
0xde: {  	_ =	swait.ge [sflag:s0], $0x4000  }
0xdf: {  	[sflag:s0] =	ssyncset.done $0x0  }
0xe0: {  	[sflag:s0] =	ssyncadd.s32 $0xFFFFC000  }
0xe1: {  	[tilespmem:s31], [sflag:$0x1] =	stream.linear.gather [spmem:s22], $0x4000, $0x38;
	[tilespmem:$0x18080] =	vst v63  }
0xe2: {  	_ =	swait.ge [sflag:s0], $0x4000  }
0xe3: {  	[sflag:s0] =	ssyncset.done $0x0  }
0xe4: {  	s12 =	rddreg [dreg:$0xc];
	[sflag:s0] =	ssyncadd.s32 $0xFFFFC000  }
0xe5: {  	[hbm4b:s12+s14] =	stream.linear.scatter [tilespmem:s31], [sflag:$0x1], $0x4000, $0x38;
	[tilespmem:$0x18080] =	vst v63  }
0xe6: {  	_ =	swait.ge [sflag:s0], $0x4000  }
0xe7: {  	[sflag:s0] =	ssyncset.done $0x0  }
0xe8: {  	[sflag:s0] =	ssyncadd.s32 $0xFFFFC000  }
0xe9: {  	[tilespmem:s31], [sflag:$0x1] =	stream.linear.gather [spmem:s23], $0x4000, $0x38;
	[tilespmem:$0x18080] =	vst v63  }
0xea: {  	_ =	swait.ge [sflag:s0], $0x4000  }
0xeb: {  	[sflag:s0] =	ssyncset.done $0x0  }
0xec: {  	s13 =	rddreg [dreg:$0xd];
	[sflag:s0] =	ssyncadd.s32 $0xFFFFC000  }
0xed: {  	[hbm4b:s13+s14] =	stream.linear.scatter [tilespmem:s31], [sflag:$0x1], $0x4000, $0x38;
	[tilespmem:$0x18080] =	vst v63  }
0xee: {  	_ =	swait.ge [sflag:s0], $0x4000  }
0xef: {  	s5 =	sadd.s32 $0x1, s5;
	s15 =	rddreg [dreg:$0xf]  }
0xf0: {  	p0 =	sne.s32 s5, s15  }
.Ltmp2:
0xf1: {  	_ = 	snop;
	(pc) =	sbr.rel @p0 .LBB2_1-.Ltmp2, $3  }
0xf2: {  	_ =	sdelay $0x1  }
0xf3: {  	[sflag:s0] =	ssyncset.done $0x0  }
0xf4: {  	[sflag:s0] =	ssyncadd.s32 $0xFFFFC000  }
0xf5: {  	_ =	sfence.sel $0x180000  }
0xf6: {  	[bflag:$0x0] =	sbarrier.arrive $0xFFFF  }
0xf7: {  	_ =	strace $0x9000005C  }
0xf8: {  	[bflag:$0x2] =	sbarrier.arrive $0xFFFF  }
0xf9: {  	p0 =	sne.s32 s1, $0x0;
	s0 =	rddreg [dreg:$0x3]  }
0xfa: {  	s0 =	sadd.s32 @!p0 $0x100000, s0  }
0xfb: {  	[sflag:s0] =	ssyncadd.tile.s32 @!p0 $0x1;
	_ =	shalt  }
.Lfunc_end2:
_tile_overlayer_lowered:
.L_overlay_start_2:
0xfc: {  	(tag) =	ssettag $0x2  }
0xfd: {  	s0 =	rddreg [dreg:$0x0];
	s2 =	stileid.u32  }
0xfe: {  	s1 =	rddreg [dreg:$0x1];
	p0 =	sne.s32 s2, $0x0  }
0xff: {  	s3 =	rddreg [dreg:$0x2];
	[bflag:$0x3] =	sbarrier.arrive $0xFFFF;
	s2 =	simm.s32 @!p0 $0x1C01  }
0x100: {  	[timem:s3], [sflag:s2] =	dma.local @!p0 [hbm:s0], s1  }
0x101: {  	s0 =	simm.s32 @!p0 $0x1  }
0x102: {  	_ =	swait.ge @!p0 [sflag:s0], s1  }
0x103: {  	s1 =	ssub.s32 @!p0 $0x0, s1;
	[sflag:s0] =	ssyncset.done @!p0 $0x0  }
0x104: {  	[sflag:s0] =	ssyncadd.s32 @!p0 s1  }
0x105: {  	[bflag:$0x3] =	sbarrier.arrive $0xFFFF  }
0x106: {  	_ =	shalt  }

</sc_bundles>
